<compile_context>
chip_gen: v7x
topology: tpu7x:2x2x1
jax: 0.10.2.dev20260603
libtpu: 0.0.44.dev20260713+nightly
codegen_flags: <defaults>
</compile_context>

<pallas_src>
import functools

import jax
import jax.numpy as jnp
from jax import lax
from jax.experimental import pallas as pl
from jax.experimental.pallas import tpu as pltpu
from jax.experimental.pallas import tpu_sc as plsc

BATCH = 16384
UID_NUM = 1000000
UID_DIM = 64
GEN_DIM = 8
AGE_DIM = 16
OCC_DIM = 16
GEN_NUM, AGE_NUM, OCC_NUM = 3, 100, 500
FINAL = 128
NC, NS, L = 2, 16, 16
NW = NC * NS
BPW = BATCH // NW
CH = 128
APACK = 128
BU = 4096
NBLK = 245
PAIR_ROWS = NBLK * (BU // 2)
B0 = 200
SCBLK = 244 - B0
SC_CHUNKS = SCBLK * (2048 // CH)
CPT = SC_CHUNKS // NW
SC_ROW0 = B0 * 2048


def _tc_pairize(tabT, eye64):
    dn = (((0,), (0,)), ((), ()))

    def body(x_ref, e_ref, o_ref):
        lo = lax.dot_general(x_ref[:, :BU // 2], e_ref[...], dn,
                             preferred_element_type=jnp.float32)
        hi = lax.dot_general(x_ref[:, BU // 2:], e_ref[...], dn,
                             preferred_element_type=jnp.float32)
        o_ref[...] = jnp.concatenate([lo, hi], axis=1)

    def blk(j):
        return jnp.where(j == B0, NBLK - 1, j)

    return pl.pallas_call(
        body,
        grid=(B0 + 1,),
        in_specs=[pl.BlockSpec((UID_DIM, BU), lambda j: (0, blk(j))),
                  pl.BlockSpec((UID_DIM, UID_DIM), lambda j: (0, 0))],
        out_specs=pl.BlockSpec((BU // 2, FINAL), lambda j: (blk(j), 0)),
        out_shape=jax.ShapeDtypeStruct((PAIR_ROWS, FINAL), jnp.float32),
    )(tabT, eye64)


def _sc_pairize(tabT):
    mesh = plsc.VectorSubcoreMesh(core_axis_name="c", subcore_axis_name="s")

    @functools.partial(
        pl.kernel,
        mesh=mesh,
        compiler_params=pltpu.CompilerParams(use_tc_tiling_on_sc=True,
                                             needs_layout_passes=False),
        out_type=jax.ShapeDtypeStruct((PAIR_ROWS, FINAL), jnp.float32),
        scratch_types=[
            pltpu.VMEM((UID_DIM, CH), jnp.float32),
            pltpu.VMEM((UID_DIM, CH), jnp.float32),
            pltpu.VMEM((UID_DIM, CH), jnp.float32),
            pltpu.VMEM((UID_DIM, CH), jnp.float32),
            pltpu.VMEM((CH, FINAL), jnp.float32),
            pltpu.VMEM((CH, FINAL), jnp.float32),
            pltpu.SemaphoreType.DMA,
            pltpu.SemaphoreType.DMA,
            pltpu.SemaphoreType.DMA,
            pltpu.SemaphoreType.DMA,
        ],
    )
    def k(tab_hbm, out_hbm, colA, colB, colA2, colB2, rowsA, rowsB,
          sem1, sem2, semwA, semwB):
        wid = lax.axis_index("s") * NC + lax.axis_index("c")
        cbase = wid * CPT
        lanes = lax.iota(jnp.int32, L)

        def issue(ci, ca, cb, sem):
            gc = cbase + ci
            b = B0 + lax.shift_right_logical(gc, 4)
            u0 = b * BU + (gc & 15) * CH
            u0 = pl.multiple_of(u0, CH)
            u1 = u0 + BU // 2
            for f8 in range(UID_DIM // 8):
                pltpu.async_copy(
                    tab_hbm.at[pl.ds(f8 * 8, 8), pl.ds(u0, CH)],
                    ca.at[pl.ds(f8 * 8, 8), :], sem)
                pltpu.async_copy(
                    tab_hbm.at[pl.ds(f8 * 8, 8), pl.ds(u1, CH)],
                    cb.at[pl.ds(f8 * 8, 8), :], sem)

        def drain(sem):
            for _ in range(2 * (UID_DIM // 8)):
                pltpu.make_async_copy(
                    tab_hbm.at[pl.ds(0, 8), pl.ds(0, CH)],
                    colA.at[pl.ds(0, 8), :], sem).wait()

        def transpose_write(ci, ca, cb, rows, semw):
            @pl.loop(0, CH // L)
            def _(g):
                rv = g * L + lanes
                for w in range(UID_DIM):
                    wv = jnp.full((L,), w, jnp.int32)
                    plsc.store_scatter(rows, [rv, wv],
                                       ca[w, pl.ds(g * L, L)])
                    plsc.store_scatter(rows, [rv, wv + UID_DIM],
                                       cb[w, pl.ds(g * L, L)])
            gc = cbase + ci
            row0 = SC_ROW0 + gc * CH
            row0 = pl.multiple_of(row0, CH)
            pltpu.async_copy(rows, out_hbm.at[pl.ds(row0, CH)], semw)

        def drain_write(rows, semw):
            pltpu.make_async_copy(
                rows, out_hbm.at[pl.ds(SC_ROW0, CH)], semw).wait()

        issue(0, colA, colB, sem1)

        @pl.loop(0, CPT // 2)
        def _(t):
            ci0 = t * 2
            issue(ci0 + 1, colA2, colB2, sem2)
            drain(sem1)

            @pl.when(t > 0)
            def _():
                drain_write(rowsA, semwA)

            transpose_write(ci0, colA, colB, rowsA, semwA)

            @pl.when(t < CPT // 2 - 1)
            def _():
                issue(ci0 + 2, colA, colB, sem1)

            drain(sem2)

            @pl.when(t > 0)
            def _():
                drain_write(rowsB, semwB)

            transpose_write(ci0 + 1, colA2, colB2, rowsB, semwB)

        drain_write(rowsA, semwA)
        drain_write(rowsB, semwB)

    return k(tabT)


def _sc_pair_gather(sample, pairA, pairB):
    mesh = plsc.VectorSubcoreMesh(core_axis_name="c", subcore_axis_name="s")

    @functools.partial(
        pl.kernel,
        mesh=mesh,
        compiler_params=pltpu.CompilerParams(use_tc_tiling_on_sc=True,
                                             needs_layout_passes=False),
        out_type=(jax.ShapeDtypeStruct((BATCH, FINAL), jnp.float32),
                  jax.ShapeDtypeStruct((BATCH, FINAL), jnp.float32)),
        scratch_types=[
            pltpu.VMEM((BPW,), jnp.int32),
            pltpu.VMEM((BPW,), jnp.int32),
            pltpu.VMEM((CH, FINAL), jnp.float32),
            pltpu.VMEM((CH, FINAL), jnp.float32),
            pltpu.SemaphoreType.DMA,
            pltpu.SemaphoreType.DMA,
        ],
    )
    def k(sample_hbm, pa_hbm, pb_hbm, outa_hbm, outb_hbm,
          idx_v, kidx_v, rowsa_v, rowsb_v, semA, semB):
        wid = lax.axis_index("s") * NC + lax.axis_index("c")
        base = wid * BPW
        pltpu.sync_copy(sample_hbm.at[pl.ds(base, BPW)], idx_v)

        @pl.loop(0, BPW // L)
        def _(g):
            s = idx_v[pl.ds(g * L, L)]
            kidx_v[pl.ds(g * L, L)] = (
                lax.shift_left(lax.shift_right_logical(s, 12), 11)
                + (s & (BU // 2 - 1)))

        @pl.loop(0, BPW // CH)
        def _(c):
            cb = c * CH
            idx = kidx_v.at[pl.ds(cb, CH)]
            da = pltpu.async_copy(pa_hbm.at[idx], rowsa_v, semA)
            db = pltpu.async_copy(pb_hbm.at[idx], rowsb_v, semB)
            da.wait()
            pltpu.sync_copy(rowsa_v, outa_hbm.at[pl.ds(base + cb, CH)])
            db.wait()
            pltpu.sync_copy(rowsb_v, outb_hbm.at[pl.ds(base + cb, CH)])

    return k(sample, pairA, pairB)


def _sc_attr_pack(sample, gen16, age16, occ16, mg, ma, mo):
    mesh = plsc.VectorSubcoreMesh(core_axis_name="c", subcore_axis_name="s")

    @functools.partial(
        pl.kernel,
        mesh=mesh,
        compiler_params=pltpu.CompilerParams(use_tc_tiling_on_sc=True,
                                             needs_layout_passes=False),
        out_type=jax.ShapeDtypeStruct((BATCH, APACK), jnp.float32),
        scratch_types=[
            pltpu.VMEM((BPW,), jnp.int32),
            pltpu.VMEM((BPW,), jnp.int32),
            pltpu.VMEM((BPW,), jnp.int32),
            pltpu.VMEM((BPW,), jnp.int32),
            pltpu.VMEM((GEN_NUM, L), jnp.float32),
            pltpu.VMEM((AGE_NUM, L), jnp.float32),
            pltpu.VMEM((OCC_NUM, L), jnp.float32),
            pltpu.VMEM((CH, APACK), jnp.float32),
            pltpu.SemaphoreType.DMA,
        ],
    )
    def k(sample_hbm, gen_hbm, age_hbm, occ_hbm, mg_hbm, ma_hbm, mo_hbm,
          attr_out, idx_v, gi_v, ai_v, oi_v, genv, agev, occv, pack_v, sem):
        wid = lax.axis_index("s") * NC + lax.axis_index("c")
        base = wid * BPW
        pltpu.sync_copy(sample_hbm.at[pl.ds(base, BPW)], idx_v)
        mg_dma = pltpu.async_copy(mg_hbm.at[idx_v], gi_v, sem)
        pltpu.sync_copy(gen_hbm, genv)
        pltpu.sync_copy(age_hbm, agev)
        pltpu.sync_copy(occ_hbm, occv)
        mg_dma.wait()
        ma_dma = pltpu.async_copy(ma_hbm.at[idx_v], ai_v, sem)
        mo_dma = pltpu.async_copy(mo_hbm.at[idx_v], oi_v, sem)
        ma_dma.wait()
        mo_dma.wait()

        lanes = lax.iota(jnp.int32, L)

        @pl.loop(0, BPW // CH)
        def _(c):
            cb = c * CH

            @pl.loop(0, CH // L)
            def _(g):
                j = g * L + lanes
                off = cb + g * L
                gvec = gi_v[pl.ds(off, L)]
                avec = ai_v[pl.ds(off, L)]
                ovec = oi_v[pl.ds(off, L)]
                for w in range(L):
                    wv = jnp.full((L,), w, jnp.int32)
                    plsc.store_scatter(
                        pack_v, [j, wv],
                        plsc.load_gather(genv, [gvec, wv]))
                    plsc.store_scatter(
                        pack_v, [j, wv + L],
                        plsc.load_gather(agev, [avec, wv]))
                    plsc.store_scatter(
                        pack_v, [j, wv + 2 * L],
                        plsc.load_gather(occv, [ovec, wv]))

            pltpu.sync_copy(pack_v, attr_out.at[pl.ds(base + cb, CH)])

    return k(sample, gen16, age16, occ16, mg, ma, mo)


def _tc_dense(pa, pb, attr, samp2d, W2, Wa, b):
    BLK = 2048
    KA = 3 * L

    def body(fa_ref, fb_ref, a_ref, s_ref, w2_ref, wa_ref, b_ref, o_ref):
        dn = (((1,), (0,)), ((), ()))
        s = s_ref[...]
        from_tc = (s < B0 * BU) | (s >= (NBLK - 1) * BU)
        f = jnp.where(from_tc, fa_ref[...], fb_ref[...])
        half = lax.shift_right_logical(s, 11) & 1
        lane_half = lax.shift_right_logical(
            lax.broadcasted_iota(jnp.int32, (BLK, FINAL), 1), 6)
        x = jnp.where(lane_half == half, f, 0.0)
        acc = lax.dot_general(x, w2_ref[...], dn,
                              preferred_element_type=jnp.float32)
        acc += lax.dot_general(a_ref[:, :KA], wa_ref[...], dn,
                               preferred_element_type=jnp.float32)
        o_ref[...] = jnp.tanh(acc + b_ref[...])

    return pl.pallas_call(
        body,
        grid=(BATCH // BLK,),
        in_specs=[
            pl.BlockSpec((BLK, FINAL), lambda i: (i, 0)),
            pl.BlockSpec((BLK, FINAL), lambda i: (i, 0)),
            pl.BlockSpec((BLK, APACK), lambda i: (i, 0)),
            pl.BlockSpec((BLK, 1), lambda i: (i, 0)),
            pl.BlockSpec((FINAL, FINAL), lambda i: (0, 0)),
            pl.BlockSpec((KA, FINAL), lambda i: (0, 0)),
            pl.BlockSpec((1, FINAL), lambda i: (0, 0)),
        ],
        out_specs=pl.BlockSpec((BLK, FINAL), lambda i: (i, 0)),
        out_shape=jax.ShapeDtypeStruct((BATCH, FINAL), jnp.float32),
    )(pa, pb, attr, samp2d, W2, Wa, b.reshape(1, FINAL))


def kernel(sample, user_id_emb, gender_emb, age_emb, occupation_emb,
           map_gender, map_age, map_occupation, W, b):
    sample = sample.astype(jnp.int32)
    tabT = user_id_emb.T
    pairA = _tc_pairize(tabT, jnp.eye(UID_DIM, dtype=jnp.float32))
    pairB = _sc_pairize(tabT)
    gen16 = jnp.pad(gender_emb, ((0, 0), (0, L - GEN_DIM)))
    zeros8 = jnp.zeros((L - GEN_DIM, FINAL), jnp.float32)
    Wu = W[:UID_DIM]
    W2 = jnp.concatenate([Wu, Wu], axis=0)
    Wa = jnp.concatenate([
        W[UID_DIM:UID_DIM + GEN_DIM], zeros8,
        W[UID_DIM + GEN_DIM:],
    ], axis=0)
    attr = _sc_attr_pack(sample, gen16, age_emb, occupation_emb,
                         map_gender.astype(jnp.int32),
                         map_age.astype(jnp.int32),
                         map_occupation.astype(jnp.int32))
    fa, fb = _sc_pair_gather(sample, pairA, pairB)
    return _tc_dense(fa, fb, attr, sample.reshape(BATCH, 1), W2, Wa, b)

# --- scband reference (transcript-rebuilt; emitter-appended) ---
"""Pipeline reference for scband-user-feat-2645699854548 (READ-ONLY COPY).

The authoritative reference and input builder live on the scoring server;
editing this copy changes nothing except your own understanding.
"""

import jax, jax.numpy as jnp
import numpy as np

BATCH = 16384
USER_ID_NUM = 1000000; USER_ID_DIM = 64
GENDER_NUM = 3;       GENDER_DIM = 8
AGE_NUM = 100;        AGE_DIM = 16
OCC_NUM = 500;        OCC_DIM = 16
SIZE = USER_ID_DIM + GENDER_DIM + AGE_DIM + OCC_DIM  # 104
FINAL = 128

def _xavier(k, shape):
    fan_in, fan_out = shape[0], shape[1]
    std = (2.0 / (fan_in + fan_out)) ** 0.5
    return jax.random.normal(k, shape, dtype=jnp.float32) * std

def setup_inputs(seed: int = 0) -> dict:
    key = jax.random.key(seed)
    ks = jax.random.split(key, 10)
    sample = jax.random.randint(ks[0], (BATCH,), 0, USER_ID_NUM, dtype=jnp.int64) if jax.config.jax_enable_x64 else jax.random.randint(ks[0], (BATCH,), 0, USER_ID_NUM, dtype=jnp.int32)
    user_id_emb = _xavier(ks[1], (USER_ID_NUM, USER_ID_DIM))
    gender_emb = _xavier(ks[2], (GENDER_NUM, GENDER_DIM))
    age_emb = _xavier(ks[3], (AGE_NUM, AGE_DIM))
    occupation_emb = _xavier(ks[4], (OCC_NUM, OCC_DIM))
    map_gender = jax.random.randint(ks[5], (USER_ID_NUM,), 0, GENDER_NUM)
    map_age = jax.random.randint(ks[6], (USER_ID_NUM,), 0, AGE_NUM)
    map_occupation = jax.random.randint(ks[7], (USER_ID_NUM,), 0, OCC_NUM)
    W = _xavier(ks[8], (SIZE, FINAL))
    b = jnp.zeros((FINAL,), dtype=jnp.float32)
    return {
        'sample': sample,
        'user_id_emb': user_id_emb,
        'gender_emb': gender_emb,
        'age_emb': age_emb,
        'occupation_emb': occupation_emb,
        'map_gender': map_gender,
        'map_age': map_age,
        'map_occupation': map_occupation,
        'W': W,
        'b': b,
    }

def reference(sample, user_id_emb, gender_emb, age_emb, occupation_emb,
              map_gender, map_age, map_occupation, W, b):
    # attr 'user_id': index = sample
    f_uid = jnp.take(user_id_emb, sample, axis=0)
    # other attrs: index = map_vocab[attr][sample]
    f_gen = jnp.take(gender_emb, jnp.take(map_gender, sample, axis=0), axis=0)
    f_age = jnp.take(age_emb, jnp.take(map_age, sample, axis=0), axis=0)
    f_occ = jnp.take(occupation_emb, jnp.take(map_occupation, sample, axis=0), axis=0)
    feats = jnp.concatenate([f_uid, f_gen, f_age, f_occ], axis=-1)
    return jnp.tanh(feats @ W + b)

if __name__ == "__main__":
    import jax
    _d = setup_inputs()
    print(jax.jit(kernel)(*tuple(_d.values())))

</pallas_src>

<mosaic_0001>
#map = affine_map<(d0, d1) -> (0, 0)>
module attributes {stable_mosaic.version = 14 : i64} {
  func.func @k(%arg0: i32, %arg1: i32, %arg2: memref<64x1000000xf32, #tpu.memory_space<hbm>>, %arg3: memref<501760x128xf32, #tpu.memory_space<hbm>>, %arg4: memref<64x128xf32, #tpu.memory_space<vmem>>, %arg5: memref<64x128xf32, #tpu.memory_space<vmem>>, %arg6: memref<64x128xf32, #tpu.memory_space<vmem>>, %arg7: memref<64x128xf32, #tpu.memory_space<vmem>>, %arg8: memref<128x128xf32, #tpu.memory_space<vmem>>, %arg9: memref<128x128xf32, #tpu.memory_space<vmem>>, %arg10: memref<!tpu.dma_semaphore, #tpu.memory_space<semaphore_mem>>, %arg11: memref<!tpu.dma_semaphore, #tpu.memory_space<semaphore_mem>>, %arg12: memref<!tpu.dma_semaphore, #tpu.memory_space<semaphore_mem>>, %arg13: memref<!tpu.dma_semaphore, #tpu.memory_space<semaphore_mem>>) attributes {dimension_semantics = [#tpu.dimension_semantics<core_parallel>, #tpu.dimension_semantics<subcore_parallel>], iteration_bounds = array<i64: 2, 16>, scalar_prefetch = 0 : i64, scratch_operands = 10 : i64, tpu.core_type = #tpu.core_type<sc_vector_subcore>, window_params = [{transform_indices = #map}, {transform_indices = #map}]} {
    %mul3A = arith.constant 2 : i32
    %mul3A_0 = arith.muli %arg1, %mul3A : i32
    %add3A = arith.addi %mul3A_0, %arg0 : i32
    %mul3A_1 = arith.constant 22 : i32
    %mul3A_2 = arith.muli %add3A, %mul3A_1 : i32
    %iota3A = tpu.iota {dimensions = array<i32: 0>} : vector<16xi32>
    %add3A_3 = arith.constant 0 : i32
    %add3A_4 = arith.addi %mul3A_2, %add3A_3 : i32
    %shift_right_logical3A = arith.constant 4 : i32
    %shift_right_logical3A_5 = arith.shrui %add3A_4, %shift_right_logical3A : i32
    %add3A_6 = arith.constant 200 : i32
    %add3A_7 = arith.addi %add3A_6, %shift_right_logical3A_5 : i32
    %mul3A_8 = arith.constant 4096 : i32
    %mul3A_9 = arith.muli %add3A_7, %mul3A_8 : i32
    %and3A = arith.constant 15 : i32
    %and3A_10 = arith.andi %add3A_4, %and3A : i32
    %mul3A_11 = arith.constant 128 : i32
    %mul3A_12 = arith.muli %and3A_10, %mul3A_11 : i32
    %add3A_13 = arith.addi %mul3A_9, %mul3A_12 : i32
    %multiple_of3A = tpu.assume_multiple %add3A_13, 128 : i32
    %add3A_14 = arith.constant 2048 : i32
    %add3A_15 = arith.addi %multiple_of3A, %add3A_14 : i32
    %dma_start3A = arith.constant 0 : i32
    %dma_start3A_16 = arith.constant 0 : i32
    %dma_start3A_17 = tpu.memref_slice %arg4[%dma_start3A, %dma_start3A_16] : memref<64x128xf32, #tpu.memory_space<vmem>> -> memref<8x128xf32, #tpu.memory_space<vmem>>
    %dma_start3A_18 = arith.constant 0 : i32
    %dma_start3A_19 = tpu.memref_slice %arg2[%dma_start3A_18, %multiple_of3A] : memref<64x1000000xf32, #tpu.memory_space<hbm>> -> memref<8x128xf32, #tpu.memory_space<hbm>>
    %dma_start3A_20 = arith.constant 0 : i32
    %dma_start3A_21 = arith.constant 0 : i32
    %dma_start3A_22 = tpu.memref_slice %arg4[%dma_start3A_20, %dma_start3A_21] : memref<64x128xf32, #tpu.memory_space<vmem>> -> memref<8x128xf32, #tpu.memory_space<vmem>>
    %dma_start3A_23 = arith.constant 0 : i32
    %dma_start3A_24 = tpu.memref_slice %arg2[%dma_start3A_23, %multiple_of3A] : memref<64x1000000xf32, #tpu.memory_space<hbm>> -> memref<8x128xf32, #tpu.memory_space<hbm>>
    tpu.enqueue_dma source(%dma_start3A_24 : memref<8x128xf32, #tpu.memory_space<hbm>>) target(%dma_start3A_22 : memref<8x128xf32, #tpu.memory_space<vmem>>) target_semaphore(%arg10 : memref<!tpu.dma_semaphore, #tpu.memory_space<semaphore_mem>>)
    %dma_start3A_25 = arith.constant 0 : i32
    %dma_start3A_26 = arith.constant 0 : i32
    %dma_start3A_27 = tpu.memref_slice %arg5[%dma_start3A_25, %dma_start3A_26] : memref<64x128xf32, #tpu.memory_space<vmem>> -> memref<8x128xf32, #tpu.memory_space<vmem>>
    %dma_start3A_28 = arith.constant 0 : i32
    %dma_start3A_29 = tpu.memref_slice %arg2[%dma_start3A_28, %add3A_15] : memref<64x1000000xf32, #tpu.memory_space<hbm>> -> memref<8x128xf32, #tpu.memory_space<hbm>>
    %dma_start3A_30 = arith.constant 0 : i32
    %dma_start3A_31 = arith.constant 0 : i32
    %dma_start3A_32 = tpu.memref_slice %arg5[%dma_start3A_30, %dma_start3A_31] : memref<64x128xf32, #tpu.memory_space<vmem>> -> memref<8x128xf32, #tpu.memory_space<vmem>>
    %dma_start3A_33 = arith.constant 0 : i32
    %dma_start3A_34 = tpu.memref_slice %arg2[%dma_start3A_33, %add3A_15] : memref<64x1000000xf32, #tpu.memory_space<hbm>> -> memref<8x128xf32, #tpu.memory_space<hbm>>
    tpu.enqueue_dma source(%dma_start3A_34 : memref<8x128xf32, #tpu.memory_space<hbm>>) target(%dma_start3A_32 : memref<8x128xf32, #tpu.memory_space<vmem>>) target_semaphore(%arg10 : memref<!tpu.dma_semaphore, #tpu.memory_space<semaphore_mem>>)
    %dma_start3A_35 = arith.constant 8 : i32
    %dma_start3A_36 = arith.constant 0 : i32
    %dma_start3A_37 = tpu.memref_slice %arg4[%dma_start3A_35, %dma_start3A_36] : memref<64x128xf32, #tpu.memory_space<vmem>> -> memref<8x128xf32, #tpu.memory_space<vmem>>
    %dma_start3A_38 = arith.constant 8 : i32
    %dma_start3A_39 = tpu.memref_slice %arg2[%dma_start3A_38, %multiple_of3A] : memref<64x1000000xf32, #tpu.memory_space<hbm>> -> memref<8x128xf32, #tpu.memory_space<hbm>>
    %dma_start3A_40 = arith.constant 8 : i32
    %dma_start3A_41 = arith.constant 0 : i32
    %dma_start3A_42 = tpu.memref_slice %arg4[%dma_start3A_40, %dma_start3A_41] : memref<64x128xf32, #tpu.memory_space<vmem>> -> memref<8x128xf32, #tpu.memory_space<vmem>>
    %dma_start3A_43 = arith.constant 8 : i32
    %dma_start3A_44 = tpu.memref_slice %arg2[%dma_start3A_43, %multiple_of3A] : memref<64x1000000xf32, #tpu.memory_space<hbm>> -> memref<8x128xf32, #tpu.memory_space<hbm>>
    tpu.enqueue_dma source(%dma_start3A_44 : memref<8x128xf32, #tpu.memory_space<hbm>>) target(%dma_start3A_42 : memref<8x128xf32, #tpu.memory_space<vmem>>) target_semaphore(%arg10 : memref<!tpu.dma_semaphore, #tpu.memory_space<semaphore_mem>>)
    %dma_start3A_45 = arith.constant 8 : i32
    %dma_start3A_46 = arith.constant 0 : i32
    %dma_start3A_47 = tpu.memref_slice %arg5[%dma_start3A_45, %dma_start3A_46] : memref<64x128xf32, #tpu.memory_space<vmem>> -> memref<8x128xf32, #tpu.memory_space<vmem>>
    %dma_start3A_48 = arith.constant 8 : i32
    %dma_start3A_49 = tpu.memref_slice %arg2[%dma_start3A_48, %add3A_15] : memref<64x1000000xf32, #tpu.memory_space<hbm>> -> memref<8x128xf32, #tpu.memory_space<hbm>>
    %dma_start3A_50 = arith.constant 8 : i32
    %dma_start3A_51 = arith.constant 0 : i32
    %dma_start3A_52 = tpu.memref_slice %arg5[%dma_start3A_50, %dma_start3A_51] : memref<64x128xf32, #tpu.memory_space<vmem>> -> memref<8x128xf32, #tpu.memory_space<vmem>>
    %dma_start3A_53 = arith.constant 8 : i32
    %dma_start3A_54 = tpu.memref_slice %arg2[%dma_start3A_53, %add3A_15] : memref<64x1000000xf32, #tpu.memory_space<hbm>> -> memref<8x128xf32, #tpu.memory_space<hbm>>
    tpu.enqueue_dma source(%dma_start3A_54 : memref<8x128xf32, #tpu.memory_space<hbm>>) target(%dma_start3A_52 : memref<8x128xf32, #tpu.memory_space<vmem>>) target_semaphore(%arg10 : memref<!tpu.dma_semaphore, #tpu.memory_space<semaphore_mem>>)
    %dma_start3A_55 = arith.constant 16 : i32
    %dma_start3A_56 = arith.constant 0 : i32
    %dma_start3A_57 = tpu.memref_slice %arg4[%dma_start3A_55, %dma_start3A_56] : memref<64x128xf32, #tpu.memory_space<vmem>> -> memref<8x128xf32, #tpu.memory_space<vmem>>
    %dma_start3A_58 = arith.constant 16 : i32
    %dma_start3A_59 = tpu.memref_slice %arg2[%dma_start3A_58, %multiple_of3A] : memref<64x1000000xf32, #tpu.memory_space<hbm>> -> memref<8x128xf32, #tpu.memory_space<hbm>>
    %dma_start3A_60 = arith.constant 16 : i32
    %dma_start3A_61 = arith.constant 0 : i32
    %dma_start3A_62 = tpu.memref_slice %arg4[%dma_start3A_60, %dma_start3A_61] : memref<64x128xf32, #tpu.memory_space<vmem>> -> memref<8x128xf32, #tpu.memory_space<vmem>>
    %dma_start3A_63 = arith.constant 16 : i32
    %dma_start3A_64 = tpu.memref_slice %arg2[%dma_start3A_63, %multiple_of3A] : memref<64x1000000xf32, #tpu.memory_space<hbm>> -> memref<8x128xf32, #tpu.memory_space<hbm>>
    tpu.enqueue_dma source(%dma_start3A_64 : memref<8x128xf32, #tpu.memory_space<hbm>>) target(%dma_start3A_62 : memref<8x128xf32, #tpu.memory_space<vmem>>) target_semaphore(%arg10 : memref<!tpu.dma_semaphore, #tpu.memory_space<semaphore_mem>>)
    %dma_start3A_65 = arith.constant 16 : i32
    %dma_start3A_66 = arith.constant 0 : i32
    %dma_start3A_67 = tpu.memref_slice %arg5[%dma_start3A_65, %dma_start3A_66] : memref<64x128xf32, #tpu.memory_space<vmem>> -> memref<8x128xf32, #tpu.memory_space<vmem>>
    %dma_start3A_68 = arith.constant 16 : i32
    %dma_start3A_69 = tpu.memref_slice %arg2[%dma_start3A_68, %add3A_15] : memref<64x1000000xf32, #tpu.memory_space<hbm>> -> memref<8x128xf32, #tpu.memory_space<hbm>>
    %dma_start3A_70 = arith.constant 16 : i32
    %dma_start3A_71 = arith.constant 0 : i32
    %dma_start3A_72 = tpu.memref_slice %arg5[%dma_start3A_70, %dma_start3A_71] : memref<64x128xf32, #tpu.memory_space<vmem>> -> memref<8x128xf32, #tpu.memory_space<vmem>>
    %dma_start3A_73 = arith.constant 16 : i32
    %dma_start3A_74 = tpu.memref_slice %arg2[%dma_start3A_73, %add3A_15] : memref<64x1000000xf32, #tpu.memory_space<hbm>> -> memref<8x128xf32, #tpu.memory_space<hbm>>
    tpu.enqueue_dma source(%dma_start3A_74 : memref<8x128xf32, #tpu.memory_space<hbm>>) target(%dma_start3A_72 : memref<8x128xf32, #tpu.memory_space<vmem>>) target_semaphore(%arg10 : memref<!tpu.dma_semaphore, #tpu.memory_space<semaphore_mem>>)
    %dma_start3A_75 = arith.constant 24 : i32
    %dma_start3A_76 = arith.constant 0 : i32
    %dma_start3A_77 = tpu.memref_slice %arg4[%dma_start3A_75, %dma_start3A_76] : memref<64x128xf32, #tpu.memory_space<vmem>> -> memref<8x128xf32, #tpu.memory_space<vmem>>
    %dma_start3A_78 = arith.constant 24 : i32
    %dma_start3A_79 = tpu.memref_slice %arg2[%dma_start3A_78, %multiple_of3A] : memref<64x1000000xf32, #tpu.memory_space<hbm>> -> memref<8x128xf32, #tpu.memory_space<hbm>>
    %dma_start3A_80 = arith.constant 24 : i32
    %dma_start3A_81 = arith.constant 0 : i32
    %dma_start3A_82 = tpu.memref_slice %arg4[%dma_start3A_80, %dma_start3A_81] : memref<64x128xf32, #tpu.memory_space<vmem>> -> memref<8x128xf32, #tpu.memory_space<vmem>>
    %dma_start3A_83 = arith.constant 24 : i32
    %dma_start3A_84 = tpu.memref_slice %arg2[%dma_start3A_83, %multiple_of3A] : memref<64x1000000xf32, #tpu.memory_space<hbm>> -> memref<8x128xf32, #tpu.memory_space<hbm>>
    tpu.enqueue_dma source(%dma_start3A_84 : memref<8x128xf32, #tpu.memory_space<hbm>>) target(%dma_start3A_82 : memref<8x128xf32, #tpu.memory_space<vmem>>) target_semaphore(%arg10 : memref<!tpu.dma_semaphore, #tpu.memory_space<semaphore_mem>>)
    %dma_start3A_85 = arith.constant 24 : i32
    %dma_start3A_86 = arith.constant 0 : i32
    %dma_start3A_87 = tpu.memref_slice %arg5[%dma_start3A_85, %dma_start3A_86] : memref<64x128xf32, #tpu.memory_space<vmem>> -> memref<8x128xf32, #tpu.memory_space<vmem>>
    %dma_start3A_88 = arith.constant 24 : i32
    %dma_start3A_89 = tpu.memref_slice %arg2[%dma_start3A_88, %add3A_15] : memref<64x1000000xf32, #tpu.memory_space<hbm>> -> memref<8x128xf32, #tpu.memory_space<hbm>>
    %dma_start3A_90 = arith.constant 24 : i32
    %dma_start3A_91 = arith.constant 0 : i32
    %dma_start3A_92 = tpu.memref_slice %arg5[%dma_start3A_90, %dma_start3A_91] : memref<64x128xf32, #tpu.memory_space<vmem>> -> memref<8x128xf32, #tpu.memory_space<vmem>>
    %dma_start3A_93 = arith.constant 24 : i32
    %dma_start3A_94 = tpu.memref_slice %arg2[%dma_start3A_93, %add3A_15] : memref<64x1000000xf32, #tpu.memory_space<hbm>> -> memref<8x128xf32, #tpu.memory_space<hbm>>
    tpu.enqueue_dma source(%dma_start3A_94 : memref<8x128xf32, #tpu.memory_space<hbm>>) target(%dma_start3A_92 : memref<8x128xf32, #tpu.memory_space<vmem>>) target_semaphore(%arg10 : memref<!tpu.dma_semaphore, #tpu.memory_space<semaphore_mem>>)
    %dma_start3A_95 = arith.constant 32 : i32
    %dma_start3A_96 = arith.constant 0 : i32
    %dma_start3A_97 = tpu.memref_slice %arg4[%dma_start3A_95, %dma_start3A_96] : memref<64x128xf32, #tpu.memory_space<vmem>> -> memref<8x128xf32, #tpu.memory_space<vmem>>
    %dma_start3A_98 = arith.constant 32 : i32
    %dma_start3A_99 = tpu.memref_slice %arg2[%dma_start3A_98, %multiple_of3A] : memref<64x1000000xf32, #tpu.memory_space<hbm>> -> memref<8x128xf32, #tpu.memory_space<hbm>>
    %dma_start3A_100 = arith.constant 32 : i32
    %dma_start3A_101 = arith.constant 0 : i32
    %dma_start3A_102 = tpu.memref_slice %arg4[%dma_start3A_100, %dma_start3A_101] : memref<64x128xf32, #tpu.memory_space<vmem>> -> memref<8x128xf32, #tpu.memory_space<vmem>>
    %dma_start3A_103 = arith.constant 32 : i32
    %dma_start3A_104 = tpu.memref_slice %arg2[%dma_start3A_103, %multiple_of3A] : memref<64x1000000xf32, #tpu.memory_space<hbm>> -> memref<8x128xf32, #tpu.memory_space<hbm>>
    tpu.enqueue_dma source(%dma_start3A_104 : memref<8x128xf32, #tpu.memory_space<hbm>>) target(%dma_start3A_102 : memref<8x128xf32, #tpu.memory_space<vmem>>) target_semaphore(%arg10 : memref<!tpu.dma_semaphore, #tpu.memory_space<semaphore_mem>>)
    %dma_start3A_105 = arith.constant 32 : i32
    %dma_start3A_106 = arith.constant 0 : i32
    %dma_start3A_107 = tpu.memref_slice %arg5[%dma_start3A_105, %dma_start3A_106] : memref<64x128xf32, #tpu.memory_space<vmem>> -> memref<8x128xf32, #tpu.memory_space<vmem>>
    %dma_start3A_108 = arith.constant 32 : i32
    %dma_start3A_109 = tpu.memref_slice %arg2[%dma_start3A_108, %add3A_15] : memref<64x1000000xf32, #tpu.memory_space<hbm>> -> memref<8x128xf32, #tpu.memory_space<hbm>>
    %dma_start3A_110 = arith.constant 32 : i32
    %dma_start3A_111 = arith.constant 0 : i32
    %dma_start3A_112 = tpu.memref_slice %arg5[%dma_start3A_110, %dma_start3A_111] : memref<64x128xf32, #tpu.memory_space<vmem>> -> memref<8x128xf32, #tpu.memory_space<vmem>>
    %dma_start3A_113 = arith.constant 32 : i32
    %dma_start3A_114 = tpu.memref_slice %arg2[%dma_start3A_113, %add3A_15] : memref<64x1000000xf32, #tpu.memory_space<hbm>> -> memref<8x128xf32, #tpu.memory_space<hbm>>
    tpu.enqueue_dma source(%dma_start3A_114 : memref<8x128xf32, #tpu.memory_space<hbm>>) target(%dma_start3A_112 : memref<8x128xf32, #tpu.memory_space<vmem>>) target_semaphore(%arg10 : memref<!tpu.dma_semaphore, #tpu.memory_space<semaphore_mem>>)
    %dma_start3A_115 = arith.constant 40 : i32
    %dma_start3A_116 = arith.constant 0 : i32
    %dma_start3A_117 = tpu.memref_slice %arg4[%dma_start3A_115, %dma_start3A_116] : memref<64x128xf32, #tpu.memory_space<vmem>> -> memref<8x128xf32, #tpu.memory_space<vmem>>
    %dma_start3A_118 = arith.constant 40 : i32
    %dma_start3A_119 = tpu.memref_slice %arg2[%dma_start3A_118, %multiple_of3A] : memref<64x1000000xf32, #tpu.memory_space<hbm>> -> memref<8x128xf32, #tpu.memory_space<hbm>>
    %dma_start3A_120 = arith.constant 40 : i32
    %dma_start3A_121 = arith.constant 0 : i32
    %dma_start3A_122 = tpu.memref_slice %arg4[%dma_start3A_120, %dma_start3A_121] : memref<64x128xf32, #tpu.memory_space<vmem>> -> memref<8x128xf32, #tpu.memory_space<vmem>>
    %dma_start3A_123 = arith.constant 40 : i32
    %dma_start3A_124 = tpu.memref_slice %arg2[%dma_start3A_123, %multiple_of3A] : memref<64x1000000xf32, #tpu.memory_space<hbm>> -> memref<8x128xf32, #tpu.memory_space<hbm>>
    tpu.enqueue_dma source(%dma_start3A_124 : memref<8x128xf32, #tpu.memory_space<hbm>>) target(%dma_start3A_122 : memref<8x128xf32, #tpu.memory_space<vmem>>) target_semaphore(%arg10 : memref<!tpu.dma_semaphore, #tpu.memory_space<semaphore_mem>>)
    %dma_start3A_125 = arith.constant 40 : i32
    %dma_start3A_126 = arith.constant 0 : i32
    %dma_start3A_127 = tpu.memref_slice %arg5[%dma_start3A_125, %dma_start3A_126] : memref<64x128xf32, #tpu.memory_space<vmem>> -> memref<8x128xf32, #tpu.memory_space<vmem>>
    %dma_start3A_128 = arith.constant 40 : i32
    %dma_start3A_129 = tpu.memref_slice %arg2[%dma_start3A_128, %add3A_15] : memref<64x1000000xf32, #tpu.memory_space<hbm>> -> memref<8x128xf32, #tpu.memory_space<hbm>>
    %dma_start3A_130 = arith.constant 40 : i32
    %dma_start3A_131 = arith.constant 0 : i32
    %dma_start3A_132 = tpu.memref_slice %arg5[%dma_start3A_130, %dma_start3A_131] : memref<64x128xf32, #tpu.memory_space<vmem>> -> memref<8x128xf32, #tpu.memory_space<vmem>>
    %dma_start3A_133 = arith.constant 40 : i32
    %dma_start3A_134 = tpu.memref_slice %arg2[%dma_start3A_133, %add3A_15] : memref<64x1000000xf32, #tpu.memory_space<hbm>> -> memref<8x128xf32, #tpu.memory_space<hbm>>
    tpu.enqueue_dma source(%dma_start3A_134 : memref<8x128xf32, #tpu.memory_space<hbm>>) target(%dma_start3A_132 : memref<8x128xf32, #tpu.memory_space<vmem>>) target_semaphore(%arg10 : memref<!tpu.dma_semaphore, #tpu.memory_space<semaphore_mem>>)
    %dma_start3A_135 = arith.constant 48 : i32
    %dma_start3A_136 = arith.constant 0 : i32
    %dma_start3A_137 = tpu.memref_slice %arg4[%dma_start3A_135, %dma_start3A_136] : memref<64x128xf32, #tpu.memory_space<vmem>> -> memref<8x128xf32, #tpu.memory_space<vmem>>
    %dma_start3A_138 = arith.constant 48 : i32
    %dma_start3A_139 = tpu.memref_slice %arg2[%dma_start3A_138, %multiple_of3A] : memref<64x1000000xf32, #tpu.memory_space<hbm>> -> memref<8x128xf32, #tpu.memory_space<hbm>>
    %dma_start3A_140 = arith.constant 48 : i32
    %dma_start3A_141 = arith.constant 0 : i32
    %dma_start3A_142 = tpu.memref_slice %arg4[%dma_start3A_140, %dma_start3A_141] : memref<64x128xf32, #tpu.memory_space<vmem>> -> memref<8x128xf32, #tpu.memory_space<vmem>>
    %dma_start3A_143 = arith.constant 48 : i32
    %dma_start3A_144 = tpu.memref_slice %arg2[%dma_start3A_143, %multiple_of3A] : memref<64x1000000xf32, #tpu.memory_space<hbm>> -> memref<8x128xf32, #tpu.memory_space<hbm>>
    tpu.enqueue_dma source(%dma_start3A_144 : memref<8x128xf32, #tpu.memory_space<hbm>>) target(%dma_start3A_142 : memref<8x128xf32, #tpu.memory_space<vmem>>) target_semaphore(%arg10 : memref<!tpu.dma_semaphore, #tpu.memory_space<semaphore_mem>>)
    %dma_start3A_145 = arith.constant 48 : i32
    %dma_start3A_146 = arith.constant 0 : i32
    %dma_start3A_147 = tpu.memref_slice %arg5[%dma_start3A_145, %dma_start3A_146] : memref<64x128xf32, #tpu.memory_space<vmem>> -> memref<8x128xf32, #tpu.memory_space<vmem>>
    %dma_start3A_148 = arith.constant 48 : i32
    %dma_start3A_149 = tpu.memref_slice %arg2[%dma_start3A_148, %add3A_15] : memref<64x1000000xf32, #tpu.memory_space<hbm>> -> memref<8x128xf32, #tpu.memory_space<hbm>>
    %dma_start3A_150 = arith.constant 48 : i32
    %dma_start3A_151 = arith.constant 0 : i32
    %dma_start3A_152 = tpu.memref_slice %arg5[%dma_start3A_150, %dma_start3A_151] : memref<64x128xf32, #tpu.memory_space<vmem>> -> memref<8x128xf32, #tpu.memory_space<vmem>>
    %dma_start3A_153 = arith.constant 48 : i32
    %dma_start3A_154 = tpu.memref_slice %arg2[%dma_start3A_153, %add3A_15] : memref<64x1000000xf32, #tpu.memory_space<hbm>> -> memref<8x128xf32, #tpu.memory_space<hbm>>
    tpu.enqueue_dma source(%dma_start3A_154 : memref<8x128xf32, #tpu.memory_space<hbm>>) target(%dma_start3A_152 : memref<8x128xf32, #tpu.memory_space<vmem>>) target_semaphore(%arg10 : memref<!tpu.dma_semaphore, #tpu.memory_space<semaphore_mem>>)
    %dma_start3A_155 = arith.constant 56 : i32
    %dma_start3A_156 = arith.constant 0 : i32
    %dma_start3A_157 = tpu.memref_slice %arg4[%dma_start3A_155, %dma_start3A_156] : memref<64x128xf32, #tpu.memory_space<vmem>> -> memref<8x128xf32, #tpu.memory_space<vmem>>
    %dma_start3A_158 = arith.constant 56 : i32
    %dma_start3A_159 = tpu.memref_slice %arg2[%dma_start3A_158, %multiple_of3A] : memref<64x1000000xf32, #tpu.memory_space<hbm>> -> memref<8x128xf32, #tpu.memory_space<hbm>>
    %dma_start3A_160 = arith.constant 56 : i32
    %dma_start3A_161 = arith.constant 0 : i32
    %dma_start3A_162 = tpu.memref_slice %arg4[%dma_start3A_160, %dma_start3A_161] : memref<64x128xf32, #tpu.memory_space<vmem>> -> memref<8x128xf32, #tpu.memory_space<vmem>>
    %dma_start3A_163 = arith.constant 56 : i32
    %dma_start3A_164 = tpu.memref_slice %arg2[%dma_start3A_163, %multiple_of3A] : memref<64x1000000xf32, #tpu.memory_space<hbm>> -> memref<8x128xf32, #tpu.memory_space<hbm>>
    tpu.enqueue_dma source(%dma_start3A_164 : memref<8x128xf32, #tpu.memory_space<hbm>>) target(%dma_start3A_162 : memref<8x128xf32, #tpu.memory_space<vmem>>) target_semaphore(%arg10 : memref<!tpu.dma_semaphore, #tpu.memory_space<semaphore_mem>>)
    %dma_start3A_165 = arith.constant 56 : i32
    %dma_start3A_166 = arith.constant 0 : i32
    %dma_start3A_167 = tpu.memref_slice %arg5[%dma_start3A_165, %dma_start3A_166] : memref<64x128xf32, #tpu.memory_space<vmem>> -> memref<8x128xf32, #tpu.memory_space<vmem>>
    %dma_start3A_168 = arith.constant 56 : i32
    %dma_start3A_169 = tpu.memref_slice %arg2[%dma_start3A_168, %add3A_15] : memref<64x1000000xf32, #tpu.memory_space<hbm>> -> memref<8x128xf32, #tpu.memory_space<hbm>>
    %dma_start3A_170 = arith.constant 56 : i32
    %dma_start3A_171 = arith.constant 0 : i32
    %dma_start3A_172 = tpu.memref_slice %arg5[%dma_start3A_170, %dma_start3A_171] : memref<64x128xf32, #tpu.memory_space<vmem>> -> memref<8x128xf32, #tpu.memory_space<vmem>>
    %dma_start3A_173 = arith.constant 56 : i32
    %dma_start3A_174 = tpu.memref_slice %arg2[%dma_start3A_173, %add3A_15] : memref<64x1000000xf32, #tpu.memory_space<hbm>> -> memref<8x128xf32, #tpu.memory_space<hbm>>
    tpu.enqueue_dma source(%dma_start3A_174 : memref<8x128xf32, #tpu.memory_space<hbm>>) target(%dma_start3A_172 : memref<8x128xf32, #tpu.memory_space<vmem>>) target_semaphore(%arg10 : memref<!tpu.dma_semaphore, #tpu.memory_space<semaphore_mem>>)
    %scan3A = arith.constant 0 : i32
    %scan3A_175 = arith.constant 11 : i32
    %scan3A_176 = arith.addi %scan3A, %scan3A_175 : i32
    %scan3A_177 = arith.constant 1 : i32
    scf.for %scan3A_190 = %scan3A to %scan3A_176 step %scan3A_177  : i32 {
      %mul3A_191 = arith.constant 1 : i32
      %mul3A_192 = arith.muli %scan3A_190, %mul3A_191 : i32
      %add3A_193 = arith.constant 0 : i32
      %add3A_194 = arith.addi %add3A_193, %mul3A_192 : i32
      %mul3A_195 = arith.constant 2 : i32
      %mul3A_196 = arith.muli %add3A_194, %mul3A_195 : i32
      %add3A_197 = arith.constant 1 : i32
      %add3A_198 = arith.addi %mul3A_196, %add3A_197 : i32
      %add3A_199 = arith.addi %mul3A_2, %add3A_198 : i32
      %shift_right_logical3A_200 = arith.constant 4 : i32
      %shift_right_logical3A_201 = arith.shrui %add3A_199, %shift_right_logical3A_200 : i32
      %add3A_202 = arith.constant 200 : i32
      %add3A_203 = arith.addi %add3A_202, %shift_right_logical3A_201 : i32
      %mul3A_204 = arith.constant 4096 : i32
      %mul3A_205 = arith.muli %add3A_203, %mul3A_204 : i32
      %and3A_206 = arith.constant 15 : i32
      %and3A_207 = arith.andi %add3A_199, %and3A_206 : i32
      %mul3A_208 = arith.constant 128 : i32
      %mul3A_209 = arith.muli %and3A_207, %mul3A_208 : i32
      %add3A_210 = arith.addi %mul3A_205, %mul3A_209 : i32
      %multiple_of3A_211 = tpu.assume_multiple %add3A_210, 128 : i32
      %add3A_212 = arith.constant 2048 : i32
      %add3A_213 = arith.addi %multiple_of3A_211, %add3A_212 : i32
      %dma_start3A_214 = arith.constant 0 : i32
      %dma_start3A_215 = arith.constant 0 : i32
      %dma_start3A_216 = tpu.memref_slice %arg6[%dma_start3A_214, %dma_start3A_215] : memref<64x128xf32, #tpu.memory_space<vmem>> -> memref<8x128xf32, #tpu.memory_space<vmem>>
      %dma_start3A_217 = arith.constant 0 : i32
      %dma_start3A_218 = tpu.memref_slice %arg2[%dma_start3A_217, %multiple_of3A_211] : memref<64x1000000xf32, #tpu.memory_space<hbm>> -> memref<8x128xf32, #tpu.memory_space<hbm>>
      %dma_start3A_219 = arith.constant 0 : i32
      %dma_start3A_220 = arith.constant 0 : i32
      %dma_start3A_221 = tpu.memref_slice %arg6[%dma_start3A_219, %dma_start3A_220] : memref<64x128xf32, #tpu.memory_space<vmem>> -> memref<8x128xf32, #tpu.memory_space<vmem>>
      %dma_start3A_222 = arith.constant 0 : i32
      %dma_start3A_223 = tpu.memref_slice %arg2[%dma_start3A_222, %multiple_of3A_211] : memref<64x1000000xf32, #tpu.memory_space<hbm>> -> memref<8x128xf32, #tpu.memory_space<hbm>>
      tpu.enqueue_dma source(%dma_start3A_223 : memref<8x128xf32, #tpu.memory_space<hbm>>) target(%dma_start3A_221 : memref<8x128xf32, #tpu.memory_space<vmem>>) target_semaphore(%arg11 : memref<!tpu.dma_semaphore, #tpu.memory_space<semaphore_mem>>)
      %dma_start3A_224 = arith.constant 0 : i32
      %dma_start3A_225 = arith.constant 0 : i32
      %dma_start3A_226 = tpu.memref_slice %arg7[%dma_start3A_224, %dma_start3A_225] : memref<64x128xf32, #tpu.memory_space<vmem>> -> memref<8x128xf32, #tpu.memory_space<vmem>>
      %dma_start3A_227 = arith.constant 0 : i32
      %dma_start3A_228 = tpu.memref_slice %arg2[%dma_start3A_227, %add3A_213] : memref<64x1000000xf32, #tpu.memory_space<hbm>> -> memref<8x128xf32, #tpu.memory_space<hbm>>
      %dma_start3A_229 = arith.constant 0 : i32
      %dma_start3A_230 = arith.constant 0 : i32
      %dma_start3A_231 = tpu.memref_slice %arg7[%dma_start3A_229, %dma_start3A_230] : memref<64x128xf32, #tpu.memory_space<vmem>> -> memref<8x128xf32, #tpu.memory_space<vmem>>
      %dma_start3A_232 = arith.constant 0 : i32
      %dma_start3A_233 = tpu.memref_slice %arg2[%dma_start3A_232, %add3A_213] : memref<64x1000000xf32, #tpu.memory_space<hbm>> -> memref<8x128xf32, #tpu.memory_space<hbm>>
      tpu.enqueue_dma source(%dma_start3A_233 : memref<8x128xf32, #tpu.memory_space<hbm>>) target(%dma_start3A_231 : memref<8x128xf32, #tpu.memory_space<vmem>>) target_semaphore(%arg11 : memref<!tpu.dma_semaphore, #tpu.memory_space<semaphore_mem>>)
      %dma_start3A_234 = arith.constant 8 : i32
      %dma_start3A_235 = arith.constant 0 : i32
      %dma_start3A_236 = tpu.memref_slice %arg6[%dma_start3A_234, %dma_start3A_235] : memref<64x128xf32, #tpu.memory_space<vmem>> -> memref<8x128xf32, #tpu.memory_space<vmem>>
      %dma_start3A_237 = arith.constant 8 : i32
      %dma_start3A_238 = tpu.memref_slice %arg2[%dma_start3A_237, %multiple_of3A_211] : memref<64x1000000xf32, #tpu.memory_space<hbm>> -> memref<8x128xf32, #tpu.memory_space<hbm>>
      %dma_start3A_239 = arith.constant 8 : i32
      %dma_start3A_240 = arith.constant 0 : i32
      %dma_start3A_241 = tpu.memref_slice %arg6[%dma_start3A_239, %dma_start3A_240] : memref<64x128xf32, #tpu.memory_space<vmem>> -> memref<8x128xf32, #tpu.memory_space<vmem>>
      %dma_start3A_242 = arith.constant 8 : i32
      %dma_start3A_243 = tpu.memref_slice %arg2[%dma_start3A_242, %multiple_of3A_211] : memref<64x1000000xf32, #tpu.memory_space<hbm>> -> memref<8x128xf32, #tpu.memory_space<hbm>>
      tpu.enqueue_dma source(%dma_start3A_243 : memref<8x128xf32, #tpu.memory_space<hbm>>) target(%dma_start3A_241 : memref<8x128xf32, #tpu.memory_space<vmem>>) target_semaphore(%arg11 : memref<!tpu.dma_semaphore, #tpu.memory_space<semaphore_mem>>)
      %dma_start3A_244 = arith.constant 8 : i32
      %dma_start3A_245 = arith.constant 0 : i32
      %dma_start3A_246 = tpu.memref_slice %arg7[%dma_start3A_244, %dma_start3A_245] : memref<64x128xf32, #tpu.memory_space<vmem>> -> memref<8x128xf32, #tpu.memory_space<vmem>>
      %dma_start3A_247 = arith.constant 8 : i32
      %dma_start3A_248 = tpu.memref_slice %arg2[%dma_start3A_247, %add3A_213] : memref<64x1000000xf32, #tpu.memory_space<hbm>> -> memref<8x128xf32, #tpu.memory_space<hbm>>
      %dma_start3A_249 = arith.constant 8 : i32
      %dma_start3A_250 = arith.constant 0 : i32
      %dma_start3A_251 = tpu.memref_slice %arg7[%dma_start3A_249, %dma_start3A_250] : memref<64x128xf32, #tpu.memory_space<vmem>> -> memref<8x128xf32, #tpu.memory_space<vmem>>
      %dma_start3A_252 = arith.constant 8 : i32
      %dma_start3A_253 = tpu.memref_slice %arg2[%dma_start3A_252, %add3A_213] : memref<64x1000000xf32, #tpu.memory_space<hbm>> -> memref<8x128xf32, #tpu.memory_space<hbm>>
      tpu.enqueue_dma source(%dma_start3A_253 : memref<8x128xf32, #tpu.memory_space<hbm>>) target(%dma_start3A_251 : memref<8x128xf32, #tpu.memory_space<vmem>>) target_semaphore(%arg11 : memref<!tpu.dma_semaphore, #tpu.memory_space<semaphore_mem>>)
      %dma_start3A_254 = arith.constant 16 : i32
      %dma_start3A_255 = arith.constant 0 : i32
      %dma_start3A_256 = tpu.memref_slice %arg6[%dma_start3A_254, %dma_start3A_255] : memref<64x128xf32, #tpu.memory_space<vmem>> -> memref<8x128xf32, #tpu.memory_space<vmem>>
      %dma_start3A_257 = arith.constant 16 : i32
      %dma_start3A_258 = tpu.memref_slice %arg2[%dma_start3A_257, %multiple_of3A_211] : memref<64x1000000xf32, #tpu.memory_space<hbm>> -> memref<8x128xf32, #tpu.memory_space<hbm>>
      %dma_start3A_259 = arith.constant 16 : i32
      %dma_start3A_260 = arith.constant 0 : i32
      %dma_start3A_261 = tpu.memref_slice %arg6[%dma_start3A_259, %dma_start3A_260] : memref<64x128xf32, #tpu.memory_space<vmem>> -> memref<8x128xf32, #tpu.memory_space<vmem>>
      %dma_start3A_262 = arith.constant 16 : i32
      %dma_start3A_263 = tpu.memref_slice %arg2[%dma_start3A_262, %multiple_of3A_211] : memref<64x1000000xf32, #tpu.memory_space<hbm>> -> memref<8x128xf32, #tpu.memory_space<hbm>>
      tpu.enqueue_dma source(%dma_start3A_263 : memref<8x128xf32, #tpu.memory_space<hbm>>) target(%dma_start3A_261 : memref<8x128xf32, #tpu.memory_space<vmem>>) target_semaphore(%arg11 : memref<!tpu.dma_semaphore, #tpu.memory_space<semaphore_mem>>)
      %dma_start3A_264 = arith.constant 16 : i32
      %dma_start3A_265 = arith.constant 0 : i32
      %dma_start3A_266 = tpu.memref_slice %arg7[%dma_start3A_264, %dma_start3A_265] : memref<64x128xf32, #tpu.memory_space<vmem>> -> memref<8x128xf32, #tpu.memory_space<vmem>>
      %dma_start3A_267 = arith.constant 16 : i32
      %dma_start3A_268 = tpu.memref_slice %arg2[%dma_start3A_267, %add3A_213] : memref<64x1000000xf32, #tpu.memory_space<hbm>> -> memref<8x128xf32, #tpu.memory_space<hbm>>
      %dma_start3A_269 = arith.constant 16 : i32
      %dma_start3A_270 = arith.constant 0 : i32
      %dma_start3A_271 = tpu.memref_slice %arg7[%dma_start3A_269, %dma_start3A_270] : memref<64x128xf32, #tpu.memory_space<vmem>> -> memref<8x128xf32, #tpu.memory_space<vmem>>
      %dma_start3A_272 = arith.constant 16 : i32
      %dma_start3A_273 = tpu.memref_slice %arg2[%dma_start3A_272, %add3A_213] : memref<64x1000000xf32, #tpu.memory_space<hbm>> -> memref<8x128xf32, #tpu.memory_space<hbm>>
      tpu.enqueue_dma source(%dma_start3A_273 : memref<8x128xf32, #tpu.memory_space<hbm>>) target(%dma_start3A_271 : memref<8x128xf32, #tpu.memory_space<vmem>>) target_semaphore(%arg11 : memref<!tpu.dma_semaphore, #tpu.memory_space<semaphore_mem>>)
      %dma_start3A_274 = arith.constant 24 : i32
      %dma_start3A_275 = arith.constant 0 : i32
      %dma_start3A_276 = tpu.memref_slice %arg6[%dma_start3A_274, %dma_start3A_275] : memref<64x128xf32, #tpu.memory_space<vmem>> -> memref<8x128xf32, #tpu.memory_space<vmem>>
      %dma_start3A_277 = arith.constant 24 : i32
      %dma_start3A_278 = tpu.memref_slice %arg2[%dma_start3A_277, %multiple_of3A_211] : memref<64x1000000xf32, #tpu.memory_space<hbm>> -> memref<8x128xf32, #tpu.memory_space<hbm>>
      %dma_start3A_279 = arith.constant 24 : i32
      %dma_start3A_280 = arith.constant 0 : i32
      %dma_start3A_281 = tpu.memref_slice %arg6[%dma_start3A_279, %dma_start3A_280] : memref<64x128xf32, #tpu.memory_space<vmem>> -> memref<8x128xf32, #tpu.memory_space<vmem>>
      %dma_start3A_282 = arith.constant 24 : i32
      %dma_start3A_283 = tpu.memref_slice %arg2[%dma_start3A_282, %multiple_of3A_211] : memref<64x1000000xf32, #tpu.memory_space<hbm>> -> memref<8x128xf32, #tpu.memory_space<hbm>>
      tpu.enqueue_dma source(%dma_start3A_283 : memref<8x128xf32, #tpu.memory_space<hbm>>) target(%dma_start3A_281 : memref<8x128xf32, #tpu.memory_space<vmem>>) target_semaphore(%arg11 : memref<!tpu.dma_semaphore, #tpu.memory_space<semaphore_mem>>)
      %dma_start3A_284 = arith.constant 24 : i32
      %dma_start3A_285 = arith.constant 0 : i32
      %dma_start3A_286 = tpu.memref_slice %arg7[%dma_start3A_284, %dma_start3A_285] : memref<64x128xf32, #tpu.memory_space<vmem>> -> memref<8x128xf32, #tpu.memory_space<vmem>>
      %dma_start3A_287 = arith.constant 24 : i32
      %dma_start3A_288 = tpu.memref_slice %arg2[%dma_start3A_287, %add3A_213] : memref<64x1000000xf32, #tpu.memory_space<hbm>> -> memref<8x128xf32, #tpu.memory_space<hbm>>
      %dma_start3A_289 = arith.constant 24 : i32
      %dma_start3A_290 = arith.constant 0 : i32
      %dma_start3A_291 = tpu.memref_slice %arg7[%dma_start3A_289, %dma_start3A_290] : memref<64x128xf32, #tpu.memory_space<vmem>> -> memref<8x128xf32, #tpu.memory_space<vmem>>
      %dma_start3A_292 = arith.constant 24 : i32
      %dma_start3A_293 = tpu.memref_slice %arg2[%dma_start3A_292, %add3A_213] : memref<64x1000000xf32, #tpu.memory_space<hbm>> -> memref<8x128xf32, #tpu.memory_space<hbm>>
      tpu.enqueue_dma source(%dma_start3A_293 : memref<8x128xf32, #tpu.memory_space<hbm>>) target(%dma_start3A_291 : memref<8x128xf32, #tpu.memory_space<vmem>>) target_semaphore(%arg11 : memref<!tpu.dma_semaphore, #tpu.memory_space<semaphore_mem>>)
      %dma_start3A_294 = arith.constant 32 : i32
      %dma_start3A_295 = arith.constant 0 : i32
      %dma_start3A_296 = tpu.memref_slice %arg6[%dma_start3A_294, %dma_start3A_295] : memref<64x128xf32, #tpu.memory_space<vmem>> -> memref<8x128xf32, #tpu.memory_space<vmem>>
      %dma_start3A_297 = arith.constant 32 : i32
      %dma_start3A_298 = tpu.memref_slice %arg2[%dma_start3A_297, %multiple_of3A_211] : memref<64x1000000xf32, #tpu.memory_space<hbm>> -> memref<8x128xf32, #tpu.memory_space<hbm>>
      %dma_start3A_299 = arith.constant 32 : i32
      %dma_start3A_300 = arith.constant 0 : i32
      %dma_start3A_301 = tpu.memref_slice %arg6[%dma_start3A_299, %dma_start3A_300] : memref<64x128xf32, #tpu.memory_space<vmem>> -> memref<8x128xf32, #tpu.memory_space<vmem>>
      %dma_start3A_302 = arith.constant 32 : i32
      %dma_start3A_303 = tpu.memref_slice %arg2[%dma_start3A_302, %multiple_of3A_211] : memref<64x1000000xf32, #tpu.memory_space<hbm>> -> memref<8x128xf32, #tpu.memory_space<hbm>>
      tpu.enqueue_dma source(%dma_start3A_303 : memref<8x128xf32, #tpu.memory_space<hbm>>) target(%dma_start3A_301 : memref<8x128xf32, #tpu.memory_space<vmem>>) target_semaphore(%arg11 : memref<!tpu.dma_semaphore, #tpu.memory_space<semaphore_mem>>)
      %dma_start3A_304 = arith.constant 32 : i32
      %dma_start3A_305 = arith.constant 0 : i32
      %dma_start3A_306 = tpu.memref_slice %arg7[%dma_start3A_304, %dma_start3A_305] : memref<64x128xf32, #tpu.memory_space<vmem>> -> memref<8x128xf32, #tpu.memory_space<vmem>>
      %dma_start3A_307 = arith.constant 32 : i32
      %dma_start3A_308 = tpu.memref_slice %arg2[%dma_start3A_307, %add3A_213] : memref<64x1000000xf32, #tpu.memory_space<hbm>> -> memref<8x128xf32, #tpu.memory_space<hbm>>
      %dma_start3A_309 = arith.constant 32 : i32
      %dma_start3A_310 = arith.constant 0 : i32
      %dma_start3A_311 = tpu.memref_slice %arg7[%dma_start3A_309, %dma_start3A_310] : memref<64x128xf32, #tpu.memory_space<vmem>> -> memref<8x128xf32, #tpu.memory_space<vmem>>
      %dma_start3A_312 = arith.constant 32 : i32
      %dma_start3A_313 = tpu.memref_slice %arg2[%dma_start3A_312, %add3A_213] : memref<64x1000000xf32, #tpu.memory_space<hbm>> -> memref<8x128xf32, #tpu.memory_space<hbm>>
      tpu.enqueue_dma source(%dma_start3A_313 : memref<8x128xf32, #tpu.memory_space<hbm>>) target(%dma_start3A_311 : memref<8x128xf32, #tpu.memory_space<vmem>>) target_semaphore(%arg11 : memref<!tpu.dma_semaphore, #tpu.memory_space<semaphore_mem>>)
      %dma_start3A_314 = arith.constant 40 : i32
      %dma_start3A_315 = arith.constant 0 : i32
      %dma_start3A_316 = tpu.memref_slice %arg6[%dma_start3A_314, %dma_start3A_315] : memref<64x128xf32, #tpu.memory_space<vmem>> -> memref<8x128xf32, #tpu.memory_space<vmem>>
      %dma_start3A_317 = arith.constant 40 : i32
      %dma_start3A_318 = tpu.memref_slice %arg2[%dma_start3A_317, %multiple_of3A_211] : memref<64x1000000xf32, #tpu.memory_space<hbm>> -> memref<8x128xf32, #tpu.memory_space<hbm>>
      %dma_start3A_319 = arith.constant 40 : i32
      %dma_start3A_320 = arith.constant 0 : i32
      %dma_start3A_321 = tpu.memref_slice %arg6[%dma_start3A_319, %dma_start3A_320] : memref<64x128xf32, #tpu.memory_space<vmem>> -> memref<8x128xf32, #tpu.memory_space<vmem>>
      %dma_start3A_322 = arith.constant 40 : i32
      %dma_start3A_323 = tpu.memref_slice %arg2[%dma_start3A_322, %multiple_of3A_211] : memref<64x1000000xf32, #tpu.memory_space<hbm>> -> memref<8x128xf32, #tpu.memory_space<hbm>>
      tpu.enqueue_dma source(%dma_start3A_323 : memref<8x128xf32, #tpu.memory_space<hbm>>) target(%dma_start3A_321 : memref<8x128xf32, #tpu.memory_space<vmem>>) target_semaphore(%arg11 : memref<!tpu.dma_semaphore, #tpu.memory_space<semaphore_mem>>)
      %dma_start3A_324 = arith.constant 40 : i32
      %dma_start3A_325 = arith.constant 0 : i32
      %dma_start3A_326 = tpu.memref_slice %arg7[%dma_start3A_324, %dma_start3A_325] : memref<64x128xf32, #tpu.memory_space<vmem>> -> memref<8x128xf32, #tpu.memory_space<vmem>>
      %dma_start3A_327 = arith.constant 40 : i32
      %dma_start3A_328 = tpu.memref_slice %arg2[%dma_start3A_327, %add3A_213] : memref<64x1000000xf32, #tpu.memory_space<hbm>> -> memref<8x128xf32, #tpu.memory_space<hbm>>
      %dma_start3A_329 = arith.constant 40 : i32
      %dma_start3A_330 = arith.constant 0 : i32
      %dma_start3A_331 = tpu.memref_slice %arg7[%dma_start3A_329, %dma_start3A_330] : memref<64x128xf32, #tpu.memory_space<vmem>> -> memref<8x128xf32, #tpu.memory_space<vmem>>
      %dma_start3A_332 = arith.constant 40 : i32
      %dma_start3A_333 = tpu.memref_slice %arg2[%dma_start3A_332, %add3A_213] : memref<64x1000000xf32, #tpu.memory_space<hbm>> -> memref<8x128xf32, #tpu.memory_space<hbm>>
      tpu.enqueue_dma source(%dma_start3A_333 : memref<8x128xf32, #tpu.memory_space<hbm>>) target(%dma_start3A_331 : memref<8x128xf32, #tpu.memory_space<vmem>>) target_semaphore(%arg11 : memref<!tpu.dma_semaphore, #tpu.memory_space<semaphore_mem>>)
      %dma_start3A_334 = arith.constant 48 : i32
      %dma_start3A_335 = arith.constant 0 : i32
      %dma_start3A_336 = tpu.memref_slice %arg6[%dma_start3A_334, %dma_start3A_335] : memref<64x128xf32, #tpu.memory_space<vmem>> -> memref<8x128xf32, #tpu.memory_space<vmem>>
      %dma_start3A_337 = arith.constant 48 : i32
      %dma_start3A_338 = tpu.memref_slice %arg2[%dma_start3A_337, %multiple_of3A_211] : memref<64x1000000xf32, #tpu.memory_space<hbm>> -> memref<8x128xf32, #tpu.memory_space<hbm>>
      %dma_start3A_339 = arith.constant 48 : i32
      %dma_start3A_340 = arith.constant 0 : i32
      %dma_start3A_341 = tpu.memref_slice %arg6[%dma_start3A_339, %dma_start3A_340] : memref<64x128xf32, #tpu.memory_space<vmem>> -> memref<8x128xf32, #tpu.memory_space<vmem>>
      %dma_start3A_342 = arith.constant 48 : i32
      %dma_start3A_343 = tpu.memref_slice %arg2[%dma_start3A_342, %multiple_of3A_211] : memref<64x1000000xf32, #tpu.memory_space<hbm>> -> memref<8x128xf32, #tpu.memory_space<hbm>>
      tpu.enqueue_dma source(%dma_start3A_343 : memref<8x128xf32, #tpu.memory_space<hbm>>) target(%dma_start3A_341 : memref<8x128xf32, #tpu.memory_space<vmem>>) target_semaphore(%arg11 : memref<!tpu.dma_semaphore, #tpu.memory_space<semaphore_mem>>)
      %dma_start3A_344 = arith.constant 48 : i32
      %dma_start3A_345 = arith.constant 0 : i32
      %dma_start3A_346 = tpu.memref_slice %arg7[%dma_start3A_344, %dma_start3A_345] : memref<64x128xf32, #tpu.memory_space<vmem>> -> memref<8x128xf32, #tpu.memory_space<vmem>>
      %dma_start3A_347 = arith.constant 48 : i32
      %dma_start3A_348 = tpu.memref_slice %arg2[%dma_start3A_347, %add3A_213] : memref<64x1000000xf32, #tpu.memory_space<hbm>> -> memref<8x128xf32, #tpu.memory_space<hbm>>
      %dma_start3A_349 = arith.constant 48 : i32
      %dma_start3A_350 = arith.constant 0 : i32
      %dma_start3A_351 = tpu.memref_slice %arg7[%dma_start3A_349, %dma_start3A_350] : memref<64x128xf32, #tpu.memory_space<vmem>> -> memref<8x128xf32, #tpu.memory_space<vmem>>
      %dma_start3A_352 = arith.constant 48 : i32
      %dma_start3A_353 = tpu.memref_slice %arg2[%dma_start3A_352, %add3A_213] : memref<64x1000000xf32, #tpu.memory_space<hbm>> -> memref<8x128xf32, #tpu.memory_space<hbm>>
      tpu.enqueue_dma source(%dma_start3A_353 : memref<8x128xf32, #tpu.memory_space<hbm>>) target(%dma_start3A_351 : memref<8x128xf32, #tpu.memory_space<vmem>>) target_semaphore(%arg11 : memref<!tpu.dma_semaphore, #tpu.memory_space<semaphore_mem>>)
      %dma_start3A_354 = arith.constant 56 : i32
      %dma_start3A_355 = arith.constant 0 : i32
      %dma_start3A_356 = tpu.memref_slice %arg6[%dma_start3A_354, %dma_start3A_355] : memref<64x128xf32, #tpu.memory_space<vmem>> -> memref<8x128xf32, #tpu.memory_space<vmem>>
      %dma_start3A_357 = arith.constant 56 : i32
      %dma_start3A_358 = tpu.memref_slice %arg2[%dma_start3A_357, %multiple_of3A_211] : memref<64x1000000xf32, #tpu.memory_space<hbm>> -> memref<8x128xf32, #tpu.memory_space<hbm>>
      %dma_start3A_359 = arith.constant 56 : i32
      %dma_start3A_360 = arith.constant 0 : i32
      %dma_start3A_361 = tpu.memref_slice %arg6[%dma_start3A_359, %dma_start3A_360] : memref<64x128xf32, #tpu.memory_space<vmem>> -> memref<8x128xf32, #tpu.memory_space<vmem>>
      %dma_start3A_362 = arith.constant 56 : i32
      %dma_start3A_363 = tpu.memref_slice %arg2[%dma_start3A_362, %multiple_of3A_211] : memref<64x1000000xf32, #tpu.memory_space<hbm>> -> memref<8x128xf32, #tpu.memory_space<hbm>>
      tpu.enqueue_dma source(%dma_start3A_363 : memref<8x128xf32, #tpu.memory_space<hbm>>) target(%dma_start3A_361 : memref<8x128xf32, #tpu.memory_space<vmem>>) target_semaphore(%arg11 : memref<!tpu.dma_semaphore, #tpu.memory_space<semaphore_mem>>)
      %dma_start3A_364 = arith.constant 56 : i32
      %dma_start3A_365 = arith.constant 0 : i32
      %dma_start3A_366 = tpu.memref_slice %arg7[%dma_start3A_364, %dma_start3A_365] : memref<64x128xf32, #tpu.memory_space<vmem>> -> memref<8x128xf32, #tpu.memory_space<vmem>>
      %dma_start3A_367 = arith.constant 56 : i32
      %dma_start3A_368 = tpu.memref_slice %arg2[%dma_start3A_367, %add3A_213] : memref<64x1000000xf32, #tpu.memory_space<hbm>> -> memref<8x128xf32, #tpu.memory_space<hbm>>
      %dma_start3A_369 = arith.constant 56 : i32
      %dma_start3A_370 = arith.constant 0 : i32
      %dma_start3A_371 = tpu.memref_slice %arg7[%dma_start3A_369, %dma_start3A_370] : memref<64x128xf32, #tpu.memory_space<vmem>> -> memref<8x128xf32, #tpu.memory_space<vmem>>
      %dma_start3A_372 = arith.constant 56 : i32
      %dma_start3A_373 = tpu.memref_slice %arg2[%dma_start3A_372, %add3A_213] : memref<64x1000000xf32, #tpu.memory_space<hbm>> -> memref<8x128xf32, #tpu.memory_space<hbm>>
      tpu.enqueue_dma source(%dma_start3A_373 : memref<8x128xf32, #tpu.memory_space<hbm>>) target(%dma_start3A_371 : memref<8x128xf32, #tpu.memory_space<vmem>>) target_semaphore(%arg11 : memref<!tpu.dma_semaphore, #tpu.memory_space<semaphore_mem>>)
      %dma_wait3A_374 = arith.constant 0 : i32
      %dma_wait3A_375 = arith.constant 0 : i32
      %dma_wait3A_376 = tpu.memref_slice %arg4[%dma_wait3A_374, %dma_wait3A_375] : memref<64x128xf32, #tpu.memory_space<vmem>> -> memref<8x128xf32, #tpu.memory_space<vmem>>
      %dma_wait3A_377 = arith.constant 0 : i32
      %dma_wait3A_378 = arith.constant 0 : i32
      %dma_wait3A_379 = tpu.memref_slice %arg2[%dma_wait3A_377, %dma_wait3A_378] : memref<64x1000000xf32, #tpu.memory_space<hbm>> -> memref<8x128xf32, #tpu.memory_space<hbm>>
      %dma_wait3A_380 = arith.constant 0 : i32
      %dma_wait3A_381 = arith.constant 0 : i32
      %dma_wait3A_382 = tpu.memref_slice %arg4[%dma_wait3A_380, %dma_wait3A_381] : memref<64x128xf32, #tpu.memory_space<vmem>> -> memref<8x128xf32, #tpu.memory_space<vmem>>
      %dma_wait3A_383 = arith.constant 0 : i32
      %dma_wait3A_384 = arith.constant 0 : i32
      %dma_wait3A_385 = tpu.memref_slice %arg2[%dma_wait3A_383, %dma_wait3A_384] : memref<64x1000000xf32, #tpu.memory_space<hbm>> -> memref<8x128xf32, #tpu.memory_space<hbm>>
      tpu.wait_dma2 semaphore(%arg10 : memref<!tpu.dma_semaphore, #tpu.memory_space<semaphore_mem>>) src(%dma_wait3A_385 : memref<8x128xf32, #tpu.memory_space<hbm>>) dst(%dma_wait3A_382 : memref<8x128xf32, #tpu.memory_space<vmem>>)
      %dma_wait3A_386 = arith.constant 0 : i32
      %dma_wait3A_387 = arith.constant 0 : i32
      %dma_wait3A_388 = tpu.memref_slice %arg4[%dma_wait3A_386, %dma_wait3A_387] : memref<64x128xf32, #tpu.memory_space<vmem>> -> memref<8x128xf32, #tpu.memory_space<vmem>>
      %dma_wait3A_389 = arith.constant 0 : i32
      %dma_wait3A_390 = arith.constant 0 : i32
      %dma_wait3A_391 = tpu.memref_slice %arg2[%dma_wait3A_389, %dma_wait3A_390] : memref<64x1000000xf32, #tpu.memory_space<hbm>> -> memref<8x128xf32, #tpu.memory_space<hbm>>
      %dma_wait3A_392 = arith.constant 0 : i32
      %dma_wait3A_393 = arith.constant 0 : i32
      %dma_wait3A_394 = tpu.memref_slice %arg4[%dma_wait3A_392, %dma_wait3A_393] : memref<64x128xf32, #tpu.memory_space<vmem>> -> memref<8x128xf32, #tpu.memory_space<vmem>>
      %dma_wait3A_395 = arith.constant 0 : i32
      %dma_wait3A_396 = arith.constant 0 : i32
      %dma_wait3A_397 = tpu.memref_slice %arg2[%dma_wait3A_395, %dma_wait3A_396] : memref<64x1000000xf32, #tpu.memory_space<hbm>> -> memref<8x128xf32, #tpu.memory_space<hbm>>
      tpu.wait_dma2 semaphore(%arg10 : memref<!tpu.dma_semaphore, #tpu.memory_space<semaphore_mem>>) src(%dma_wait3A_397 : memref<8x128xf32, #tpu.memory_space<hbm>>) dst(%dma_wait3A_394 : memref<8x128xf32, #tpu.memory_space<vmem>>)
      %dma_wait3A_398 = arith.constant 0 : i32
      %dma_wait3A_399 = arith.constant 0 : i32
      %dma_wait3A_400 = tpu.memref_slice %arg4[%dma_wait3A_398, %dma_wait3A_399] : memref<64x128xf32, #tpu.memory_space<vmem>> -> memref<8x128xf32, #tpu.memory_space<vmem>>
      %dma_wait3A_401 = arith.constant 0 : i32
      %dma_wait3A_402 = arith.constant 0 : i32
      %dma_wait3A_403 = tpu.memref_slice %arg2[%dma_wait3A_401, %dma_wait3A_402] : memref<64x1000000xf32, #tpu.memory_space<hbm>> -> memref<8x128xf32, #tpu.memory_space<hbm>>
      %dma_wait3A_404 = arith.constant 0 : i32
      %dma_wait3A_405 = arith.constant 0 : i32
      %dma_wait3A_406 = tpu.memref_slice %arg4[%dma_wait3A_404, %dma_wait3A_405] : memref<64x128xf32, #tpu.memory_space<vmem>> -> memref<8x128xf32, #tpu.memory_space<vmem>>
      %dma_wait3A_407 = arith.constant 0 : i32
      %dma_wait3A_408 = arith.constant 0 : i32
      %dma_wait3A_409 = tpu.memref_slice %arg2[%dma_wait3A_407, %dma_wait3A_408] : memref<64x1000000xf32, #tpu.memory_space<hbm>> -> memref<8x128xf32, #tpu.memory_space<hbm>>
      tpu.wait_dma2 semaphore(%arg10 : memref<!tpu.dma_semaphore, #tpu.memory_space<semaphore_mem>>) src(%dma_wait3A_409 : memref<8x128xf32, #tpu.memory_space<hbm>>) dst(%dma_wait3A_406 : memref<8x128xf32, #tpu.memory_space<vmem>>)
      %dma_wait3A_410 = arith.constant 0 : i32
      %dma_wait3A_411 = arith.constant 0 : i32
      %dma_wait3A_412 = tpu.memref_slice %arg4[%dma_wait3A_410, %dma_wait3A_411] : memref<64x128xf32, #tpu.memory_space<vmem>> -> memref<8x128xf32, #tpu.memory_space<vmem>>
      %dma_wait3A_413 = arith.constant 0 : i32
      %dma_wait3A_414 = arith.constant 0 : i32
      %dma_wait3A_415 = tpu.memref_slice %arg2[%dma_wait3A_413, %dma_wait3A_414] : memref<64x1000000xf32, #tpu.memory_space<hbm>> -> memref<8x128xf32, #tpu.memory_space<hbm>>
      %dma_wait3A_416 = arith.constant 0 : i32
      %dma_wait3A_417 = arith.constant 0 : i32
      %dma_wait3A_418 = tpu.memref_slice %arg4[%dma_wait3A_416, %dma_wait3A_417] : memref<64x128xf32, #tpu.memory_space<vmem>> -> memref<8x128xf32, #tpu.memory_space<vmem>>
      %dma_wait3A_419 = arith.constant 0 : i32
      %dma_wait3A_420 = arith.constant 0 : i32
      %dma_wait3A_421 = tpu.memref_slice %arg2[%dma_wait3A_419, %dma_wait3A_420] : memref<64x1000000xf32, #tpu.memory_space<hbm>> -> memref<8x128xf32, #tpu.memory_space<hbm>>
      tpu.wait_dma2 semaphore(%arg10 : memref<!tpu.dma_semaphore, #tpu.memory_space<semaphore_mem>>) src(%dma_wait3A_421 : memref<8x128xf32, #tpu.memory_space<hbm>>) dst(%dma_wait3A_418 : memref<8x128xf32, #tpu.memory_space<vmem>>)
      %dma_wait3A_422 = arith.constant 0 : i32
      %dma_wait3A_423 = arith.constant 0 : i32
      %dma_wait3A_424 = tpu.memref_slice %arg4[%dma_wait3A_422, %dma_wait3A_423] : memref<64x128xf32, #tpu.memory_space<vmem>> -> memref<8x128xf32, #tpu.memory_space<vmem>>
      %dma_wait3A_425 = arith.constant 0 : i32
      %dma_wait3A_426 = arith.constant 0 : i32
      %dma_wait3A_427 = tpu.memref_slice %arg2[%dma_wait3A_425, %dma_wait3A_426] : memref<64x1000000xf32, #tpu.memory_space<hbm>> -> memref<8x128xf32, #tpu.memory_space<hbm>>
      %dma_wait3A_428 = arith.constant 0 : i32
      %dma_wait3A_429 = arith.constant 0 : i32
      %dma_wait3A_430 = tpu.memref_slice %arg4[%dma_wait3A_428, %dma_wait3A_429] : memref<64x128xf32, #tpu.memory_space<vmem>> -> memref<8x128xf32, #tpu.memory_space<vmem>>
      %dma_wait3A_431 = arith.constant 0 : i32
      %dma_wait3A_432 = arith.constant 0 : i32
      %dma_wait3A_433 = tpu.memref_slice %arg2[%dma_wait3A_431, %dma_wait3A_432] : memref<64x1000000xf32, #tpu.memory_space<hbm>> -> memref<8x128xf32, #tpu.memory_space<hbm>>
      tpu.wait_dma2 semaphore(%arg10 : memref<!tpu.dma_semaphore, #tpu.memory_space<semaphore_mem>>) src(%dma_wait3A_433 : memref<8x128xf32, #tpu.memory_space<hbm>>) dst(%dma_wait3A_430 : memref<8x128xf32, #tpu.memory_space<vmem>>)
      %dma_wait3A_434 = arith.constant 0 : i32
      %dma_wait3A_435 = arith.constant 0 : i32
      %dma_wait3A_436 = tpu.memref_slice %arg4[%dma_wait3A_434, %dma_wait3A_435] : memref<64x128xf32, #tpu.memory_space<vmem>> -> memref<8x128xf32, #tpu.memory_space<vmem>>
      %dma_wait3A_437 = arith.constant 0 : i32
      %dma_wait3A_438 = arith.constant 0 : i32
      %dma_wait3A_439 = tpu.memref_slice %arg2[%dma_wait3A_437, %dma_wait3A_438] : memref<64x1000000xf32, #tpu.memory_space<hbm>> -> memref<8x128xf32, #tpu.memory_space<hbm>>
      %dma_wait3A_440 = arith.constant 0 : i32
      %dma_wait3A_441 = arith.constant 0 : i32
      %dma_wait3A_442 = tpu.memref_slice %arg4[%dma_wait3A_440, %dma_wait3A_441] : memref<64x128xf32, #tpu.memory_space<vmem>> -> memref<8x128xf32, #tpu.memory_space<vmem>>
      %dma_wait3A_443 = arith.constant 0 : i32
      %dma_wait3A_444 = arith.constant 0 : i32
      %dma_wait3A_445 = tpu.memref_slice %arg2[%dma_wait3A_443, %dma_wait3A_444] : memref<64x1000000xf32, #tpu.memory_space<hbm>> -> memref<8x128xf32, #tpu.memory_space<hbm>>
      tpu.wait_dma2 semaphore(%arg10 : memref<!tpu.dma_semaphore, #tpu.memory_space<semaphore_mem>>) src(%dma_wait3A_445 : memref<8x128xf32, #tpu.memory_space<hbm>>) dst(%dma_wait3A_442 : memref<8x128xf32, #tpu.memory_space<vmem>>)
      %dma_wait3A_446 = arith.constant 0 : i32
      %dma_wait3A_447 = arith.constant 0 : i32
      %dma_wait3A_448 = tpu.memref_slice %arg4[%dma_wait3A_446, %dma_wait3A_447] : memref<64x128xf32, #tpu.memory_space<vmem>> -> memref<8x128xf32, #tpu.memory_space<vmem>>
      %dma_wait3A_449 = arith.constant 0 : i32
      %dma_wait3A_450 = arith.constant 0 : i32
      %dma_wait3A_451 = tpu.memref_slice %arg2[%dma_wait3A_449, %dma_wait3A_450] : memref<64x1000000xf32, #tpu.memory_space<hbm>> -> memref<8x128xf32, #tpu.memory_space<hbm>>
      %dma_wait3A_452 = arith.constant 0 : i32
      %dma_wait3A_453 = arith.constant 0 : i32
      %dma_wait3A_454 = tpu.memref_slice %arg4[%dma_wait3A_452, %dma_wait3A_453] : memref<64x128xf32, #tpu.memory_space<vmem>> -> memref<8x128xf32, #tpu.memory_space<vmem>>
      %dma_wait3A_455 = arith.constant 0 : i32
      %dma_wait3A_456 = arith.constant 0 : i32
      %dma_wait3A_457 = tpu.memref_slice %arg2[%dma_wait3A_455, %dma_wait3A_456] : memref<64x1000000xf32, #tpu.memory_space<hbm>> -> memref<8x128xf32, #tpu.memory_space<hbm>>
      tpu.wait_dma2 semaphore(%arg10 : memref<!tpu.dma_semaphore, #tpu.memory_space<semaphore_mem>>) src(%dma_wait3A_457 : memref<8x128xf32, #tpu.memory_space<hbm>>) dst(%dma_wait3A_454 : memref<8x128xf32, #tpu.memory_space<vmem>>)
      %dma_wait3A_458 = arith.constant 0 : i32
      %dma_wait3A_459 = arith.constant 0 : i32
      %dma_wait3A_460 = tpu.memref_slice %arg4[%dma_wait3A_458, %dma_wait3A_459] : memref<64x128xf32, #tpu.memory_space<vmem>> -> memref<8x128xf32, #tpu.memory_space<vmem>>
      %dma_wait3A_461 = arith.constant 0 : i32
      %dma_wait3A_462 = arith.constant 0 : i32
      %dma_wait3A_463 = tpu.memref_slice %arg2[%dma_wait3A_461, %dma_wait3A_462] : memref<64x1000000xf32, #tpu.memory_space<hbm>> -> memref<8x128xf32, #tpu.memory_space<hbm>>
      %dma_wait3A_464 = arith.constant 0 : i32
      %dma_wait3A_465 = arith.constant 0 : i32
      %dma_wait3A_466 = tpu.memref_slice %arg4[%dma_wait3A_464, %dma_wait3A_465] : memref<64x128xf32, #tpu.memory_space<vmem>> -> memref<8x128xf32, #tpu.memory_space<vmem>>
      %dma_wait3A_467 = arith.constant 0 : i32
      %dma_wait3A_468 = arith.constant 0 : i32
      %dma_wait3A_469 = tpu.memref_slice %arg2[%dma_wait3A_467, %dma_wait3A_468] : memref<64x1000000xf32, #tpu.memory_space<hbm>> -> memref<8x128xf32, #tpu.memory_space<hbm>>
      tpu.wait_dma2 semaphore(%arg10 : memref<!tpu.dma_semaphore, #tpu.memory_space<semaphore_mem>>) src(%dma_wait3A_469 : memref<8x128xf32, #tpu.memory_space<hbm>>) dst(%dma_wait3A_466 : memref<8x128xf32, #tpu.memory_space<vmem>>)
      %dma_wait3A_470 = arith.constant 0 : i32
      %dma_wait3A_471 = arith.constant 0 : i32
      %dma_wait3A_472 = tpu.memref_slice %arg4[%dma_wait3A_470, %dma_wait3A_471] : memref<64x128xf32, #tpu.memory_space<vmem>> -> memref<8x128xf32, #tpu.memory_space<vmem>>
      %dma_wait3A_473 = arith.constant 0 : i32
      %dma_wait3A_474 = arith.constant 0 : i32
      %dma_wait3A_475 = tpu.memref_slice %arg2[%dma_wait3A_473, %dma_wait3A_474] : memref<64x1000000xf32, #tpu.memory_space<hbm>> -> memref<8x128xf32, #tpu.memory_space<hbm>>
      %dma_wait3A_476 = arith.constant 0 : i32
      %dma_wait3A_477 = arith.constant 0 : i32
      %dma_wait3A_478 = tpu.memref_slice %arg4[%dma_wait3A_476, %dma_wait3A_477] : memref<64x128xf32, #tpu.memory_space<vmem>> -> memref<8x128xf32, #tpu.memory_space<vmem>>
      %dma_wait3A_479 = arith.constant 0 : i32
      %dma_wait3A_480 = arith.constant 0 : i32
      %dma_wait3A_481 = tpu.memref_slice %arg2[%dma_wait3A_479, %dma_wait3A_480] : memref<64x1000000xf32, #tpu.memory_space<hbm>> -> memref<8x128xf32, #tpu.memory_space<hbm>>
      tpu.wait_dma2 semaphore(%arg10 : memref<!tpu.dma_semaphore, #tpu.memory_space<semaphore_mem>>) src(%dma_wait3A_481 : memref<8x128xf32, #tpu.memory_space<hbm>>) dst(%dma_wait3A_478 : memref<8x128xf32, #tpu.memory_space<vmem>>)
      %dma_wait3A_482 = arith.constant 0 : i32
      %dma_wait3A_483 = arith.constant 0 : i32
      %dma_wait3A_484 = tpu.memref_slice %arg4[%dma_wait3A_482, %dma_wait3A_483] : memref<64x128xf32, #tpu.memory_space<vmem>> -> memref<8x128xf32, #tpu.memory_space<vmem>>
      %dma_wait3A_485 = arith.constant 0 : i32
      %dma_wait3A_486 = arith.constant 0 : i32
      %dma_wait3A_487 = tpu.memref_slice %arg2[%dma_wait3A_485, %dma_wait3A_486] : memref<64x1000000xf32, #tpu.memory_space<hbm>> -> memref<8x128xf32, #tpu.memory_space<hbm>>
      %dma_wait3A_488 = arith.constant 0 : i32
      %dma_wait3A_489 = arith.constant 0 : i32
      %dma_wait3A_490 = tpu.memref_slice %arg4[%dma_wait3A_488, %dma_wait3A_489] : memref<64x128xf32, #tpu.memory_space<vmem>> -> memref<8x128xf32, #tpu.memory_space<vmem>>
      %dma_wait3A_491 = arith.constant 0 : i32
      %dma_wait3A_492 = arith.constant 0 : i32
      %dma_wait3A_493 = tpu.memref_slice %arg2[%dma_wait3A_491, %dma_wait3A_492] : memref<64x1000000xf32, #tpu.memory_space<hbm>> -> memref<8x128xf32, #tpu.memory_space<hbm>>
      tpu.wait_dma2 semaphore(%arg10 : memref<!tpu.dma_semaphore, #tpu.memory_space<semaphore_mem>>) src(%dma_wait3A_493 : memref<8x128xf32, #tpu.memory_space<hbm>>) dst(%dma_wait3A_490 : memref<8x128xf32, #tpu.memory_space<vmem>>)
      %dma_wait3A_494 = arith.constant 0 : i32
      %dma_wait3A_495 = arith.constant 0 : i32
      %dma_wait3A_496 = tpu.memref_slice %arg4[%dma_wait3A_494, %dma_wait3A_495] : memref<64x128xf32, #tpu.memory_space<vmem>> -> memref<8x128xf32, #tpu.memory_space<vmem>>
      %dma_wait3A_497 = arith.constant 0 : i32
      %dma_wait3A_498 = arith.constant 0 : i32
      %dma_wait3A_499 = tpu.memref_slice %arg2[%dma_wait3A_497, %dma_wait3A_498] : memref<64x1000000xf32, #tpu.memory_space<hbm>> -> memref<8x128xf32, #tpu.memory_space<hbm>>
      %dma_wait3A_500 = arith.constant 0 : i32
      %dma_wait3A_501 = arith.constant 0 : i32
      %dma_wait3A_502 = tpu.memref_slice %arg4[%dma_wait3A_500, %dma_wait3A_501] : memref<64x128xf32, #tpu.memory_space<vmem>> -> memref<8x128xf32, #tpu.memory_space<vmem>>
      %dma_wait3A_503 = arith.constant 0 : i32
      %dma_wait3A_504 = arith.constant 0 : i32
      %dma_wait3A_505 = tpu.memref_slice %arg2[%dma_wait3A_503, %dma_wait3A_504] : memref<64x1000000xf32, #tpu.memory_space<hbm>> -> memref<8x128xf32, #tpu.memory_space<hbm>>
      tpu.wait_dma2 semaphore(%arg10 : memref<!tpu.dma_semaphore, #tpu.memory_space<semaphore_mem>>) src(%dma_wait3A_505 : memref<8x128xf32, #tpu.memory_space<hbm>>) dst(%dma_wait3A_502 : memref<8x128xf32, #tpu.memory_space<vmem>>)
      %dma_wait3A_506 = arith.constant 0 : i32
      %dma_wait3A_507 = arith.constant 0 : i32
      %dma_wait3A_508 = tpu.memref_slice %arg4[%dma_wait3A_506, %dma_wait3A_507] : memref<64x128xf32, #tpu.memory_space<vmem>> -> memref<8x128xf32, #tpu.memory_space<vmem>>
      %dma_wait3A_509 = arith.constant 0 : i32
      %dma_wait3A_510 = arith.constant 0 : i32
      %dma_wait3A_511 = tpu.memref_slice %arg2[%dma_wait3A_509, %dma_wait3A_510] : memref<64x1000000xf32, #tpu.memory_space<hbm>> -> memref<8x128xf32, #tpu.memory_space<hbm>>
      %dma_wait3A_512 = arith.constant 0 : i32
      %dma_wait3A_513 = arith.constant 0 : i32
      %dma_wait3A_514 = tpu.memref_slice %arg4[%dma_wait3A_512, %dma_wait3A_513] : memref<64x128xf32, #tpu.memory_space<vmem>> -> memref<8x128xf32, #tpu.memory_space<vmem>>
      %dma_wait3A_515 = arith.constant 0 : i32
      %dma_wait3A_516 = arith.constant 0 : i32
      %dma_wait3A_517 = tpu.memref_slice %arg2[%dma_wait3A_515, %dma_wait3A_516] : memref<64x1000000xf32, #tpu.memory_space<hbm>> -> memref<8x128xf32, #tpu.memory_space<hbm>>
      tpu.wait_dma2 semaphore(%arg10 : memref<!tpu.dma_semaphore, #tpu.memory_space<semaphore_mem>>) src(%dma_wait3A_517 : memref<8x128xf32, #tpu.memory_space<hbm>>) dst(%dma_wait3A_514 : memref<8x128xf32, #tpu.memory_space<vmem>>)
      %dma_wait3A_518 = arith.constant 0 : i32
      %dma_wait3A_519 = arith.constant 0 : i32
      %dma_wait3A_520 = tpu.memref_slice %arg4[%dma_wait3A_518, %dma_wait3A_519] : memref<64x128xf32, #tpu.memory_space<vmem>> -> memref<8x128xf32, #tpu.memory_space<vmem>>
      %dma_wait3A_521 = arith.constant 0 : i32
      %dma_wait3A_522 = arith.constant 0 : i32
      %dma_wait3A_523 = tpu.memref_slice %arg2[%dma_wait3A_521, %dma_wait3A_522] : memref<64x1000000xf32, #tpu.memory_space<hbm>> -> memref<8x128xf32, #tpu.memory_space<hbm>>
      %dma_wait3A_524 = arith.constant 0 : i32
      %dma_wait3A_525 = arith.constant 0 : i32
      %dma_wait3A_526 = tpu.memref_slice %arg4[%dma_wait3A_524, %dma_wait3A_525] : memref<64x128xf32, #tpu.memory_space<vmem>> -> memref<8x128xf32, #tpu.memory_space<vmem>>
      %dma_wait3A_527 = arith.constant 0 : i32
      %dma_wait3A_528 = arith.constant 0 : i32
      %dma_wait3A_529 = tpu.memref_slice %arg2[%dma_wait3A_527, %dma_wait3A_528] : memref<64x1000000xf32, #tpu.memory_space<hbm>> -> memref<8x128xf32, #tpu.memory_space<hbm>>
      tpu.wait_dma2 semaphore(%arg10 : memref<!tpu.dma_semaphore, #tpu.memory_space<semaphore_mem>>) src(%dma_wait3A_529 : memref<8x128xf32, #tpu.memory_space<hbm>>) dst(%dma_wait3A_526 : memref<8x128xf32, #tpu.memory_space<vmem>>)
      %dma_wait3A_530 = arith.constant 0 : i32
      %dma_wait3A_531 = arith.constant 0 : i32
      %dma_wait3A_532 = tpu.memref_slice %arg4[%dma_wait3A_530, %dma_wait3A_531] : memref<64x128xf32, #tpu.memory_space<vmem>> -> memref<8x128xf32, #tpu.memory_space<vmem>>
      %dma_wait3A_533 = arith.constant 0 : i32
      %dma_wait3A_534 = arith.constant 0 : i32
      %dma_wait3A_535 = tpu.memref_slice %arg2[%dma_wait3A_533, %dma_wait3A_534] : memref<64x1000000xf32, #tpu.memory_space<hbm>> -> memref<8x128xf32, #tpu.memory_space<hbm>>
      %dma_wait3A_536 = arith.constant 0 : i32
      %dma_wait3A_537 = arith.constant 0 : i32
      %dma_wait3A_538 = tpu.memref_slice %arg4[%dma_wait3A_536, %dma_wait3A_537] : memref<64x128xf32, #tpu.memory_space<vmem>> -> memref<8x128xf32, #tpu.memory_space<vmem>>
      %dma_wait3A_539 = arith.constant 0 : i32
      %dma_wait3A_540 = arith.constant 0 : i32
      %dma_wait3A_541 = tpu.memref_slice %arg2[%dma_wait3A_539, %dma_wait3A_540] : memref<64x1000000xf32, #tpu.memory_space<hbm>> -> memref<8x128xf32, #tpu.memory_space<hbm>>
      tpu.wait_dma2 semaphore(%arg10 : memref<!tpu.dma_semaphore, #tpu.memory_space<semaphore_mem>>) src(%dma_wait3A_541 : memref<8x128xf32, #tpu.memory_space<hbm>>) dst(%dma_wait3A_538 : memref<8x128xf32, #tpu.memory_space<vmem>>)
      %dma_wait3A_542 = arith.constant 0 : i32
      %dma_wait3A_543 = arith.constant 0 : i32
      %dma_wait3A_544 = tpu.memref_slice %arg4[%dma_wait3A_542, %dma_wait3A_543] : memref<64x128xf32, #tpu.memory_space<vmem>> -> memref<8x128xf32, #tpu.memory_space<vmem>>
      %dma_wait3A_545 = arith.constant 0 : i32
      %dma_wait3A_546 = arith.constant 0 : i32
      %dma_wait3A_547 = tpu.memref_slice %arg2[%dma_wait3A_545, %dma_wait3A_546] : memref<64x1000000xf32, #tpu.memory_space<hbm>> -> memref<8x128xf32, #tpu.memory_space<hbm>>
      %dma_wait3A_548 = arith.constant 0 : i32
      %dma_wait3A_549 = arith.constant 0 : i32
      %dma_wait3A_550 = tpu.memref_slice %arg4[%dma_wait3A_548, %dma_wait3A_549] : memref<64x128xf32, #tpu.memory_space<vmem>> -> memref<8x128xf32, #tpu.memory_space<vmem>>
      %dma_wait3A_551 = arith.constant 0 : i32
      %dma_wait3A_552 = arith.constant 0 : i32
      %dma_wait3A_553 = tpu.memref_slice %arg2[%dma_wait3A_551, %dma_wait3A_552] : memref<64x1000000xf32, #tpu.memory_space<hbm>> -> memref<8x128xf32, #tpu.memory_space<hbm>>
      tpu.wait_dma2 semaphore(%arg10 : memref<!tpu.dma_semaphore, #tpu.memory_space<semaphore_mem>>) src(%dma_wait3A_553 : memref<8x128xf32, #tpu.memory_space<hbm>>) dst(%dma_wait3A_550 : memref<8x128xf32, #tpu.memory_space<vmem>>)
      %dma_wait3A_554 = arith.constant 0 : i32
      %dma_wait3A_555 = arith.constant 0 : i32
      %dma_wait3A_556 = tpu.memref_slice %arg4[%dma_wait3A_554, %dma_wait3A_555] : memref<64x128xf32, #tpu.memory_space<vmem>> -> memref<8x128xf32, #tpu.memory_space<vmem>>
      %dma_wait3A_557 = arith.constant 0 : i32
      %dma_wait3A_558 = arith.constant 0 : i32
      %dma_wait3A_559 = tpu.memref_slice %arg2[%dma_wait3A_557, %dma_wait3A_558] : memref<64x1000000xf32, #tpu.memory_space<hbm>> -> memref<8x128xf32, #tpu.memory_space<hbm>>
      %dma_wait3A_560 = arith.constant 0 : i32
      %dma_wait3A_561 = arith.constant 0 : i32
      %dma_wait3A_562 = tpu.memref_slice %arg4[%dma_wait3A_560, %dma_wait3A_561] : memref<64x128xf32, #tpu.memory_space<vmem>> -> memref<8x128xf32, #tpu.memory_space<vmem>>
      %dma_wait3A_563 = arith.constant 0 : i32
      %dma_wait3A_564 = arith.constant 0 : i32
      %dma_wait3A_565 = tpu.memref_slice %arg2[%dma_wait3A_563, %dma_wait3A_564] : memref<64x1000000xf32, #tpu.memory_space<hbm>> -> memref<8x128xf32, #tpu.memory_space<hbm>>
      tpu.wait_dma2 semaphore(%arg10 : memref<!tpu.dma_semaphore, #tpu.memory_space<semaphore_mem>>) src(%dma_wait3A_565 : memref<8x128xf32, #tpu.memory_space<hbm>>) dst(%dma_wait3A_562 : memref<8x128xf32, #tpu.memory_space<vmem>>)
      %gt3A = arith.constant 0 : i32
      %gt3A_566 = arith.cmpi sgt, %add3A_194, %gt3A : i32
      %convert_element_type3A = arith.extui %gt3A_566 : i1 to i32
      %cond3A = arith.constant 0 : i32
      %cond3A_567 = arith.cmpi ne, %convert_element_type3A, %cond3A : i32
      scf.if %cond3A_567 {
        %dma_wait3A_801 = arith.constant 409600 : i32
        %dma_wait3A_802 = arith.constant 0 : i32
        %dma_wait3A_803 = tpu.memref_slice %arg3[%dma_wait3A_801, %dma_wait3A_802] : memref<501760x128xf32, #tpu.memory_space<hbm>> -> memref<128x128xf32, #tpu.memory_space<hbm>>
        %dma_wait3A_804 = arith.constant 409600 : i32
        %dma_wait3A_805 = arith.constant 0 : i32
        %dma_wait3A_806 = tpu.memref_slice %arg3[%dma_wait3A_804, %dma_wait3A_805] : memref<501760x128xf32, #tpu.memory_space<hbm>> -> memref<128x128xf32, #tpu.memory_space<hbm>>
        tpu.wait_dma2 semaphore(%arg12 : memref<!tpu.dma_semaphore, #tpu.memory_space<semaphore_mem>>) src(%arg8 : memref<128x128xf32, #tpu.memory_space<vmem>>) dst(%dma_wait3A_806 : memref<128x128xf32, #tpu.memory_space<hbm>>)
      } else {
      }
      %scan3A_568 = arith.constant 0 : i32
      %scan3A_569 = arith.constant 8 : i32
      %scan3A_570 = arith.addi %scan3A_568, %scan3A_569 : i32
      %scan3A_571 = arith.constant 1 : i32
      scf.for %scan3A_801 = %scan3A_568 to %scan3A_570 step %scan3A_571  : i32 {
        %mul3A_802 = arith.constant 1 : i32
        %mul3A_803 = arith.muli %scan3A_801, %mul3A_802 : i32
        %add3A_804 = arith.constant 0 : i32
        %add3A_805 = arith.addi %add3A_804, %mul3A_803 : i32
        %mul3A_806 = arith.constant 16 : i32
        %mul3A_807 = arith.muli %add3A_805, %mul3A_806 : i32
        %add3A_808 = vector.broadcast %mul3A_807 : i32 to vector<16xi32>
        %add3A_809 = arith.addi %add3A_808, %iota3A : vector<16xi32>
        %broadcast_in_dim3A = arith.constant 0 : i32
        %broadcast_in_dim3A_810 = vector.broadcast %broadcast_in_dim3A : i32 to vector<16xi32>
        %mul3A_811 = arith.constant 16 : i32
        %mul3A_812 = arith.muli %add3A_805, %mul3A_811 : i32
        %get3A = arith.constant 0 : i32
        %get3A_813 = arith.index_cast %get3A : i32 to index
        %get3A_814 = arith.index_cast %mul3A_812 : i32 to index
        %get3A_815 = tpu.vector_load %arg4[%get3A_813, %get3A_814] {strides = array<i32>} : memref<64x128xf32, #tpu.memory_space<vmem>>, vector<16xf32>,
        tpu.vector_store_idx %arg8[%add3A_809, %broadcast_in_dim3A_810], %get3A_815 : memref<128x128xf32, #tpu.memory_space<vmem>>[vector<16xi32>, vector<16xi32>], vector<16xf32>,
        %add3A_816 = arith.constant 64 : i32
        %add3A_817 = vector.broadcast %add3A_816 : i32 to vector<16xi32>
        %add3A_818 = arith.addi %broadcast_in_dim3A_810, %add3A_817 : vector<16xi32>
        %mul3A_819 = arith.constant 16 : i32
        %mul3A_820 = arith.muli %add3A_805, %mul3A_819 : i32
        %get3A_821 = arith.constant 0 : i32
        %get3A_822 = arith.index_cast %get3A_821 : i32 to index
        %get3A_823 = arith.index_cast %mul3A_820 : i32 to index
        %get3A_824 = tpu.vector_load %arg5[%get3A_822, %get3A_823] {strides = array<i32>} : memref<64x128xf32, #tpu.memory_space<vmem>>, vector<16xf32>,
        tpu.vector_store_idx %arg8[%add3A_809, %add3A_818], %get3A_824 : memref<128x128xf32, #tpu.memory_space<vmem>>[vector<16xi32>, vector<16xi32>], vector<16xf32>,
        %broadcast_in_dim3A_825 = arith.constant 1 : i32
        %broadcast_in_dim3A_826 = vector.broadcast %broadcast_in_dim3A_825 : i32 to vector<16xi32>
        %mul3A_827 = arith.constant 16 : i32
        %mul3A_828 = arith.muli %add3A_805, %mul3A_827 : i32
        %get3A_829 = arith.constant 1 : i32
        %get3A_830 = arith.index_cast %get3A_829 : i32 to index
        %get3A_831 = arith.index_cast %mul3A_828 : i32 to index
        %get3A_832 = tpu.vector_load %arg4[%get3A_830, %get3A_831] {strides = array<i32>} : memref<64x128xf32, #tpu.memory_space<vmem>>, vector<16xf32>,
        tpu.vector_store_idx %arg8[%add3A_809, %broadcast_in_dim3A_826], %get3A_832 : memref<128x128xf32, #tpu.memory_space<vmem>>[vector<16xi32>, vector<16xi32>], vector<16xf32>,
        %add3A_833 = arith.constant 64 : i32
        %add3A_834 = vector.broadcast %add3A_833 : i32 to vector<16xi32>
        %add3A_835 = arith.addi %broadcast_in_dim3A_826, %add3A_834 : vector<16xi32>
        %mul3A_836 = arith.constant 16 : i32
        %mul3A_837 = arith.muli %add3A_805, %mul3A_836 : i32
        %get3A_838 = arith.constant 1 : i32
        %get3A_839 = arith.index_cast %get3A_838 : i32 to index
        %get3A_840 = arith.index_cast %mul3A_837 : i32 to index
        %get3A_841 = tpu.vector_load %arg5[%get3A_839, %get3A_840] {strides = array<i32>} : memref<64x128xf32, #tpu.memory_space<vmem>>, vector<16xf32>,
        tpu.vector_store_idx %arg8[%add3A_809, %add3A_835], %get3A_841 : memref<128x128xf32, #tpu.memory_space<vmem>>[vector<16xi32>, vector<16xi32>], vector<16xf32>,
        %broadcast_in_dim3A_842 = arith.constant 2 : i32
        %broadcast_in_dim3A_843 = vector.broadcast %broadcast_in_dim3A_842 : i32 to vector<16xi32>
        %mul3A_844 = arith.constant 16 : i32
        %mul3A_845 = arith.muli %add3A_805, %mul3A_844 : i32
        %get3A_846 = arith.constant 2 : i32
        %get3A_847 = arith.index_cast %get3A_846 : i32 to index
        %get3A_848 = arith.index_cast %mul3A_845 : i32 to index
        %get3A_849 = tpu.vector_load %arg4[%get3A_847, %get3A_848] {strides = array<i32>} : memref<64x128xf32, #tpu.memory_space<vmem>>, vector<16xf32>,
        tpu.vector_store_idx %arg8[%add3A_809, %broadcast_in_dim3A_843], %get3A_849 : memref<128x128xf32, #tpu.memory_space<vmem>>[vector<16xi32>, vector<16xi32>], vector<16xf32>,
        %add3A_850 = arith.constant 64 : i32
        %add3A_851 = vector.broadcast %add3A_850 : i32 to vector<16xi32>
        %add3A_852 = arith.addi %broadcast_in_dim3A_843, %add3A_851 : vector<16xi32>
        %mul3A_853 = arith.constant 16 : i32
        %mul3A_854 = arith.muli %add3A_805, %mul3A_853 : i32
        %get3A_855 = arith.constant 2 : i32
        %get3A_856 = arith.index_cast %get3A_855 : i32 to index
        %get3A_857 = arith.index_cast %mul3A_854 : i32 to index
        %get3A_858 = tpu.vector_load %arg5[%get3A_856, %get3A_857] {strides = array<i32>} : memref<64x128xf32, #tpu.memory_space<vmem>>, vector<16xf32>,
        tpu.vector_store_idx %arg8[%add3A_809, %add3A_852], %get3A_858 : memref<128x128xf32, #tpu.memory_space<vmem>>[vector<16xi32>, vector<16xi32>], vector<16xf32>,
        %broadcast_in_dim3A_859 = arith.constant 3 : i32
        %broadcast_in_dim3A_860 = vector.broadcast %broadcast_in_dim3A_859 : i32 to vector<16xi32>
        %mul3A_861 = arith.constant 16 : i32
        %mul3A_862 = arith.muli %add3A_805, %mul3A_861 : i32
        %get3A_863 = arith.constant 3 : i32
        %get3A_864 = arith.index_cast %get3A_863 : i32 to index
        %get3A_865 = arith.index_cast %mul3A_862 : i32 to index
        %get3A_866 = tpu.vector_load %arg4[%get3A_864, %get3A_865] {strides = array<i32>} : memref<64x128xf32, #tpu.memory_space<vmem>>, vector<16xf32>,
        tpu.vector_store_idx %arg8[%add3A_809, %broadcast_in_dim3A_860], %get3A_866 : memref<128x128xf32, #tpu.memory_space<vmem>>[vector<16xi32>, vector<16xi32>], vector<16xf32>,
        %add3A_867 = arith.constant 64 : i32
        %add3A_868 = vector.broadcast %add3A_867 : i32 to vector<16xi32>
        %add3A_869 = arith.addi %broadcast_in_dim3A_860, %add3A_868 : vector<16xi32>
        %mul3A_870 = arith.constant 16 : i32
        %mul3A_871 = arith.muli %add3A_805, %mul3A_870 : i32
        %get3A_872 = arith.constant 3 : i32
        %get3A_873 = arith.index_cast %get3A_872 : i32 to index
        %get3A_874 = arith.index_cast %mul3A_871 : i32 to index
        %get3A_875 = tpu.vector_load %arg5[%get3A_873, %get3A_874] {strides = array<i32>} : memref<64x128xf32, #tpu.memory_space<vmem>>, vector<16xf32>,
        tpu.vector_store_idx %arg8[%add3A_809, %add3A_869], %get3A_875 : memref<128x128xf32, #tpu.memory_space<vmem>>[vector<16xi32>, vector<16xi32>], vector<16xf32>,
        %broadcast_in_dim3A_876 = arith.constant 4 : i32
        %broadcast_in_dim3A_877 = vector.broadcast %broadcast_in_dim3A_876 : i32 to vector<16xi32>
        %mul3A_878 = arith.constant 16 : i32
        %mul3A_879 = arith.muli %add3A_805, %mul3A_878 : i32
        %get3A_880 = arith.constant 4 : i32
        %get3A_881 = arith.index_cast %get3A_880 : i32 to index
        %get3A_882 = arith.index_cast %mul3A_879 : i32 to index
        %get3A_883 = tpu.vector_load %arg4[%get3A_881, %get3A_882] {strides = array<i32>} : memref<64x128xf32, #tpu.memory_space<vmem>>, vector<16xf32>,
        tpu.vector_store_idx %arg8[%add3A_809, %broadcast_in_dim3A_877], %get3A_883 : memref<128x128xf32, #tpu.memory_space<vmem>>[vector<16xi32>, vector<16xi32>], vector<16xf32>,
        %add3A_884 = arith.constant 64 : i32
        %add3A_885 = vector.broadcast %add3A_884 : i32 to vector<16xi32>
        %add3A_886 = arith.addi %broadcast_in_dim3A_877, %add3A_885 : vector<16xi32>
        %mul3A_887 = arith.constant 16 : i32
        %mul3A_888 = arith.muli %add3A_805, %mul3A_887 : i32
        %get3A_889 = arith.constant 4 : i32
        %get3A_890 = arith.index_cast %get3A_889 : i32 to index
        %get3A_891 = arith.index_cast %mul3A_888 : i32 to index
        %get3A_892 = tpu.vector_load %arg5[%get3A_890, %get3A_891] {strides = array<i32>} : memref<64x128xf32, #tpu.memory_space<vmem>>, vector<16xf32>,
        tpu.vector_store_idx %arg8[%add3A_809, %add3A_886], %get3A_892 : memref<128x128xf32, #tpu.memory_space<vmem>>[vector<16xi32>, vector<16xi32>], vector<16xf32>,
        %broadcast_in_dim3A_893 = arith.constant 5 : i32
        %broadcast_in_dim3A_894 = vector.broadcast %broadcast_in_dim3A_893 : i32 to vector<16xi32>
        %mul3A_895 = arith.constant 16 : i32
        %mul3A_896 = arith.muli %add3A_805, %mul3A_895 : i32
        %get3A_897 = arith.constant 5 : i32
        %get3A_898 = arith.index_cast %get3A_897 : i32 to index
        %get3A_899 = arith.index_cast %mul3A_896 : i32 to index
        %get3A_900 = tpu.vector_load %arg4[%get3A_898, %get3A_899] {strides = array<i32>} : memref<64x128xf32, #tpu.memory_space<vmem>>, vector<16xf32>,
        tpu.vector_store_idx %arg8[%add3A_809, %broadcast_in_dim3A_894], %get3A_900 : memref<128x128xf32, #tpu.memory_space<vmem>>[vector<16xi32>, vector<16xi32>], vector<16xf32>,
        %add3A_901 = arith.constant 64 : i32
        %add3A_902 = vector.broadcast %add3A_901 : i32 to vector<16xi32>
        %add3A_903 = arith.addi %broadcast_in_dim3A_894, %add3A_902 : vector<16xi32>
        %mul3A_904 = arith.constant 16 : i32
        %mul3A_905 = arith.muli %add3A_805, %mul3A_904 : i32
        %get3A_906 = arith.constant 5 : i32
        %get3A_907 = arith.index_cast %get3A_906 : i32 to index
        %get3A_908 = arith.index_cast %mul3A_905 : i32 to index
        %get3A_909 = tpu.vector_load %arg5[%get3A_907, %get3A_908] {strides = array<i32>} : memref<64x128xf32, #tpu.memory_space<vmem>>, vector<16xf32>,
        tpu.vector_store_idx %arg8[%add3A_809, %add3A_903], %get3A_909 : memref<128x128xf32, #tpu.memory_space<vmem>>[vector<16xi32>, vector<16xi32>], vector<16xf32>,
        %broadcast_in_dim3A_910 = arith.constant 6 : i32
        %broadcast_in_dim3A_911 = vector.broadcast %broadcast_in_dim3A_910 : i32 to vector<16xi32>
        %mul3A_912 = arith.constant 16 : i32
        %mul3A_913 = arith.muli %add3A_805, %mul3A_912 : i32
        %get3A_914 = arith.constant 6 : i32
        %get3A_915 = arith.index_cast %get3A_914 : i32 to index
        %get3A_916 = arith.index_cast %mul3A_913 : i32 to index
        %get3A_917 = tpu.vector_load %arg4[%get3A_915, %get3A_916] {strides = array<i32>} : memref<64x128xf32, #tpu.memory_space<vmem>>, vector<16xf32>,
        tpu.vector_store_idx %arg8[%add3A_809, %broadcast_in_dim3A_911], %get3A_917 : memref<128x128xf32, #tpu.memory_space<vmem>>[vector<16xi32>, vector<16xi32>], vector<16xf32>,
        %add3A_918 = arith.constant 64 : i32
        %add3A_919 = vector.broadcast %add3A_918 : i32 to vector<16xi32>
        %add3A_920 = arith.addi %broadcast_in_dim3A_911, %add3A_919 : vector<16xi32>
        %mul3A_921 = arith.constant 16 : i32
        %mul3A_922 = arith.muli %add3A_805, %mul3A_921 : i32
        %get3A_923 = arith.constant 6 : i32
        %get3A_924 = arith.index_cast %get3A_923 : i32 to index
        %get3A_925 = arith.index_cast %mul3A_922 : i32 to index
        %get3A_926 = tpu.vector_load %arg5[%get3A_924, %get3A_925] {strides = array<i32>} : memref<64x128xf32, #tpu.memory_space<vmem>>, vector<16xf32>,
        tpu.vector_store_idx %arg8[%add3A_809, %add3A_920], %get3A_926 : memref<128x128xf32, #tpu.memory_space<vmem>>[vector<16xi32>, vector<16xi32>], vector<16xf32>,
        %broadcast_in_dim3A_927 = arith.constant 7 : i32
        %broadcast_in_dim3A_928 = vector.broadcast %broadcast_in_dim3A_927 : i32 to vector<16xi32>
        %mul3A_929 = arith.constant 16 : i32
        %mul3A_930 = arith.muli %add3A_805, %mul3A_929 : i32
        %get3A_931 = arith.constant 7 : i32
        %get3A_932 = arith.index_cast %get3A_931 : i32 to index
        %get3A_933 = arith.index_cast %mul3A_930 : i32 to index
        %get3A_934 = tpu.vector_load %arg4[%get3A_932, %get3A_933] {strides = array<i32>} : memref<64x128xf32, #tpu.memory_space<vmem>>, vector<16xf32>,
        tpu.vector_store_idx %arg8[%add3A_809, %broadcast_in_dim3A_928], %get3A_934 : memref<128x128xf32, #tpu.memory_space<vmem>>[vector<16xi32>, vector<16xi32>], vector<16xf32>,
        %add3A_935 = arith.constant 64 : i32
        %add3A_936 = vector.broadcast %add3A_935 : i32 to vector<16xi32>
        %add3A_937 = arith.addi %broadcast_in_dim3A_928, %add3A_936 : vector<16xi32>
        %mul3A_938 = arith.constant 16 : i32
        %mul3A_939 = arith.muli %add3A_805, %mul3A_938 : i32
        %get3A_940 = arith.constant 7 : i32
        %get3A_941 = arith.index_cast %get3A_940 : i32 to index
        %get3A_942 = arith.index_cast %mul3A_939 : i32 to index
        %get3A_943 = tpu.vector_load %arg5[%get3A_941, %get3A_942] {strides = array<i32>} : memref<64x128xf32, #tpu.memory_space<vmem>>, vector<16xf32>,
        tpu.vector_store_idx %arg8[%add3A_809, %add3A_937], %get3A_943 : memref<128x128xf32, #tpu.memory_space<vmem>>[vector<16xi32>, vector<16xi32>], vector<16xf32>,
        %broadcast_in_dim3A_944 = arith.constant 8 : i32
        %broadcast_in_dim3A_945 = vector.broadcast %broadcast_in_dim3A_944 : i32 to vector<16xi32>
        %mul3A_946 = arith.constant 16 : i32
        %mul3A_947 = arith.muli %add3A_805, %mul3A_946 : i32
        %get3A_948 = arith.constant 8 : i32
        %get3A_949 = arith.index_cast %get3A_948 : i32 to index
        %get3A_950 = arith.index_cast %mul3A_947 : i32 to index
        %get3A_951 = tpu.vector_load %arg4[%get3A_949, %get3A_950] {strides = array<i32>} : memref<64x128xf32, #tpu.memory_space<vmem>>, vector<16xf32>,
        tpu.vector_store_idx %arg8[%add3A_809, %broadcast_in_dim3A_945], %get3A_951 : memref<128x128xf32, #tpu.memory_space<vmem>>[vector<16xi32>, vector<16xi32>], vector<16xf32>,
        %add3A_952 = arith.constant 64 : i32
        %add3A_953 = vector.broadcast %add3A_952 : i32 to vector<16xi32>
        %add3A_954 = arith.addi %broadcast_in_dim3A_945, %add3A_953 : vector<16xi32>
        %mul3A_955 = arith.constant 16 : i32
        %mul3A_956 = arith.muli %add3A_805, %mul3A_955 : i32
        %get3A_957 = arith.constant 8 : i32
        %get3A_958 = arith.index_cast %get3A_957 : i32 to index
        %get3A_959 = arith.index_cast %mul3A_956 : i32 to index
        %get3A_960 = tpu.vector_load %arg5[%get3A_958, %get3A_959] {strides = array<i32>} : memref<64x128xf32, #tpu.memory_space<vmem>>, vector<16xf32>,
        tpu.vector_store_idx %arg8[%add3A_809, %add3A_954], %get3A_960 : memref<128x128xf32, #tpu.memory_space<vmem>>[vector<16xi32>, vector<16xi32>], vector<16xf32>,
        %broadcast_in_dim3A_961 = arith.constant 9 : i32
        %broadcast_in_dim3A_962 = vector.broadcast %broadcast_in_dim3A_961 : i32 to vector<16xi32>
        %mul3A_963 = arith.constant 16 : i32
        %mul3A_964 = arith.muli %add3A_805, %mul3A_963 : i32
        %get3A_965 = arith.constant 9 : i32
        %get3A_966 = arith.index_cast %get3A_965 : i32 to index
        %get3A_967 = arith.index_cast %mul3A_964 : i32 to index
        %get3A_968 = tpu.vector_load %arg4[%get3A_966, %get3A_967] {strides = array<i32>} : memref<64x128xf32, #tpu.memory_space<vmem>>, vector<16xf32>,
        tpu.vector_store_idx %arg8[%add3A_809, %broadcast_in_dim3A_962], %get3A_968 : memref<128x128xf32, #tpu.memory_space<vmem>>[vector<16xi32>, vector<16xi32>], vector<16xf32>,
        %add3A_969 = arith.constant 64 : i32
        %add3A_970 = vector.broadcast %add3A_969 : i32 to vector<16xi32>
        %add3A_971 = arith.addi %broadcast_in_dim3A_962, %add3A_970 : vector<16xi32>
        %mul3A_972 = arith.constant 16 : i32
        %mul3A_973 = arith.muli %add3A_805, %mul3A_972 : i32
        %get3A_974 = arith.constant 9 : i32
        %get3A_975 = arith.index_cast %get3A_974 : i32 to index
        %get3A_976 = arith.index_cast %mul3A_973 : i32 to index
        %get3A_977 = tpu.vector_load %arg5[%get3A_975, %get3A_976] {strides = array<i32>} : memref<64x128xf32, #tpu.memory_space<vmem>>, vector<16xf32>,
        tpu.vector_store_idx %arg8[%add3A_809, %add3A_971], %get3A_977 : memref<128x128xf32, #tpu.memory_space<vmem>>[vector<16xi32>, vector<16xi32>], vector<16xf32>,
        %broadcast_in_dim3A_978 = arith.constant 10 : i32
        %broadcast_in_dim3A_979 = vector.broadcast %broadcast_in_dim3A_978 : i32 to vector<16xi32>
        %mul3A_980 = arith.constant 16 : i32
        %mul3A_981 = arith.muli %add3A_805, %mul3A_980 : i32
        %get3A_982 = arith.constant 10 : i32
        %get3A_983 = arith.index_cast %get3A_982 : i32 to index
        %get3A_984 = arith.index_cast %mul3A_981 : i32 to index
        %get3A_985 = tpu.vector_load %arg4[%get3A_983, %get3A_984] {strides = array<i32>} : memref<64x128xf32, #tpu.memory_space<vmem>>, vector<16xf32>,
        tpu.vector_store_idx %arg8[%add3A_809, %broadcast_in_dim3A_979], %get3A_985 : memref<128x128xf32, #tpu.memory_space<vmem>>[vector<16xi32>, vector<16xi32>], vector<16xf32>,
        %add3A_986 = arith.constant 64 : i32
        %add3A_987 = vector.broadcast %add3A_986 : i32 to vector<16xi32>
        %add3A_988 = arith.addi %broadcast_in_dim3A_979, %add3A_987 : vector<16xi32>
        %mul3A_989 = arith.constant 16 : i32
        %mul3A_990 = arith.muli %add3A_805, %mul3A_989 : i32
        %get3A_991 = arith.constant 10 : i32
        %get3A_992 = arith.index_cast %get3A_991 : i32 to index
        %get3A_993 = arith.index_cast %mul3A_990 : i32 to index
        %get3A_994 = tpu.vector_load %arg5[%get3A_992, %get3A_993] {strides = array<i32>} : memref<64x128xf32, #tpu.memory_space<vmem>>, vector<16xf32>,
        tpu.vector_store_idx %arg8[%add3A_809, %add3A_988], %get3A_994 : memref<128x128xf32, #tpu.memory_space<vmem>>[vector<16xi32>, vector<16xi32>], vector<16xf32>,
        %broadcast_in_dim3A_995 = arith.constant 11 : i32
        %broadcast_in_dim3A_996 = vector.broadcast %broadcast_in_dim3A_995 : i32 to vector<16xi32>
        %mul3A_997 = arith.constant 16 : i32
        %mul3A_998 = arith.muli %add3A_805, %mul3A_997 : i32
        %get3A_999 = arith.constant 11 : i32
        %get3A_1000 = arith.index_cast %get3A_999 : i32 to index
        %get3A_1001 = arith.index_cast %mul3A_998 : i32 to index
        %get3A_1002 = tpu.vector_load %arg4[%get3A_1000, %get3A_1001] {strides = array<i32>} : memref<64x128xf32, #tpu.memory_space<vmem>>, vector<16xf32>,
        tpu.vector_store_idx %arg8[%add3A_809, %broadcast_in_dim3A_996], %get3A_1002 : memref<128x128xf32, #tpu.memory_space<vmem>>[vector<16xi32>, vector<16xi32>], vector<16xf32>,
        %add3A_1003 = arith.constant 64 : i32
        %add3A_1004 = vector.broadcast %add3A_1003 : i32 to vector<16xi32>
        %add3A_1005 = arith.addi %broadcast_in_dim3A_996, %add3A_1004 : vector<16xi32>
        %mul3A_1006 = arith.constant 16 : i32
        %mul3A_1007 = arith.muli %add3A_805, %mul3A_1006 : i32
        %get3A_1008 = arith.constant 11 : i32
        %get3A_1009 = arith.index_cast %get3A_1008 : i32 to index
        %get3A_1010 = arith.index_cast %mul3A_1007 : i32 to index
        %get3A_1011 = tpu.vector_load %arg5[%get3A_1009, %get3A_1010] {strides = array<i32>} : memref<64x128xf32, #tpu.memory_space<vmem>>, vector<16xf32>,
        tpu.vector_store_idx %arg8[%add3A_809, %add3A_1005], %get3A_1011 : memref<128x128xf32, #tpu.memory_space<vmem>>[vector<16xi32>, vector<16xi32>], vector<16xf32>,
        %broadcast_in_dim3A_1012 = arith.constant 12 : i32
        %broadcast_in_dim3A_1013 = vector.broadcast %broadcast_in_dim3A_1012 : i32 to vector<16xi32>
        %mul3A_1014 = arith.constant 16 : i32
        %mul3A_1015 = arith.muli %add3A_805, %mul3A_1014 : i32
        %get3A_1016 = arith.constant 12 : i32
        %get3A_1017 = arith.index_cast %get3A_1016 : i32 to index
        %get3A_1018 = arith.index_cast %mul3A_1015 : i32 to index
        %get3A_1019 = tpu.vector_load %arg4[%get3A_1017, %get3A_1018] {strides = array<i32>} : memref<64x128xf32, #tpu.memory_space<vmem>>, vector<16xf32>,
        tpu.vector_store_idx %arg8[%add3A_809, %broadcast_in_dim3A_1013], %get3A_1019 : memref<128x128xf32, #tpu.memory_space<vmem>>[vector<16xi32>, vector<16xi32>], vector<16xf32>,
        %add3A_1020 = arith.constant 64 : i32
        %add3A_1021 = vector.broadcast %add3A_1020 : i32 to vector<16xi32>
        %add3A_1022 = arith.addi %broadcast_in_dim3A_1013, %add3A_1021 : vector<16xi32>
        %mul3A_1023 = arith.constant 16 : i32
        %mul3A_1024 = arith.muli %add3A_805, %mul3A_1023 : i32
        %get3A_1025 = arith.constant 12 : i32
        %get3A_1026 = arith.index_cast %get3A_1025 : i32 to index
        %get3A_1027 = arith.index_cast %mul3A_1024 : i32 to index
        %get3A_1028 = tpu.vector_load %arg5[%get3A_1026, %get3A_1027] {strides = array<i32>} : memref<64x128xf32, #tpu.memory_space<vmem>>, vector<16xf32>,
        tpu.vector_store_idx %arg8[%add3A_809, %add3A_1022], %get3A_1028 : memref<128x128xf32, #tpu.memory_space<vmem>>[vector<16xi32>, vector<16xi32>], vector<16xf32>,
        %broadcast_in_dim3A_1029 = arith.constant 13 : i32
        %broadcast_in_dim3A_1030 = vector.broadcast %broadcast_in_dim3A_1029 : i32 to vector<16xi32>
        %mul3A_1031 = arith.constant 16 : i32
        %mul3A_1032 = arith.muli %add3A_805, %mul3A_1031 : i32
        %get3A_1033 = arith.constant 13 : i32
        %get3A_1034 = arith.index_cast %get3A_1033 : i32 to index
        %get3A_1035 = arith.index_cast %mul3A_1032 : i32 to index
        %get3A_1036 = tpu.vector_load %arg4[%get3A_1034, %get3A_1035] {strides = array<i32>} : memref<64x128xf32, #tpu.memory_space<vmem>>, vector<16xf32>,
        tpu.vector_store_idx %arg8[%add3A_809, %broadcast_in_dim3A_1030], %get3A_1036 : memref<128x128xf32, #tpu.memory_space<vmem>>[vector<16xi32>, vector<16xi32>], vector<16xf32>,
        %add3A_1037 = arith.constant 64 : i32
        %add3A_1038 = vector.broadcast %add3A_1037 : i32 to vector<16xi32>
        %add3A_1039 = arith.addi %broadcast_in_dim3A_1030, %add3A_1038 : vector<16xi32>
        %mul3A_1040 = arith.constant 16 : i32
        %mul3A_1041 = arith.muli %add3A_805, %mul3A_1040 : i32
        %get3A_1042 = arith.constant 13 : i32
        %get3A_1043 = arith.index_cast %get3A_1042 : i32 to index
        %get3A_1044 = arith.index_cast %mul3A_1041 : i32 to index
        %get3A_1045 = tpu.vector_load %arg5[%get3A_1043, %get3A_1044] {strides = array<i32>} : memref<64x128xf32, #tpu.memory_space<vmem>>, vector<16xf32>,
        tpu.vector_store_idx %arg8[%add3A_809, %add3A_1039], %get3A_1045 : memref<128x128xf32, #tpu.memory_space<vmem>>[vector<16xi32>, vector<16xi32>], vector<16xf32>,
        %broadcast_in_dim3A_1046 = arith.constant 14 : i32
        %broadcast_in_dim3A_1047 = vector.broadcast %broadcast_in_dim3A_1046 : i32 to vector<16xi32>
        %mul3A_1048 = arith.constant 16 : i32
        %mul3A_1049 = arith.muli %add3A_805, %mul3A_1048 : i32
        %get3A_1050 = arith.constant 14 : i32
        %get3A_1051 = arith.index_cast %get3A_1050 : i32 to index
        %get3A_1052 = arith.index_cast %mul3A_1049 : i32 to index
        %get3A_1053 = tpu.vector_load %arg4[%get3A_1051, %get3A_1052] {strides = array<i32>} : memref<64x128xf32, #tpu.memory_space<vmem>>, vector<16xf32>,
        tpu.vector_store_idx %arg8[%add3A_809, %broadcast_in_dim3A_1047], %get3A_1053 : memref<128x128xf32, #tpu.memory_space<vmem>>[vector<16xi32>, vector<16xi32>], vector<16xf32>,
        %add3A_1054 = arith.constant 64 : i32
        %add3A_1055 = vector.broadcast %add3A_1054 : i32 to vector<16xi32>
        %add3A_1056 = arith.addi %broadcast_in_dim3A_1047, %add3A_1055 : vector<16xi32>
        %mul3A_1057 = arith.constant 16 : i32
        %mul3A_1058 = arith.muli %add3A_805, %mul3A_1057 : i32
        %get3A_1059 = arith.constant 14 : i32
        %get3A_1060 = arith.index_cast %get3A_1059 : i32 to index
        %get3A_1061 = arith.index_cast %mul3A_1058 : i32 to index
        %get3A_1062 = tpu.vector_load %arg5[%get3A_1060, %get3A_1061] {strides = array<i32>} : memref<64x128xf32, #tpu.memory_space<vmem>>, vector<16xf32>,
        tpu.vector_store_idx %arg8[%add3A_809, %add3A_1056], %get3A_1062 : memref<128x128xf32, #tpu.memory_space<vmem>>[vector<16xi32>, vector<16xi32>], vector<16xf32>,
        %broadcast_in_dim3A_1063 = arith.constant 15 : i32
        %broadcast_in_dim3A_1064 = vector.broadcast %broadcast_in_dim3A_1063 : i32 to vector<16xi32>
        %mul3A_1065 = arith.constant 16 : i32
        %mul3A_1066 = arith.muli %add3A_805, %mul3A_1065 : i32
        %get3A_1067 = arith.constant 15 : i32
        %get3A_1068 = arith.index_cast %get3A_1067 : i32 to index
        %get3A_1069 = arith.index_cast %mul3A_1066 : i32 to index
        %get3A_1070 = tpu.vector_load %arg4[%get3A_1068, %get3A_1069] {strides = array<i32>} : memref<64x128xf32, #tpu.memory_space<vmem>>, vector<16xf32>,
        tpu.vector_store_idx %arg8[%add3A_809, %broadcast_in_dim3A_1064], %get3A_1070 : memref<128x128xf32, #tpu.memory_space<vmem>>[vector<16xi32>, vector<16xi32>], vector<16xf32>,
        %add3A_1071 = arith.constant 64 : i32
        %add3A_1072 = vector.broadcast %add3A_1071 : i32 to vector<16xi32>
        %add3A_1073 = arith.addi %broadcast_in_dim3A_1064, %add3A_1072 : vector<16xi32>
        %mul3A_1074 = arith.constant 16 : i32
        %mul3A_1075 = arith.muli %add3A_805, %mul3A_1074 : i32
        %get3A_1076 = arith.constant 15 : i32
        %get3A_1077 = arith.index_cast %get3A_1076 : i32 to index
        %get3A_1078 = arith.index_cast %mul3A_1075 : i32 to index
        %get3A_1079 = tpu.vector_load %arg5[%get3A_1077, %get3A_1078] {strides = array<i32>} : memref<64x128xf32, #tpu.memory_space<vmem>>, vector<16xf32>,
        tpu.vector_store_idx %arg8[%add3A_809, %add3A_1073], %get3A_1079 : memref<128x128xf32, #tpu.memory_space<vmem>>[vector<16xi32>, vector<16xi32>], vector<16xf32>,
        %broadcast_in_dim3A_1080 = arith.constant 16 : i32
        %broadcast_in_dim3A_1081 = vector.broadcast %broadcast_in_dim3A_1080 : i32 to vector<16xi32>
        %mul3A_1082 = arith.constant 16 : i32
        %mul3A_1083 = arith.muli %add3A_805, %mul3A_1082 : i32
        %get3A_1084 = arith.constant 16 : i32
        %get3A_1085 = arith.index_cast %get3A_1084 : i32 to index
        %get3A_1086 = arith.index_cast %mul3A_1083 : i32 to index
        %get3A_1087 = tpu.vector_load %arg4[%get3A_1085, %get3A_1086] {strides = array<i32>} : memref<64x128xf32, #tpu.memory_space<vmem>>, vector<16xf32>,
        tpu.vector_store_idx %arg8[%add3A_809, %broadcast_in_dim3A_1081], %get3A_1087 : memref<128x128xf32, #tpu.memory_space<vmem>>[vector<16xi32>, vector<16xi32>], vector<16xf32>,
        %add3A_1088 = arith.constant 64 : i32
        %add3A_1089 = vector.broadcast %add3A_1088 : i32 to vector<16xi32>
        %add3A_1090 = arith.addi %broadcast_in_dim3A_1081, %add3A_1089 : vector<16xi32>
        %mul3A_1091 = arith.constant 16 : i32
        %mul3A_1092 = arith.muli %add3A_805, %mul3A_1091 : i32
        %get3A_1093 = arith.constant 16 : i32
        %get3A_1094 = arith.index_cast %get3A_1093 : i32 to index
        %get3A_1095 = arith.index_cast %mul3A_1092 : i32 to index
        %get3A_1096 = tpu.vector_load %arg5[%get3A_1094, %get3A_1095] {strides = array<i32>} : memref<64x128xf32, #tpu.memory_space<vmem>>, vector<16xf32>,
        tpu.vector_store_idx %arg8[%add3A_809, %add3A_1090], %get3A_1096 : memref<128x128xf32, #tpu.memory_space<vmem>>[vector<16xi32>, vector<16xi32>], vector<16xf32>,
        %broadcast_in_dim3A_1097 = arith.constant 17 : i32
        %broadcast_in_dim3A_1098 = vector.broadcast %broadcast_in_dim3A_1097 : i32 to vector<16xi32>
        %mul3A_1099 = arith.constant 16 : i32
        %mul3A_1100 = arith.muli %add3A_805, %mul3A_1099 : i32
        %get3A_1101 = arith.constant 17 : i32
        %get3A_1102 = arith.index_cast %get3A_1101 : i32 to index
        %get3A_1103 = arith.index_cast %mul3A_1100 : i32 to index
        %get3A_1104 = tpu.vector_load %arg4[%get3A_1102, %get3A_1103] {strides = array<i32>} : memref<64x128xf32, #tpu.memory_space<vmem>>, vector<16xf32>,
        tpu.vector_store_idx %arg8[%add3A_809, %broadcast_in_dim3A_1098], %get3A_1104 : memref<128x128xf32, #tpu.memory_space<vmem>>[vector<16xi32>, vector<16xi32>], vector<16xf32>,
        %add3A_1105 = arith.constant 64 : i32
        %add3A_1106 = vector.broadcast %add3A_1105 : i32 to vector<16xi32>
        %add3A_1107 = arith.addi %broadcast_in_dim3A_1098, %add3A_1106 : vector<16xi32>
        %mul3A_1108 = arith.constant 16 : i32
        %mul3A_1109 = arith.muli %add3A_805, %mul3A_1108 : i32
        %get3A_1110 = arith.constant 17 : i32
        %get3A_1111 = arith.index_cast %get3A_1110 : i32 to index
        %get3A_1112 = arith.index_cast %mul3A_1109 : i32 to index
        %get3A_1113 = tpu.vector_load %arg5[%get3A_1111, %get3A_1112] {strides = array<i32>} : memref<64x128xf32, #tpu.memory_space<vmem>>, vector<16xf32>,
        tpu.vector_store_idx %arg8[%add3A_809, %add3A_1107], %get3A_1113 : memref<128x128xf32, #tpu.memory_space<vmem>>[vector<16xi32>, vector<16xi32>], vector<16xf32>,
        %broadcast_in_dim3A_1114 = arith.constant 18 : i32
        %broadcast_in_dim3A_1115 = vector.broadcast %broadcast_in_dim3A_1114 : i32 to vector<16xi32>
        %mul3A_1116 = arith.constant 16 : i32
        %mul3A_1117 = arith.muli %add3A_805, %mul3A_1116 : i32
        %get3A_1118 = arith.constant 18 : i32
        %get3A_1119 = arith.index_cast %get3A_1118 : i32 to index
        %get3A_1120 = arith.index_cast %mul3A_1117 : i32 to index
        %get3A_1121 = tpu.vector_load %arg4[%get3A_1119, %get3A_1120] {strides = array<i32>} : memref<64x128xf32, #tpu.memory_space<vmem>>, vector<16xf32>,
        tpu.vector_store_idx %arg8[%add3A_809, %broadcast_in_dim3A_1115], %get3A_1121 : memref<128x128xf32, #tpu.memory_space<vmem>>[vector<16xi32>, vector<16xi32>], vector<16xf32>,
        %add3A_1122 = arith.constant 64 : i32
        %add3A_1123 = vector.broadcast %add3A_1122 : i32 to vector<16xi32>
        %add3A_1124 = arith.addi %broadcast_in_dim3A_1115, %add3A_1123 : vector<16xi32>
        %mul3A_1125 = arith.constant 16 : i32
        %mul3A_1126 = arith.muli %add3A_805, %mul3A_1125 : i32
        %get3A_1127 = arith.constant 18 : i32
        %get3A_1128 = arith.index_cast %get3A_1127 : i32 to index
        %get3A_1129 = arith.index_cast %mul3A_1126 : i32 to index
        %get3A_1130 = tpu.vector_load %arg5[%get3A_1128, %get3A_1129] {strides = array<i32>} : memref<64x128xf32, #tpu.memory_space<vmem>>, vector<16xf32>,
        tpu.vector_store_idx %arg8[%add3A_809, %add3A_1124], %get3A_1130 : memref<128x128xf32, #tpu.memory_space<vmem>>[vector<16xi32>, vector<16xi32>], vector<16xf32>,
        %broadcast_in_dim3A_1131 = arith.constant 19 : i32
        %broadcast_in_dim3A_1132 = vector.broadcast %broadcast_in_dim3A_1131 : i32 to vector<16xi32>
        %mul3A_1133 = arith.constant 16 : i32
        %mul3A_1134 = arith.muli %add3A_805, %mul3A_1133 : i32
        %get3A_1135 = arith.constant 19 : i32
        %get3A_1136 = arith.index_cast %get3A_1135 : i32 to index
        %get3A_1137 = arith.index_cast %mul3A_1134 : i32 to index
        %get3A_1138 = tpu.vector_load %arg4[%get3A_1136, %get3A_1137] {strides = array<i32>} : memref<64x128xf32, #tpu.memory_space<vmem>>, vector<16xf32>,
        tpu.vector_store_idx %arg8[%add3A_809, %broadcast_in_dim3A_1132], %get3A_1138 : memref<128x128xf32, #tpu.memory_space<vmem>>[vector<16xi32>, vector<16xi32>], vector<16xf32>,
        %add3A_1139 = arith.constant 64 : i32
        %add3A_1140 = vector.broadcast %add3A_1139 : i32 to vector<16xi32>
        %add3A_1141 = arith.addi %broadcast_in_dim3A_1132, %add3A_1140 : vector<16xi32>
        %mul3A_1142 = arith.constant 16 : i32
        %mul3A_1143 = arith.muli %add3A_805, %mul3A_1142 : i32
        %get3A_1144 = arith.constant 19 : i32
        %get3A_1145 = arith.index_cast %get3A_1144 : i32 to index
        %get3A_1146 = arith.index_cast %mul3A_1143 : i32 to index
        %get3A_1147 = tpu.vector_load %arg5[%get3A_1145, %get3A_1146] {strides = array<i32>} : memref<64x128xf32, #tpu.memory_space<vmem>>, vector<16xf32>,
        tpu.vector_store_idx %arg8[%add3A_809, %add3A_1141], %get3A_1147 : memref<128x128xf32, #tpu.memory_space<vmem>>[vector<16xi32>, vector<16xi32>], vector<16xf32>,
        %broadcast_in_dim3A_1148 = arith.constant 20 : i32
        %broadcast_in_dim3A_1149 = vector.broadcast %broadcast_in_dim3A_1148 : i32 to vector<16xi32>
        %mul3A_1150 = arith.constant 16 : i32
        %mul3A_1151 = arith.muli %add3A_805, %mul3A_1150 : i32
        %get3A_1152 = arith.constant 20 : i32
        %get3A_1153 = arith.index_cast %get3A_1152 : i32 to index
        %get3A_1154 = arith.index_cast %mul3A_1151 : i32 to index
        %get3A_1155 = tpu.vector_load %arg4[%get3A_1153, %get3A_1154] {strides = array<i32>} : memref<64x128xf32, #tpu.memory_space<vmem>>, vector<16xf32>,
        tpu.vector_store_idx %arg8[%add3A_809, %broadcast_in_dim3A_1149], %get3A_1155 : memref<128x128xf32, #tpu.memory_space<vmem>>[vector<16xi32>, vector<16xi32>], vector<16xf32>,
        %add3A_1156 = arith.constant 64 : i32
        %add3A_1157 = vector.broadcast %add3A_1156 : i32 to vector<16xi32>
        %add3A_1158 = arith.addi %broadcast_in_dim3A_1149, %add3A_1157 : vector<16xi32>
        %mul3A_1159 = arith.constant 16 : i32
        %mul3A_1160 = arith.muli %add3A_805, %mul3A_1159 : i32
        %get3A_1161 = arith.constant 20 : i32
        %get3A_1162 = arith.index_cast %get3A_1161 : i32 to index
        %get3A_1163 = arith.index_cast %mul3A_1160 : i32 to index
        %get3A_1164 = tpu.vector_load %arg5[%get3A_1162, %get3A_1163] {strides = array<i32>} : memref<64x128xf32, #tpu.memory_space<vmem>>, vector<16xf32>,
        tpu.vector_store_idx %arg8[%add3A_809, %add3A_1158], %get3A_1164 : memref<128x128xf32, #tpu.memory_space<vmem>>[vector<16xi32>, vector<16xi32>], vector<16xf32>,
        %broadcast_in_dim3A_1165 = arith.constant 21 : i32
        %broadcast_in_dim3A_1166 = vector.broadcast %broadcast_in_dim3A_1165 : i32 to vector<16xi32>
        %mul3A_1167 = arith.constant 16 : i32
        %mul3A_1168 = arith.muli %add3A_805, %mul3A_1167 : i32
        %get3A_1169 = arith.constant 21 : i32
        %get3A_1170 = arith.index_cast %get3A_1169 : i32 to index
        %get3A_1171 = arith.index_cast %mul3A_1168 : i32 to index
        %get3A_1172 = tpu.vector_load %arg4[%get3A_1170, %get3A_1171] {strides = array<i32>} : memref<64x128xf32, #tpu.memory_space<vmem>>, vector<16xf32>,
        tpu.vector_store_idx %arg8[%add3A_809, %broadcast_in_dim3A_1166], %get3A_1172 : memref<128x128xf32, #tpu.memory_space<vmem>>[vector<16xi32>, vector<16xi32>], vector<16xf32>,
        %add3A_1173 = arith.constant 64 : i32
        %add3A_1174 = vector.broadcast %add3A_1173 : i32 to vector<16xi32>
        %add3A_1175 = arith.addi %broadcast_in_dim3A_1166, %add3A_1174 : vector<16xi32>
        %mul3A_1176 = arith.constant 16 : i32
        %mul3A_1177 = arith.muli %add3A_805, %mul3A_1176 : i32
        %get3A_1178 = arith.constant 21 : i32
        %get3A_1179 = arith.index_cast %get3A_1178 : i32 to index
        %get3A_1180 = arith.index_cast %mul3A_1177 : i32 to index
        %get3A_1181 = tpu.vector_load %arg5[%get3A_1179, %get3A_1180] {strides = array<i32>} : memref<64x128xf32, #tpu.memory_space<vmem>>, vector<16xf32>,
        tpu.vector_store_idx %arg8[%add3A_809, %add3A_1175], %get3A_1181 : memref<128x128xf32, #tpu.memory_space<vmem>>[vector<16xi32>, vector<16xi32>], vector<16xf32>,
        %broadcast_in_dim3A_1182 = arith.constant 22 : i32
        %broadcast_in_dim3A_1183 = vector.broadcast %broadcast_in_dim3A_1182 : i32 to vector<16xi32>
        %mul3A_1184 = arith.constant 16 : i32
        %mul3A_1185 = arith.muli %add3A_805, %mul3A_1184 : i32
        %get3A_1186 = arith.constant 22 : i32
        %get3A_1187 = arith.index_cast %get3A_1186 : i32 to index
        %get3A_1188 = arith.index_cast %mul3A_1185 : i32 to index
        %get3A_1189 = tpu.vector_load %arg4[%get3A_1187, %get3A_1188] {strides = array<i32>} : memref<64x128xf32, #tpu.memory_space<vmem>>, vector<16xf32>,
        tpu.vector_store_idx %arg8[%add3A_809, %broadcast_in_dim3A_1183], %get3A_1189 : memref<128x128xf32, #tpu.memory_space<vmem>>[vector<16xi32>, vector<16xi32>], vector<16xf32>,
        %add3A_1190 = arith.constant 64 : i32
        %add3A_1191 = vector.broadcast %add3A_1190 : i32 to vector<16xi32>
        %add3A_1192 = arith.addi %broadcast_in_dim3A_1183, %add3A_1191 : vector<16xi32>
        %mul3A_1193 = arith.constant 16 : i32
        %mul3A_1194 = arith.muli %add3A_805, %mul3A_1193 : i32
        %get3A_1195 = arith.constant 22 : i32
        %get3A_1196 = arith.index_cast %get3A_1195 : i32 to index
        %get3A_1197 = arith.index_cast %mul3A_1194 : i32 to index
        %get3A_1198 = tpu.vector_load %arg5[%get3A_1196, %get3A_1197] {strides = array<i32>} : memref<64x128xf32, #tpu.memory_space<vmem>>, vector<16xf32>,
        tpu.vector_store_idx %arg8[%add3A_809, %add3A_1192], %get3A_1198 : memref<128x128xf32, #tpu.memory_space<vmem>>[vector<16xi32>, vector<16xi32>], vector<16xf32>,
        %broadcast_in_dim3A_1199 = arith.constant 23 : i32
        %broadcast_in_dim3A_1200 = vector.broadcast %broadcast_in_dim3A_1199 : i32 to vector<16xi32>
        %mul3A_1201 = arith.constant 16 : i32
        %mul3A_1202 = arith.muli %add3A_805, %mul3A_1201 : i32
        %get3A_1203 = arith.constant 23 : i32
        %get3A_1204 = arith.index_cast %get3A_1203 : i32 to index
        %get3A_1205 = arith.index_cast %mul3A_1202 : i32 to index
        %get3A_1206 = tpu.vector_load %arg4[%get3A_1204, %get3A_1205] {strides = array<i32>} : memref<64x128xf32, #tpu.memory_space<vmem>>, vector<16xf32>,
        tpu.vector_store_idx %arg8[%add3A_809, %broadcast_in_dim3A_1200], %get3A_1206 : memref<128x128xf32, #tpu.memory_space<vmem>>[vector<16xi32>, vector<16xi32>], vector<16xf32>,
        %add3A_1207 = arith.constant 64 : i32
        %add3A_1208 = vector.broadcast %add3A_1207 : i32 to vector<16xi32>
        %add3A_1209 = arith.addi %broadcast_in_dim3A_1200, %add3A_1208 : vector<16xi32>
        %mul3A_1210 = arith.constant 16 : i32
        %mul3A_1211 = arith.muli %add3A_805, %mul3A_1210 : i32
        %get3A_1212 = arith.constant 23 : i32
        %get3A_1213 = arith.index_cast %get3A_1212 : i32 to index
        %get3A_1214 = arith.index_cast %mul3A_1211 : i32 to index
        %get3A_1215 = tpu.vector_load %arg5[%get3A_1213, %get3A_1214] {strides = array<i32>} : memref<64x128xf32, #tpu.memory_space<vmem>>, vector<16xf32>,
        tpu.vector_store_idx %arg8[%add3A_809, %add3A_1209], %get3A_1215 : memref<128x128xf32, #tpu.memory_space<vmem>>[vector<16xi32>, vector<16xi32>], vector<16xf32>,
        %broadcast_in_dim3A_1216 = arith.constant 24 : i32
        %broadcast_in_dim3A_1217 = vector.broadcast %broadcast_in_dim3A_1216 : i32 to vector<16xi32>
        %mul3A_1218 = arith.constant 16 : i32
        %mul3A_1219 = arith.muli %add3A_805, %mul3A_1218 : i32
        %get3A_1220 = arith.constant 24 : i32
        %get3A_1221 = arith.index_cast %get3A_1220 : i32 to index
        %get3A_1222 = arith.index_cast %mul3A_1219 : i32 to index
        %get3A_1223 = tpu.vector_load %arg4[%get3A_1221, %get3A_1222] {strides = array<i32>} : memref<64x128xf32, #tpu.memory_space<vmem>>, vector<16xf32>,
        tpu.vector_store_idx %arg8[%add3A_809, %broadcast_in_dim3A_1217], %get3A_1223 : memref<128x128xf32, #tpu.memory_space<vmem>>[vector<16xi32>, vector<16xi32>], vector<16xf32>,
        %add3A_1224 = arith.constant 64 : i32
        %add3A_1225 = vector.broadcast %add3A_1224 : i32 to vector<16xi32>
        %add3A_1226 = arith.addi %broadcast_in_dim3A_1217, %add3A_1225 : vector<16xi32>
        %mul3A_1227 = arith.constant 16 : i32
        %mul3A_1228 = arith.muli %add3A_805, %mul3A_1227 : i32
        %get3A_1229 = arith.constant 24 : i32
        %get3A_1230 = arith.index_cast %get3A_1229 : i32 to index
        %get3A_1231 = arith.index_cast %mul3A_1228 : i32 to index
        %get3A_1232 = tpu.vector_load %arg5[%get3A_1230, %get3A_1231] {strides = array<i32>} : memref<64x128xf32, #tpu.memory_space<vmem>>, vector<16xf32>,
        tpu.vector_store_idx %arg8[%add3A_809, %add3A_1226], %get3A_1232 : memref<128x128xf32, #tpu.memory_space<vmem>>[vector<16xi32>, vector<16xi32>], vector<16xf32>,
        %broadcast_in_dim3A_1233 = arith.constant 25 : i32
        %broadcast_in_dim3A_1234 = vector.broadcast %broadcast_in_dim3A_1233 : i32 to vector<16xi32>
        %mul3A_1235 = arith.constant 16 : i32
        %mul3A_1236 = arith.muli %add3A_805, %mul3A_1235 : i32
        %get3A_1237 = arith.constant 25 : i32
        %get3A_1238 = arith.index_cast %get3A_1237 : i32 to index
        %get3A_1239 = arith.index_cast %mul3A_1236 : i32 to index
        %get3A_1240 = tpu.vector_load %arg4[%get3A_1238, %get3A_1239] {strides = array<i32>} : memref<64x128xf32, #tpu.memory_space<vmem>>, vector<16xf32>,
        tpu.vector_store_idx %arg8[%add3A_809, %broadcast_in_dim3A_1234], %get3A_1240 : memref<128x128xf32, #tpu.memory_space<vmem>>[vector<16xi32>, vector<16xi32>], vector<16xf32>,
        %add3A_1241 = arith.constant 64 : i32
        %add3A_1242 = vector.broadcast %add3A_1241 : i32 to vector<16xi32>
        %add3A_1243 = arith.addi %broadcast_in_dim3A_1234, %add3A_1242 : vector<16xi32>
        %mul3A_1244 = arith.constant 16 : i32
        %mul3A_1245 = arith.muli %add3A_805, %mul3A_1244 : i32
        %get3A_1246 = arith.constant 25 : i32
        %get3A_1247 = arith.index_cast %get3A_1246 : i32 to index
        %get3A_1248 = arith.index_cast %mul3A_1245 : i32 to index
        %get3A_1249 = tpu.vector_load %arg5[%get3A_1247, %get3A_1248] {strides = array<i32>} : memref<64x128xf32, #tpu.memory_space<vmem>>, vector<16xf32>,
        tpu.vector_store_idx %arg8[%add3A_809, %add3A_1243], %get3A_1249 : memref<128x128xf32, #tpu.memory_space<vmem>>[vector<16xi32>, vector<16xi32>], vector<16xf32>,
        %broadcast_in_dim3A_1250 = arith.constant 26 : i32
        %broadcast_in_dim3A_1251 = vector.broadcast %broadcast_in_dim3A_1250 : i32 to vector<16xi32>
        %mul3A_1252 = arith.constant 16 : i32
        %mul3A_1253 = arith.muli %add3A_805, %mul3A_1252 : i32
        %get3A_1254 = arith.constant 26 : i32
        %get3A_1255 = arith.index_cast %get3A_1254 : i32 to index
        %get3A_1256 = arith.index_cast %mul3A_1253 : i32 to index
        %get3A_1257 = tpu.vector_load %arg4[%get3A_1255, %get3A_1256] {strides = array<i32>} : memref<64x128xf32, #tpu.memory_space<vmem>>, vector<16xf32>,
        tpu.vector_store_idx %arg8[%add3A_809, %broadcast_in_dim3A_1251], %get3A_1257 : memref<128x128xf32, #tpu.memory_space<vmem>>[vector<16xi32>, vector<16xi32>], vector<16xf32>,
        %add3A_1258 = arith.constant 64 : i32
        %add3A_1259 = vector.broadcast %add3A_1258 : i32 to vector<16xi32>
        %add3A_1260 = arith.addi %broadcast_in_dim3A_1251, %add3A_1259 : vector<16xi32>
        %mul3A_1261 = arith.constant 16 : i32
        %mul3A_1262 = arith.muli %add3A_805, %mul3A_1261 : i32
        %get3A_1263 = arith.constant 26 : i32
        %get3A_1264 = arith.index_cast %get3A_1263 : i32 to index
        %get3A_1265 = arith.index_cast %mul3A_1262 : i32 to index
        %get3A_1266 = tpu.vector_load %arg5[%get3A_1264, %get3A_1265] {strides = array<i32>} : memref<64x128xf32, #tpu.memory_space<vmem>>, vector<16xf32>,
        tpu.vector_store_idx %arg8[%add3A_809, %add3A_1260], %get3A_1266 : memref<128x128xf32, #tpu.memory_space<vmem>>[vector<16xi32>, vector<16xi32>], vector<16xf32>,
        %broadcast_in_dim3A_1267 = arith.constant 27 : i32
        %broadcast_in_dim3A_1268 = vector.broadcast %broadcast_in_dim3A_1267 : i32 to vector<16xi32>
        %mul3A_1269 = arith.constant 16 : i32
        %mul3A_1270 = arith.muli %add3A_805, %mul3A_1269 : i32
        %get3A_1271 = arith.constant 27 : i32
        %get3A_1272 = arith.index_cast %get3A_1271 : i32 to index
        %get3A_1273 = arith.index_cast %mul3A_1270 : i32 to index
        %get3A_1274 = tpu.vector_load %arg4[%get3A_1272, %get3A_1273] {strides = array<i32>} : memref<64x128xf32, #tpu.memory_space<vmem>>, vector<16xf32>,
        tpu.vector_store_idx %arg8[%add3A_809, %broadcast_in_dim3A_1268], %get3A_1274 : memref<128x128xf32, #tpu.memory_space<vmem>>[vector<16xi32>, vector<16xi32>], vector<16xf32>,
        %add3A_1275 = arith.constant 64 : i32
        %add3A_1276 = vector.broadcast %add3A_1275 : i32 to vector<16xi32>
        %add3A_1277 = arith.addi %broadcast_in_dim3A_1268, %add3A_1276 : vector<16xi32>
        %mul3A_1278 = arith.constant 16 : i32
        %mul3A_1279 = arith.muli %add3A_805, %mul3A_1278 : i32
        %get3A_1280 = arith.constant 27 : i32
        %get3A_1281 = arith.index_cast %get3A_1280 : i32 to index
        %get3A_1282 = arith.index_cast %mul3A_1279 : i32 to index
        %get3A_1283 = tpu.vector_load %arg5[%get3A_1281, %get3A_1282] {strides = array<i32>} : memref<64x128xf32, #tpu.memory_space<vmem>>, vector<16xf32>,
        tpu.vector_store_idx %arg8[%add3A_809, %add3A_1277], %get3A_1283 : memref<128x128xf32, #tpu.memory_space<vmem>>[vector<16xi32>, vector<16xi32>], vector<16xf32>,
        %broadcast_in_dim3A_1284 = arith.constant 28 : i32
        %broadcast_in_dim3A_1285 = vector.broadcast %broadcast_in_dim3A_1284 : i32 to vector<16xi32>
        %mul3A_1286 = arith.constant 16 : i32
        %mul3A_1287 = arith.muli %add3A_805, %mul3A_1286 : i32
        %get3A_1288 = arith.constant 28 : i32
        %get3A_1289 = arith.index_cast %get3A_1288 : i32 to index
        %get3A_1290 = arith.index_cast %mul3A_1287 : i32 to index
        %get3A_1291 = tpu.vector_load %arg4[%get3A_1289, %get3A_1290] {strides = array<i32>} : memref<64x128xf32, #tpu.memory_space<vmem>>, vector<16xf32>,
        tpu.vector_store_idx %arg8[%add3A_809, %broadcast_in_dim3A_1285], %get3A_1291 : memref<128x128xf32, #tpu.memory_space<vmem>>[vector<16xi32>, vector<16xi32>], vector<16xf32>,
        %add3A_1292 = arith.constant 64 : i32
        %add3A_1293 = vector.broadcast %add3A_1292 : i32 to vector<16xi32>
        %add3A_1294 = arith.addi %broadcast_in_dim3A_1285, %add3A_1293 : vector<16xi32>
        %mul3A_1295 = arith.constant 16 : i32
        %mul3A_1296 = arith.muli %add3A_805, %mul3A_1295 : i32
        %get3A_1297 = arith.constant 28 : i32
        %get3A_1298 = arith.index_cast %get3A_1297 : i32 to index
        %get3A_1299 = arith.index_cast %mul3A_1296 : i32 to index
        %get3A_1300 = tpu.vector_load %arg5[%get3A_1298, %get3A_1299] {strides = array<i32>} : memref<64x128xf32, #tpu.memory_space<vmem>>, vector<16xf32>,
        tpu.vector_store_idx %arg8[%add3A_809, %add3A_1294], %get3A_1300 : memref<128x128xf32, #tpu.memory_space<vmem>>[vector<16xi32>, vector<16xi32>], vector<16xf32>,
        %broadcast_in_dim3A_1301 = arith.constant 29 : i32
        %broadcast_in_dim3A_1302 = vector.broadcast %broadcast_in_dim3A_1301 : i32 to vector<16xi32>
        %mul3A_1303 = arith.constant 16 : i32
        %mul3A_1304 = arith.muli %add3A_805, %mul3A_1303 : i32
        %get3A_1305 = arith.constant 29 : i32
        %get3A_1306 = arith.index_cast %get3A_1305 : i32 to index
        %get3A_1307 = arith.index_cast %mul3A_1304 : i32 to index
        %get3A_1308 = tpu.vector_load %arg4[%get3A_1306, %get3A_1307] {strides = array<i32>} : memref<64x128xf32, #tpu.memory_space<vmem>>, vector<16xf32>,
        tpu.vector_store_idx %arg8[%add3A_809, %broadcast_in_dim3A_1302], %get3A_1308 : memref<128x128xf32, #tpu.memory_space<vmem>>[vector<16xi32>, vector<16xi32>], vector<16xf32>,
        %add3A_1309 = arith.constant 64 : i32
        %add3A_1310 = vector.broadcast %add3A_1309 : i32 to vector<16xi32>
        %add3A_1311 = arith.addi %broadcast_in_dim3A_1302, %add3A_1310 : vector<16xi32>
        %mul3A_1312 = arith.constant 16 : i32
        %mul3A_1313 = arith.muli %add3A_805, %mul3A_1312 : i32
        %get3A_1314 = arith.constant 29 : i32
        %get3A_1315 = arith.index_cast %get3A_1314 : i32 to index
        %get3A_1316 = arith.index_cast %mul3A_1313 : i32 to index
        %get3A_1317 = tpu.vector_load %arg5[%get3A_1315, %get3A_1316] {strides = array<i32>} : memref<64x128xf32, #tpu.memory_space<vmem>>, vector<16xf32>,
        tpu.vector_store_idx %arg8[%add3A_809, %add3A_1311], %get3A_1317 : memref<128x128xf32, #tpu.memory_space<vmem>>[vector<16xi32>, vector<16xi32>], vector<16xf32>,
        %broadcast_in_dim3A_1318 = arith.constant 30 : i32
        %broadcast_in_dim3A_1319 = vector.broadcast %broadcast_in_dim3A_1318 : i32 to vector<16xi32>
        %mul3A_1320 = arith.constant 16 : i32
        %mul3A_1321 = arith.muli %add3A_805, %mul3A_1320 : i32
        %get3A_1322 = arith.constant 30 : i32
        %get3A_1323 = arith.index_cast %get3A_1322 : i32 to index
        %get3A_1324 = arith.index_cast %mul3A_1321 : i32 to index
        %get3A_1325 = tpu.vector_load %arg4[%get3A_1323, %get3A_1324] {strides = array<i32>} : memref<64x128xf32, #tpu.memory_space<vmem>>, vector<16xf32>,
        tpu.vector_store_idx %arg8[%add3A_809, %broadcast_in_dim3A_1319], %get3A_1325 : memref<128x128xf32, #tpu.memory_space<vmem>>[vector<16xi32>, vector<16xi32>], vector<16xf32>,
        %add3A_1326 = arith.constant 64 : i32
        %add3A_1327 = vector.broadcast %add3A_1326 : i32 to vector<16xi32>
        %add3A_1328 = arith.addi %broadcast_in_dim3A_1319, %add3A_1327 : vector<16xi32>
        %mul3A_1329 = arith.constant 16 : i32
        %mul3A_1330 = arith.muli %add3A_805, %mul3A_1329 : i32
        %get3A_1331 = arith.constant 30 : i32
        %get3A_1332 = arith.index_cast %get3A_1331 : i32 to index
        %get3A_1333 = arith.index_cast %mul3A_1330 : i32 to index
        %get3A_1334 = tpu.vector_load %arg5[%get3A_1332, %get3A_1333] {strides = array<i32>} : memref<64x128xf32, #tpu.memory_space<vmem>>, vector<16xf32>,
        tpu.vector_store_idx %arg8[%add3A_809, %add3A_1328], %get3A_1334 : memref<128x128xf32, #tpu.memory_space<vmem>>[vector<16xi32>, vector<16xi32>], vector<16xf32>,
        %broadcast_in_dim3A_1335 = arith.constant 31 : i32
        %broadcast_in_dim3A_1336 = vector.broadcast %broadcast_in_dim3A_1335 : i32 to vector<16xi32>
        %mul3A_1337 = arith.constant 16 : i32
        %mul3A_1338 = arith.muli %add3A_805, %mul3A_1337 : i32
        %get3A_1339 = arith.constant 31 : i32
        %get3A_1340 = arith.index_cast %get3A_1339 : i32 to index
        %get3A_1341 = arith.index_cast %mul3A_1338 : i32 to index
        %get3A_1342 = tpu.vector_load %arg4[%get3A_1340, %get3A_1341] {strides = array<i32>} : memref<64x128xf32, #tpu.memory_space<vmem>>, vector<16xf32>,
        tpu.vector_store_idx %arg8[%add3A_809, %broadcast_in_dim3A_1336], %get3A_1342 : memref<128x128xf32, #tpu.memory_space<vmem>>[vector<16xi32>, vector<16xi32>], vector<16xf32>,
        %add3A_1343 = arith.constant 64 : i32
        %add3A_1344 = vector.broadcast %add3A_1343 : i32 to vector<16xi32>
        %add3A_1345 = arith.addi %broadcast_in_dim3A_1336, %add3A_1344 : vector<16xi32>
        %mul3A_1346 = arith.constant 16 : i32
        %mul3A_1347 = arith.muli %add3A_805, %mul3A_1346 : i32
        %get3A_1348 = arith.constant 31 : i32
        %get3A_1349 = arith.index_cast %get3A_1348 : i32 to index
        %get3A_1350 = arith.index_cast %mul3A_1347 : i32 to index
        %get3A_1351 = tpu.vector_load %arg5[%get3A_1349, %get3A_1350] {strides = array<i32>} : memref<64x128xf32, #tpu.memory_space<vmem>>, vector<16xf32>,
        tpu.vector_store_idx %arg8[%add3A_809, %add3A_1345], %get3A_1351 : memref<128x128xf32, #tpu.memory_space<vmem>>[vector<16xi32>, vector<16xi32>], vector<16xf32>,
        %broadcast_in_dim3A_1352 = arith.constant 32 : i32
        %broadcast_in_dim3A_1353 = vector.broadcast %broadcast_in_dim3A_1352 : i32 to vector<16xi32>
        %mul3A_1354 = arith.constant 16 : i32
        %mul3A_1355 = arith.muli %add3A_805, %mul3A_1354 : i32
        %get3A_1356 = arith.constant 32 : i32
        %get3A_1357 = arith.index_cast %get3A_1356 : i32 to index
        %get3A_1358 = arith.index_cast %mul3A_1355 : i32 to index
        %get3A_1359 = tpu.vector_load %arg4[%get3A_1357, %get3A_1358] {strides = array<i32>} : memref<64x128xf32, #tpu.memory_space<vmem>>, vector<16xf32>,
        tpu.vector_store_idx %arg8[%add3A_809, %broadcast_in_dim3A_1353], %get3A_1359 : memref<128x128xf32, #tpu.memory_space<vmem>>[vector<16xi32>, vector<16xi32>], vector<16xf32>,
        %add3A_1360 = arith.constant 64 : i32
        %add3A_1361 = vector.broadcast %add3A_1360 : i32 to vector<16xi32>
        %add3A_1362 = arith.addi %broadcast_in_dim3A_1353, %add3A_1361 : vector<16xi32>
        %mul3A_1363 = arith.constant 16 : i32
        %mul3A_1364 = arith.muli %add3A_805, %mul3A_1363 : i32
        %get3A_1365 = arith.constant 32 : i32
        %get3A_1366 = arith.index_cast %get3A_1365 : i32 to index
        %get3A_1367 = arith.index_cast %mul3A_1364 : i32 to index
        %get3A_1368 = tpu.vector_load %arg5[%get3A_1366, %get3A_1367] {strides = array<i32>} : memref<64x128xf32, #tpu.memory_space<vmem>>, vector<16xf32>,
        tpu.vector_store_idx %arg8[%add3A_809, %add3A_1362], %get3A_1368 : memref<128x128xf32, #tpu.memory_space<vmem>>[vector<16xi32>, vector<16xi32>], vector<16xf32>,
        %broadcast_in_dim3A_1369 = arith.constant 33 : i32
        %broadcast_in_dim3A_1370 = vector.broadcast %broadcast_in_dim3A_1369 : i32 to vector<16xi32>
        %mul3A_1371 = arith.constant 16 : i32
        %mul3A_1372 = arith.muli %add3A_805, %mul3A_1371 : i32
        %get3A_1373 = arith.constant 33 : i32
        %get3A_1374 = arith.index_cast %get3A_1373 : i32 to index
        %get3A_1375 = arith.index_cast %mul3A_1372 : i32 to index
        %get3A_1376 = tpu.vector_load %arg4[%get3A_1374, %get3A_1375] {strides = array<i32>} : memref<64x128xf32, #tpu.memory_space<vmem>>, vector<16xf32>,
        tpu.vector_store_idx %arg8[%add3A_809, %broadcast_in_dim3A_1370], %get3A_1376 : memref<128x128xf32, #tpu.memory_space<vmem>>[vector<16xi32>, vector<16xi32>], vector<16xf32>,
        %add3A_1377 = arith.constant 64 : i32
        %add3A_1378 = vector.broadcast %add3A_1377 : i32 to vector<16xi32>
        %add3A_1379 = arith.addi %broadcast_in_dim3A_1370, %add3A_1378 : vector<16xi32>
        %mul3A_1380 = arith.constant 16 : i32
        %mul3A_1381 = arith.muli %add3A_805, %mul3A_1380 : i32
        %get3A_1382 = arith.constant 33 : i32
        %get3A_1383 = arith.index_cast %get3A_1382 : i32 to index
        %get3A_1384 = arith.index_cast %mul3A_1381 : i32 to index
        %get3A_1385 = tpu.vector_load %arg5[%get3A_1383, %get3A_1384] {strides = array<i32>} : memref<64x128xf32, #tpu.memory_space<vmem>>, vector<16xf32>,
        tpu.vector_store_idx %arg8[%add3A_809, %add3A_1379], %get3A_1385 : memref<128x128xf32, #tpu.memory_space<vmem>>[vector<16xi32>, vector<16xi32>], vector<16xf32>,
        %broadcast_in_dim3A_1386 = arith.constant 34 : i32
        %broadcast_in_dim3A_1387 = vector.broadcast %broadcast_in_dim3A_1386 : i32 to vector<16xi32>
        %mul3A_1388 = arith.constant 16 : i32
        %mul3A_1389 = arith.muli %add3A_805, %mul3A_1388 : i32
        %get3A_1390 = arith.constant 34 : i32
        %get3A_1391 = arith.index_cast %get3A_1390 : i32 to index
        %get3A_1392 = arith.index_cast %mul3A_1389 : i32 to index
        %get3A_1393 = tpu.vector_load %arg4[%get3A_1391, %get3A_1392] {strides = array<i32>} : memref<64x128xf32, #tpu.memory_space<vmem>>, vector<16xf32>,
        tpu.vector_store_idx %arg8[%add3A_809, %broadcast_in_dim3A_1387], %get3A_1393 : memref<128x128xf32, #tpu.memory_space<vmem>>[vector<16xi32>, vector<16xi32>], vector<16xf32>,
        %add3A_1394 = arith.constant 64 : i32
        %add3A_1395 = vector.broadcast %add3A_1394 : i32 to vector<16xi32>
        %add3A_1396 = arith.addi %broadcast_in_dim3A_1387, %add3A_1395 : vector<16xi32>
        %mul3A_1397 = arith.constant 16 : i32
        %mul3A_1398 = arith.muli %add3A_805, %mul3A_1397 : i32
        %get3A_1399 = arith.constant 34 : i32
        %get3A_1400 = arith.index_cast %get3A_1399 : i32 to index
        %get3A_1401 = arith.index_cast %mul3A_1398 : i32 to index
        %get3A_1402 = tpu.vector_load %arg5[%get3A_1400, %get3A_1401] {strides = array<i32>} : memref<64x128xf32, #tpu.memory_space<vmem>>, vector<16xf32>,
        tpu.vector_store_idx %arg8[%add3A_809, %add3A_1396], %get3A_1402 : memref<128x128xf32, #tpu.memory_space<vmem>>[vector<16xi32>, vector<16xi32>], vector<16xf32>,
        %broadcast_in_dim3A_1403 = arith.constant 35 : i32
        %broadcast_in_dim3A_1404 = vector.broadcast %broadcast_in_dim3A_1403 : i32 to vector<16xi32>
        %mul3A_1405 = arith.constant 16 : i32
        %mul3A_1406 = arith.muli %add3A_805, %mul3A_1405 : i32
        %get3A_1407 = arith.constant 35 : i32
        %get3A_1408 = arith.index_cast %get3A_1407 : i32 to index
        %get3A_1409 = arith.index_cast %mul3A_1406 : i32 to index
        %get3A_1410 = tpu.vector_load %arg4[%get3A_1408, %get3A_1409] {strides = array<i32>} : memref<64x128xf32, #tpu.memory_space<vmem>>, vector<16xf32>,
        tpu.vector_store_idx %arg8[%add3A_809, %broadcast_in_dim3A_1404], %get3A_1410 : memref<128x128xf32, #tpu.memory_space<vmem>>[vector<16xi32>, vector<16xi32>], vector<16xf32>,
        %add3A_1411 = arith.constant 64 : i32
        %add3A_1412 = vector.broadcast %add3A_1411 : i32 to vector<16xi32>
        %add3A_1413 = arith.addi %broadcast_in_dim3A_1404, %add3A_1412 : vector<16xi32>
        %mul3A_1414 = arith.constant 16 : i32
        %mul3A_1415 = arith.muli %add3A_805, %mul3A_1414 : i32
        %get3A_1416 = arith.constant 35 : i32
        %get3A_1417 = arith.index_cast %get3A_1416 : i32 to index
        %get3A_1418 = arith.index_cast %mul3A_1415 : i32 to index
        %get3A_1419 = tpu.vector_load %arg5[%get3A_1417, %get3A_1418] {strides = array<i32>} : memref<64x128xf32, #tpu.memory_space<vmem>>, vector<16xf32>,
        tpu.vector_store_idx %arg8[%add3A_809, %add3A_1413], %get3A_1419 : memref<128x128xf32, #tpu.memory_space<vmem>>[vector<16xi32>, vector<16xi32>], vector<16xf32>,
        %broadcast_in_dim3A_1420 = arith.constant 36 : i32
        %broadcast_in_dim3A_1421 = vector.broadcast %broadcast_in_dim3A_1420 : i32 to vector<16xi32>
        %mul3A_1422 = arith.constant 16 : i32
        %mul3A_1423 = arith.muli %add3A_805, %mul3A_1422 : i32
        %get3A_1424 = arith.constant 36 : i32
        %get3A_1425 = arith.index_cast %get3A_1424 : i32 to index
        %get3A_1426 = arith.index_cast %mul3A_1423 : i32 to index
        %get3A_1427 = tpu.vector_load %arg4[%get3A_1425, %get3A_1426] {strides = array<i32>} : memref<64x128xf32, #tpu.memory_space<vmem>>, vector<16xf32>,
        tpu.vector_store_idx %arg8[%add3A_809, %broadcast_in_dim3A_1421], %get3A_1427 : memref<128x128xf32, #tpu.memory_space<vmem>>[vector<16xi32>, vector<16xi32>], vector<16xf32>,
        %add3A_1428 = arith.constant 64 : i32
        %add3A_1429 = vector.broadcast %add3A_1428 : i32 to vector<16xi32>
        %add3A_1430 = arith.addi %broadcast_in_dim3A_1421, %add3A_1429 : vector<16xi32>
        %mul3A_1431 = arith.constant 16 : i32
        %mul3A_1432 = arith.muli %add3A_805, %mul3A_1431 : i32
        %get3A_1433 = arith.constant 36 : i32
        %get3A_1434 = arith.index_cast %get3A_1433 : i32 to index
        %get3A_1435 = arith.index_cast %mul3A_1432 : i32 to index
        %get3A_1436 = tpu.vector_load %arg5[%get3A_1434, %get3A_1435] {strides = array<i32>} : memref<64x128xf32, #tpu.memory_space<vmem>>, vector<16xf32>,
        tpu.vector_store_idx %arg8[%add3A_809, %add3A_1430], %get3A_1436 : memref<128x128xf32, #tpu.memory_space<vmem>>[vector<16xi32>, vector<16xi32>], vector<16xf32>,
        %broadcast_in_dim3A_1437 = arith.constant 37 : i32
        %broadcast_in_dim3A_1438 = vector.broadcast %broadcast_in_dim3A_1437 : i32 to vector<16xi32>
        %mul3A_1439 = arith.constant 16 : i32
        %mul3A_1440 = arith.muli %add3A_805, %mul3A_1439 : i32
        %get3A_1441 = arith.constant 37 : i32
        %get3A_1442 = arith.index_cast %get3A_1441 : i32 to index
        %get3A_1443 = arith.index_cast %mul3A_1440 : i32 to index
        %get3A_1444 = tpu.vector_load %arg4[%get3A_1442, %get3A_1443] {strides = array<i32>} : memref<64x128xf32, #tpu.memory_space<vmem>>, vector<16xf32>,
        tpu.vector_store_idx %arg8[%add3A_809, %broadcast_in_dim3A_1438], %get3A_1444 : memref<128x128xf32, #tpu.memory_space<vmem>>[vector<16xi32>, vector<16xi32>], vector<16xf32>,
        %add3A_1445 = arith.constant 64 : i32
        %add3A_1446 = vector.broadcast %add3A_1445 : i32 to vector<16xi32>
        %add3A_1447 = arith.addi %broadcast_in_dim3A_1438, %add3A_1446 : vector<16xi32>
        %mul3A_1448 = arith.constant 16 : i32
        %mul3A_1449 = arith.muli %add3A_805, %mul3A_1448 : i32
        %get3A_1450 = arith.constant 37 : i32
        %get3A_1451 = arith.index_cast %get3A_1450 : i32 to index
        %get3A_1452 = arith.index_cast %mul3A_1449 : i32 to index
        %get3A_1453 = tpu.vector_load %arg5[%get3A_1451, %get3A_1452] {strides = array<i32>} : memref<64x128xf32, #tpu.memory_space<vmem>>, vector<16xf32>,
        tpu.vector_store_idx %arg8[%add3A_809, %add3A_1447], %get3A_1453 : memref<128x128xf32, #tpu.memory_space<vmem>>[vector<16xi32>, vector<16xi32>], vector<16xf32>,
        %broadcast_in_dim3A_1454 = arith.constant 38 : i32
        %broadcast_in_dim3A_1455 = vector.broadcast %broadcast_in_dim3A_1454 : i32 to vector<16xi32>
        %mul3A_1456 = arith.constant 16 : i32
        %mul3A_1457 = arith.muli %add3A_805, %mul3A_1456 : i32
        %get3A_1458 = arith.constant 38 : i32
        %get3A_1459 = arith.index_cast %get3A_1458 : i32 to index
        %get3A_1460 = arith.index_cast %mul3A_1457 : i32 to index
        %get3A_1461 = tpu.vector_load %arg4[%get3A_1459, %get3A_1460] {strides = array<i32>} : memref<64x128xf32, #tpu.memory_space<vmem>>, vector<16xf32>,
        tpu.vector_store_idx %arg8[%add3A_809, %broadcast_in_dim3A_1455], %get3A_1461 : memref<128x128xf32, #tpu.memory_space<vmem>>[vector<16xi32>, vector<16xi32>], vector<16xf32>,
        %add3A_1462 = arith.constant 64 : i32
        %add3A_1463 = vector.broadcast %add3A_1462 : i32 to vector<16xi32>
        %add3A_1464 = arith.addi %broadcast_in_dim3A_1455, %add3A_1463 : vector<16xi32>
        %mul3A_1465 = arith.constant 16 : i32
        %mul3A_1466 = arith.muli %add3A_805, %mul3A_1465 : i32
        %get3A_1467 = arith.constant 38 : i32
        %get3A_1468 = arith.index_cast %get3A_1467 : i32 to index
        %get3A_1469 = arith.index_cast %mul3A_1466 : i32 to index
        %get3A_1470 = tpu.vector_load %arg5[%get3A_1468, %get3A_1469] {strides = array<i32>} : memref<64x128xf32, #tpu.memory_space<vmem>>, vector<16xf32>,
        tpu.vector_store_idx %arg8[%add3A_809, %add3A_1464], %get3A_1470 : memref<128x128xf32, #tpu.memory_space<vmem>>[vector<16xi32>, vector<16xi32>], vector<16xf32>,
        %broadcast_in_dim3A_1471 = arith.constant 39 : i32
        %broadcast_in_dim3A_1472 = vector.broadcast %broadcast_in_dim3A_1471 : i32 to vector<16xi32>
        %mul3A_1473 = arith.constant 16 : i32
        %mul3A_1474 = arith.muli %add3A_805, %mul3A_1473 : i32
        %get3A_1475 = arith.constant 39 : i32
        %get3A_1476 = arith.index_cast %get3A_1475 : i32 to index
        %get3A_1477 = arith.index_cast %mul3A_1474 : i32 to index
        %get3A_1478 = tpu.vector_load %arg4[%get3A_1476, %get3A_1477] {strides = array<i32>} : memref<64x128xf32, #tpu.memory_space<vmem>>, vector<16xf32>,
        tpu.vector_store_idx %arg8[%add3A_809, %broadcast_in_dim3A_1472], %get3A_1478 : memref<128x128xf32, #tpu.memory_space<vmem>>[vector<16xi32>, vector<16xi32>], vector<16xf32>,
        %add3A_1479 = arith.constant 64 : i32
        %add3A_1480 = vector.broadcast %add3A_1479 : i32 to vector<16xi32>
        %add3A_1481 = arith.addi %broadcast_in_dim3A_1472, %add3A_1480 : vector<16xi32>
        %mul3A_1482 = arith.constant 16 : i32
        %mul3A_1483 = arith.muli %add3A_805, %mul3A_1482 : i32
        %get3A_1484 = arith.constant 39 : i32
        %get3A_1485 = arith.index_cast %get3A_1484 : i32 to index
        %get3A_1486 = arith.index_cast %mul3A_1483 : i32 to index
        %get3A_1487 = tpu.vector_load %arg5[%get3A_1485, %get3A_1486] {strides = array<i32>} : memref<64x128xf32, #tpu.memory_space<vmem>>, vector<16xf32>,
        tpu.vector_store_idx %arg8[%add3A_809, %add3A_1481], %get3A_1487 : memref<128x128xf32, #tpu.memory_space<vmem>>[vector<16xi32>, vector<16xi32>], vector<16xf32>,
        %broadcast_in_dim3A_1488 = arith.constant 40 : i32
        %broadcast_in_dim3A_1489 = vector.broadcast %broadcast_in_dim3A_1488 : i32 to vector<16xi32>
        %mul3A_1490 = arith.constant 16 : i32
        %mul3A_1491 = arith.muli %add3A_805, %mul3A_1490 : i32
        %get3A_1492 = arith.constant 40 : i32
        %get3A_1493 = arith.index_cast %get3A_1492 : i32 to index
        %get3A_1494 = arith.index_cast %mul3A_1491 : i32 to index
        %get3A_1495 = tpu.vector_load %arg4[%get3A_1493, %get3A_1494] {strides = array<i32>} : memref<64x128xf32, #tpu.memory_space<vmem>>, vector<16xf32>,
        tpu.vector_store_idx %arg8[%add3A_809, %broadcast_in_dim3A_1489], %get3A_1495 : memref<128x128xf32, #tpu.memory_space<vmem>>[vector<16xi32>, vector<16xi32>], vector<16xf32>,
        %add3A_1496 = arith.constant 64 : i32
        %add3A_1497 = vector.broadcast %add3A_1496 : i32 to vector<16xi32>
        %add3A_1498 = arith.addi %broadcast_in_dim3A_1489, %add3A_1497 : vector<16xi32>
        %mul3A_1499 = arith.constant 16 : i32
        %mul3A_1500 = arith.muli %add3A_805, %mul3A_1499 : i32
        %get3A_1501 = arith.constant 40 : i32
        %get3A_1502 = arith.index_cast %get3A_1501 : i32 to index
        %get3A_1503 = arith.index_cast %mul3A_1500 : i32 to index
        %get3A_1504 = tpu.vector_load %arg5[%get3A_1502, %get3A_1503] {strides = array<i32>} : memref<64x128xf32, #tpu.memory_space<vmem>>, vector<16xf32>,
        tpu.vector_store_idx %arg8[%add3A_809, %add3A_1498], %get3A_1504 : memref<128x128xf32, #tpu.memory_space<vmem>>[vector<16xi32>, vector<16xi32>], vector<16xf32>,
        %broadcast_in_dim3A_1505 = arith.constant 41 : i32
        %broadcast_in_dim3A_1506 = vector.broadcast %broadcast_in_dim3A_1505 : i32 to vector<16xi32>
        %mul3A_1507 = arith.constant 16 : i32
        %mul3A_1508 = arith.muli %add3A_805, %mul3A_1507 : i32
        %get3A_1509 = arith.constant 41 : i32
        %get3A_1510 = arith.index_cast %get3A_1509 : i32 to index
        %get3A_1511 = arith.index_cast %mul3A_1508 : i32 to index
        %get3A_1512 = tpu.vector_load %arg4[%get3A_1510, %get3A_1511] {strides = array<i32>} : memref<64x128xf32, #tpu.memory_space<vmem>>, vector<16xf32>,
        tpu.vector_store_idx %arg8[%add3A_809, %broadcast_in_dim3A_1506], %get3A_1512 : memref<128x128xf32, #tpu.memory_space<vmem>>[vector<16xi32>, vector<16xi32>], vector<16xf32>,
        %add3A_1513 = arith.constant 64 : i32
        %add3A_1514 = vector.broadcast %add3A_1513 : i32 to vector<16xi32>
        %add3A_1515 = arith.addi %broadcast_in_dim3A_1506, %add3A_1514 : vector<16xi32>
        %mul3A_1516 = arith.constant 16 : i32
        %mul3A_1517 = arith.muli %add3A_805, %mul3A_1516 : i32
        %get3A_1518 = arith.constant 41 : i32
        %get3A_1519 = arith.index_cast %get3A_1518 : i32 to index
        %get3A_1520 = arith.index_cast %mul3A_1517 : i32 to index
        %get3A_1521 = tpu.vector_load %arg5[%get3A_1519, %get3A_1520] {strides = array<i32>} : memref<64x128xf32, #tpu.memory_space<vmem>>, vector<16xf32>,
        tpu.vector_store_idx %arg8[%add3A_809, %add3A_1515], %get3A_1521 : memref<128x128xf32, #tpu.memory_space<vmem>>[vector<16xi32>, vector<16xi32>], vector<16xf32>,
        %broadcast_in_dim3A_1522 = arith.constant 42 : i32
        %broadcast_in_dim3A_1523 = vector.broadcast %broadcast_in_dim3A_1522 : i32 to vector<16xi32>
        %mul3A_1524 = arith.constant 16 : i32
        %mul3A_1525 = arith.muli %add3A_805, %mul3A_1524 : i32
        %get3A_1526 = arith.constant 42 : i32
        %get3A_1527 = arith.index_cast %get3A_1526 : i32 to index
        %get3A_1528 = arith.index_cast %mul3A_1525 : i32 to index
        %get3A_1529 = tpu.vector_load %arg4[%get3A_1527, %get3A_1528] {strides = array<i32>} : memref<64x128xf32, #tpu.memory_space<vmem>>, vector<16xf32>,
        tpu.vector_store_idx %arg8[%add3A_809, %broadcast_in_dim3A_1523], %get3A_1529 : memref<128x128xf32, #tpu.memory_space<vmem>>[vector<16xi32>, vector<16xi32>], vector<16xf32>,
        %add3A_1530 = arith.constant 64 : i32
        %add3A_1531 = vector.broadcast %add3A_1530 : i32 to vector<16xi32>
        %add3A_1532 = arith.addi %broadcast_in_dim3A_1523, %add3A_1531 : vector<16xi32>
        %mul3A_1533 = arith.constant 16 : i32
        %mul3A_1534 = arith.muli %add3A_805, %mul3A_1533 : i32
        %get3A_1535 = arith.constant 42 : i32
        %get3A_1536 = arith.index_cast %get3A_1535 : i32 to index
        %get3A_1537 = arith.index_cast %mul3A_1534 : i32 to index
        %get3A_1538 = tpu.vector_load %arg5[%get3A_1536, %get3A_1537] {strides = array<i32>} : memref<64x128xf32, #tpu.memory_space<vmem>>, vector<16xf32>,
        tpu.vector_store_idx %arg8[%add3A_809, %add3A_1532], %get3A_1538 : memref<128x128xf32, #tpu.memory_space<vmem>>[vector<16xi32>, vector<16xi32>], vector<16xf32>,
        %broadcast_in_dim3A_1539 = arith.constant 43 : i32
        %broadcast_in_dim3A_1540 = vector.broadcast %broadcast_in_dim3A_1539 : i32 to vector<16xi32>
        %mul3A_1541 = arith.constant 16 : i32
        %mul3A_1542 = arith.muli %add3A_805, %mul3A_1541 : i32
        %get3A_1543 = arith.constant 43 : i32
        %get3A_1544 = arith.index_cast %get3A_1543 : i32 to index
        %get3A_1545 = arith.index_cast %mul3A_1542 : i32 to index
        %get3A_1546 = tpu.vector_load %arg4[%get3A_1544, %get3A_1545] {strides = array<i32>} : memref<64x128xf32, #tpu.memory_space<vmem>>, vector<16xf32>,
        tpu.vector_store_idx %arg8[%add3A_809, %broadcast_in_dim3A_1540], %get3A_1546 : memref<128x128xf32, #tpu.memory_space<vmem>>[vector<16xi32>, vector<16xi32>], vector<16xf32>,
        %add3A_1547 = arith.constant 64 : i32
        %add3A_1548 = vector.broadcast %add3A_1547 : i32 to vector<16xi32>
        %add3A_1549 = arith.addi %broadcast_in_dim3A_1540, %add3A_1548 : vector<16xi32>
        %mul3A_1550 = arith.constant 16 : i32
        %mul3A_1551 = arith.muli %add3A_805, %mul3A_1550 : i32
        %get3A_1552 = arith.constant 43 : i32
        %get3A_1553 = arith.index_cast %get3A_1552 : i32 to index
        %get3A_1554 = arith.index_cast %mul3A_1551 : i32 to index
        %get3A_1555 = tpu.vector_load %arg5[%get3A_1553, %get3A_1554] {strides = array<i32>} : memref<64x128xf32, #tpu.memory_space<vmem>>, vector<16xf32>,
        tpu.vector_store_idx %arg8[%add3A_809, %add3A_1549], %get3A_1555 : memref<128x128xf32, #tpu.memory_space<vmem>>[vector<16xi32>, vector<16xi32>], vector<16xf32>,
        %broadcast_in_dim3A_1556 = arith.constant 44 : i32
        %broadcast_in_dim3A_1557 = vector.broadcast %broadcast_in_dim3A_1556 : i32 to vector<16xi32>
        %mul3A_1558 = arith.constant 16 : i32
        %mul3A_1559 = arith.muli %add3A_805, %mul3A_1558 : i32
        %get3A_1560 = arith.constant 44 : i32
        %get3A_1561 = arith.index_cast %get3A_1560 : i32 to index
        %get3A_1562 = arith.index_cast %mul3A_1559 : i32 to index
        %get3A_1563 = tpu.vector_load %arg4[%get3A_1561, %get3A_1562] {strides = array<i32>} : memref<64x128xf32, #tpu.memory_space<vmem>>, vector<16xf32>,
        tpu.vector_store_idx %arg8[%add3A_809, %broadcast_in_dim3A_1557], %get3A_1563 : memref<128x128xf32, #tpu.memory_space<vmem>>[vector<16xi32>, vector<16xi32>], vector<16xf32>,
        %add3A_1564 = arith.constant 64 : i32
        %add3A_1565 = vector.broadcast %add3A_1564 : i32 to vector<16xi32>
        %add3A_1566 = arith.addi %broadcast_in_dim3A_1557, %add3A_1565 : vector<16xi32>
        %mul3A_1567 = arith.constant 16 : i32
        %mul3A_1568 = arith.muli %add3A_805, %mul3A_1567 : i32
        %get3A_1569 = arith.constant 44 : i32
        %get3A_1570 = arith.index_cast %get3A_1569 : i32 to index
        %get3A_1571 = arith.index_cast %mul3A_1568 : i32 to index
        %get3A_1572 = tpu.vector_load %arg5[%get3A_1570, %get3A_1571] {strides = array<i32>} : memref<64x128xf32, #tpu.memory_space<vmem>>, vector<16xf32>,
        tpu.vector_store_idx %arg8[%add3A_809, %add3A_1566], %get3A_1572 : memref<128x128xf32, #tpu.memory_space<vmem>>[vector<16xi32>, vector<16xi32>], vector<16xf32>,
        %broadcast_in_dim3A_1573 = arith.constant 45 : i32
        %broadcast_in_dim3A_1574 = vector.broadcast %broadcast_in_dim3A_1573 : i32 to vector<16xi32>
        %mul3A_1575 = arith.constant 16 : i32
        %mul3A_1576 = arith.muli %add3A_805, %mul3A_1575 : i32
        %get3A_1577 = arith.constant 45 : i32
        %get3A_1578 = arith.index_cast %get3A_1577 : i32 to index
        %get3A_1579 = arith.index_cast %mul3A_1576 : i32 to index
        %get3A_1580 = tpu.vector_load %arg4[%get3A_1578, %get3A_1579] {strides = array<i32>} : memref<64x128xf32, #tpu.memory_space<vmem>>, vector<16xf32>,
        tpu.vector_store_idx %arg8[%add3A_809, %broadcast_in_dim3A_1574], %get3A_1580 : memref<128x128xf32, #tpu.memory_space<vmem>>[vector<16xi32>, vector<16xi32>], vector<16xf32>,
        %add3A_1581 = arith.constant 64 : i32
        %add3A_1582 = vector.broadcast %add3A_1581 : i32 to vector<16xi32>
        %add3A_1583 = arith.addi %broadcast_in_dim3A_1574, %add3A_1582 : vector<16xi32>
        %mul3A_1584 = arith.constant 16 : i32
        %mul3A_1585 = arith.muli %add3A_805, %mul3A_1584 : i32
        %get3A_1586 = arith.constant 45 : i32
        %get3A_1587 = arith.index_cast %get3A_1586 : i32 to index
        %get3A_1588 = arith.index_cast %mul3A_1585 : i32 to index
        %get3A_1589 = tpu.vector_load %arg5[%get3A_1587, %get3A_1588] {strides = array<i32>} : memref<64x128xf32, #tpu.memory_space<vmem>>, vector<16xf32>,
        tpu.vector_store_idx %arg8[%add3A_809, %add3A_1583], %get3A_1589 : memref<128x128xf32, #tpu.memory_space<vmem>>[vector<16xi32>, vector<16xi32>], vector<16xf32>,
        %broadcast_in_dim3A_1590 = arith.constant 46 : i32
        %broadcast_in_dim3A_1591 = vector.broadcast %broadcast_in_dim3A_1590 : i32 to vector<16xi32>
        %mul3A_1592 = arith.constant 16 : i32
        %mul3A_1593 = arith.muli %add3A_805, %mul3A_1592 : i32
        %get3A_1594 = arith.constant 46 : i32
        %get3A_1595 = arith.index_cast %get3A_1594 : i32 to index
        %get3A_1596 = arith.index_cast %mul3A_1593 : i32 to index
        %get3A_1597 = tpu.vector_load %arg4[%get3A_1595, %get3A_1596] {strides = array<i32>} : memref<64x128xf32, #tpu.memory_space<vmem>>, vector<16xf32>,
        tpu.vector_store_idx %arg8[%add3A_809, %broadcast_in_dim3A_1591], %get3A_1597 : memref<128x128xf32, #tpu.memory_space<vmem>>[vector<16xi32>, vector<16xi32>], vector<16xf32>,
        %add3A_1598 = arith.constant 64 : i32
        %add3A_1599 = vector.broadcast %add3A_1598 : i32 to vector<16xi32>
        %add3A_1600 = arith.addi %broadcast_in_dim3A_1591, %add3A_1599 : vector<16xi32>
        %mul3A_1601 = arith.constant 16 : i32
        %mul3A_1602 = arith.muli %add3A_805, %mul3A_1601 : i32
        %get3A_1603 = arith.constant 46 : i32
        %get3A_1604 = arith.index_cast %get3A_1603 : i32 to index
        %get3A_1605 = arith.index_cast %mul3A_1602 : i32 to index
        %get3A_1606 = tpu.vector_load %arg5[%get3A_1604, %get3A_1605] {strides = array<i32>} : memref<64x128xf32, #tpu.memory_space<vmem>>, vector<16xf32>,
        tpu.vector_store_idx %arg8[%add3A_809, %add3A_1600], %get3A_1606 : memref<128x128xf32, #tpu.memory_space<vmem>>[vector<16xi32>, vector<16xi32>], vector<16xf32>,
        %broadcast_in_dim3A_1607 = arith.constant 47 : i32
        %broadcast_in_dim3A_1608 = vector.broadcast %broadcast_in_dim3A_1607 : i32 to vector<16xi32>
        %mul3A_1609 = arith.constant 16 : i32
        %mul3A_1610 = arith.muli %add3A_805, %mul3A_1609 : i32
        %get3A_1611 = arith.constant 47 : i32
        %get3A_1612 = arith.index_cast %get3A_1611 : i32 to index
        %get3A_1613 = arith.index_cast %mul3A_1610 : i32 to index
        %get3A_1614 = tpu.vector_load %arg4[%get3A_1612, %get3A_1613] {strides = array<i32>} : memref<64x128xf32, #tpu.memory_space<vmem>>, vector<16xf32>,
        tpu.vector_store_idx %arg8[%add3A_809, %broadcast_in_dim3A_1608], %get3A_1614 : memref<128x128xf32, #tpu.memory_space<vmem>>[vector<16xi32>, vector<16xi32>], vector<16xf32>,
        %add3A_1615 = arith.constant 64 : i32
        %add3A_1616 = vector.broadcast %add3A_1615 : i32 to vector<16xi32>
        %add3A_1617 = arith.addi %broadcast_in_dim3A_1608, %add3A_1616 : vector<16xi32>
        %mul3A_1618 = arith.constant 16 : i32
        %mul3A_1619 = arith.muli %add3A_805, %mul3A_1618 : i32
        %get3A_1620 = arith.constant 47 : i32
        %get3A_1621 = arith.index_cast %get3A_1620 : i32 to index
        %get3A_1622 = arith.index_cast %mul3A_1619 : i32 to index
        %get3A_1623 = tpu.vector_load %arg5[%get3A_1621, %get3A_1622] {strides = array<i32>} : memref<64x128xf32, #tpu.memory_space<vmem>>, vector<16xf32>,
        tpu.vector_store_idx %arg8[%add3A_809, %add3A_1617], %get3A_1623 : memref<128x128xf32, #tpu.memory_space<vmem>>[vector<16xi32>, vector<16xi32>], vector<16xf32>,
        %broadcast_in_dim3A_1624 = arith.constant 48 : i32
        %broadcast_in_dim3A_1625 = vector.broadcast %broadcast_in_dim3A_1624 : i32 to vector<16xi32>
        %mul3A_1626 = arith.constant 16 : i32
        %mul3A_1627 = arith.muli %add3A_805, %mul3A_1626 : i32
        %get3A_1628 = arith.constant 48 : i32
        %get3A_1629 = arith.index_cast %get3A_1628 : i32 to index
        %get3A_1630 = arith.index_cast %mul3A_1627 : i32 to index
        %get3A_1631 = tpu.vector_load %arg4[%get3A_1629, %get3A_1630] {strides = array<i32>} : memref<64x128xf32, #tpu.memory_space<vmem>>, vector<16xf32>,
        tpu.vector_store_idx %arg8[%add3A_809, %broadcast_in_dim3A_1625], %get3A_1631 : memref<128x128xf32, #tpu.memory_space<vmem>>[vector<16xi32>, vector<16xi32>], vector<16xf32>,
        %add3A_1632 = arith.constant 64 : i32
        %add3A_1633 = vector.broadcast %add3A_1632 : i32 to vector<16xi32>
        %add3A_1634 = arith.addi %broadcast_in_dim3A_1625, %add3A_1633 : vector<16xi32>
        %mul3A_1635 = arith.constant 16 : i32
        %mul3A_1636 = arith.muli %add3A_805, %mul3A_1635 : i32
        %get3A_1637 = arith.constant 48 : i32
        %get3A_1638 = arith.index_cast %get3A_1637 : i32 to index
        %get3A_1639 = arith.index_cast %mul3A_1636 : i32 to index
        %get3A_1640 = tpu.vector_load %arg5[%get3A_1638, %get3A_1639] {strides = array<i32>} : memref<64x128xf32, #tpu.memory_space<vmem>>, vector<16xf32>,
        tpu.vector_store_idx %arg8[%add3A_809, %add3A_1634], %get3A_1640 : memref<128x128xf32, #tpu.memory_space<vmem>>[vector<16xi32>, vector<16xi32>], vector<16xf32>,
        %broadcast_in_dim3A_1641 = arith.constant 49 : i32
        %broadcast_in_dim3A_1642 = vector.broadcast %broadcast_in_dim3A_1641 : i32 to vector<16xi32>
        %mul3A_1643 = arith.constant 16 : i32
        %mul3A_1644 = arith.muli %add3A_805, %mul3A_1643 : i32
        %get3A_1645 = arith.constant 49 : i32
        %get3A_1646 = arith.index_cast %get3A_1645 : i32 to index
        %get3A_1647 = arith.index_cast %mul3A_1644 : i32 to index
        %get3A_1648 = tpu.vector_load %arg4[%get3A_1646, %get3A_1647] {strides = array<i32>} : memref<64x128xf32, #tpu.memory_space<vmem>>, vector<16xf32>,
        tpu.vector_store_idx %arg8[%add3A_809, %broadcast_in_dim3A_1642], %get3A_1648 : memref<128x128xf32, #tpu.memory_space<vmem>>[vector<16xi32>, vector<16xi32>], vector<16xf32>,
        %add3A_1649 = arith.constant 64 : i32
        %add3A_1650 = vector.broadcast %add3A_1649 : i32 to vector<16xi32>
        %add3A_1651 = arith.addi %broadcast_in_dim3A_1642, %add3A_1650 : vector<16xi32>
        %mul3A_1652 = arith.constant 16 : i32
        %mul3A_1653 = arith.muli %add3A_805, %mul3A_1652 : i32
        %get3A_1654 = arith.constant 49 : i32
        %get3A_1655 = arith.index_cast %get3A_1654 : i32 to index
        %get3A_1656 = arith.index_cast %mul3A_1653 : i32 to index
        %get3A_1657 = tpu.vector_load %arg5[%get3A_1655, %get3A_1656] {strides = array<i32>} : memref<64x128xf32, #tpu.memory_space<vmem>>, vector<16xf32>,
        tpu.vector_store_idx %arg8[%add3A_809, %add3A_1651], %get3A_1657 : memref<128x128xf32, #tpu.memory_space<vmem>>[vector<16xi32>, vector<16xi32>], vector<16xf32>,
        %broadcast_in_dim3A_1658 = arith.constant 50 : i32
        %broadcast_in_dim3A_1659 = vector.broadcast %broadcast_in_dim3A_1658 : i32 to vector<16xi32>
        %mul3A_1660 = arith.constant 16 : i32
        %mul3A_1661 = arith.muli %add3A_805, %mul3A_1660 : i32
        %get3A_1662 = arith.constant 50 : i32
        %get3A_1663 = arith.index_cast %get3A_1662 : i32 to index
        %get3A_1664 = arith.index_cast %mul3A_1661 : i32 to index
        %get3A_1665 = tpu.vector_load %arg4[%get3A_1663, %get3A_1664] {strides = array<i32>} : memref<64x128xf32, #tpu.memory_space<vmem>>, vector<16xf32>,
        tpu.vector_store_idx %arg8[%add3A_809, %broadcast_in_dim3A_1659], %get3A_1665 : memref<128x128xf32, #tpu.memory_space<vmem>>[vector<16xi32>, vector<16xi32>], vector<16xf32>,
        %add3A_1666 = arith.constant 64 : i32
        %add3A_1667 = vector.broadcast %add3A_1666 : i32 to vector<16xi32>
        %add3A_1668 = arith.addi %broadcast_in_dim3A_1659, %add3A_1667 : vector<16xi32>
        %mul3A_1669 = arith.constant 16 : i32
        %mul3A_1670 = arith.muli %add3A_805, %mul3A_1669 : i32
        %get3A_1671 = arith.constant 50 : i32
        %get3A_1672 = arith.index_cast %get3A_1671 : i32 to index
        %get3A_1673 = arith.index_cast %mul3A_1670 : i32 to index
        %get3A_1674 = tpu.vector_load %arg5[%get3A_1672, %get3A_1673] {strides = array<i32>} : memref<64x128xf32, #tpu.memory_space<vmem>>, vector<16xf32>,
        tpu.vector_store_idx %arg8[%add3A_809, %add3A_1668], %get3A_1674 : memref<128x128xf32, #tpu.memory_space<vmem>>[vector<16xi32>, vector<16xi32>], vector<16xf32>,
        %broadcast_in_dim3A_1675 = arith.constant 51 : i32
        %broadcast_in_dim3A_1676 = vector.broadcast %broadcast_in_dim3A_1675 : i32 to vector<16xi32>
        %mul3A_1677 = arith.constant 16 : i32
        %mul3A_1678 = arith.muli %add3A_805, %mul3A_1677 : i32
        %get3A_1679 = arith.constant 51 : i32
        %get3A_1680 = arith.index_cast %get3A_1679 : i32 to index
        %get3A_1681 = arith.index_cast %mul3A_1678 : i32 to index
        %get3A_1682 = tpu.vector_load %arg4[%get3A_1680, %get3A_1681] {strides = array<i32>} : memref<64x128xf32, #tpu.memory_space<vmem>>, vector<16xf32>,
        tpu.vector_store_idx %arg8[%add3A_809, %broadcast_in_dim3A_1676], %get3A_1682 : memref<128x128xf32, #tpu.memory_space<vmem>>[vector<16xi32>, vector<16xi32>], vector<16xf32>,
        %add3A_1683 = arith.constant 64 : i32
        %add3A_1684 = vector.broadcast %add3A_1683 : i32 to vector<16xi32>
        %add3A_1685 = arith.addi %broadcast_in_dim3A_1676, %add3A_1684 : vector<16xi32>
        %mul3A_1686 = arith.constant 16 : i32
        %mul3A_1687 = arith.muli %add3A_805, %mul3A_1686 : i32
        %get3A_1688 = arith.constant 51 : i32
        %get3A_1689 = arith.index_cast %get3A_1688 : i32 to index
        %get3A_1690 = arith.index_cast %mul3A_1687 : i32 to index
        %get3A_1691 = tpu.vector_load %arg5[%get3A_1689, %get3A_1690] {strides = array<i32>} : memref<64x128xf32, #tpu.memory_space<vmem>>, vector<16xf32>,
        tpu.vector_store_idx %arg8[%add3A_809, %add3A_1685], %get3A_1691 : memref<128x128xf32, #tpu.memory_space<vmem>>[vector<16xi32>, vector<16xi32>], vector<16xf32>,
        %broadcast_in_dim3A_1692 = arith.constant 52 : i32
        %broadcast_in_dim3A_1693 = vector.broadcast %broadcast_in_dim3A_1692 : i32 to vector<16xi32>
        %mul3A_1694 = arith.constant 16 : i32
        %mul3A_1695 = arith.muli %add3A_805, %mul3A_1694 : i32
        %get3A_1696 = arith.constant 52 : i32
        %get3A_1697 = arith.index_cast %get3A_1696 : i32 to index
        %get3A_1698 = arith.index_cast %mul3A_1695 : i32 to index
        %get3A_1699 = tpu.vector_load %arg4[%get3A_1697, %get3A_1698] {strides = array<i32>} : memref<64x128xf32, #tpu.memory_space<vmem>>, vector<16xf32>,
        tpu.vector_store_idx %arg8[%add3A_809, %broadcast_in_dim3A_1693], %get3A_1699 : memref<128x128xf32, #tpu.memory_space<vmem>>[vector<16xi32>, vector<16xi32>], vector<16xf32>,
        %add3A_1700 = arith.constant 64 : i32
        %add3A_1701 = vector.broadcast %add3A_1700 : i32 to vector<16xi32>
        %add3A_1702 = arith.addi %broadcast_in_dim3A_1693, %add3A_1701 : vector<16xi32>
        %mul3A_1703 = arith.constant 16 : i32
        %mul3A_1704 = arith.muli %add3A_805, %mul3A_1703 : i32
        %get3A_1705 = arith.constant 52 : i32
        %get3A_1706 = arith.index_cast %get3A_1705 : i32 to index
        %get3A_1707 = arith.index_cast %mul3A_1704 : i32 to index
        %get3A_1708 = tpu.vector_load %arg5[%get3A_1706, %get3A_1707] {strides = array<i32>} : memref<64x128xf32, #tpu.memory_space<vmem>>, vector<16xf32>,
        tpu.vector_store_idx %arg8[%add3A_809, %add3A_1702], %get3A_1708 : memref<128x128xf32, #tpu.memory_space<vmem>>[vector<16xi32>, vector<16xi32>], vector<16xf32>,
        %broadcast_in_dim3A_1709 = arith.constant 53 : i32
        %broadcast_in_dim3A_1710 = vector.broadcast %broadcast_in_dim3A_1709 : i32 to vector<16xi32>
        %mul3A_1711 = arith.constant 16 : i32
        %mul3A_1712 = arith.muli %add3A_805, %mul3A_1711 : i32
        %get3A_1713 = arith.constant 53 : i32
        %get3A_1714 = arith.index_cast %get3A_1713 : i32 to index
        %get3A_1715 = arith.index_cast %mul3A_1712 : i32 to index
        %get3A_1716 = tpu.vector_load %arg4[%get3A_1714, %get3A_1715] {strides = array<i32>} : memref<64x128xf32, #tpu.memory_space<vmem>>, vector<16xf32>,
        tpu.vector_store_idx %arg8[%add3A_809, %broadcast_in_dim3A_1710], %get3A_1716 : memref<128x128xf32, #tpu.memory_space<vmem>>[vector<16xi32>, vector<16xi32>], vector<16xf32>,
        %add3A_1717 = arith.constant 64 : i32
        %add3A_1718 = vector.broadcast %add3A_1717 : i32 to vector<16xi32>
        %add3A_1719 = arith.addi %broadcast_in_dim3A_1710, %add3A_1718 : vector<16xi32>
        %mul3A_1720 = arith.constant 16 : i32
        %mul3A_1721 = arith.muli %add3A_805, %mul3A_1720 : i32
        %get3A_1722 = arith.constant 53 : i32
        %get3A_1723 = arith.index_cast %get3A_1722 : i32 to index
        %get3A_1724 = arith.index_cast %mul3A_1721 : i32 to index
        %get3A_1725 = tpu.vector_load %arg5[%get3A_1723, %get3A_1724] {strides = array<i32>} : memref<64x128xf32, #tpu.memory_space<vmem>>, vector<16xf32>,
        tpu.vector_store_idx %arg8[%add3A_809, %add3A_1719], %get3A_1725 : memref<128x128xf32, #tpu.memory_space<vmem>>[vector<16xi32>, vector<16xi32>], vector<16xf32>,
        %broadcast_in_dim3A_1726 = arith.constant 54 : i32
        %broadcast_in_dim3A_1727 = vector.broadcast %broadcast_in_dim3A_1726 : i32 to vector<16xi32>
        %mul3A_1728 = arith.constant 16 : i32
        %mul3A_1729 = arith.muli %add3A_805, %mul3A_1728 : i32
        %get3A_1730 = arith.constant 54 : i32
        %get3A_1731 = arith.index_cast %get3A_1730 : i32 to index
        %get3A_1732 = arith.index_cast %mul3A_1729 : i32 to index
        %get3A_1733 = tpu.vector_load %arg4[%get3A_1731, %get3A_1732] {strides = array<i32>} : memref<64x128xf32, #tpu.memory_space<vmem>>, vector<16xf32>,
        tpu.vector_store_idx %arg8[%add3A_809, %broadcast_in_dim3A_1727], %get3A_1733 : memref<128x128xf32, #tpu.memory_space<vmem>>[vector<16xi32>, vector<16xi32>], vector<16xf32>,
        %add3A_1734 = arith.constant 64 : i32
        %add3A_1735 = vector.broadcast %add3A_1734 : i32 to vector<16xi32>
        %add3A_1736 = arith.addi %broadcast_in_dim3A_1727, %add3A_1735 : vector<16xi32>
        %mul3A_1737 = arith.constant 16 : i32
        %mul3A_1738 = arith.muli %add3A_805, %mul3A_1737 : i32
        %get3A_1739 = arith.constant 54 : i32
        %get3A_1740 = arith.index_cast %get3A_1739 : i32 to index
        %get3A_1741 = arith.index_cast %mul3A_1738 : i32 to index
        %get3A_1742 = tpu.vector_load %arg5[%get3A_1740, %get3A_1741] {strides = array<i32>} : memref<64x128xf32, #tpu.memory_space<vmem>>, vector<16xf32>,
        tpu.vector_store_idx %arg8[%add3A_809, %add3A_1736], %get3A_1742 : memref<128x128xf32, #tpu.memory_space<vmem>>[vector<16xi32>, vector<16xi32>], vector<16xf32>,
        %broadcast_in_dim3A_1743 = arith.constant 55 : i32
        %broadcast_in_dim3A_1744 = vector.broadcast %broadcast_in_dim3A_1743 : i32 to vector<16xi32>
        %mul3A_1745 = arith.constant 16 : i32
        %mul3A_1746 = arith.muli %add3A_805, %mul3A_1745 : i32
        %get3A_1747 = arith.constant 55 : i32
        %get3A_1748 = arith.index_cast %get3A_1747 : i32 to index
        %get3A_1749 = arith.index_cast %mul3A_1746 : i32 to index
        %get3A_1750 = tpu.vector_load %arg4[%get3A_1748, %get3A_1749] {strides = array<i32>} : memref<64x128xf32, #tpu.memory_space<vmem>>, vector<16xf32>,
        tpu.vector_store_idx %arg8[%add3A_809, %broadcast_in_dim3A_1744], %get3A_1750 : memref<128x128xf32, #tpu.memory_space<vmem>>[vector<16xi32>, vector<16xi32>], vector<16xf32>,
        %add3A_1751 = arith.constant 64 : i32
        %add3A_1752 = vector.broadcast %add3A_1751 : i32 to vector<16xi32>
        %add3A_1753 = arith.addi %broadcast_in_dim3A_1744, %add3A_1752 : vector<16xi32>
        %mul3A_1754 = arith.constant 16 : i32
        %mul3A_1755 = arith.muli %add3A_805, %mul3A_1754 : i32
        %get3A_1756 = arith.constant 55 : i32
        %get3A_1757 = arith.index_cast %get3A_1756 : i32 to index
        %get3A_1758 = arith.index_cast %mul3A_1755 : i32 to index
        %get3A_1759 = tpu.vector_load %arg5[%get3A_1757, %get3A_1758] {strides = array<i32>} : memref<64x128xf32, #tpu.memory_space<vmem>>, vector<16xf32>,
        tpu.vector_store_idx %arg8[%add3A_809, %add3A_1753], %get3A_1759 : memref<128x128xf32, #tpu.memory_space<vmem>>[vector<16xi32>, vector<16xi32>], vector<16xf32>,
        %broadcast_in_dim3A_1760 = arith.constant 56 : i32
        %broadcast_in_dim3A_1761 = vector.broadcast %broadcast_in_dim3A_1760 : i32 to vector<16xi32>
        %mul3A_1762 = arith.constant 16 : i32
        %mul3A_1763 = arith.muli %add3A_805, %mul3A_1762 : i32
        %get3A_1764 = arith.constant 56 : i32
        %get3A_1765 = arith.index_cast %get3A_1764 : i32 to index
        %get3A_1766 = arith.index_cast %mul3A_1763 : i32 to index
        %get3A_1767 = tpu.vector_load %arg4[%get3A_1765, %get3A_1766] {strides = array<i32>} : memref<64x128xf32, #tpu.memory_space<vmem>>, vector<16xf32>,
        tpu.vector_store_idx %arg8[%add3A_809, %broadcast_in_dim3A_1761], %get3A_1767 : memref<128x128xf32, #tpu.memory_space<vmem>>[vector<16xi32>, vector<16xi32>], vector<16xf32>,
        %add3A_1768 = arith.constant 64 : i32
        %add3A_1769 = vector.broadcast %add3A_1768 : i32 to vector<16xi32>
        %add3A_1770 = arith.addi %broadcast_in_dim3A_1761, %add3A_1769 : vector<16xi32>
        %mul3A_1771 = arith.constant 16 : i32
        %mul3A_1772 = arith.muli %add3A_805, %mul3A_1771 : i32
        %get3A_1773 = arith.constant 56 : i32
        %get3A_1774 = arith.index_cast %get3A_1773 : i32 to index
        %get3A_1775 = arith.index_cast %mul3A_1772 : i32 to index
        %get3A_1776 = tpu.vector_load %arg5[%get3A_1774, %get3A_1775] {strides = array<i32>} : memref<64x128xf32, #tpu.memory_space<vmem>>, vector<16xf32>,
        tpu.vector_store_idx %arg8[%add3A_809, %add3A_1770], %get3A_1776 : memref<128x128xf32, #tpu.memory_space<vmem>>[vector<16xi32>, vector<16xi32>], vector<16xf32>,
        %broadcast_in_dim3A_1777 = arith.constant 57 : i32
        %broadcast_in_dim3A_1778 = vector.broadcast %broadcast_in_dim3A_1777 : i32 to vector<16xi32>
        %mul3A_1779 = arith.constant 16 : i32
        %mul3A_1780 = arith.muli %add3A_805, %mul3A_1779 : i32
        %get3A_1781 = arith.constant 57 : i32
        %get3A_1782 = arith.index_cast %get3A_1781 : i32 to index
        %get3A_1783 = arith.index_cast %mul3A_1780 : i32 to index
        %get3A_1784 = tpu.vector_load %arg4[%get3A_1782, %get3A_1783] {strides = array<i32>} : memref<64x128xf32, #tpu.memory_space<vmem>>, vector<16xf32>,
        tpu.vector_store_idx %arg8[%add3A_809, %broadcast_in_dim3A_1778], %get3A_1784 : memref<128x128xf32, #tpu.memory_space<vmem>>[vector<16xi32>, vector<16xi32>], vector<16xf32>,
        %add3A_1785 = arith.constant 64 : i32
        %add3A_1786 = vector.broadcast %add3A_1785 : i32 to vector<16xi32>
        %add3A_1787 = arith.addi %broadcast_in_dim3A_1778, %add3A_1786 : vector<16xi32>
        %mul3A_1788 = arith.constant 16 : i32
        %mul3A_1789 = arith.muli %add3A_805, %mul3A_1788 : i32
        %get3A_1790 = arith.constant 57 : i32
        %get3A_1791 = arith.index_cast %get3A_1790 : i32 to index
        %get3A_1792 = arith.index_cast %mul3A_1789 : i32 to index
        %get3A_1793 = tpu.vector_load %arg5[%get3A_1791, %get3A_1792] {strides = array<i32>} : memref<64x128xf32, #tpu.memory_space<vmem>>, vector<16xf32>,
        tpu.vector_store_idx %arg8[%add3A_809, %add3A_1787], %get3A_1793 : memref<128x128xf32, #tpu.memory_space<vmem>>[vector<16xi32>, vector<16xi32>], vector<16xf32>,
        %broadcast_in_dim3A_1794 = arith.constant 58 : i32
        %broadcast_in_dim3A_1795 = vector.broadcast %broadcast_in_dim3A_1794 : i32 to vector<16xi32>
        %mul3A_1796 = arith.constant 16 : i32
        %mul3A_1797 = arith.muli %add3A_805, %mul3A_1796 : i32
        %get3A_1798 = arith.constant 58 : i32
        %get3A_1799 = arith.index_cast %get3A_1798 : i32 to index
        %get3A_1800 = arith.index_cast %mul3A_1797 : i32 to index
        %get3A_1801 = tpu.vector_load %arg4[%get3A_1799, %get3A_1800] {strides = array<i32>} : memref<64x128xf32, #tpu.memory_space<vmem>>, vector<16xf32>,
        tpu.vector_store_idx %arg8[%add3A_809, %broadcast_in_dim3A_1795], %get3A_1801 : memref<128x128xf32, #tpu.memory_space<vmem>>[vector<16xi32>, vector<16xi32>], vector<16xf32>,
        %add3A_1802 = arith.constant 64 : i32
        %add3A_1803 = vector.broadcast %add3A_1802 : i32 to vector<16xi32>
        %add3A_1804 = arith.addi %broadcast_in_dim3A_1795, %add3A_1803 : vector<16xi32>
        %mul3A_1805 = arith.constant 16 : i32
        %mul3A_1806 = arith.muli %add3A_805, %mul3A_1805 : i32
        %get3A_1807 = arith.constant 58 : i32
        %get3A_1808 = arith.index_cast %get3A_1807 : i32 to index
        %get3A_1809 = arith.index_cast %mul3A_1806 : i32 to index
        %get3A_1810 = tpu.vector_load %arg5[%get3A_1808, %get3A_1809] {strides = array<i32>} : memref<64x128xf32, #tpu.memory_space<vmem>>, vector<16xf32>,
        tpu.vector_store_idx %arg8[%add3A_809, %add3A_1804], %get3A_1810 : memref<128x128xf32, #tpu.memory_space<vmem>>[vector<16xi32>, vector<16xi32>], vector<16xf32>,
        %broadcast_in_dim3A_1811 = arith.constant 59 : i32
        %broadcast_in_dim3A_1812 = vector.broadcast %broadcast_in_dim3A_1811 : i32 to vector<16xi32>
        %mul3A_1813 = arith.constant 16 : i32
        %mul3A_1814 = arith.muli %add3A_805, %mul3A_1813 : i32
        %get3A_1815 = arith.constant 59 : i32
        %get3A_1816 = arith.index_cast %get3A_1815 : i32 to index
        %get3A_1817 = arith.index_cast %mul3A_1814 : i32 to index
        %get3A_1818 = tpu.vector_load %arg4[%get3A_1816, %get3A_1817] {strides = array<i32>} : memref<64x128xf32, #tpu.memory_space<vmem>>, vector<16xf32>,
        tpu.vector_store_idx %arg8[%add3A_809, %broadcast_in_dim3A_1812], %get3A_1818 : memref<128x128xf32, #tpu.memory_space<vmem>>[vector<16xi32>, vector<16xi32>], vector<16xf32>,
        %add3A_1819 = arith.constant 64 : i32
        %add3A_1820 = vector.broadcast %add3A_1819 : i32 to vector<16xi32>
        %add3A_1821 = arith.addi %broadcast_in_dim3A_1812, %add3A_1820 : vector<16xi32>
        %mul3A_1822 = arith.constant 16 : i32
        %mul3A_1823 = arith.muli %add3A_805, %mul3A_1822 : i32
        %get3A_1824 = arith.constant 59 : i32
        %get3A_1825 = arith.index_cast %get3A_1824 : i32 to index
        %get3A_1826 = arith.index_cast %mul3A_1823 : i32 to index
        %get3A_1827 = tpu.vector_load %arg5[%get3A_1825, %get3A_1826] {strides = array<i32>} : memref<64x128xf32, #tpu.memory_space<vmem>>, vector<16xf32>,
        tpu.vector_store_idx %arg8[%add3A_809, %add3A_1821], %get3A_1827 : memref<128x128xf32, #tpu.memory_space<vmem>>[vector<16xi32>, vector<16xi32>], vector<16xf32>,
        %broadcast_in_dim3A_1828 = arith.constant 60 : i32
        %broadcast_in_dim3A_1829 = vector.broadcast %broadcast_in_dim3A_1828 : i32 to vector<16xi32>
        %mul3A_1830 = arith.constant 16 : i32
        %mul3A_1831 = arith.muli %add3A_805, %mul3A_1830 : i32
        %get3A_1832 = arith.constant 60 : i32
        %get3A_1833 = arith.index_cast %get3A_1832 : i32 to index
        %get3A_1834 = arith.index_cast %mul3A_1831 : i32 to index
        %get3A_1835 = tpu.vector_load %arg4[%get3A_1833, %get3A_1834] {strides = array<i32>} : memref<64x128xf32, #tpu.memory_space<vmem>>, vector<16xf32>,
        tpu.vector_store_idx %arg8[%add3A_809, %broadcast_in_dim3A_1829], %get3A_1835 : memref<128x128xf32, #tpu.memory_space<vmem>>[vector<16xi32>, vector<16xi32>], vector<16xf32>,
        %add3A_1836 = arith.constant 64 : i32
        %add3A_1837 = vector.broadcast %add3A_1836 : i32 to vector<16xi32>
        %add3A_1838 = arith.addi %broadcast_in_dim3A_1829, %add3A_1837 : vector<16xi32>
        %mul3A_1839 = arith.constant 16 : i32
        %mul3A_1840 = arith.muli %add3A_805, %mul3A_1839 : i32
        %get3A_1841 = arith.constant 60 : i32
        %get3A_1842 = arith.index_cast %get3A_1841 : i32 to index
        %get3A_1843 = arith.index_cast %mul3A_1840 : i32 to index
        %get3A_1844 = tpu.vector_load %arg5[%get3A_1842, %get3A_1843] {strides = array<i32>} : memref<64x128xf32, #tpu.memory_space<vmem>>, vector<16xf32>,
        tpu.vector_store_idx %arg8[%add3A_809, %add3A_1838], %get3A_1844 : memref<128x128xf32, #tpu.memory_space<vmem>>[vector<16xi32>, vector<16xi32>], vector<16xf32>,
        %broadcast_in_dim3A_1845 = arith.constant 61 : i32
        %broadcast_in_dim3A_1846 = vector.broadcast %broadcast_in_dim3A_1845 : i32 to vector<16xi32>
        %mul3A_1847 = arith.constant 16 : i32
        %mul3A_1848 = arith.muli %add3A_805, %mul3A_1847 : i32
        %get3A_1849 = arith.constant 61 : i32
        %get3A_1850 = arith.index_cast %get3A_1849 : i32 to index
        %get3A_1851 = arith.index_cast %mul3A_1848 : i32 to index
        %get3A_1852 = tpu.vector_load %arg4[%get3A_1850, %get3A_1851] {strides = array<i32>} : memref<64x128xf32, #tpu.memory_space<vmem>>, vector<16xf32>,
        tpu.vector_store_idx %arg8[%add3A_809, %broadcast_in_dim3A_1846], %get3A_1852 : memref<128x128xf32, #tpu.memory_space<vmem>>[vector<16xi32>, vector<16xi32>], vector<16xf32>,
        %add3A_1853 = arith.constant 64 : i32
        %add3A_1854 = vector.broadcast %add3A_1853 : i32 to vector<16xi32>
        %add3A_1855 = arith.addi %broadcast_in_dim3A_1846, %add3A_1854 : vector<16xi32>
        %mul3A_1856 = arith.constant 16 : i32
        %mul3A_1857 = arith.muli %add3A_805, %mul3A_1856 : i32
        %get3A_1858 = arith.constant 61 : i32
        %get3A_1859 = arith.index_cast %get3A_1858 : i32 to index
        %get3A_1860 = arith.index_cast %mul3A_1857 : i32 to index
        %get3A_1861 = tpu.vector_load %arg5[%get3A_1859, %get3A_1860] {strides = array<i32>} : memref<64x128xf32, #tpu.memory_space<vmem>>, vector<16xf32>,
        tpu.vector_store_idx %arg8[%add3A_809, %add3A_1855], %get3A_1861 : memref<128x128xf32, #tpu.memory_space<vmem>>[vector<16xi32>, vector<16xi32>], vector<16xf32>,
        %broadcast_in_dim3A_1862 = arith.constant 62 : i32
        %broadcast_in_dim3A_1863 = vector.broadcast %broadcast_in_dim3A_1862 : i32 to vector<16xi32>
        %mul3A_1864 = arith.constant 16 : i32
        %mul3A_1865 = arith.muli %add3A_805, %mul3A_1864 : i32
        %get3A_1866 = arith.constant 62 : i32
        %get3A_1867 = arith.index_cast %get3A_1866 : i32 to index
        %get3A_1868 = arith.index_cast %mul3A_1865 : i32 to index
        %get3A_1869 = tpu.vector_load %arg4[%get3A_1867, %get3A_1868] {strides = array<i32>} : memref<64x128xf32, #tpu.memory_space<vmem>>, vector<16xf32>,
        tpu.vector_store_idx %arg8[%add3A_809, %broadcast_in_dim3A_1863], %get3A_1869 : memref<128x128xf32, #tpu.memory_space<vmem>>[vector<16xi32>, vector<16xi32>], vector<16xf32>,
        %add3A_1870 = arith.constant 64 : i32
        %add3A_1871 = vector.broadcast %add3A_1870 : i32 to vector<16xi32>
        %add3A_1872 = arith.addi %broadcast_in_dim3A_1863, %add3A_1871 : vector<16xi32>
        %mul3A_1873 = arith.constant 16 : i32
        %mul3A_1874 = arith.muli %add3A_805, %mul3A_1873 : i32
        %get3A_1875 = arith.constant 62 : i32
        %get3A_1876 = arith.index_cast %get3A_1875 : i32 to index
        %get3A_1877 = arith.index_cast %mul3A_1874 : i32 to index
        %get3A_1878 = tpu.vector_load %arg5[%get3A_1876, %get3A_1877] {strides = array<i32>} : memref<64x128xf32, #tpu.memory_space<vmem>>, vector<16xf32>,
        tpu.vector_store_idx %arg8[%add3A_809, %add3A_1872], %get3A_1878 : memref<128x128xf32, #tpu.memory_space<vmem>>[vector<16xi32>, vector<16xi32>], vector<16xf32>,
        %broadcast_in_dim3A_1879 = arith.constant 63 : i32
        %broadcast_in_dim3A_1880 = vector.broadcast %broadcast_in_dim3A_1879 : i32 to vector<16xi32>
        %mul3A_1881 = arith.constant 16 : i32
        %mul3A_1882 = arith.muli %add3A_805, %mul3A_1881 : i32
        %get3A_1883 = arith.constant 63 : i32
        %get3A_1884 = arith.index_cast %get3A_1883 : i32 to index
        %get3A_1885 = arith.index_cast %mul3A_1882 : i32 to index
        %get3A_1886 = tpu.vector_load %arg4[%get3A_1884, %get3A_1885] {strides = array<i32>} : memref<64x128xf32, #tpu.memory_space<vmem>>, vector<16xf32>,
        tpu.vector_store_idx %arg8[%add3A_809, %broadcast_in_dim3A_1880], %get3A_1886 : memref<128x128xf32, #tpu.memory_space<vmem>>[vector<16xi32>, vector<16xi32>], vector<16xf32>,
        %add3A_1887 = arith.constant 64 : i32
        %add3A_1888 = vector.broadcast %add3A_1887 : i32 to vector<16xi32>
        %add3A_1889 = arith.addi %broadcast_in_dim3A_1880, %add3A_1888 : vector<16xi32>
        %mul3A_1890 = arith.constant 16 : i32
        %mul3A_1891 = arith.muli %add3A_805, %mul3A_1890 : i32
        %get3A_1892 = arith.constant 63 : i32
        %get3A_1893 = arith.index_cast %get3A_1892 : i32 to index
        %get3A_1894 = arith.index_cast %mul3A_1891 : i32 to index
        %get3A_1895 = tpu.vector_load %arg5[%get3A_1893, %get3A_1894] {strides = array<i32>} : memref<64x128xf32, #tpu.memory_space<vmem>>, vector<16xf32>,
        tpu.vector_store_idx %arg8[%add3A_809, %add3A_1889], %get3A_1895 : memref<128x128xf32, #tpu.memory_space<vmem>>[vector<16xi32>, vector<16xi32>], vector<16xf32>,
      }
      %scan3A_572 = arith.constant 8 : i32
      %add3A_573 = arith.addi %mul3A_2, %mul3A_196 : i32
      %mul3A_574 = arith.constant 128 : i32
      %mul3A_575 = arith.muli %add3A_573, %mul3A_574 : i32
      %add3A_576 = arith.constant 409600 : i32
      %add3A_577 = arith.addi %add3A_576, %mul3A_575 : i32
      %multiple_of3A_578 = tpu.assume_multiple %add3A_577, 128 : i32
      %dma_start3A_579 = arith.constant 0 : i32
      %dma_start3A_580 = tpu.memref_slice %arg3[%multiple_of3A_578, %dma_start3A_579] : memref<501760x128xf32, #tpu.memory_space<hbm>> -> memref<128x128xf32, #tpu.memory_space<hbm>>
      %dma_start3A_581 = arith.constant 0 : i32
      %dma_start3A_582 = tpu.memref_slice %arg3[%multiple_of3A_578, %dma_start3A_581] : memref<501760x128xf32, #tpu.memory_space<hbm>> -> memref<128x128xf32, #tpu.memory_space<hbm>>
      tpu.enqueue_dma source(%arg8 : memref<128x128xf32, #tpu.memory_space<vmem>>) target(%dma_start3A_582 : memref<128x128xf32, #tpu.memory_space<hbm>>) target_semaphore(%arg12 : memref<!tpu.dma_semaphore, #tpu.memory_space<semaphore_mem>>)
      %lt3A = arith.constant 10 : i32
      %lt3A_583 = arith.cmpi slt, %add3A_194, %lt3A : i32
      %convert_element_type3A_584 = arith.extui %lt3A_583 : i1 to i32
      %cond3A_585 = arith.constant 0 : i32
      %cond3A_586 = arith.cmpi ne, %convert_element_type3A_584, %cond3A_585 : i32
      scf.if %cond3A_586 {
        %add3A_801 = arith.constant 2 : i32
        %add3A_802 = arith.addi %mul3A_196, %add3A_801 : i32
        %add3A_803 = arith.addi %mul3A_2, %add3A_802 : i32
        %shift_right_logical3A_804 = arith.constant 4 : i32
        %shift_right_logical3A_805 = arith.shrui %add3A_803, %shift_right_logical3A_804 : i32
        %add3A_806 = arith.constant 200 : i32
        %add3A_807 = arith.addi %add3A_806, %shift_right_logical3A_805 : i32
        %mul3A_808 = arith.constant 4096 : i32
        %mul3A_809 = arith.muli %add3A_807, %mul3A_808 : i32
        %and3A_810 = arith.constant 15 : i32
        %and3A_811 = arith.andi %add3A_803, %and3A_810 : i32
        %mul3A_812 = arith.constant 128 : i32
        %mul3A_813 = arith.muli %and3A_811, %mul3A_812 : i32
        %add3A_814 = arith.addi %mul3A_809, %mul3A_813 : i32
        %multiple_of3A_815 = tpu.assume_multiple %add3A_814, 128 : i32
        %add3A_816 = arith.constant 2048 : i32
        %add3A_817 = arith.addi %multiple_of3A_815, %add3A_816 : i32
        %dma_start3A_818 = arith.constant 0 : i32
        %dma_start3A_819 = arith.constant 0 : i32
        %dma_start3A_820 = tpu.memref_slice %arg4[%dma_start3A_818, %dma_start3A_819] : memref<64x128xf32, #tpu.memory_space<vmem>> -> memref<8x128xf32, #tpu.memory_space<vmem>>
        %dma_start3A_821 = arith.constant 0 : i32
        %dma_start3A_822 = tpu.memref_slice %arg2[%dma_start3A_821, %multiple_of3A_815] : memref<64x1000000xf32, #tpu.memory_space<hbm>> -> memref<8x128xf32, #tpu.memory_space<hbm>>
        %dma_start3A_823 = arith.constant 0 : i32
        %dma_start3A_824 = arith.constant 0 : i32
        %dma_start3A_825 = tpu.memref_slice %arg4[%dma_start3A_823, %dma_start3A_824] : memref<64x128xf32, #tpu.memory_space<vmem>> -> memref<8x128xf32, #tpu.memory_space<vmem>>
        %dma_start3A_826 = arith.constant 0 : i32
        %dma_start3A_827 = tpu.memref_slice %arg2[%dma_start3A_826, %multiple_of3A_815] : memref<64x1000000xf32, #tpu.memory_space<hbm>> -> memref<8x128xf32, #tpu.memory_space<hbm>>
        tpu.enqueue_dma source(%dma_start3A_827 : memref<8x128xf32, #tpu.memory_space<hbm>>) target(%dma_start3A_825 : memref<8x128xf32, #tpu.memory_space<vmem>>) target_semaphore(%arg10 : memref<!tpu.dma_semaphore, #tpu.memory_space<semaphore_mem>>)
        %dma_start3A_828 = arith.constant 0 : i32
        %dma_start3A_829 = arith.constant 0 : i32
        %dma_start3A_830 = tpu.memref_slice %arg5[%dma_start3A_828, %dma_start3A_829] : memref<64x128xf32, #tpu.memory_space<vmem>> -> memref<8x128xf32, #tpu.memory_space<vmem>>
        %dma_start3A_831 = arith.constant 0 : i32
        %dma_start3A_832 = tpu.memref_slice %arg2[%dma_start3A_831, %add3A_817] : memref<64x1000000xf32, #tpu.memory_space<hbm>> -> memref<8x128xf32, #tpu.memory_space<hbm>>
        %dma_start3A_833 = arith.constant 0 : i32
        %dma_start3A_834 = arith.constant 0 : i32
        %dma_start3A_835 = tpu.memref_slice %arg5[%dma_start3A_833, %dma_start3A_834] : memref<64x128xf32, #tpu.memory_space<vmem>> -> memref<8x128xf32, #tpu.memory_space<vmem>>
        %dma_start3A_836 = arith.constant 0 : i32
        %dma_start3A_837 = tpu.memref_slice %arg2[%dma_start3A_836, %add3A_817] : memref<64x1000000xf32, #tpu.memory_space<hbm>> -> memref<8x128xf32, #tpu.memory_space<hbm>>
        tpu.enqueue_dma source(%dma_start3A_837 : memref<8x128xf32, #tpu.memory_space<hbm>>) target(%dma_start3A_835 : memref<8x128xf32, #tpu.memory_space<vmem>>) target_semaphore(%arg10 : memref<!tpu.dma_semaphore, #tpu.memory_space<semaphore_mem>>)
        %dma_start3A_838 = arith.constant 8 : i32
        %dma_start3A_839 = arith.constant 0 : i32
        %dma_start3A_840 = tpu.memref_slice %arg4[%dma_start3A_838, %dma_start3A_839] : memref<64x128xf32, #tpu.memory_space<vmem>> -> memref<8x128xf32, #tpu.memory_space<vmem>>
        %dma_start3A_841 = arith.constant 8 : i32
        %dma_start3A_842 = tpu.memref_slice %arg2[%dma_start3A_841, %multiple_of3A_815] : memref<64x1000000xf32, #tpu.memory_space<hbm>> -> memref<8x128xf32, #tpu.memory_space<hbm>>
        %dma_start3A_843 = arith.constant 8 : i32
        %dma_start3A_844 = arith.constant 0 : i32
        %dma_start3A_845 = tpu.memref_slice %arg4[%dma_start3A_843, %dma_start3A_844] : memref<64x128xf32, #tpu.memory_space<vmem>> -> memref<8x128xf32, #tpu.memory_space<vmem>>
        %dma_start3A_846 = arith.constant 8 : i32
        %dma_start3A_847 = tpu.memref_slice %arg2[%dma_start3A_846, %multiple_of3A_815] : memref<64x1000000xf32, #tpu.memory_space<hbm>> -> memref<8x128xf32, #tpu.memory_space<hbm>>
        tpu.enqueue_dma source(%dma_start3A_847 : memref<8x128xf32, #tpu.memory_space<hbm>>) target(%dma_start3A_845 : memref<8x128xf32, #tpu.memory_space<vmem>>) target_semaphore(%arg10 : memref<!tpu.dma_semaphore, #tpu.memory_space<semaphore_mem>>)
        %dma_start3A_848 = arith.constant 8 : i32
        %dma_start3A_849 = arith.constant 0 : i32
        %dma_start3A_850 = tpu.memref_slice %arg5[%dma_start3A_848, %dma_start3A_849] : memref<64x128xf32, #tpu.memory_space<vmem>> -> memref<8x128xf32, #tpu.memory_space<vmem>>
        %dma_start3A_851 = arith.constant 8 : i32
        %dma_start3A_852 = tpu.memref_slice %arg2[%dma_start3A_851, %add3A_817] : memref<64x1000000xf32, #tpu.memory_space<hbm>> -> memref<8x128xf32, #tpu.memory_space<hbm>>
        %dma_start3A_853 = arith.constant 8 : i32
        %dma_start3A_854 = arith.constant 0 : i32
        %dma_start3A_855 = tpu.memref_slice %arg5[%dma_start3A_853, %dma_start3A_854] : memref<64x128xf32, #tpu.memory_space<vmem>> -> memref<8x128xf32, #tpu.memory_space<vmem>>
        %dma_start3A_856 = arith.constant 8 : i32
        %dma_start3A_857 = tpu.memref_slice %arg2[%dma_start3A_856, %add3A_817] : memref<64x1000000xf32, #tpu.memory_space<hbm>> -> memref<8x128xf32, #tpu.memory_space<hbm>>
        tpu.enqueue_dma source(%dma_start3A_857 : memref<8x128xf32, #tpu.memory_space<hbm>>) target(%dma_start3A_855 : memref<8x128xf32, #tpu.memory_space<vmem>>) target_semaphore(%arg10 : memref<!tpu.dma_semaphore, #tpu.memory_space<semaphore_mem>>)
        %dma_start3A_858 = arith.constant 16 : i32
        %dma_start3A_859 = arith.constant 0 : i32
        %dma_start3A_860 = tpu.memref_slice %arg4[%dma_start3A_858, %dma_start3A_859] : memref<64x128xf32, #tpu.memory_space<vmem>> -> memref<8x128xf32, #tpu.memory_space<vmem>>
        %dma_start3A_861 = arith.constant 16 : i32
        %dma_start3A_862 = tpu.memref_slice %arg2[%dma_start3A_861, %multiple_of3A_815] : memref<64x1000000xf32, #tpu.memory_space<hbm>> -> memref<8x128xf32, #tpu.memory_space<hbm>>
        %dma_start3A_863 = arith.constant 16 : i32
        %dma_start3A_864 = arith.constant 0 : i32
        %dma_start3A_865 = tpu.memref_slice %arg4[%dma_start3A_863, %dma_start3A_864] : memref<64x128xf32, #tpu.memory_space<vmem>> -> memref<8x128xf32, #tpu.memory_space<vmem>>
        %dma_start3A_866 = arith.constant 16 : i32
        %dma_start3A_867 = tpu.memref_slice %arg2[%dma_start3A_866, %multiple_of3A_815] : memref<64x1000000xf32, #tpu.memory_space<hbm>> -> memref<8x128xf32, #tpu.memory_space<hbm>>
        tpu.enqueue_dma source(%dma_start3A_867 : memref<8x128xf32, #tpu.memory_space<hbm>>) target(%dma_start3A_865 : memref<8x128xf32, #tpu.memory_space<vmem>>) target_semaphore(%arg10 : memref<!tpu.dma_semaphore, #tpu.memory_space<semaphore_mem>>)
        %dma_start3A_868 = arith.constant 16 : i32
        %dma_start3A_869 = arith.constant 0 : i32
        %dma_start3A_870 = tpu.memref_slice %arg5[%dma_start3A_868, %dma_start3A_869] : memref<64x128xf32, #tpu.memory_space<vmem>> -> memref<8x128xf32, #tpu.memory_space<vmem>>
        %dma_start3A_871 = arith.constant 16 : i32
        %dma_start3A_872 = tpu.memref_slice %arg2[%dma_start3A_871, %add3A_817] : memref<64x1000000xf32, #tpu.memory_space<hbm>> -> memref<8x128xf32, #tpu.memory_space<hbm>>
        %dma_start3A_873 = arith.constant 16 : i32
        %dma_start3A_874 = arith.constant 0 : i32
        %dma_start3A_875 = tpu.memref_slice %arg5[%dma_start3A_873, %dma_start3A_874] : memref<64x128xf32, #tpu.memory_space<vmem>> -> memref<8x128xf32, #tpu.memory_space<vmem>>
        %dma_start3A_876 = arith.constant 16 : i32
        %dma_start3A_877 = tpu.memref_slice %arg2[%dma_start3A_876, %add3A_817] : memref<64x1000000xf32, #tpu.memory_space<hbm>> -> memref<8x128xf32, #tpu.memory_space<hbm>>
        tpu.enqueue_dma source(%dma_start3A_877 : memref<8x128xf32, #tpu.memory_space<hbm>>) target(%dma_start3A_875 : memref<8x128xf32, #tpu.memory_space<vmem>>) target_semaphore(%arg10 : memref<!tpu.dma_semaphore, #tpu.memory_space<semaphore_mem>>)
        %dma_start3A_878 = arith.constant 24 : i32
        %dma_start3A_879 = arith.constant 0 : i32
        %dma_start3A_880 = tpu.memref_slice %arg4[%dma_start3A_878, %dma_start3A_879] : memref<64x128xf32, #tpu.memory_space<vmem>> -> memref<8x128xf32, #tpu.memory_space<vmem>>
        %dma_start3A_881 = arith.constant 24 : i32
        %dma_start3A_882 = tpu.memref_slice %arg2[%dma_start3A_881, %multiple_of3A_815] : memref<64x1000000xf32, #tpu.memory_space<hbm>> -> memref<8x128xf32, #tpu.memory_space<hbm>>
        %dma_start3A_883 = arith.constant 24 : i32
        %dma_start3A_884 = arith.constant 0 : i32
        %dma_start3A_885 = tpu.memref_slice %arg4[%dma_start3A_883, %dma_start3A_884] : memref<64x128xf32, #tpu.memory_space<vmem>> -> memref<8x128xf32, #tpu.memory_space<vmem>>
        %dma_start3A_886 = arith.constant 24 : i32
        %dma_start3A_887 = tpu.memref_slice %arg2[%dma_start3A_886, %multiple_of3A_815] : memref<64x1000000xf32, #tpu.memory_space<hbm>> -> memref<8x128xf32, #tpu.memory_space<hbm>>
        tpu.enqueue_dma source(%dma_start3A_887 : memref<8x128xf32, #tpu.memory_space<hbm>>) target(%dma_start3A_885 : memref<8x128xf32, #tpu.memory_space<vmem>>) target_semaphore(%arg10 : memref<!tpu.dma_semaphore, #tpu.memory_space<semaphore_mem>>)
        %dma_start3A_888 = arith.constant 24 : i32
        %dma_start3A_889 = arith.constant 0 : i32
        %dma_start3A_890 = tpu.memref_slice %arg5[%dma_start3A_888, %dma_start3A_889] : memref<64x128xf32, #tpu.memory_space<vmem>> -> memref<8x128xf32, #tpu.memory_space<vmem>>
        %dma_start3A_891 = arith.constant 24 : i32
        %dma_start3A_892 = tpu.memref_slice %arg2[%dma_start3A_891, %add3A_817] : memref<64x1000000xf32, #tpu.memory_space<hbm>> -> memref<8x128xf32, #tpu.memory_space<hbm>>
        %dma_start3A_893 = arith.constant 24 : i32
        %dma_start3A_894 = arith.constant 0 : i32
        %dma_start3A_895 = tpu.memref_slice %arg5[%dma_start3A_893, %dma_start3A_894] : memref<64x128xf32, #tpu.memory_space<vmem>> -> memref<8x128xf32, #tpu.memory_space<vmem>>
        %dma_start3A_896 = arith.constant 24 : i32
        %dma_start3A_897 = tpu.memref_slice %arg2[%dma_start3A_896, %add3A_817] : memref<64x1000000xf32, #tpu.memory_space<hbm>> -> memref<8x128xf32, #tpu.memory_space<hbm>>
        tpu.enqueue_dma source(%dma_start3A_897 : memref<8x128xf32, #tpu.memory_space<hbm>>) target(%dma_start3A_895 : memref<8x128xf32, #tpu.memory_space<vmem>>) target_semaphore(%arg10 : memref<!tpu.dma_semaphore, #tpu.memory_space<semaphore_mem>>)
        %dma_start3A_898 = arith.constant 32 : i32
        %dma_start3A_899 = arith.constant 0 : i32
        %dma_start3A_900 = tpu.memref_slice %arg4[%dma_start3A_898, %dma_start3A_899] : memref<64x128xf32, #tpu.memory_space<vmem>> -> memref<8x128xf32, #tpu.memory_space<vmem>>
        %dma_start3A_901 = arith.constant 32 : i32
        %dma_start3A_902 = tpu.memref_slice %arg2[%dma_start3A_901, %multiple_of3A_815] : memref<64x1000000xf32, #tpu.memory_space<hbm>> -> memref<8x128xf32, #tpu.memory_space<hbm>>
        %dma_start3A_903 = arith.constant 32 : i32
        %dma_start3A_904 = arith.constant 0 : i32
        %dma_start3A_905 = tpu.memref_slice %arg4[%dma_start3A_903, %dma_start3A_904] : memref<64x128xf32, #tpu.memory_space<vmem>> -> memref<8x128xf32, #tpu.memory_space<vmem>>
        %dma_start3A_906 = arith.constant 32 : i32
        %dma_start3A_907 = tpu.memref_slice %arg2[%dma_start3A_906, %multiple_of3A_815] : memref<64x1000000xf32, #tpu.memory_space<hbm>> -> memref<8x128xf32, #tpu.memory_space<hbm>>
        tpu.enqueue_dma source(%dma_start3A_907 : memref<8x128xf32, #tpu.memory_space<hbm>>) target(%dma_start3A_905 : memref<8x128xf32, #tpu.memory_space<vmem>>) target_semaphore(%arg10 : memref<!tpu.dma_semaphore, #tpu.memory_space<semaphore_mem>>)
        %dma_start3A_908 = arith.constant 32 : i32
        %dma_start3A_909 = arith.constant 0 : i32
        %dma_start3A_910 = tpu.memref_slice %arg5[%dma_start3A_908, %dma_start3A_909] : memref<64x128xf32, #tpu.memory_space<vmem>> -> memref<8x128xf32, #tpu.memory_space<vmem>>
        %dma_start3A_911 = arith.constant 32 : i32
        %dma_start3A_912 = tpu.memref_slice %arg2[%dma_start3A_911, %add3A_817] : memref<64x1000000xf32, #tpu.memory_space<hbm>> -> memref<8x128xf32, #tpu.memory_space<hbm>>
        %dma_start3A_913 = arith.constant 32 : i32
        %dma_start3A_914 = arith.constant 0 : i32
        %dma_start3A_915 = tpu.memref_slice %arg5[%dma_start3A_913, %dma_start3A_914] : memref<64x128xf32, #tpu.memory_space<vmem>> -> memref<8x128xf32, #tpu.memory_space<vmem>>
        %dma_start3A_916 = arith.constant 32 : i32
        %dma_start3A_917 = tpu.memref_slice %arg2[%dma_start3A_916, %add3A_817] : memref<64x1000000xf32, #tpu.memory_space<hbm>> -> memref<8x128xf32, #tpu.memory_space<hbm>>
        tpu.enqueue_dma source(%dma_start3A_917 : memref<8x128xf32, #tpu.memory_space<hbm>>) target(%dma_start3A_915 : memref<8x128xf32, #tpu.memory_space<vmem>>) target_semaphore(%arg10 : memref<!tpu.dma_semaphore, #tpu.memory_space<semaphore_mem>>)
        %dma_start3A_918 = arith.constant 40 : i32
        %dma_start3A_919 = arith.constant 0 : i32
        %dma_start3A_920 = tpu.memref_slice %arg4[%dma_start3A_918, %dma_start3A_919] : memref<64x128xf32, #tpu.memory_space<vmem>> -> memref<8x128xf32, #tpu.memory_space<vmem>>
        %dma_start3A_921 = arith.constant 40 : i32
        %dma_start3A_922 = tpu.memref_slice %arg2[%dma_start3A_921, %multiple_of3A_815] : memref<64x1000000xf32, #tpu.memory_space<hbm>> -> memref<8x128xf32, #tpu.memory_space<hbm>>
        %dma_start3A_923 = arith.constant 40 : i32
        %dma_start3A_924 = arith.constant 0 : i32
        %dma_start3A_925 = tpu.memref_slice %arg4[%dma_start3A_923, %dma_start3A_924] : memref<64x128xf32, #tpu.memory_space<vmem>> -> memref<8x128xf32, #tpu.memory_space<vmem>>
        %dma_start3A_926 = arith.constant 40 : i32
        %dma_start3A_927 = tpu.memref_slice %arg2[%dma_start3A_926, %multiple_of3A_815] : memref<64x1000000xf32, #tpu.memory_space<hbm>> -> memref<8x128xf32, #tpu.memory_space<hbm>>
        tpu.enqueue_dma source(%dma_start3A_927 : memref<8x128xf32, #tpu.memory_space<hbm>>) target(%dma_start3A_925 : memref<8x128xf32, #tpu.memory_space<vmem>>) target_semaphore(%arg10 : memref<!tpu.dma_semaphore, #tpu.memory_space<semaphore_mem>>)
        %dma_start3A_928 = arith.constant 40 : i32
        %dma_start3A_929 = arith.constant 0 : i32
        %dma_start3A_930 = tpu.memref_slice %arg5[%dma_start3A_928, %dma_start3A_929] : memref<64x128xf32, #tpu.memory_space<vmem>> -> memref<8x128xf32, #tpu.memory_space<vmem>>
        %dma_start3A_931 = arith.constant 40 : i32
        %dma_start3A_932 = tpu.memref_slice %arg2[%dma_start3A_931, %add3A_817] : memref<64x1000000xf32, #tpu.memory_space<hbm>> -> memref<8x128xf32, #tpu.memory_space<hbm>>
        %dma_start3A_933 = arith.constant 40 : i32
        %dma_start3A_934 = arith.constant 0 : i32
        %dma_start3A_935 = tpu.memref_slice %arg5[%dma_start3A_933, %dma_start3A_934] : memref<64x128xf32, #tpu.memory_space<vmem>> -> memref<8x128xf32, #tpu.memory_space<vmem>>
        %dma_start3A_936 = arith.constant 40 : i32
        %dma_start3A_937 = tpu.memref_slice %arg2[%dma_start3A_936, %add3A_817] : memref<64x1000000xf32, #tpu.memory_space<hbm>> -> memref<8x128xf32, #tpu.memory_space<hbm>>
        tpu.enqueue_dma source(%dma_start3A_937 : memref<8x128xf32, #tpu.memory_space<hbm>>) target(%dma_start3A_935 : memref<8x128xf32, #tpu.memory_space<vmem>>) target_semaphore(%arg10 : memref<!tpu.dma_semaphore, #tpu.memory_space<semaphore_mem>>)
        %dma_start3A_938 = arith.constant 48 : i32
        %dma_start3A_939 = arith.constant 0 : i32
        %dma_start3A_940 = tpu.memref_slice %arg4[%dma_start3A_938, %dma_start3A_939] : memref<64x128xf32, #tpu.memory_space<vmem>> -> memref<8x128xf32, #tpu.memory_space<vmem>>
        %dma_start3A_941 = arith.constant 48 : i32
        %dma_start3A_942 = tpu.memref_slice %arg2[%dma_start3A_941, %multiple_of3A_815] : memref<64x1000000xf32, #tpu.memory_space<hbm>> -> memref<8x128xf32, #tpu.memory_space<hbm>>
        %dma_start3A_943 = arith.constant 48 : i32
        %dma_start3A_944 = arith.constant 0 : i32
        %dma_start3A_945 = tpu.memref_slice %arg4[%dma_start3A_943, %dma_start3A_944] : memref<64x128xf32, #tpu.memory_space<vmem>> -> memref<8x128xf32, #tpu.memory_space<vmem>>
        %dma_start3A_946 = arith.constant 48 : i32
        %dma_start3A_947 = tpu.memref_slice %arg2[%dma_start3A_946, %multiple_of3A_815] : memref<64x1000000xf32, #tpu.memory_space<hbm>> -> memref<8x128xf32, #tpu.memory_space<hbm>>
        tpu.enqueue_dma source(%dma_start3A_947 : memref<8x128xf32, #tpu.memory_space<hbm>>) target(%dma_start3A_945 : memref<8x128xf32, #tpu.memory_space<vmem>>) target_semaphore(%arg10 : memref<!tpu.dma_semaphore, #tpu.memory_space<semaphore_mem>>)
        %dma_start3A_948 = arith.constant 48 : i32
        %dma_start3A_949 = arith.constant 0 : i32
        %dma_start3A_950 = tpu.memref_slice %arg5[%dma_start3A_948, %dma_start3A_949] : memref<64x128xf32, #tpu.memory_space<vmem>> -> memref<8x128xf32, #tpu.memory_space<vmem>>
        %dma_start3A_951 = arith.constant 48 : i32
        %dma_start3A_952 = tpu.memref_slice %arg2[%dma_start3A_951, %add3A_817] : memref<64x1000000xf32, #tpu.memory_space<hbm>> -> memref<8x128xf32, #tpu.memory_space<hbm>>
        %dma_start3A_953 = arith.constant 48 : i32
        %dma_start3A_954 = arith.constant 0 : i32
        %dma_start3A_955 = tpu.memref_slice %arg5[%dma_start3A_953, %dma_start3A_954] : memref<64x128xf32, #tpu.memory_space<vmem>> -> memref<8x128xf32, #tpu.memory_space<vmem>>
        %dma_start3A_956 = arith.constant 48 : i32
        %dma_start3A_957 = tpu.memref_slice %arg2[%dma_start3A_956, %add3A_817] : memref<64x1000000xf32, #tpu.memory_space<hbm>> -> memref<8x128xf32, #tpu.memory_space<hbm>>
        tpu.enqueue_dma source(%dma_start3A_957 : memref<8x128xf32, #tpu.memory_space<hbm>>) target(%dma_start3A_955 : memref<8x128xf32, #tpu.memory_space<vmem>>) target_semaphore(%arg10 : memref<!tpu.dma_semaphore, #tpu.memory_space<semaphore_mem>>)
        %dma_start3A_958 = arith.constant 56 : i32
        %dma_start3A_959 = arith.constant 0 : i32
        %dma_start3A_960 = tpu.memref_slice %arg4[%dma_start3A_958, %dma_start3A_959] : memref<64x128xf32, #tpu.memory_space<vmem>> -> memref<8x128xf32, #tpu.memory_space<vmem>>
        %dma_start3A_961 = arith.constant 56 : i32
        %dma_start3A_962 = tpu.memref_slice %arg2[%dma_start3A_961, %multiple_of3A_815] : memref<64x1000000xf32, #tpu.memory_space<hbm>> -> memref<8x128xf32, #tpu.memory_space<hbm>>
        %dma_start3A_963 = arith.constant 56 : i32
        %dma_start3A_964 = arith.constant 0 : i32
        %dma_start3A_965 = tpu.memref_slice %arg4[%dma_start3A_963, %dma_start3A_964] : memref<64x128xf32, #tpu.memory_space<vmem>> -> memref<8x128xf32, #tpu.memory_space<vmem>>
        %dma_start3A_966 = arith.constant 56 : i32
        %dma_start3A_967 = tpu.memref_slice %arg2[%dma_start3A_966, %multiple_of3A_815] : memref<64x1000000xf32, #tpu.memory_space<hbm>> -> memref<8x128xf32, #tpu.memory_space<hbm>>
        tpu.enqueue_dma source(%dma_start3A_967 : memref<8x128xf32, #tpu.memory_space<hbm>>) target(%dma_start3A_965 : memref<8x128xf32, #tpu.memory_space<vmem>>) target_semaphore(%arg10 : memref<!tpu.dma_semaphore, #tpu.memory_space<semaphore_mem>>)
        %dma_start3A_968 = arith.constant 56 : i32
        %dma_start3A_969 = arith.constant 0 : i32
        %dma_start3A_970 = tpu.memref_slice %arg5[%dma_start3A_968, %dma_start3A_969] : memref<64x128xf32, #tpu.memory_space<vmem>> -> memref<8x128xf32, #tpu.memory_space<vmem>>
        %dma_start3A_971 = arith.constant 56 : i32
        %dma_start3A_972 = tpu.memref_slice %arg2[%dma_start3A_971, %add3A_817] : memref<64x1000000xf32, #tpu.memory_space<hbm>> -> memref<8x128xf32, #tpu.memory_space<hbm>>
        %dma_start3A_973 = arith.constant 56 : i32
        %dma_start3A_974 = arith.constant 0 : i32
        %dma_start3A_975 = tpu.memref_slice %arg5[%dma_start3A_973, %dma_start3A_974] : memref<64x128xf32, #tpu.memory_space<vmem>> -> memref<8x128xf32, #tpu.memory_space<vmem>>
        %dma_start3A_976 = arith.constant 56 : i32
        %dma_start3A_977 = tpu.memref_slice %arg2[%dma_start3A_976, %add3A_817] : memref<64x1000000xf32, #tpu.memory_space<hbm>> -> memref<8x128xf32, #tpu.memory_space<hbm>>
        tpu.enqueue_dma source(%dma_start3A_977 : memref<8x128xf32, #tpu.memory_space<hbm>>) target(%dma_start3A_975 : memref<8x128xf32, #tpu.memory_space<vmem>>) target_semaphore(%arg10 : memref<!tpu.dma_semaphore, #tpu.memory_space<semaphore_mem>>)
      } else {
      }
      %dma_wait3A_587 = arith.constant 0 : i32
      %dma_wait3A_588 = arith.constant 0 : i32
      %dma_wait3A_589 = tpu.memref_slice %arg4[%dma_wait3A_587, %dma_wait3A_588] : memref<64x128xf32, #tpu.memory_space<vmem>> -> memref<8x128xf32, #tpu.memory_space<vmem>>
      %dma_wait3A_590 = arith.constant 0 : i32
      %dma_wait3A_591 = arith.constant 0 : i32
      %dma_wait3A_592 = tpu.memref_slice %arg2[%dma_wait3A_590, %dma_wait3A_591] : memref<64x1000000xf32, #tpu.memory_space<hbm>> -> memref<8x128xf32, #tpu.memory_space<hbm>>
      %dma_wait3A_593 = arith.constant 0 : i32
      %dma_wait3A_594 = arith.constant 0 : i32
      %dma_wait3A_595 = tpu.memref_slice %arg4[%dma_wait3A_593, %dma_wait3A_594] : memref<64x128xf32, #tpu.memory_space<vmem>> -> memref<8x128xf32, #tpu.memory_space<vmem>>
      %dma_wait3A_596 = arith.constant 0 : i32
      %dma_wait3A_597 = arith.constant 0 : i32
      %dma_wait3A_598 = tpu.memref_slice %arg2[%dma_wait3A_596, %dma_wait3A_597] : memref<64x1000000xf32, #tpu.memory_space<hbm>> -> memref<8x128xf32, #tpu.memory_space<hbm>>
      tpu.wait_dma2 semaphore(%arg11 : memref<!tpu.dma_semaphore, #tpu.memory_space<semaphore_mem>>) src(%dma_wait3A_598 : memref<8x128xf32, #tpu.memory_space<hbm>>) dst(%dma_wait3A_595 : memref<8x128xf32, #tpu.memory_space<vmem>>)
      %dma_wait3A_599 = arith.constant 0 : i32
      %dma_wait3A_600 = arith.constant 0 : i32
      %dma_wait3A_601 = tpu.memref_slice %arg4[%dma_wait3A_599, %dma_wait3A_600] : memref<64x128xf32, #tpu.memory_space<vmem>> -> memref<8x128xf32, #tpu.memory_space<vmem>>
      %dma_wait3A_602 = arith.constant 0 : i32
      %dma_wait3A_603 = arith.constant 0 : i32
      %dma_wait3A_604 = tpu.memref_slice %arg2[%dma_wait3A_602, %dma_wait3A_603] : memref<64x1000000xf32, #tpu.memory_space<hbm>> -> memref<8x128xf32, #tpu.memory_space<hbm>>
      %dma_wait3A_605 = arith.constant 0 : i32
      %dma_wait3A_606 = arith.constant 0 : i32
      %dma_wait3A_607 = tpu.memref_slice %arg4[%dma_wait3A_605, %dma_wait3A_606] : memref<64x128xf32, #tpu.memory_space<vmem>> -> memref<8x128xf32, #tpu.memory_space<vmem>>
      %dma_wait3A_608 = arith.constant 0 : i32
      %dma_wait3A_609 = arith.constant 0 : i32
      %dma_wait3A_610 = tpu.memref_slice %arg2[%dma_wait3A_608, %dma_wait3A_609] : memref<64x1000000xf32, #tpu.memory_space<hbm>> -> memref<8x128xf32, #tpu.memory_space<hbm>>
      tpu.wait_dma2 semaphore(%arg11 : memref<!tpu.dma_semaphore, #tpu.memory_space<semaphore_mem>>) src(%dma_wait3A_610 : memref<8x128xf32, #tpu.memory_space<hbm>>) dst(%dma_wait3A_607 : memref<8x128xf32, #tpu.memory_space<vmem>>)
      %dma_wait3A_611 = arith.constant 0 : i32
      %dma_wait3A_612 = arith.constant 0 : i32
      %dma_wait3A_613 = tpu.memref_slice %arg4[%dma_wait3A_611, %dma_wait3A_612] : memref<64x128xf32, #tpu.memory_space<vmem>> -> memref<8x128xf32, #tpu.memory_space<vmem>>
      %dma_wait3A_614 = arith.constant 0 : i32
      %dma_wait3A_615 = arith.constant 0 : i32
      %dma_wait3A_616 = tpu.memref_slice %arg2[%dma_wait3A_614, %dma_wait3A_615] : memref<64x1000000xf32, #tpu.memory_space<hbm>> -> memref<8x128xf32, #tpu.memory_space<hbm>>
      %dma_wait3A_617 = arith.constant 0 : i32
      %dma_wait3A_618 = arith.constant 0 : i32
      %dma_wait3A_619 = tpu.memref_slice %arg4[%dma_wait3A_617, %dma_wait3A_618] : memref<64x128xf32, #tpu.memory_space<vmem>> -> memref<8x128xf32, #tpu.memory_space<vmem>>
      %dma_wait3A_620 = arith.constant 0 : i32
      %dma_wait3A_621 = arith.constant 0 : i32
      %dma_wait3A_622 = tpu.memref_slice %arg2[%dma_wait3A_620, %dma_wait3A_621] : memref<64x1000000xf32, #tpu.memory_space<hbm>> -> memref<8x128xf32, #tpu.memory_space<hbm>>
      tpu.wait_dma2 semaphore(%arg11 : memref<!tpu.dma_semaphore, #tpu.memory_space<semaphore_mem>>) src(%dma_wait3A_622 : memref<8x128xf32, #tpu.memory_space<hbm>>) dst(%dma_wait3A_619 : memref<8x128xf32, #tpu.memory_space<vmem>>)
      %dma_wait3A_623 = arith.constant 0 : i32
      %dma_wait3A_624 = arith.constant 0 : i32
      %dma_wait3A_625 = tpu.memref_slice %arg4[%dma_wait3A_623, %dma_wait3A_624] : memref<64x128xf32, #tpu.memory_space<vmem>> -> memref<8x128xf32, #tpu.memory_space<vmem>>
      %dma_wait3A_626 = arith.constant 0 : i32
      %dma_wait3A_627 = arith.constant 0 : i32
      %dma_wait3A_628 = tpu.memref_slice %arg2[%dma_wait3A_626, %dma_wait3A_627] : memref<64x1000000xf32, #tpu.memory_space<hbm>> -> memref<8x128xf32, #tpu.memory_space<hbm>>
      %dma_wait3A_629 = arith.constant 0 : i32
      %dma_wait3A_630 = arith.constant 0 : i32
      %dma_wait3A_631 = tpu.memref_slice %arg4[%dma_wait3A_629, %dma_wait3A_630] : memref<64x128xf32, #tpu.memory_space<vmem>> -> memref<8x128xf32, #tpu.memory_space<vmem>>
      %dma_wait3A_632 = arith.constant 0 : i32
      %dma_wait3A_633 = arith.constant 0 : i32
      %dma_wait3A_634 = tpu.memref_slice %arg2[%dma_wait3A_632, %dma_wait3A_633] : memref<64x1000000xf32, #tpu.memory_space<hbm>> -> memref<8x128xf32, #tpu.memory_space<hbm>>
      tpu.wait_dma2 semaphore(%arg11 : memref<!tpu.dma_semaphore, #tpu.memory_space<semaphore_mem>>) src(%dma_wait3A_634 : memref<8x128xf32, #tpu.memory_space<hbm>>) dst(%dma_wait3A_631 : memref<8x128xf32, #tpu.memory_space<vmem>>)
      %dma_wait3A_635 = arith.constant 0 : i32
      %dma_wait3A_636 = arith.constant 0 : i32
      %dma_wait3A_637 = tpu.memref_slice %arg4[%dma_wait3A_635, %dma_wait3A_636] : memref<64x128xf32, #tpu.memory_space<vmem>> -> memref<8x128xf32, #tpu.memory_space<vmem>>
      %dma_wait3A_638 = arith.constant 0 : i32
      %dma_wait3A_639 = arith.constant 0 : i32
      %dma_wait3A_640 = tpu.memref_slice %arg2[%dma_wait3A_638, %dma_wait3A_639] : memref<64x1000000xf32, #tpu.memory_space<hbm>> -> memref<8x128xf32, #tpu.memory_space<hbm>>
      %dma_wait3A_641 = arith.constant 0 : i32
      %dma_wait3A_642 = arith.constant 0 : i32
      %dma_wait3A_643 = tpu.memref_slice %arg4[%dma_wait3A_641, %dma_wait3A_642] : memref<64x128xf32, #tpu.memory_space<vmem>> -> memref<8x128xf32, #tpu.memory_space<vmem>>
      %dma_wait3A_644 = arith.constant 0 : i32
      %dma_wait3A_645 = arith.constant 0 : i32
      %dma_wait3A_646 = tpu.memref_slice %arg2[%dma_wait3A_644, %dma_wait3A_645] : memref<64x1000000xf32, #tpu.memory_space<hbm>> -> memref<8x128xf32, #tpu.memory_space<hbm>>
      tpu.wait_dma2 semaphore(%arg11 : memref<!tpu.dma_semaphore, #tpu.memory_space<semaphore_mem>>) src(%dma_wait3A_646 : memref<8x128xf32, #tpu.memory_space<hbm>>) dst(%dma_wait3A_643 : memref<8x128xf32, #tpu.memory_space<vmem>>)
      %dma_wait3A_647 = arith.constant 0 : i32
      %dma_wait3A_648 = arith.constant 0 : i32
      %dma_wait3A_649 = tpu.memref_slice %arg4[%dma_wait3A_647, %dma_wait3A_648] : memref<64x128xf32, #tpu.memory_space<vmem>> -> memref<8x128xf32, #tpu.memory_space<vmem>>
      %dma_wait3A_650 = arith.constant 0 : i32
      %dma_wait3A_651 = arith.constant 0 : i32
      %dma_wait3A_652 = tpu.memref_slice %arg2[%dma_wait3A_650, %dma_wait3A_651] : memref<64x1000000xf32, #tpu.memory_space<hbm>> -> memref<8x128xf32, #tpu.memory_space<hbm>>
      %dma_wait3A_653 = arith.constant 0 : i32
      %dma_wait3A_654 = arith.constant 0 : i32
      %dma_wait3A_655 = tpu.memref_slice %arg4[%dma_wait3A_653, %dma_wait3A_654] : memref<64x128xf32, #tpu.memory_space<vmem>> -> memref<8x128xf32, #tpu.memory_space<vmem>>
      %dma_wait3A_656 = arith.constant 0 : i32
      %dma_wait3A_657 = arith.constant 0 : i32
      %dma_wait3A_658 = tpu.memref_slice %arg2[%dma_wait3A_656, %dma_wait3A_657] : memref<64x1000000xf32, #tpu.memory_space<hbm>> -> memref<8x128xf32, #tpu.memory_space<hbm>>
      tpu.wait_dma2 semaphore(%arg11 : memref<!tpu.dma_semaphore, #tpu.memory_space<semaphore_mem>>) src(%dma_wait3A_658 : memref<8x128xf32, #tpu.memory_space<hbm>>) dst(%dma_wait3A_655 : memref<8x128xf32, #tpu.memory_space<vmem>>)
      %dma_wait3A_659 = arith.constant 0 : i32
      %dma_wait3A_660 = arith.constant 0 : i32
      %dma_wait3A_661 = tpu.memref_slice %arg4[%dma_wait3A_659, %dma_wait3A_660] : memref<64x128xf32, #tpu.memory_space<vmem>> -> memref<8x128xf32, #tpu.memory_space<vmem>>
      %dma_wait3A_662 = arith.constant 0 : i32
      %dma_wait3A_663 = arith.constant 0 : i32
      %dma_wait3A_664 = tpu.memref_slice %arg2[%dma_wait3A_662, %dma_wait3A_663] : memref<64x1000000xf32, #tpu.memory_space<hbm>> -> memref<8x128xf32, #tpu.memory_space<hbm>>
      %dma_wait3A_665 = arith.constant 0 : i32
      %dma_wait3A_666 = arith.constant 0 : i32
      %dma_wait3A_667 = tpu.memref_slice %arg4[%dma_wait3A_665, %dma_wait3A_666] : memref<64x128xf32, #tpu.memory_space<vmem>> -> memref<8x128xf32, #tpu.memory_space<vmem>>
      %dma_wait3A_668 = arith.constant 0 : i32
      %dma_wait3A_669 = arith.constant 0 : i32
      %dma_wait3A_670 = tpu.memref_slice %arg2[%dma_wait3A_668, %dma_wait3A_669] : memref<64x1000000xf32, #tpu.memory_space<hbm>> -> memref<8x128xf32, #tpu.memory_space<hbm>>
      tpu.wait_dma2 semaphore(%arg11 : memref<!tpu.dma_semaphore, #tpu.memory_space<semaphore_mem>>) src(%dma_wait3A_670 : memref<8x128xf32, #tpu.memory_space<hbm>>) dst(%dma_wait3A_667 : memref<8x128xf32, #tpu.memory_space<vmem>>)
      %dma_wait3A_671 = arith.constant 0 : i32
      %dma_wait3A_672 = arith.constant 0 : i32
      %dma_wait3A_673 = tpu.memref_slice %arg4[%dma_wait3A_671, %dma_wait3A_672] : memref<64x128xf32, #tpu.memory_space<vmem>> -> memref<8x128xf32, #tpu.memory_space<vmem>>
      %dma_wait3A_674 = arith.constant 0 : i32
      %dma_wait3A_675 = arith.constant 0 : i32
      %dma_wait3A_676 = tpu.memref_slice %arg2[%dma_wait3A_674, %dma_wait3A_675] : memref<64x1000000xf32, #tpu.memory_space<hbm>> -> memref<8x128xf32, #tpu.memory_space<hbm>>
      %dma_wait3A_677 = arith.constant 0 : i32
      %dma_wait3A_678 = arith.constant 0 : i32
      %dma_wait3A_679 = tpu.memref_slice %arg4[%dma_wait3A_677, %dma_wait3A_678] : memref<64x128xf32, #tpu.memory_space<vmem>> -> memref<8x128xf32, #tpu.memory_space<vmem>>
      %dma_wait3A_680 = arith.constant 0 : i32
      %dma_wait3A_681 = arith.constant 0 : i32
      %dma_wait3A_682 = tpu.memref_slice %arg2[%dma_wait3A_680, %dma_wait3A_681] : memref<64x1000000xf32, #tpu.memory_space<hbm>> -> memref<8x128xf32, #tpu.memory_space<hbm>>
      tpu.wait_dma2 semaphore(%arg11 : memref<!tpu.dma_semaphore, #tpu.memory_space<semaphore_mem>>) src(%dma_wait3A_682 : memref<8x128xf32, #tpu.memory_space<hbm>>) dst(%dma_wait3A_679 : memref<8x128xf32, #tpu.memory_space<vmem>>)
      %dma_wait3A_683 = arith.constant 0 : i32
      %dma_wait3A_684 = arith.constant 0 : i32
      %dma_wait3A_685 = tpu.memref_slice %arg4[%dma_wait3A_683, %dma_wait3A_684] : memref<64x128xf32, #tpu.memory_space<vmem>> -> memref<8x128xf32, #tpu.memory_space<vmem>>
      %dma_wait3A_686 = arith.constant 0 : i32
      %dma_wait3A_687 = arith.constant 0 : i32
      %dma_wait3A_688 = tpu.memref_slice %arg2[%dma_wait3A_686, %dma_wait3A_687] : memref<64x1000000xf32, #tpu.memory_space<hbm>> -> memref<8x128xf32, #tpu.memory_space<hbm>>
      %dma_wait3A_689 = arith.constant 0 : i32
      %dma_wait3A_690 = arith.constant 0 : i32
      %dma_wait3A_691 = tpu.memref_slice %arg4[%dma_wait3A_689, %dma_wait3A_690] : memref<64x128xf32, #tpu.memory_space<vmem>> -> memref<8x128xf32, #tpu.memory_space<vmem>>
      %dma_wait3A_692 = arith.constant 0 : i32
      %dma_wait3A_693 = arith.constant 0 : i32
      %dma_wait3A_694 = tpu.memref_slice %arg2[%dma_wait3A_692, %dma_wait3A_693] : memref<64x1000000xf32, #tpu.memory_space<hbm>> -> memref<8x128xf32, #tpu.memory_space<hbm>>
      tpu.wait_dma2 semaphore(%arg11 : memref<!tpu.dma_semaphore, #tpu.memory_space<semaphore_mem>>) src(%dma_wait3A_694 : memref<8x128xf32, #tpu.memory_space<hbm>>) dst(%dma_wait3A_691 : memref<8x128xf32, #tpu.memory_space<vmem>>)
      %dma_wait3A_695 = arith.constant 0 : i32
      %dma_wait3A_696 = arith.constant 0 : i32
      %dma_wait3A_697 = tpu.memref_slice %arg4[%dma_wait3A_695, %dma_wait3A_696] : memref<64x128xf32, #tpu.memory_space<vmem>> -> memref<8x128xf32, #tpu.memory_space<vmem>>
      %dma_wait3A_698 = arith.constant 0 : i32
      %dma_wait3A_699 = arith.constant 0 : i32
      %dma_wait3A_700 = tpu.memref_slice %arg2[%dma_wait3A_698, %dma_wait3A_699] : memref<64x1000000xf32, #tpu.memory_space<hbm>> -> memref<8x128xf32, #tpu.memory_space<hbm>>
      %dma_wait3A_701 = arith.constant 0 : i32
      %dma_wait3A_702 = arith.constant 0 : i32
      %dma_wait3A_703 = tpu.memref_slice %arg4[%dma_wait3A_701, %dma_wait3A_702] : memref<64x128xf32, #tpu.memory_space<vmem>> -> memref<8x128xf32, #tpu.memory_space<vmem>>
      %dma_wait3A_704 = arith.constant 0 : i32
      %dma_wait3A_705 = arith.constant 0 : i32
      %dma_wait3A_706 = tpu.memref_slice %arg2[%dma_wait3A_704, %dma_wait3A_705] : memref<64x1000000xf32, #tpu.memory_space<hbm>> -> memref<8x128xf32, #tpu.memory_space<hbm>>
      tpu.wait_dma2 semaphore(%arg11 : memref<!tpu.dma_semaphore, #tpu.memory_space<semaphore_mem>>) src(%dma_wait3A_706 : memref<8x128xf32, #tpu.memory_space<hbm>>) dst(%dma_wait3A_703 : memref<8x128xf32, #tpu.memory_space<vmem>>)
      %dma_wait3A_707 = arith.constant 0 : i32
      %dma_wait3A_708 = arith.constant 0 : i32
      %dma_wait3A_709 = tpu.memref_slice %arg4[%dma_wait3A_707, %dma_wait3A_708] : memref<64x128xf32, #tpu.memory_space<vmem>> -> memref<8x128xf32, #tpu.memory_space<vmem>>
      %dma_wait3A_710 = arith.constant 0 : i32
      %dma_wait3A_711 = arith.constant 0 : i32
      %dma_wait3A_712 = tpu.memref_slice %arg2[%dma_wait3A_710, %dma_wait3A_711] : memref<64x1000000xf32, #tpu.memory_space<hbm>> -> memref<8x128xf32, #tpu.memory_space<hbm>>
      %dma_wait3A_713 = arith.constant 0 : i32
      %dma_wait3A_714 = arith.constant 0 : i32
      %dma_wait3A_715 = tpu.memref_slice %arg4[%dma_wait3A_713, %dma_wait3A_714] : memref<64x128xf32, #tpu.memory_space<vmem>> -> memref<8x128xf32, #tpu.memory_space<vmem>>
      %dma_wait3A_716 = arith.constant 0 : i32
      %dma_wait3A_717 = arith.constant 0 : i32
      %dma_wait3A_718 = tpu.memref_slice %arg2[%dma_wait3A_716, %dma_wait3A_717] : memref<64x1000000xf32, #tpu.memory_space<hbm>> -> memref<8x128xf32, #tpu.memory_space<hbm>>
      tpu.wait_dma2 semaphore(%arg11 : memref<!tpu.dma_semaphore, #tpu.memory_space<semaphore_mem>>) src(%dma_wait3A_718 : memref<8x128xf32, #tpu.memory_space<hbm>>) dst(%dma_wait3A_715 : memref<8x128xf32, #tpu.memory_space<vmem>>)
      %dma_wait3A_719 = arith.constant 0 : i32
      %dma_wait3A_720 = arith.constant 0 : i32
      %dma_wait3A_721 = tpu.memref_slice %arg4[%dma_wait3A_719, %dma_wait3A_720] : memref<64x128xf32, #tpu.memory_space<vmem>> -> memref<8x128xf32, #tpu.memory_space<vmem>>
      %dma_wait3A_722 = arith.constant 0 : i32
      %dma_wait3A_723 = arith.constant 0 : i32
      %dma_wait3A_724 = tpu.memref_slice %arg2[%dma_wait3A_722, %dma_wait3A_723] : memref<64x1000000xf32, #tpu.memory_space<hbm>> -> memref<8x128xf32, #tpu.memory_space<hbm>>
      %dma_wait3A_725 = arith.constant 0 : i32
      %dma_wait3A_726 = arith.constant 0 : i32
      %dma_wait3A_727 = tpu.memref_slice %arg4[%dma_wait3A_725, %dma_wait3A_726] : memref<64x128xf32, #tpu.memory_space<vmem>> -> memref<8x128xf32, #tpu.memory_space<vmem>>
      %dma_wait3A_728 = arith.constant 0 : i32
      %dma_wait3A_729 = arith.constant 0 : i32
      %dma_wait3A_730 = tpu.memref_slice %arg2[%dma_wait3A_728, %dma_wait3A_729] : memref<64x1000000xf32, #tpu.memory_space<hbm>> -> memref<8x128xf32, #tpu.memory_space<hbm>>
      tpu.wait_dma2 semaphore(%arg11 : memref<!tpu.dma_semaphore, #tpu.memory_space<semaphore_mem>>) src(%dma_wait3A_730 : memref<8x128xf32, #tpu.memory_space<hbm>>) dst(%dma_wait3A_727 : memref<8x128xf32, #tpu.memory_space<vmem>>)
      %dma_wait3A_731 = arith.constant 0 : i32
      %dma_wait3A_732 = arith.constant 0 : i32
      %dma_wait3A_733 = tpu.memref_slice %arg4[%dma_wait3A_731, %dma_wait3A_732] : memref<64x128xf32, #tpu.memory_space<vmem>> -> memref<8x128xf32, #tpu.memory_space<vmem>>
      %dma_wait3A_734 = arith.constant 0 : i32
      %dma_wait3A_735 = arith.constant 0 : i32
      %dma_wait3A_736 = tpu.memref_slice %arg2[%dma_wait3A_734, %dma_wait3A_735] : memref<64x1000000xf32, #tpu.memory_space<hbm>> -> memref<8x128xf32, #tpu.memory_space<hbm>>
      %dma_wait3A_737 = arith.constant 0 : i32
      %dma_wait3A_738 = arith.constant 0 : i32
      %dma_wait3A_739 = tpu.memref_slice %arg4[%dma_wait3A_737, %dma_wait3A_738] : memref<64x128xf32, #tpu.memory_space<vmem>> -> memref<8x128xf32, #tpu.memory_space<vmem>>
      %dma_wait3A_740 = arith.constant 0 : i32
      %dma_wait3A_741 = arith.constant 0 : i32
      %dma_wait3A_742 = tpu.memref_slice %arg2[%dma_wait3A_740, %dma_wait3A_741] : memref<64x1000000xf32, #tpu.memory_space<hbm>> -> memref<8x128xf32, #tpu.memory_space<hbm>>
      tpu.wait_dma2 semaphore(%arg11 : memref<!tpu.dma_semaphore, #tpu.memory_space<semaphore_mem>>) src(%dma_wait3A_742 : memref<8x128xf32, #tpu.memory_space<hbm>>) dst(%dma_wait3A_739 : memref<8x128xf32, #tpu.memory_space<vmem>>)
      %dma_wait3A_743 = arith.constant 0 : i32
      %dma_wait3A_744 = arith.constant 0 : i32
      %dma_wait3A_745 = tpu.memref_slice %arg4[%dma_wait3A_743, %dma_wait3A_744] : memref<64x128xf32, #tpu.memory_space<vmem>> -> memref<8x128xf32, #tpu.memory_space<vmem>>
      %dma_wait3A_746 = arith.constant 0 : i32
      %dma_wait3A_747 = arith.constant 0 : i32
      %dma_wait3A_748 = tpu.memref_slice %arg2[%dma_wait3A_746, %dma_wait3A_747] : memref<64x1000000xf32, #tpu.memory_space<hbm>> -> memref<8x128xf32, #tpu.memory_space<hbm>>
      %dma_wait3A_749 = arith.constant 0 : i32
      %dma_wait3A_750 = arith.constant 0 : i32
      %dma_wait3A_751 = tpu.memref_slice %arg4[%dma_wait3A_749, %dma_wait3A_750] : memref<64x128xf32, #tpu.memory_space<vmem>> -> memref<8x128xf32, #tpu.memory_space<vmem>>
      %dma_wait3A_752 = arith.constant 0 : i32
      %dma_wait3A_753 = arith.constant 0 : i32
      %dma_wait3A_754 = tpu.memref_slice %arg2[%dma_wait3A_752, %dma_wait3A_753] : memref<64x1000000xf32, #tpu.memory_space<hbm>> -> memref<8x128xf32, #tpu.memory_space<hbm>>
      tpu.wait_dma2 semaphore(%arg11 : memref<!tpu.dma_semaphore, #tpu.memory_space<semaphore_mem>>) src(%dma_wait3A_754 : memref<8x128xf32, #tpu.memory_space<hbm>>) dst(%dma_wait3A_751 : memref<8x128xf32, #tpu.memory_space<vmem>>)
      %dma_wait3A_755 = arith.constant 0 : i32
      %dma_wait3A_756 = arith.constant 0 : i32
      %dma_wait3A_757 = tpu.memref_slice %arg4[%dma_wait3A_755, %dma_wait3A_756] : memref<64x128xf32, #tpu.memory_space<vmem>> -> memref<8x128xf32, #tpu.memory_space<vmem>>
      %dma_wait3A_758 = arith.constant 0 : i32
      %dma_wait3A_759 = arith.constant 0 : i32
      %dma_wait3A_760 = tpu.memref_slice %arg2[%dma_wait3A_758, %dma_wait3A_759] : memref<64x1000000xf32, #tpu.memory_space<hbm>> -> memref<8x128xf32, #tpu.memory_space<hbm>>
      %dma_wait3A_761 = arith.constant 0 : i32
      %dma_wait3A_762 = arith.constant 0 : i32
      %dma_wait3A_763 = tpu.memref_slice %arg4[%dma_wait3A_761, %dma_wait3A_762] : memref<64x128xf32, #tpu.memory_space<vmem>> -> memref<8x128xf32, #tpu.memory_space<vmem>>
      %dma_wait3A_764 = arith.constant 0 : i32
      %dma_wait3A_765 = arith.constant 0 : i32
      %dma_wait3A_766 = tpu.memref_slice %arg2[%dma_wait3A_764, %dma_wait3A_765] : memref<64x1000000xf32, #tpu.memory_space<hbm>> -> memref<8x128xf32, #tpu.memory_space<hbm>>
      tpu.wait_dma2 semaphore(%arg11 : memref<!tpu.dma_semaphore, #tpu.memory_space<semaphore_mem>>) src(%dma_wait3A_766 : memref<8x128xf32, #tpu.memory_space<hbm>>) dst(%dma_wait3A_763 : memref<8x128xf32, #tpu.memory_space<vmem>>)
      %dma_wait3A_767 = arith.constant 0 : i32
      %dma_wait3A_768 = arith.constant 0 : i32
      %dma_wait3A_769 = tpu.memref_slice %arg4[%dma_wait3A_767, %dma_wait3A_768] : memref<64x128xf32, #tpu.memory_space<vmem>> -> memref<8x128xf32, #tpu.memory_space<vmem>>
      %dma_wait3A_770 = arith.constant 0 : i32
      %dma_wait3A_771 = arith.constant 0 : i32
      %dma_wait3A_772 = tpu.memref_slice %arg2[%dma_wait3A_770, %dma_wait3A_771] : memref<64x1000000xf32, #tpu.memory_space<hbm>> -> memref<8x128xf32, #tpu.memory_space<hbm>>
      %dma_wait3A_773 = arith.constant 0 : i32
      %dma_wait3A_774 = arith.constant 0 : i32
      %dma_wait3A_775 = tpu.memref_slice %arg4[%dma_wait3A_773, %dma_wait3A_774] : memref<64x128xf32, #tpu.memory_space<vmem>> -> memref<8x128xf32, #tpu.memory_space<vmem>>
      %dma_wait3A_776 = arith.constant 0 : i32
      %dma_wait3A_777 = arith.constant 0 : i32
      %dma_wait3A_778 = tpu.memref_slice %arg2[%dma_wait3A_776, %dma_wait3A_777] : memref<64x1000000xf32, #tpu.memory_space<hbm>> -> memref<8x128xf32, #tpu.memory_space<hbm>>
      tpu.wait_dma2 semaphore(%arg11 : memref<!tpu.dma_semaphore, #tpu.memory_space<semaphore_mem>>) src(%dma_wait3A_778 : memref<8x128xf32, #tpu.memory_space<hbm>>) dst(%dma_wait3A_775 : memref<8x128xf32, #tpu.memory_space<vmem>>)
      %gt3A_779 = arith.constant 0 : i32
      %gt3A_780 = arith.cmpi sgt, %add3A_194, %gt3A_779 : i32
      %convert_element_type3A_781 = arith.extui %gt3A_780 : i1 to i32
      %cond3A_782 = arith.constant 0 : i32
      %cond3A_783 = arith.cmpi ne, %convert_element_type3A_781, %cond3A_782 : i32
      scf.if %cond3A_783 {
        %dma_wait3A_801 = arith.constant 409600 : i32
        %dma_wait3A_802 = arith.constant 0 : i32
        %dma_wait3A_803 = tpu.memref_slice %arg3[%dma_wait3A_801, %dma_wait3A_802] : memref<501760x128xf32, #tpu.memory_space<hbm>> -> memref<128x128xf32, #tpu.memory_space<hbm>>
        %dma_wait3A_804 = arith.constant 409600 : i32
        %dma_wait3A_805 = arith.constant 0 : i32
        %dma_wait3A_806 = tpu.memref_slice %arg3[%dma_wait3A_804, %dma_wait3A_805] : memref<501760x128xf32, #tpu.memory_space<hbm>> -> memref<128x128xf32, #tpu.memory_space<hbm>>
        tpu.wait_dma2 semaphore(%arg13 : memref<!tpu.dma_semaphore, #tpu.memory_space<semaphore_mem>>) src(%arg9 : memref<128x128xf32, #tpu.memory_space<vmem>>) dst(%dma_wait3A_806 : memref<128x128xf32, #tpu.memory_space<hbm>>)
      } else {
      }
      %add3A_784 = arith.constant 1 : i32
      %add3A_785 = arith.addi %mul3A_196, %add3A_784 : i32
      %scan3A_786 = arith.constant 0 : i32
      %scan3A_787 = arith.constant 8 : i32
      %scan3A_788 = arith.addi %scan3A_786, %scan3A_787 : i32
      %scan3A_789 = arith.constant 1 : i32
      scf.for %scan3A_801 = %scan3A_786 to %scan3A_788 step %scan3A_789  : i32 {
        %mul3A_802 = arith.constant 1 : i32
        %mul3A_803 = arith.muli %scan3A_801, %mul3A_802 : i32
        %add3A_804 = arith.constant 0 : i32
        %add3A_805 = arith.addi %add3A_804, %mul3A_803 : i32
        %mul3A_806 = arith.constant 16 : i32
        %mul3A_807 = arith.muli %add3A_805, %mul3A_806 : i32
        %add3A_808 = vector.broadcast %mul3A_807 : i32 to vector<16xi32>
        %add3A_809 = arith.addi %add3A_808, %iota3A : vector<16xi32>
        %broadcast_in_dim3A = arith.constant 0 : i32
        %broadcast_in_dim3A_810 = vector.broadcast %broadcast_in_dim3A : i32 to vector<16xi32>
        %mul3A_811 = arith.constant 16 : i32
        %mul3A_812 = arith.muli %add3A_805, %mul3A_811 : i32
        %get3A = arith.constant 0 : i32
        %get3A_813 = arith.index_cast %get3A : i32 to index
        %get3A_814 = arith.index_cast %mul3A_812 : i32 to index
        %get3A_815 = tpu.vector_load %arg6[%get3A_813, %get3A_814] {strides = array<i32>} : memref<64x128xf32, #tpu.memory_space<vmem>>, vector<16xf32>,
        tpu.vector_store_idx %arg9[%add3A_809, %broadcast_in_dim3A_810], %get3A_815 : memref<128x128xf32, #tpu.memory_space<vmem>>[vector<16xi32>, vector<16xi32>], vector<16xf32>,
        %add3A_816 = arith.constant 64 : i32
        %add3A_817 = vector.broadcast %add3A_816 : i32 to vector<16xi32>
        %add3A_818 = arith.addi %broadcast_in_dim3A_810, %add3A_817 : vector<16xi32>
        %mul3A_819 = arith.constant 16 : i32
        %mul3A_820 = arith.muli %add3A_805, %mul3A_819 : i32
        %get3A_821 = arith.constant 0 : i32
        %get3A_822 = arith.index_cast %get3A_821 : i32 to index
        %get3A_823 = arith.index_cast %mul3A_820 : i32 to index
        %get3A_824 = tpu.vector_load %arg7[%get3A_822, %get3A_823] {strides = array<i32>} : memref<64x128xf32, #tpu.memory_space<vmem>>, vector<16xf32>,
        tpu.vector_store_idx %arg9[%add3A_809, %add3A_818], %get3A_824 : memref<128x128xf32, #tpu.memory_space<vmem>>[vector<16xi32>, vector<16xi32>], vector<16xf32>,
        %broadcast_in_dim3A_825 = arith.constant 1 : i32
        %broadcast_in_dim3A_826 = vector.broadcast %broadcast_in_dim3A_825 : i32 to vector<16xi32>
        %mul3A_827 = arith.constant 16 : i32
        %mul3A_828 = arith.muli %add3A_805, %mul3A_827 : i32
        %get3A_829 = arith.constant 1 : i32
        %get3A_830 = arith.index_cast %get3A_829 : i32 to index
        %get3A_831 = arith.index_cast %mul3A_828 : i32 to index
        %get3A_832 = tpu.vector_load %arg6[%get3A_830, %get3A_831] {strides = array<i32>} : memref<64x128xf32, #tpu.memory_space<vmem>>, vector<16xf32>,
        tpu.vector_store_idx %arg9[%add3A_809, %broadcast_in_dim3A_826], %get3A_832 : memref<128x128xf32, #tpu.memory_space<vmem>>[vector<16xi32>, vector<16xi32>], vector<16xf32>,
        %add3A_833 = arith.constant 64 : i32
        %add3A_834 = vector.broadcast %add3A_833 : i32 to vector<16xi32>
        %add3A_835 = arith.addi %broadcast_in_dim3A_826, %add3A_834 : vector<16xi32>
        %mul3A_836 = arith.constant 16 : i32
        %mul3A_837 = arith.muli %add3A_805, %mul3A_836 : i32
        %get3A_838 = arith.constant 1 : i32
        %get3A_839 = arith.index_cast %get3A_838 : i32 to index
        %get3A_840 = arith.index_cast %mul3A_837 : i32 to index
        %get3A_841 = tpu.vector_load %arg7[%get3A_839, %get3A_840] {strides = array<i32>} : memref<64x128xf32, #tpu.memory_space<vmem>>, vector<16xf32>,
        tpu.vector_store_idx %arg9[%add3A_809, %add3A_835], %get3A_841 : memref<128x128xf32, #tpu.memory_space<vmem>>[vector<16xi32>, vector<16xi32>], vector<16xf32>,
        %broadcast_in_dim3A_842 = arith.constant 2 : i32
        %broadcast_in_dim3A_843 = vector.broadcast %broadcast_in_dim3A_842 : i32 to vector<16xi32>
        %mul3A_844 = arith.constant 16 : i32
        %mul3A_845 = arith.muli %add3A_805, %mul3A_844 : i32
        %get3A_846 = arith.constant 2 : i32
        %get3A_847 = arith.index_cast %get3A_846 : i32 to index
        %get3A_848 = arith.index_cast %mul3A_845 : i32 to index
        %get3A_849 = tpu.vector_load %arg6[%get3A_847, %get3A_848] {strides = array<i32>} : memref<64x128xf32, #tpu.memory_space<vmem>>, vector<16xf32>,
        tpu.vector_store_idx %arg9[%add3A_809, %broadcast_in_dim3A_843], %get3A_849 : memref<128x128xf32, #tpu.memory_space<vmem>>[vector<16xi32>, vector<16xi32>], vector<16xf32>,
        %add3A_850 = arith.constant 64 : i32
        %add3A_851 = vector.broadcast %add3A_850 : i32 to vector<16xi32>
        %add3A_852 = arith.addi %broadcast_in_dim3A_843, %add3A_851 : vector<16xi32>
        %mul3A_853 = arith.constant 16 : i32
        %mul3A_854 = arith.muli %add3A_805, %mul3A_853 : i32
        %get3A_855 = arith.constant 2 : i32
        %get3A_856 = arith.index_cast %get3A_855 : i32 to index
        %get3A_857 = arith.index_cast %mul3A_854 : i32 to index
        %get3A_858 = tpu.vector_load %arg7[%get3A_856, %get3A_857] {strides = array<i32>} : memref<64x128xf32, #tpu.memory_space<vmem>>, vector<16xf32>,
        tpu.vector_store_idx %arg9[%add3A_809, %add3A_852], %get3A_858 : memref<128x128xf32, #tpu.memory_space<vmem>>[vector<16xi32>, vector<16xi32>], vector<16xf32>,
        %broadcast_in_dim3A_859 = arith.constant 3 : i32
        %broadcast_in_dim3A_860 = vector.broadcast %broadcast_in_dim3A_859 : i32 to vector<16xi32>
        %mul3A_861 = arith.constant 16 : i32
        %mul3A_862 = arith.muli %add3A_805, %mul3A_861 : i32
        %get3A_863 = arith.constant 3 : i32
        %get3A_864 = arith.index_cast %get3A_863 : i32 to index
        %get3A_865 = arith.index_cast %mul3A_862 : i32 to index
        %get3A_866 = tpu.vector_load %arg6[%get3A_864, %get3A_865] {strides = array<i32>} : memref<64x128xf32, #tpu.memory_space<vmem>>, vector<16xf32>,
        tpu.vector_store_idx %arg9[%add3A_809, %broadcast_in_dim3A_860], %get3A_866 : memref<128x128xf32, #tpu.memory_space<vmem>>[vector<16xi32>, vector<16xi32>], vector<16xf32>,
        %add3A_867 = arith.constant 64 : i32
        %add3A_868 = vector.broadcast %add3A_867 : i32 to vector<16xi32>
        %add3A_869 = arith.addi %broadcast_in_dim3A_860, %add3A_868 : vector<16xi32>
        %mul3A_870 = arith.constant 16 : i32
        %mul3A_871 = arith.muli %add3A_805, %mul3A_870 : i32
        %get3A_872 = arith.constant 3 : i32
        %get3A_873 = arith.index_cast %get3A_872 : i32 to index
        %get3A_874 = arith.index_cast %mul3A_871 : i32 to index
        %get3A_875 = tpu.vector_load %arg7[%get3A_873, %get3A_874] {strides = array<i32>} : memref<64x128xf32, #tpu.memory_space<vmem>>, vector<16xf32>,
        tpu.vector_store_idx %arg9[%add3A_809, %add3A_869], %get3A_875 : memref<128x128xf32, #tpu.memory_space<vmem>>[vector<16xi32>, vector<16xi32>], vector<16xf32>,
        %broadcast_in_dim3A_876 = arith.constant 4 : i32
        %broadcast_in_dim3A_877 = vector.broadcast %broadcast_in_dim3A_876 : i32 to vector<16xi32>
        %mul3A_878 = arith.constant 16 : i32
        %mul3A_879 = arith.muli %add3A_805, %mul3A_878 : i32
        %get3A_880 = arith.constant 4 : i32
        %get3A_881 = arith.index_cast %get3A_880 : i32 to index
        %get3A_882 = arith.index_cast %mul3A_879 : i32 to index
        %get3A_883 = tpu.vector_load %arg6[%get3A_881, %get3A_882] {strides = array<i32>} : memref<64x128xf32, #tpu.memory_space<vmem>>, vector<16xf32>,
        tpu.vector_store_idx %arg9[%add3A_809, %broadcast_in_dim3A_877], %get3A_883 : memref<128x128xf32, #tpu.memory_space<vmem>>[vector<16xi32>, vector<16xi32>], vector<16xf32>,
        %add3A_884 = arith.constant 64 : i32
        %add3A_885 = vector.broadcast %add3A_884 : i32 to vector<16xi32>
        %add3A_886 = arith.addi %broadcast_in_dim3A_877, %add3A_885 : vector<16xi32>
        %mul3A_887 = arith.constant 16 : i32
        %mul3A_888 = arith.muli %add3A_805, %mul3A_887 : i32
        %get3A_889 = arith.constant 4 : i32
        %get3A_890 = arith.index_cast %get3A_889 : i32 to index
        %get3A_891 = arith.index_cast %mul3A_888 : i32 to index
        %get3A_892 = tpu.vector_load %arg7[%get3A_890, %get3A_891] {strides = array<i32>} : memref<64x128xf32, #tpu.memory_space<vmem>>, vector<16xf32>,
        tpu.vector_store_idx %arg9[%add3A_809, %add3A_886], %get3A_892 : memref<128x128xf32, #tpu.memory_space<vmem>>[vector<16xi32>, vector<16xi32>], vector<16xf32>,
        %broadcast_in_dim3A_893 = arith.constant 5 : i32
        %broadcast_in_dim3A_894 = vector.broadcast %broadcast_in_dim3A_893 : i32 to vector<16xi32>
        %mul3A_895 = arith.constant 16 : i32
        %mul3A_896 = arith.muli %add3A_805, %mul3A_895 : i32
        %get3A_897 = arith.constant 5 : i32
        %get3A_898 = arith.index_cast %get3A_897 : i32 to index
        %get3A_899 = arith.index_cast %mul3A_896 : i32 to index
        %get3A_900 = tpu.vector_load %arg6[%get3A_898, %get3A_899] {strides = array<i32>} : memref<64x128xf32, #tpu.memory_space<vmem>>, vector<16xf32>,
        tpu.vector_store_idx %arg9[%add3A_809, %broadcast_in_dim3A_894], %get3A_900 : memref<128x128xf32, #tpu.memory_space<vmem>>[vector<16xi32>, vector<16xi32>], vector<16xf32>,
        %add3A_901 = arith.constant 64 : i32
        %add3A_902 = vector.broadcast %add3A_901 : i32 to vector<16xi32>
        %add3A_903 = arith.addi %broadcast_in_dim3A_894, %add3A_902 : vector<16xi32>
        %mul3A_904 = arith.constant 16 : i32
        %mul3A_905 = arith.muli %add3A_805, %mul3A_904 : i32
        %get3A_906 = arith.constant 5 : i32
        %get3A_907 = arith.index_cast %get3A_906 : i32 to index
        %get3A_908 = arith.index_cast %mul3A_905 : i32 to index
        %get3A_909 = tpu.vector_load %arg7[%get3A_907, %get3A_908] {strides = array<i32>} : memref<64x128xf32, #tpu.memory_space<vmem>>, vector<16xf32>,
        tpu.vector_store_idx %arg9[%add3A_809, %add3A_903], %get3A_909 : memref<128x128xf32, #tpu.memory_space<vmem>>[vector<16xi32>, vector<16xi32>], vector<16xf32>,
        %broadcast_in_dim3A_910 = arith.constant 6 : i32
        %broadcast_in_dim3A_911 = vector.broadcast %broadcast_in_dim3A_910 : i32 to vector<16xi32>
        %mul3A_912 = arith.constant 16 : i32
        %mul3A_913 = arith.muli %add3A_805, %mul3A_912 : i32
        %get3A_914 = arith.constant 6 : i32
        %get3A_915 = arith.index_cast %get3A_914 : i32 to index
        %get3A_916 = arith.index_cast %mul3A_913 : i32 to index
        %get3A_917 = tpu.vector_load %arg6[%get3A_915, %get3A_916] {strides = array<i32>} : memref<64x128xf32, #tpu.memory_space<vmem>>, vector<16xf32>,
        tpu.vector_store_idx %arg9[%add3A_809, %broadcast_in_dim3A_911], %get3A_917 : memref<128x128xf32, #tpu.memory_space<vmem>>[vector<16xi32>, vector<16xi32>], vector<16xf32>,
        %add3A_918 = arith.constant 64 : i32
        %add3A_919 = vector.broadcast %add3A_918 : i32 to vector<16xi32>
        %add3A_920 = arith.addi %broadcast_in_dim3A_911, %add3A_919 : vector<16xi32>
        %mul3A_921 = arith.constant 16 : i32
        %mul3A_922 = arith.muli %add3A_805, %mul3A_921 : i32
        %get3A_923 = arith.constant 6 : i32
        %get3A_924 = arith.index_cast %get3A_923 : i32 to index
        %get3A_925 = arith.index_cast %mul3A_922 : i32 to index
        %get3A_926 = tpu.vector_load %arg7[%get3A_924, %get3A_925] {strides = array<i32>} : memref<64x128xf32, #tpu.memory_space<vmem>>, vector<16xf32>,
        tpu.vector_store_idx %arg9[%add3A_809, %add3A_920], %get3A_926 : memref<128x128xf32, #tpu.memory_space<vmem>>[vector<16xi32>, vector<16xi32>], vector<16xf32>,
        %broadcast_in_dim3A_927 = arith.constant 7 : i32
        %broadcast_in_dim3A_928 = vector.broadcast %broadcast_in_dim3A_927 : i32 to vector<16xi32>
        %mul3A_929 = arith.constant 16 : i32
        %mul3A_930 = arith.muli %add3A_805, %mul3A_929 : i32
        %get3A_931 = arith.constant 7 : i32
        %get3A_932 = arith.index_cast %get3A_931 : i32 to index
        %get3A_933 = arith.index_cast %mul3A_930 : i32 to index
        %get3A_934 = tpu.vector_load %arg6[%get3A_932, %get3A_933] {strides = array<i32>} : memref<64x128xf32, #tpu.memory_space<vmem>>, vector<16xf32>,
        tpu.vector_store_idx %arg9[%add3A_809, %broadcast_in_dim3A_928], %get3A_934 : memref<128x128xf32, #tpu.memory_space<vmem>>[vector<16xi32>, vector<16xi32>], vector<16xf32>,
        %add3A_935 = arith.constant 64 : i32
        %add3A_936 = vector.broadcast %add3A_935 : i32 to vector<16xi32>
        %add3A_937 = arith.addi %broadcast_in_dim3A_928, %add3A_936 : vector<16xi32>
        %mul3A_938 = arith.constant 16 : i32
        %mul3A_939 = arith.muli %add3A_805, %mul3A_938 : i32
        %get3A_940 = arith.constant 7 : i32
        %get3A_941 = arith.index_cast %get3A_940 : i32 to index
        %get3A_942 = arith.index_cast %mul3A_939 : i32 to index
        %get3A_943 = tpu.vector_load %arg7[%get3A_941, %get3A_942] {strides = array<i32>} : memref<64x128xf32, #tpu.memory_space<vmem>>, vector<16xf32>,
        tpu.vector_store_idx %arg9[%add3A_809, %add3A_937], %get3A_943 : memref<128x128xf32, #tpu.memory_space<vmem>>[vector<16xi32>, vector<16xi32>], vector<16xf32>,
        %broadcast_in_dim3A_944 = arith.constant 8 : i32
        %broadcast_in_dim3A_945 = vector.broadcast %broadcast_in_dim3A_944 : i32 to vector<16xi32>
        %mul3A_946 = arith.constant 16 : i32
        %mul3A_947 = arith.muli %add3A_805, %mul3A_946 : i32
        %get3A_948 = arith.constant 8 : i32
        %get3A_949 = arith.index_cast %get3A_948 : i32 to index
        %get3A_950 = arith.index_cast %mul3A_947 : i32 to index
        %get3A_951 = tpu.vector_load %arg6[%get3A_949, %get3A_950] {strides = array<i32>} : memref<64x128xf32, #tpu.memory_space<vmem>>, vector<16xf32>,
        tpu.vector_store_idx %arg9[%add3A_809, %broadcast_in_dim3A_945], %get3A_951 : memref<128x128xf32, #tpu.memory_space<vmem>>[vector<16xi32>, vector<16xi32>], vector<16xf32>,
        %add3A_952 = arith.constant 64 : i32
        %add3A_953 = vector.broadcast %add3A_952 : i32 to vector<16xi32>
        %add3A_954 = arith.addi %broadcast_in_dim3A_945, %add3A_953 : vector<16xi32>
        %mul3A_955 = arith.constant 16 : i32
        %mul3A_956 = arith.muli %add3A_805, %mul3A_955 : i32
        %get3A_957 = arith.constant 8 : i32
        %get3A_958 = arith.index_cast %get3A_957 : i32 to index
        %get3A_959 = arith.index_cast %mul3A_956 : i32 to index
        %get3A_960 = tpu.vector_load %arg7[%get3A_958, %get3A_959] {strides = array<i32>} : memref<64x128xf32, #tpu.memory_space<vmem>>, vector<16xf32>,
        tpu.vector_store_idx %arg9[%add3A_809, %add3A_954], %get3A_960 : memref<128x128xf32, #tpu.memory_space<vmem>>[vector<16xi32>, vector<16xi32>], vector<16xf32>,
        %broadcast_in_dim3A_961 = arith.constant 9 : i32
        %broadcast_in_dim3A_962 = vector.broadcast %broadcast_in_dim3A_961 : i32 to vector<16xi32>
        %mul3A_963 = arith.constant 16 : i32
        %mul3A_964 = arith.muli %add3A_805, %mul3A_963 : i32
        %get3A_965 = arith.constant 9 : i32
        %get3A_966 = arith.index_cast %get3A_965 : i32 to index
        %get3A_967 = arith.index_cast %mul3A_964 : i32 to index
        %get3A_968 = tpu.vector_load %arg6[%get3A_966, %get3A_967] {strides = array<i32>} : memref<64x128xf32, #tpu.memory_space<vmem>>, vector<16xf32>,
        tpu.vector_store_idx %arg9[%add3A_809, %broadcast_in_dim3A_962], %get3A_968 : memref<128x128xf32, #tpu.memory_space<vmem>>[vector<16xi32>, vector<16xi32>], vector<16xf32>,
        %add3A_969 = arith.constant 64 : i32
        %add3A_970 = vector.broadcast %add3A_969 : i32 to vector<16xi32>
        %add3A_971 = arith.addi %broadcast_in_dim3A_962, %add3A_970 : vector<16xi32>
        %mul3A_972 = arith.constant 16 : i32
        %mul3A_973 = arith.muli %add3A_805, %mul3A_972 : i32
        %get3A_974 = arith.constant 9 : i32
        %get3A_975 = arith.index_cast %get3A_974 : i32 to index
        %get3A_976 = arith.index_cast %mul3A_973 : i32 to index
        %get3A_977 = tpu.vector_load %arg7[%get3A_975, %get3A_976] {strides = array<i32>} : memref<64x128xf32, #tpu.memory_space<vmem>>, vector<16xf32>,
        tpu.vector_store_idx %arg9[%add3A_809, %add3A_971], %get3A_977 : memref<128x128xf32, #tpu.memory_space<vmem>>[vector<16xi32>, vector<16xi32>], vector<16xf32>,
        %broadcast_in_dim3A_978 = arith.constant 10 : i32
        %broadcast_in_dim3A_979 = vector.broadcast %broadcast_in_dim3A_978 : i32 to vector<16xi32>
        %mul3A_980 = arith.constant 16 : i32
        %mul3A_981 = arith.muli %add3A_805, %mul3A_980 : i32
        %get3A_982 = arith.constant 10 : i32
        %get3A_983 = arith.index_cast %get3A_982 : i32 to index
        %get3A_984 = arith.index_cast %mul3A_981 : i32 to index
        %get3A_985 = tpu.vector_load %arg6[%get3A_983, %get3A_984] {strides = array<i32>} : memref<64x128xf32, #tpu.memory_space<vmem>>, vector<16xf32>,
        tpu.vector_store_idx %arg9[%add3A_809, %broadcast_in_dim3A_979], %get3A_985 : memref<128x128xf32, #tpu.memory_space<vmem>>[vector<16xi32>, vector<16xi32>], vector<16xf32>,
        %add3A_986 = arith.constant 64 : i32
        %add3A_987 = vector.broadcast %add3A_986 : i32 to vector<16xi32>
        %add3A_988 = arith.addi %broadcast_in_dim3A_979, %add3A_987 : vector<16xi32>
        %mul3A_989 = arith.constant 16 : i32
        %mul3A_990 = arith.muli %add3A_805, %mul3A_989 : i32
        %get3A_991 = arith.constant 10 : i32
        %get3A_992 = arith.index_cast %get3A_991 : i32 to index
        %get3A_993 = arith.index_cast %mul3A_990 : i32 to index
        %get3A_994 = tpu.vector_load %arg7[%get3A_992, %get3A_993] {strides = array<i32>} : memref<64x128xf32, #tpu.memory_space<vmem>>, vector<16xf32>,
        tpu.vector_store_idx %arg9[%add3A_809, %add3A_988], %get3A_994 : memref<128x128xf32, #tpu.memory_space<vmem>>[vector<16xi32>, vector<16xi32>], vector<16xf32>,
        %broadcast_in_dim3A_995 = arith.constant 11 : i32
        %broadcast_in_dim3A_996 = vector.broadcast %broadcast_in_dim3A_995 : i32 to vector<16xi32>
        %mul3A_997 = arith.constant 16 : i32
        %mul3A_998 = arith.muli %add3A_805, %mul3A_997 : i32
        %get3A_999 = arith.constant 11 : i32
        %get3A_1000 = arith.index_cast %get3A_999 : i32 to index
        %get3A_1001 = arith.index_cast %mul3A_998 : i32 to index
        %get3A_1002 = tpu.vector_load %arg6[%get3A_1000, %get3A_1001] {strides = array<i32>} : memref<64x128xf32, #tpu.memory_space<vmem>>, vector<16xf32>,
        tpu.vector_store_idx %arg9[%add3A_809, %broadcast_in_dim3A_996], %get3A_1002 : memref<128x128xf32, #tpu.memory_space<vmem>>[vector<16xi32>, vector<16xi32>], vector<16xf32>,
        %add3A_1003 = arith.constant 64 : i32
        %add3A_1004 = vector.broadcast %add3A_1003 : i32 to vector<16xi32>
        %add3A_1005 = arith.addi %broadcast_in_dim3A_996, %add3A_1004 : vector<16xi32>
        %mul3A_1006 = arith.constant 16 : i32
        %mul3A_1007 = arith.muli %add3A_805, %mul3A_1006 : i32
        %get3A_1008 = arith.constant 11 : i32
        %get3A_1009 = arith.index_cast %get3A_1008 : i32 to index
        %get3A_1010 = arith.index_cast %mul3A_1007 : i32 to index
        %get3A_1011 = tpu.vector_load %arg7[%get3A_1009, %get3A_1010] {strides = array<i32>} : memref<64x128xf32, #tpu.memory_space<vmem>>, vector<16xf32>,
        tpu.vector_store_idx %arg9[%add3A_809, %add3A_1005], %get3A_1011 : memref<128x128xf32, #tpu.memory_space<vmem>>[vector<16xi32>, vector<16xi32>], vector<16xf32>,
        %broadcast_in_dim3A_1012 = arith.constant 12 : i32
        %broadcast_in_dim3A_1013 = vector.broadcast %broadcast_in_dim3A_1012 : i32 to vector<16xi32>
        %mul3A_1014 = arith.constant 16 : i32
        %mul3A_1015 = arith.muli %add3A_805, %mul3A_1014 : i32
        %get3A_1016 = arith.constant 12 : i32
        %get3A_1017 = arith.index_cast %get3A_1016 : i32 to index
        %get3A_1018 = arith.index_cast %mul3A_1015 : i32 to index
        %get3A_1019 = tpu.vector_load %arg6[%get3A_1017, %get3A_1018] {strides = array<i32>} : memref<64x128xf32, #tpu.memory_space<vmem>>, vector<16xf32>,
        tpu.vector_store_idx %arg9[%add3A_809, %broadcast_in_dim3A_1013], %get3A_1019 : memref<128x128xf32, #tpu.memory_space<vmem>>[vector<16xi32>, vector<16xi32>], vector<16xf32>,
        %add3A_1020 = arith.constant 64 : i32
        %add3A_1021 = vector.broadcast %add3A_1020 : i32 to vector<16xi32>
        %add3A_1022 = arith.addi %broadcast_in_dim3A_1013, %add3A_1021 : vector<16xi32>
        %mul3A_1023 = arith.constant 16 : i32
        %mul3A_1024 = arith.muli %add3A_805, %mul3A_1023 : i32
        %get3A_1025 = arith.constant 12 : i32
        %get3A_1026 = arith.index_cast %get3A_1025 : i32 to index
        %get3A_1027 = arith.index_cast %mul3A_1024 : i32 to index
        %get3A_1028 = tpu.vector_load %arg7[%get3A_1026, %get3A_1027] {strides = array<i32>} : memref<64x128xf32, #tpu.memory_space<vmem>>, vector<16xf32>,
        tpu.vector_store_idx %arg9[%add3A_809, %add3A_1022], %get3A_1028 : memref<128x128xf32, #tpu.memory_space<vmem>>[vector<16xi32>, vector<16xi32>], vector<16xf32>,
        %broadcast_in_dim3A_1029 = arith.constant 13 : i32
        %broadcast_in_dim3A_1030 = vector.broadcast %broadcast_in_dim3A_1029 : i32 to vector<16xi32>
        %mul3A_1031 = arith.constant 16 : i32
        %mul3A_1032 = arith.muli %add3A_805, %mul3A_1031 : i32
        %get3A_1033 = arith.constant 13 : i32
        %get3A_1034 = arith.index_cast %get3A_1033 : i32 to index
        %get3A_1035 = arith.index_cast %mul3A_1032 : i32 to index
        %get3A_1036 = tpu.vector_load %arg6[%get3A_1034, %get3A_1035] {strides = array<i32>} : memref<64x128xf32, #tpu.memory_space<vmem>>, vector<16xf32>,
        tpu.vector_store_idx %arg9[%add3A_809, %broadcast_in_dim3A_1030], %get3A_1036 : memref<128x128xf32, #tpu.memory_space<vmem>>[vector<16xi32>, vector<16xi32>], vector<16xf32>,
        %add3A_1037 = arith.constant 64 : i32
        %add3A_1038 = vector.broadcast %add3A_1037 : i32 to vector<16xi32>
        %add3A_1039 = arith.addi %broadcast_in_dim3A_1030, %add3A_1038 : vector<16xi32>
        %mul3A_1040 = arith.constant 16 : i32
        %mul3A_1041 = arith.muli %add3A_805, %mul3A_1040 : i32
        %get3A_1042 = arith.constant 13 : i32
        %get3A_1043 = arith.index_cast %get3A_1042 : i32 to index
        %get3A_1044 = arith.index_cast %mul3A_1041 : i32 to index
        %get3A_1045 = tpu.vector_load %arg7[%get3A_1043, %get3A_1044] {strides = array<i32>} : memref<64x128xf32, #tpu.memory_space<vmem>>, vector<16xf32>,
        tpu.vector_store_idx %arg9[%add3A_809, %add3A_1039], %get3A_1045 : memref<128x128xf32, #tpu.memory_space<vmem>>[vector<16xi32>, vector<16xi32>], vector<16xf32>,
        %broadcast_in_dim3A_1046 = arith.constant 14 : i32
        %broadcast_in_dim3A_1047 = vector.broadcast %broadcast_in_dim3A_1046 : i32 to vector<16xi32>
        %mul3A_1048 = arith.constant 16 : i32
        %mul3A_1049 = arith.muli %add3A_805, %mul3A_1048 : i32
        %get3A_1050 = arith.constant 14 : i32
        %get3A_1051 = arith.index_cast %get3A_1050 : i32 to index
        %get3A_1052 = arith.index_cast %mul3A_1049 : i32 to index
        %get3A_1053 = tpu.vector_load %arg6[%get3A_1051, %get3A_1052] {strides = array<i32>} : memref<64x128xf32, #tpu.memory_space<vmem>>, vector<16xf32>,
        tpu.vector_store_idx %arg9[%add3A_809, %broadcast_in_dim3A_1047], %get3A_1053 : memref<128x128xf32, #tpu.memory_space<vmem>>[vector<16xi32>, vector<16xi32>], vector<16xf32>,
        %add3A_1054 = arith.constant 64 : i32
        %add3A_1055 = vector.broadcast %add3A_1054 : i32 to vector<16xi32>
        %add3A_1056 = arith.addi %broadcast_in_dim3A_1047, %add3A_1055 : vector<16xi32>
        %mul3A_1057 = arith.constant 16 : i32
        %mul3A_1058 = arith.muli %add3A_805, %mul3A_1057 : i32
        %get3A_1059 = arith.constant 14 : i32
        %get3A_1060 = arith.index_cast %get3A_1059 : i32 to index
        %get3A_1061 = arith.index_cast %mul3A_1058 : i32 to index
        %get3A_1062 = tpu.vector_load %arg7[%get3A_1060, %get3A_1061] {strides = array<i32>} : memref<64x128xf32, #tpu.memory_space<vmem>>, vector<16xf32>,
        tpu.vector_store_idx %arg9[%add3A_809, %add3A_1056], %get3A_1062 : memref<128x128xf32, #tpu.memory_space<vmem>>[vector<16xi32>, vector<16xi32>], vector<16xf32>,
        %broadcast_in_dim3A_1063 = arith.constant 15 : i32
        %broadcast_in_dim3A_1064 = vector.broadcast %broadcast_in_dim3A_1063 : i32 to vector<16xi32>
        %mul3A_1065 = arith.constant 16 : i32
        %mul3A_1066 = arith.muli %add3A_805, %mul3A_1065 : i32
        %get3A_1067 = arith.constant 15 : i32
        %get3A_1068 = arith.index_cast %get3A_1067 : i32 to index
        %get3A_1069 = arith.index_cast %mul3A_1066 : i32 to index
        %get3A_1070 = tpu.vector_load %arg6[%get3A_1068, %get3A_1069] {strides = array<i32>} : memref<64x128xf32, #tpu.memory_space<vmem>>, vector<16xf32>,
        tpu.vector_store_idx %arg9[%add3A_809, %broadcast_in_dim3A_1064], %get3A_1070 : memref<128x128xf32, #tpu.memory_space<vmem>>[vector<16xi32>, vector<16xi32>], vector<16xf32>,
        %add3A_1071 = arith.constant 64 : i32
        %add3A_1072 = vector.broadcast %add3A_1071 : i32 to vector<16xi32>
        %add3A_1073 = arith.addi %broadcast_in_dim3A_1064, %add3A_1072 : vector<16xi32>
        %mul3A_1074 = arith.constant 16 : i32
        %mul3A_1075 = arith.muli %add3A_805, %mul3A_1074 : i32
        %get3A_1076 = arith.constant 15 : i32
        %get3A_1077 = arith.index_cast %get3A_1076 : i32 to index
        %get3A_1078 = arith.index_cast %mul3A_1075 : i32 to index
        %get3A_1079 = tpu.vector_load %arg7[%get3A_1077, %get3A_1078] {strides = array<i32>} : memref<64x128xf32, #tpu.memory_space<vmem>>, vector<16xf32>,
        tpu.vector_store_idx %arg9[%add3A_809, %add3A_1073], %get3A_1079 : memref<128x128xf32, #tpu.memory_space<vmem>>[vector<16xi32>, vector<16xi32>], vector<16xf32>,
        %broadcast_in_dim3A_1080 = arith.constant 16 : i32
        %broadcast_in_dim3A_1081 = vector.broadcast %broadcast_in_dim3A_1080 : i32 to vector<16xi32>
        %mul3A_1082 = arith.constant 16 : i32
        %mul3A_1083 = arith.muli %add3A_805, %mul3A_1082 : i32
        %get3A_1084 = arith.constant 16 : i32
        %get3A_1085 = arith.index_cast %get3A_1084 : i32 to index
        %get3A_1086 = arith.index_cast %mul3A_1083 : i32 to index
        %get3A_1087 = tpu.vector_load %arg6[%get3A_1085, %get3A_1086] {strides = array<i32>} : memref<64x128xf32, #tpu.memory_space<vmem>>, vector<16xf32>,
        tpu.vector_store_idx %arg9[%add3A_809, %broadcast_in_dim3A_1081], %get3A_1087 : memref<128x128xf32, #tpu.memory_space<vmem>>[vector<16xi32>, vector<16xi32>], vector<16xf32>,
        %add3A_1088 = arith.constant 64 : i32
        %add3A_1089 = vector.broadcast %add3A_1088 : i32 to vector<16xi32>
        %add3A_1090 = arith.addi %broadcast_in_dim3A_1081, %add3A_1089 : vector<16xi32>
        %mul3A_1091 = arith.constant 16 : i32
        %mul3A_1092 = arith.muli %add3A_805, %mul3A_1091 : i32
        %get3A_1093 = arith.constant 16 : i32
        %get3A_1094 = arith.index_cast %get3A_1093 : i32 to index
        %get3A_1095 = arith.index_cast %mul3A_1092 : i32 to index
        %get3A_1096 = tpu.vector_load %arg7[%get3A_1094, %get3A_1095] {strides = array<i32>} : memref<64x128xf32, #tpu.memory_space<vmem>>, vector<16xf32>,
        tpu.vector_store_idx %arg9[%add3A_809, %add3A_1090], %get3A_1096 : memref<128x128xf32, #tpu.memory_space<vmem>>[vector<16xi32>, vector<16xi32>], vector<16xf32>,
        %broadcast_in_dim3A_1097 = arith.constant 17 : i32
        %broadcast_in_dim3A_1098 = vector.broadcast %broadcast_in_dim3A_1097 : i32 to vector<16xi32>
        %mul3A_1099 = arith.constant 16 : i32
        %mul3A_1100 = arith.muli %add3A_805, %mul3A_1099 : i32
        %get3A_1101 = arith.constant 17 : i32
        %get3A_1102 = arith.index_cast %get3A_1101 : i32 to index
        %get3A_1103 = arith.index_cast %mul3A_1100 : i32 to index
        %get3A_1104 = tpu.vector_load %arg6[%get3A_1102, %get3A_1103] {strides = array<i32>} : memref<64x128xf32, #tpu.memory_space<vmem>>, vector<16xf32>,
        tpu.vector_store_idx %arg9[%add3A_809, %broadcast_in_dim3A_1098], %get3A_1104 : memref<128x128xf32, #tpu.memory_space<vmem>>[vector<16xi32>, vector<16xi32>], vector<16xf32>,
        %add3A_1105 = arith.constant 64 : i32
        %add3A_1106 = vector.broadcast %add3A_1105 : i32 to vector<16xi32>
        %add3A_1107 = arith.addi %broadcast_in_dim3A_1098, %add3A_1106 : vector<16xi32>
        %mul3A_1108 = arith.constant 16 : i32
        %mul3A_1109 = arith.muli %add3A_805, %mul3A_1108 : i32
        %get3A_1110 = arith.constant 17 : i32
        %get3A_1111 = arith.index_cast %get3A_1110 : i32 to index
        %get3A_1112 = arith.index_cast %mul3A_1109 : i32 to index
        %get3A_1113 = tpu.vector_load %arg7[%get3A_1111, %get3A_1112] {strides = array<i32>} : memref<64x128xf32, #tpu.memory_space<vmem>>, vector<16xf32>,
        tpu.vector_store_idx %arg9[%add3A_809, %add3A_1107], %get3A_1113 : memref<128x128xf32, #tpu.memory_space<vmem>>[vector<16xi32>, vector<16xi32>], vector<16xf32>,
        %broadcast_in_dim3A_1114 = arith.constant 18 : i32
        %broadcast_in_dim3A_1115 = vector.broadcast %broadcast_in_dim3A_1114 : i32 to vector<16xi32>
        %mul3A_1116 = arith.constant 16 : i32
        %mul3A_1117 = arith.muli %add3A_805, %mul3A_1116 : i32
        %get3A_1118 = arith.constant 18 : i32
        %get3A_1119 = arith.index_cast %get3A_1118 : i32 to index
        %get3A_1120 = arith.index_cast %mul3A_1117 : i32 to index
        %get3A_1121 = tpu.vector_load %arg6[%get3A_1119, %get3A_1120] {strides = array<i32>} : memref<64x128xf32, #tpu.memory_space<vmem>>, vector<16xf32>,
        tpu.vector_store_idx %arg9[%add3A_809, %broadcast_in_dim3A_1115], %get3A_1121 : memref<128x128xf32, #tpu.memory_space<vmem>>[vector<16xi32>, vector<16xi32>], vector<16xf32>,
        %add3A_1122 = arith.constant 64 : i32
        %add3A_1123 = vector.broadcast %add3A_1122 : i32 to vector<16xi32>
        %add3A_1124 = arith.addi %broadcast_in_dim3A_1115, %add3A_1123 : vector<16xi32>
        %mul3A_1125 = arith.constant 16 : i32
        %mul3A_1126 = arith.muli %add3A_805, %mul3A_1125 : i32
        %get3A_1127 = arith.constant 18 : i32
        %get3A_1128 = arith.index_cast %get3A_1127 : i32 to index
        %get3A_1129 = arith.index_cast %mul3A_1126 : i32 to index
        %get3A_1130 = tpu.vector_load %arg7[%get3A_1128, %get3A_1129] {strides = array<i32>} : memref<64x128xf32, #tpu.memory_space<vmem>>, vector<16xf32>,
        tpu.vector_store_idx %arg9[%add3A_809, %add3A_1124], %get3A_1130 : memref<128x128xf32, #tpu.memory_space<vmem>>[vector<16xi32>, vector<16xi32>], vector<16xf32>,
        %broadcast_in_dim3A_1131 = arith.constant 19 : i32
        %broadcast_in_dim3A_1132 = vector.broadcast %broadcast_in_dim3A_1131 : i32 to vector<16xi32>
        %mul3A_1133 = arith.constant 16 : i32
        %mul3A_1134 = arith.muli %add3A_805, %mul3A_1133 : i32
        %get3A_1135 = arith.constant 19 : i32
        %get3A_1136 = arith.index_cast %get3A_1135 : i32 to index
        %get3A_1137 = arith.index_cast %mul3A_1134 : i32 to index
        %get3A_1138 = tpu.vector_load %arg6[%get3A_1136, %get3A_1137] {strides = array<i32>} : memref<64x128xf32, #tpu.memory_space<vmem>>, vector<16xf32>,
        tpu.vector_store_idx %arg9[%add3A_809, %broadcast_in_dim3A_1132], %get3A_1138 : memref<128x128xf32, #tpu.memory_space<vmem>>[vector<16xi32>, vector<16xi32>], vector<16xf32>,
        %add3A_1139 = arith.constant 64 : i32
        %add3A_1140 = vector.broadcast %add3A_1139 : i32 to vector<16xi32>
        %add3A_1141 = arith.addi %broadcast_in_dim3A_1132, %add3A_1140 : vector<16xi32>
        %mul3A_1142 = arith.constant 16 : i32
        %mul3A_1143 = arith.muli %add3A_805, %mul3A_1142 : i32
        %get3A_1144 = arith.constant 19 : i32
        %get3A_1145 = arith.index_cast %get3A_1144 : i32 to index
        %get3A_1146 = arith.index_cast %mul3A_1143 : i32 to index
        %get3A_1147 = tpu.vector_load %arg7[%get3A_1145, %get3A_1146] {strides = array<i32>} : memref<64x128xf32, #tpu.memory_space<vmem>>, vector<16xf32>,
        tpu.vector_store_idx %arg9[%add3A_809, %add3A_1141], %get3A_1147 : memref<128x128xf32, #tpu.memory_space<vmem>>[vector<16xi32>, vector<16xi32>], vector<16xf32>,
        %broadcast_in_dim3A_1148 = arith.constant 20 : i32
        %broadcast_in_dim3A_1149 = vector.broadcast %broadcast_in_dim3A_1148 : i32 to vector<16xi32>
        %mul3A_1150 = arith.constant 16 : i32
        %mul3A_1151 = arith.muli %add3A_805, %mul3A_1150 : i32
        %get3A_1152 = arith.constant 20 : i32
        %get3A_1153 = arith.index_cast %get3A_1152 : i32 to index
        %get3A_1154 = arith.index_cast %mul3A_1151 : i32 to index
        %get3A_1155 = tpu.vector_load %arg6[%get3A_1153, %get3A_1154] {strides = array<i32>} : memref<64x128xf32, #tpu.memory_space<vmem>>, vector<16xf32>,
        tpu.vector_store_idx %arg9[%add3A_809, %broadcast_in_dim3A_1149], %get3A_1155 : memref<128x128xf32, #tpu.memory_space<vmem>>[vector<16xi32>, vector<16xi32>], vector<16xf32>,
        %add3A_1156 = arith.constant 64 : i32
        %add3A_1157 = vector.broadcast %add3A_1156 : i32 to vector<16xi32>
        %add3A_1158 = arith.addi %broadcast_in_dim3A_1149, %add3A_1157 : vector<16xi32>
        %mul3A_1159 = arith.constant 16 : i32
        %mul3A_1160 = arith.muli %add3A_805, %mul3A_1159 : i32
        %get3A_1161 = arith.constant 20 : i32
        %get3A_1162 = arith.index_cast %get3A_1161 : i32 to index
        %get3A_1163 = arith.index_cast %mul3A_1160 : i32 to index
        %get3A_1164 = tpu.vector_load %arg7[%get3A_1162, %get3A_1163] {strides = array<i32>} : memref<64x128xf32, #tpu.memory_space<vmem>>, vector<16xf32>,
        tpu.vector_store_idx %arg9[%add3A_809, %add3A_1158], %get3A_1164 : memref<128x128xf32, #tpu.memory_space<vmem>>[vector<16xi32>, vector<16xi32>], vector<16xf32>,
        %broadcast_in_dim3A_1165 = arith.constant 21 : i32
        %broadcast_in_dim3A_1166 = vector.broadcast %broadcast_in_dim3A_1165 : i32 to vector<16xi32>
        %mul3A_1167 = arith.constant 16 : i32
        %mul3A_1168 = arith.muli %add3A_805, %mul3A_1167 : i32
        %get3A_1169 = arith.constant 21 : i32
        %get3A_1170 = arith.index_cast %get3A_1169 : i32 to index
        %get3A_1171 = arith.index_cast %mul3A_1168 : i32 to index
        %get3A_1172 = tpu.vector_load %arg6[%get3A_1170, %get3A_1171] {strides = array<i32>} : memref<64x128xf32, #tpu.memory_space<vmem>>, vector<16xf32>,
        tpu.vector_store_idx %arg9[%add3A_809, %broadcast_in_dim3A_1166], %get3A_1172 : memref<128x128xf32, #tpu.memory_space<vmem>>[vector<16xi32>, vector<16xi32>], vector<16xf32>,
        %add3A_1173 = arith.constant 64 : i32
        %add3A_1174 = vector.broadcast %add3A_1173 : i32 to vector<16xi32>
        %add3A_1175 = arith.addi %broadcast_in_dim3A_1166, %add3A_1174 : vector<16xi32>
        %mul3A_1176 = arith.constant 16 : i32
        %mul3A_1177 = arith.muli %add3A_805, %mul3A_1176 : i32
        %get3A_1178 = arith.constant 21 : i32
        %get3A_1179 = arith.index_cast %get3A_1178 : i32 to index
        %get3A_1180 = arith.index_cast %mul3A_1177 : i32 to index
        %get3A_1181 = tpu.vector_load %arg7[%get3A_1179, %get3A_1180] {strides = array<i32>} : memref<64x128xf32, #tpu.memory_space<vmem>>, vector<16xf32>,
        tpu.vector_store_idx %arg9[%add3A_809, %add3A_1175], %get3A_1181 : memref<128x128xf32, #tpu.memory_space<vmem>>[vector<16xi32>, vector<16xi32>], vector<16xf32>,
        %broadcast_in_dim3A_1182 = arith.constant 22 : i32
        %broadcast_in_dim3A_1183 = vector.broadcast %broadcast_in_dim3A_1182 : i32 to vector<16xi32>
        %mul3A_1184 = arith.constant 16 : i32
        %mul3A_1185 = arith.muli %add3A_805, %mul3A_1184 : i32
        %get3A_1186 = arith.constant 22 : i32
        %get3A_1187 = arith.index_cast %get3A_1186 : i32 to index
        %get3A_1188 = arith.index_cast %mul3A_1185 : i32 to index
        %get3A_1189 = tpu.vector_load %arg6[%get3A_1187, %get3A_1188] {strides = array<i32>} : memref<64x128xf32, #tpu.memory_space<vmem>>, vector<16xf32>,
        tpu.vector_store_idx %arg9[%add3A_809, %broadcast_in_dim3A_1183], %get3A_1189 : memref<128x128xf32, #tpu.memory_space<vmem>>[vector<16xi32>, vector<16xi32>], vector<16xf32>,
        %add3A_1190 = arith.constant 64 : i32
        %add3A_1191 = vector.broadcast %add3A_1190 : i32 to vector<16xi32>
        %add3A_1192 = arith.addi %broadcast_in_dim3A_1183, %add3A_1191 : vector<16xi32>
        %mul3A_1193 = arith.constant 16 : i32
        %mul3A_1194 = arith.muli %add3A_805, %mul3A_1193 : i32
        %get3A_1195 = arith.constant 22 : i32
        %get3A_1196 = arith.index_cast %get3A_1195 : i32 to index
        %get3A_1197 = arith.index_cast %mul3A_1194 : i32 to index
        %get3A_1198 = tpu.vector_load %arg7[%get3A_1196, %get3A_1197] {strides = array<i32>} : memref<64x128xf32, #tpu.memory_space<vmem>>, vector<16xf32>,
        tpu.vector_store_idx %arg9[%add3A_809, %add3A_1192], %get3A_1198 : memref<128x128xf32, #tpu.memory_space<vmem>>[vector<16xi32>, vector<16xi32>], vector<16xf32>,
        %broadcast_in_dim3A_1199 = arith.constant 23 : i32
        %broadcast_in_dim3A_1200 = vector.broadcast %broadcast_in_dim3A_1199 : i32 to vector<16xi32>
        %mul3A_1201 = arith.constant 16 : i32
        %mul3A_1202 = arith.muli %add3A_805, %mul3A_1201 : i32
        %get3A_1203 = arith.constant 23 : i32
        %get3A_1204 = arith.index_cast %get3A_1203 : i32 to index
        %get3A_1205 = arith.index_cast %mul3A_1202 : i32 to index
        %get3A_1206 = tpu.vector_load %arg6[%get3A_1204, %get3A_1205] {strides = array<i32>} : memref<64x128xf32, #tpu.memory_space<vmem>>, vector<16xf32>,
        tpu.vector_store_idx %arg9[%add3A_809, %broadcast_in_dim3A_1200], %get3A_1206 : memref<128x128xf32, #tpu.memory_space<vmem>>[vector<16xi32>, vector<16xi32>], vector<16xf32>,
        %add3A_1207 = arith.constant 64 : i32
        %add3A_1208 = vector.broadcast %add3A_1207 : i32 to vector<16xi32>
        %add3A_1209 = arith.addi %broadcast_in_dim3A_1200, %add3A_1208 : vector<16xi32>
        %mul3A_1210 = arith.constant 16 : i32
        %mul3A_1211 = arith.muli %add3A_805, %mul3A_1210 : i32
        %get3A_1212 = arith.constant 23 : i32
        %get3A_1213 = arith.index_cast %get3A_1212 : i32 to index
        %get3A_1214 = arith.index_cast %mul3A_1211 : i32 to index
        %get3A_1215 = tpu.vector_load %arg7[%get3A_1213, %get3A_1214] {strides = array<i32>} : memref<64x128xf32, #tpu.memory_space<vmem>>, vector<16xf32>,
        tpu.vector_store_idx %arg9[%add3A_809, %add3A_1209], %get3A_1215 : memref<128x128xf32, #tpu.memory_space<vmem>>[vector<16xi32>, vector<16xi32>], vector<16xf32>,
        %broadcast_in_dim3A_1216 = arith.constant 24 : i32
        %broadcast_in_dim3A_1217 = vector.broadcast %broadcast_in_dim3A_1216 : i32 to vector<16xi32>
        %mul3A_1218 = arith.constant 16 : i32
        %mul3A_1219 = arith.muli %add3A_805, %mul3A_1218 : i32
        %get3A_1220 = arith.constant 24 : i32
        %get3A_1221 = arith.index_cast %get3A_1220 : i32 to index
        %get3A_1222 = arith.index_cast %mul3A_1219 : i32 to index
        %get3A_1223 = tpu.vector_load %arg6[%get3A_1221, %get3A_1222] {strides = array<i32>} : memref<64x128xf32, #tpu.memory_space<vmem>>, vector<16xf32>,
        tpu.vector_store_idx %arg9[%add3A_809, %broadcast_in_dim3A_1217], %get3A_1223 : memref<128x128xf32, #tpu.memory_space<vmem>>[vector<16xi32>, vector<16xi32>], vector<16xf32>,
        %add3A_1224 = arith.constant 64 : i32
        %add3A_1225 = vector.broadcast %add3A_1224 : i32 to vector<16xi32>
        %add3A_1226 = arith.addi %broadcast_in_dim3A_1217, %add3A_1225 : vector<16xi32>
        %mul3A_1227 = arith.constant 16 : i32
        %mul3A_1228 = arith.muli %add3A_805, %mul3A_1227 : i32
        %get3A_1229 = arith.constant 24 : i32
        %get3A_1230 = arith.index_cast %get3A_1229 : i32 to index
        %get3A_1231 = arith.index_cast %mul3A_1228 : i32 to index
        %get3A_1232 = tpu.vector_load %arg7[%get3A_1230, %get3A_1231] {strides = array<i32>} : memref<64x128xf32, #tpu.memory_space<vmem>>, vector<16xf32>,
        tpu.vector_store_idx %arg9[%add3A_809, %add3A_1226], %get3A_1232 : memref<128x128xf32, #tpu.memory_space<vmem>>[vector<16xi32>, vector<16xi32>], vector<16xf32>,
        %broadcast_in_dim3A_1233 = arith.constant 25 : i32
        %broadcast_in_dim3A_1234 = vector.broadcast %broadcast_in_dim3A_1233 : i32 to vector<16xi32>
        %mul3A_1235 = arith.constant 16 : i32
        %mul3A_1236 = arith.muli %add3A_805, %mul3A_1235 : i32
        %get3A_1237 = arith.constant 25 : i32
        %get3A_1238 = arith.index_cast %get3A_1237 : i32 to index
        %get3A_1239 = arith.index_cast %mul3A_1236 : i32 to index
        %get3A_1240 = tpu.vector_load %arg6[%get3A_1238, %get3A_1239] {strides = array<i32>} : memref<64x128xf32, #tpu.memory_space<vmem>>, vector<16xf32>,
        tpu.vector_store_idx %arg9[%add3A_809, %broadcast_in_dim3A_1234], %get3A_1240 : memref<128x128xf32, #tpu.memory_space<vmem>>[vector<16xi32>, vector<16xi32>], vector<16xf32>,
        %add3A_1241 = arith.constant 64 : i32
        %add3A_1242 = vector.broadcast %add3A_1241 : i32 to vector<16xi32>
        %add3A_1243 = arith.addi %broadcast_in_dim3A_1234, %add3A_1242 : vector<16xi32>
        %mul3A_1244 = arith.constant 16 : i32
        %mul3A_1245 = arith.muli %add3A_805, %mul3A_1244 : i32
        %get3A_1246 = arith.constant 25 : i32
        %get3A_1247 = arith.index_cast %get3A_1246 : i32 to index
        %get3A_1248 = arith.index_cast %mul3A_1245 : i32 to index
        %get3A_1249 = tpu.vector_load %arg7[%get3A_1247, %get3A_1248] {strides = array<i32>} : memref<64x128xf32, #tpu.memory_space<vmem>>, vector<16xf32>,
        tpu.vector_store_idx %arg9[%add3A_809, %add3A_1243], %get3A_1249 : memref<128x128xf32, #tpu.memory_space<vmem>>[vector<16xi32>, vector<16xi32>], vector<16xf32>,
        %broadcast_in_dim3A_1250 = arith.constant 26 : i32
        %broadcast_in_dim3A_1251 = vector.broadcast %broadcast_in_dim3A_1250 : i32 to vector<16xi32>
        %mul3A_1252 = arith.constant 16 : i32
        %mul3A_1253 = arith.muli %add3A_805, %mul3A_1252 : i32
        %get3A_1254 = arith.constant 26 : i32
        %get3A_1255 = arith.index_cast %get3A_1254 : i32 to index
        %get3A_1256 = arith.index_cast %mul3A_1253 : i32 to index
        %get3A_1257 = tpu.vector_load %arg6[%get3A_1255, %get3A_1256] {strides = array<i32>} : memref<64x128xf32, #tpu.memory_space<vmem>>, vector<16xf32>,
        tpu.vector_store_idx %arg9[%add3A_809, %broadcast_in_dim3A_1251], %get3A_1257 : memref<128x128xf32, #tpu.memory_space<vmem>>[vector<16xi32>, vector<16xi32>], vector<16xf32>,
        %add3A_1258 = arith.constant 64 : i32
        %add3A_1259 = vector.broadcast %add3A_1258 : i32 to vector<16xi32>
        %add3A_1260 = arith.addi %broadcast_in_dim3A_1251, %add3A_1259 : vector<16xi32>
        %mul3A_1261 = arith.constant 16 : i32
        %mul3A_1262 = arith.muli %add3A_805, %mul3A_1261 : i32
        %get3A_1263 = arith.constant 26 : i32
        %get3A_1264 = arith.index_cast %get3A_1263 : i32 to index
        %get3A_1265 = arith.index_cast %mul3A_1262 : i32 to index
        %get3A_1266 = tpu.vector_load %arg7[%get3A_1264, %get3A_1265] {strides = array<i32>} : memref<64x128xf32, #tpu.memory_space<vmem>>, vector<16xf32>,
        tpu.vector_store_idx %arg9[%add3A_809, %add3A_1260], %get3A_1266 : memref<128x128xf32, #tpu.memory_space<vmem>>[vector<16xi32>, vector<16xi32>], vector<16xf32>,
        %broadcast_in_dim3A_1267 = arith.constant 27 : i32
        %broadcast_in_dim3A_1268 = vector.broadcast %broadcast_in_dim3A_1267 : i32 to vector<16xi32>
        %mul3A_1269 = arith.constant 16 : i32
        %mul3A_1270 = arith.muli %add3A_805, %mul3A_1269 : i32
        %get3A_1271 = arith.constant 27 : i32
        %get3A_1272 = arith.index_cast %get3A_1271 : i32 to index
        %get3A_1273 = arith.index_cast %mul3A_1270 : i32 to index
        %get3A_1274 = tpu.vector_load %arg6[%get3A_1272, %get3A_1273] {strides = array<i32>} : memref<64x128xf32, #tpu.memory_space<vmem>>, vector<16xf32>,
        tpu.vector_store_idx %arg9[%add3A_809, %broadcast_in_dim3A_1268], %get3A_1274 : memref<128x128xf32, #tpu.memory_space<vmem>>[vector<16xi32>, vector<16xi32>], vector<16xf32>,
        %add3A_1275 = arith.constant 64 : i32
        %add3A_1276 = vector.broadcast %add3A_1275 : i32 to vector<16xi32>
        %add3A_1277 = arith.addi %broadcast_in_dim3A_1268, %add3A_1276 : vector<16xi32>
        %mul3A_1278 = arith.constant 16 : i32
        %mul3A_1279 = arith.muli %add3A_805, %mul3A_1278 : i32
        %get3A_1280 = arith.constant 27 : i32
        %get3A_1281 = arith.index_cast %get3A_1280 : i32 to index
        %get3A_1282 = arith.index_cast %mul3A_1279 : i32 to index
        %get3A_1283 = tpu.vector_load %arg7[%get3A_1281, %get3A_1282] {strides = array<i32>} : memref<64x128xf32, #tpu.memory_space<vmem>>, vector<16xf32>,
        tpu.vector_store_idx %arg9[%add3A_809, %add3A_1277], %get3A_1283 : memref<128x128xf32, #tpu.memory_space<vmem>>[vector<16xi32>, vector<16xi32>], vector<16xf32>,
        %broadcast_in_dim3A_1284 = arith.constant 28 : i32
        %broadcast_in_dim3A_1285 = vector.broadcast %broadcast_in_dim3A_1284 : i32 to vector<16xi32>
        %mul3A_1286 = arith.constant 16 : i32
        %mul3A_1287 = arith.muli %add3A_805, %mul3A_1286 : i32
        %get3A_1288 = arith.constant 28 : i32
        %get3A_1289 = arith.index_cast %get3A_1288 : i32 to index
        %get3A_1290 = arith.index_cast %mul3A_1287 : i32 to index
        %get3A_1291 = tpu.vector_load %arg6[%get3A_1289, %get3A_1290] {strides = array<i32>} : memref<64x128xf32, #tpu.memory_space<vmem>>, vector<16xf32>,
        tpu.vector_store_idx %arg9[%add3A_809, %broadcast_in_dim3A_1285], %get3A_1291 : memref<128x128xf32, #tpu.memory_space<vmem>>[vector<16xi32>, vector<16xi32>], vector<16xf32>,
        %add3A_1292 = arith.constant 64 : i32
        %add3A_1293 = vector.broadcast %add3A_1292 : i32 to vector<16xi32>
        %add3A_1294 = arith.addi %broadcast_in_dim3A_1285, %add3A_1293 : vector<16xi32>
        %mul3A_1295 = arith.constant 16 : i32
        %mul3A_1296 = arith.muli %add3A_805, %mul3A_1295 : i32
        %get3A_1297 = arith.constant 28 : i32
        %get3A_1298 = arith.index_cast %get3A_1297 : i32 to index
        %get3A_1299 = arith.index_cast %mul3A_1296 : i32 to index
        %get3A_1300 = tpu.vector_load %arg7[%get3A_1298, %get3A_1299] {strides = array<i32>} : memref<64x128xf32, #tpu.memory_space<vmem>>, vector<16xf32>,
        tpu.vector_store_idx %arg9[%add3A_809, %add3A_1294], %get3A_1300 : memref<128x128xf32, #tpu.memory_space<vmem>>[vector<16xi32>, vector<16xi32>], vector<16xf32>,
        %broadcast_in_dim3A_1301 = arith.constant 29 : i32
        %broadcast_in_dim3A_1302 = vector.broadcast %broadcast_in_dim3A_1301 : i32 to vector<16xi32>
        %mul3A_1303 = arith.constant 16 : i32
        %mul3A_1304 = arith.muli %add3A_805, %mul3A_1303 : i32
        %get3A_1305 = arith.constant 29 : i32
        %get3A_1306 = arith.index_cast %get3A_1305 : i32 to index
        %get3A_1307 = arith.index_cast %mul3A_1304 : i32 to index
        %get3A_1308 = tpu.vector_load %arg6[%get3A_1306, %get3A_1307] {strides = array<i32>} : memref<64x128xf32, #tpu.memory_space<vmem>>, vector<16xf32>,
        tpu.vector_store_idx %arg9[%add3A_809, %broadcast_in_dim3A_1302], %get3A_1308 : memref<128x128xf32, #tpu.memory_space<vmem>>[vector<16xi32>, vector<16xi32>], vector<16xf32>,
        %add3A_1309 = arith.constant 64 : i32
        %add3A_1310 = vector.broadcast %add3A_1309 : i32 to vector<16xi32>
        %add3A_1311 = arith.addi %broadcast_in_dim3A_1302, %add3A_1310 : vector<16xi32>
        %mul3A_1312 = arith.constant 16 : i32
        %mul3A_1313 = arith.muli %add3A_805, %mul3A_1312 : i32
        %get3A_1314 = arith.constant 29 : i32
        %get3A_1315 = arith.index_cast %get3A_1314 : i32 to index
        %get3A_1316 = arith.index_cast %mul3A_1313 : i32 to index
        %get3A_1317 = tpu.vector_load %arg7[%get3A_1315, %get3A_1316] {strides = array<i32>} : memref<64x128xf32, #tpu.memory_space<vmem>>, vector<16xf32>,
        tpu.vector_store_idx %arg9[%add3A_809, %add3A_1311], %get3A_1317 : memref<128x128xf32, #tpu.memory_space<vmem>>[vector<16xi32>, vector<16xi32>], vector<16xf32>,
        %broadcast_in_dim3A_1318 = arith.constant 30 : i32
        %broadcast_in_dim3A_1319 = vector.broadcast %broadcast_in_dim3A_1318 : i32 to vector<16xi32>
        %mul3A_1320 = arith.constant 16 : i32
        %mul3A_1321 = arith.muli %add3A_805, %mul3A_1320 : i32
        %get3A_1322 = arith.constant 30 : i32
        %get3A_1323 = arith.index_cast %get3A_1322 : i32 to index
        %get3A_1324 = arith.index_cast %mul3A_1321 : i32 to index
        %get3A_1325 = tpu.vector_load %arg6[%get3A_1323, %get3A_1324] {strides = array<i32>} : memref<64x128xf32, #tpu.memory_space<vmem>>, vector<16xf32>,
        tpu.vector_store_idx %arg9[%add3A_809, %broadcast_in_dim3A_1319], %get3A_1325 : memref<128x128xf32, #tpu.memory_space<vmem>>[vector<16xi32>, vector<16xi32>], vector<16xf32>,
        %add3A_1326 = arith.constant 64 : i32
        %add3A_1327 = vector.broadcast %add3A_1326 : i32 to vector<16xi32>
        %add3A_1328 = arith.addi %broadcast_in_dim3A_1319, %add3A_1327 : vector<16xi32>
        %mul3A_1329 = arith.constant 16 : i32
        %mul3A_1330 = arith.muli %add3A_805, %mul3A_1329 : i32
        %get3A_1331 = arith.constant 30 : i32
        %get3A_1332 = arith.index_cast %get3A_1331 : i32 to index
        %get3A_1333 = arith.index_cast %mul3A_1330 : i32 to index
        %get3A_1334 = tpu.vector_load %arg7[%get3A_1332, %get3A_1333] {strides = array<i32>} : memref<64x128xf32, #tpu.memory_space<vmem>>, vector<16xf32>,
        tpu.vector_store_idx %arg9[%add3A_809, %add3A_1328], %get3A_1334 : memref<128x128xf32, #tpu.memory_space<vmem>>[vector<16xi32>, vector<16xi32>], vector<16xf32>,
        %broadcast_in_dim3A_1335 = arith.constant 31 : i32
        %broadcast_in_dim3A_1336 = vector.broadcast %broadcast_in_dim3A_1335 : i32 to vector<16xi32>
        %mul3A_1337 = arith.constant 16 : i32
        %mul3A_1338 = arith.muli %add3A_805, %mul3A_1337 : i32
        %get3A_1339 = arith.constant 31 : i32
        %get3A_1340 = arith.index_cast %get3A_1339 : i32 to index
        %get3A_1341 = arith.index_cast %mul3A_1338 : i32 to index
        %get3A_1342 = tpu.vector_load %arg6[%get3A_1340, %get3A_1341] {strides = array<i32>} : memref<64x128xf32, #tpu.memory_space<vmem>>, vector<16xf32>,
        tpu.vector_store_idx %arg9[%add3A_809, %broadcast_in_dim3A_1336], %get3A_1342 : memref<128x128xf32, #tpu.memory_space<vmem>>[vector<16xi32>, vector<16xi32>], vector<16xf32>,
        %add3A_1343 = arith.constant 64 : i32
        %add3A_1344 = vector.broadcast %add3A_1343 : i32 to vector<16xi32>
        %add3A_1345 = arith.addi %broadcast_in_dim3A_1336, %add3A_1344 : vector<16xi32>
        %mul3A_1346 = arith.constant 16 : i32
        %mul3A_1347 = arith.muli %add3A_805, %mul3A_1346 : i32
        %get3A_1348 = arith.constant 31 : i32
        %get3A_1349 = arith.index_cast %get3A_1348 : i32 to index
        %get3A_1350 = arith.index_cast %mul3A_1347 : i32 to index
        %get3A_1351 = tpu.vector_load %arg7[%get3A_1349, %get3A_1350] {strides = array<i32>} : memref<64x128xf32, #tpu.memory_space<vmem>>, vector<16xf32>,
        tpu.vector_store_idx %arg9[%add3A_809, %add3A_1345], %get3A_1351 : memref<128x128xf32, #tpu.memory_space<vmem>>[vector<16xi32>, vector<16xi32>], vector<16xf32>,
        %broadcast_in_dim3A_1352 = arith.constant 32 : i32
        %broadcast_in_dim3A_1353 = vector.broadcast %broadcast_in_dim3A_1352 : i32 to vector<16xi32>
        %mul3A_1354 = arith.constant 16 : i32
        %mul3A_1355 = arith.muli %add3A_805, %mul3A_1354 : i32
        %get3A_1356 = arith.constant 32 : i32
        %get3A_1357 = arith.index_cast %get3A_1356 : i32 to index
        %get3A_1358 = arith.index_cast %mul3A_1355 : i32 to index
        %get3A_1359 = tpu.vector_load %arg6[%get3A_1357, %get3A_1358] {strides = array<i32>} : memref<64x128xf32, #tpu.memory_space<vmem>>, vector<16xf32>,
        tpu.vector_store_idx %arg9[%add3A_809, %broadcast_in_dim3A_1353], %get3A_1359 : memref<128x128xf32, #tpu.memory_space<vmem>>[vector<16xi32>, vector<16xi32>], vector<16xf32>,
        %add3A_1360 = arith.constant 64 : i32
        %add3A_1361 = vector.broadcast %add3A_1360 : i32 to vector<16xi32>
        %add3A_1362 = arith.addi %broadcast_in_dim3A_1353, %add3A_1361 : vector<16xi32>
        %mul3A_1363 = arith.constant 16 : i32
        %mul3A_1364 = arith.muli %add3A_805, %mul3A_1363 : i32
        %get3A_1365 = arith.constant 32 : i32
        %get3A_1366 = arith.index_cast %get3A_1365 : i32 to index
        %get3A_1367 = arith.index_cast %mul3A_1364 : i32 to index
        %get3A_1368 = tpu.vector_load %arg7[%get3A_1366, %get3A_1367] {strides = array<i32>} : memref<64x128xf32, #tpu.memory_space<vmem>>, vector<16xf32>,
        tpu.vector_store_idx %arg9[%add3A_809, %add3A_1362], %get3A_1368 : memref<128x128xf32, #tpu.memory_space<vmem>>[vector<16xi32>, vector<16xi32>], vector<16xf32>,
        %broadcast_in_dim3A_1369 = arith.constant 33 : i32
        %broadcast_in_dim3A_1370 = vector.broadcast %broadcast_in_dim3A_1369 : i32 to vector<16xi32>
        %mul3A_1371 = arith.constant 16 : i32
        %mul3A_1372 = arith.muli %add3A_805, %mul3A_1371 : i32
        %get3A_1373 = arith.constant 33 : i32
        %get3A_1374 = arith.index_cast %get3A_1373 : i32 to index
        %get3A_1375 = arith.index_cast %mul3A_1372 : i32 to index
        %get3A_1376 = tpu.vector_load %arg6[%get3A_1374, %get3A_1375] {strides = array<i32>} : memref<64x128xf32, #tpu.memory_space<vmem>>, vector<16xf32>,
        tpu.vector_store_idx %arg9[%add3A_809, %broadcast_in_dim3A_1370], %get3A_1376 : memref<128x128xf32, #tpu.memory_space<vmem>>[vector<16xi32>, vector<16xi32>], vector<16xf32>,
        %add3A_1377 = arith.constant 64 : i32
        %add3A_1378 = vector.broadcast %add3A_1377 : i32 to vector<16xi32>
        %add3A_1379 = arith.addi %broadcast_in_dim3A_1370, %add3A_1378 : vector<16xi32>
        %mul3A_1380 = arith.constant 16 : i32
        %mul3A_1381 = arith.muli %add3A_805, %mul3A_1380 : i32
        %get3A_1382 = arith.constant 33 : i32
        %get3A_1383 = arith.index_cast %get3A_1382 : i32 to index
        %get3A_1384 = arith.index_cast %mul3A_1381 : i32 to index
        %get3A_1385 = tpu.vector_load %arg7[%get3A_1383, %get3A_1384] {strides = array<i32>} : memref<64x128xf32, #tpu.memory_space<vmem>>, vector<16xf32>,
        tpu.vector_store_idx %arg9[%add3A_809, %add3A_1379], %get3A_1385 : memref<128x128xf32, #tpu.memory_space<vmem>>[vector<16xi32>, vector<16xi32>], vector<16xf32>,
        %broadcast_in_dim3A_1386 = arith.constant 34 : i32
        %broadcast_in_dim3A_1387 = vector.broadcast %broadcast_in_dim3A_1386 : i32 to vector<16xi32>
        %mul3A_1388 = arith.constant 16 : i32
        %mul3A_1389 = arith.muli %add3A_805, %mul3A_1388 : i32
        %get3A_1390 = arith.constant 34 : i32
        %get3A_1391 = arith.index_cast %get3A_1390 : i32 to index
        %get3A_1392 = arith.index_cast %mul3A_1389 : i32 to index
        %get3A_1393 = tpu.vector_load %arg6[%get3A_1391, %get3A_1392] {strides = array<i32>} : memref<64x128xf32, #tpu.memory_space<vmem>>, vector<16xf32>,
        tpu.vector_store_idx %arg9[%add3A_809, %broadcast_in_dim3A_1387], %get3A_1393 : memref<128x128xf32, #tpu.memory_space<vmem>>[vector<16xi32>, vector<16xi32>], vector<16xf32>,
        %add3A_1394 = arith.constant 64 : i32
        %add3A_1395 = vector.broadcast %add3A_1394 : i32 to vector<16xi32>
        %add3A_1396 = arith.addi %broadcast_in_dim3A_1387, %add3A_1395 : vector<16xi32>
        %mul3A_1397 = arith.constant 16 : i32
        %mul3A_1398 = arith.muli %add3A_805, %mul3A_1397 : i32
        %get3A_1399 = arith.constant 34 : i32
        %get3A_1400 = arith.index_cast %get3A_1399 : i32 to index
        %get3A_1401 = arith.index_cast %mul3A_1398 : i32 to index
        %get3A_1402 = tpu.vector_load %arg7[%get3A_1400, %get3A_1401] {strides = array<i32>} : memref<64x128xf32, #tpu.memory_space<vmem>>, vector<16xf32>,
        tpu.vector_store_idx %arg9[%add3A_809, %add3A_1396], %get3A_1402 : memref<128x128xf32, #tpu.memory_space<vmem>>[vector<16xi32>, vector<16xi32>], vector<16xf32>,
        %broadcast_in_dim3A_1403 = arith.constant 35 : i32
        %broadcast_in_dim3A_1404 = vector.broadcast %broadcast_in_dim3A_1403 : i32 to vector<16xi32>
        %mul3A_1405 = arith.constant 16 : i32
        %mul3A_1406 = arith.muli %add3A_805, %mul3A_1405 : i32
        %get3A_1407 = arith.constant 35 : i32
        %get3A_1408 = arith.index_cast %get3A_1407 : i32 to index
        %get3A_1409 = arith.index_cast %mul3A_1406 : i32 to index
        %get3A_1410 = tpu.vector_load %arg6[%get3A_1408, %get3A_1409] {strides = array<i32>} : memref<64x128xf32, #tpu.memory_space<vmem>>, vector<16xf32>,
        tpu.vector_store_idx %arg9[%add3A_809, %broadcast_in_dim3A_1404], %get3A_1410 : memref<128x128xf32, #tpu.memory_space<vmem>>[vector<16xi32>, vector<16xi32>], vector<16xf32>,
        %add3A_1411 = arith.constant 64 : i32
        %add3A_1412 = vector.broadcast %add3A_1411 : i32 to vector<16xi32>
        %add3A_1413 = arith.addi %broadcast_in_dim3A_1404, %add3A_1412 : vector<16xi32>
        %mul3A_1414 = arith.constant 16 : i32
        %mul3A_1415 = arith.muli %add3A_805, %mul3A_1414 : i32
        %get3A_1416 = arith.constant 35 : i32
        %get3A_1417 = arith.index_cast %get3A_1416 : i32 to index
        %get3A_1418 = arith.index_cast %mul3A_1415 : i32 to index
        %get3A_1419 = tpu.vector_load %arg7[%get3A_1417, %get3A_1418] {strides = array<i32>} : memref<64x128xf32, #tpu.memory_space<vmem>>, vector<16xf32>,
        tpu.vector_store_idx %arg9[%add3A_809, %add3A_1413], %get3A_1419 : memref<128x128xf32, #tpu.memory_space<vmem>>[vector<16xi32>, vector<16xi32>], vector<16xf32>,
        %broadcast_in_dim3A_1420 = arith.constant 36 : i32
        %broadcast_in_dim3A_1421 = vector.broadcast %broadcast_in_dim3A_1420 : i32 to vector<16xi32>
        %mul3A_1422 = arith.constant 16 : i32
        %mul3A_1423 = arith.muli %add3A_805, %mul3A_1422 : i32
        %get3A_1424 = arith.constant 36 : i32
        %get3A_1425 = arith.index_cast %get3A_1424 : i32 to index
        %get3A_1426 = arith.index_cast %mul3A_1423 : i32 to index
        %get3A_1427 = tpu.vector_load %arg6[%get3A_1425, %get3A_1426] {strides = array<i32>} : memref<64x128xf32, #tpu.memory_space<vmem>>, vector<16xf32>,
        tpu.vector_store_idx %arg9[%add3A_809, %broadcast_in_dim3A_1421], %get3A_1427 : memref<128x128xf32, #tpu.memory_space<vmem>>[vector<16xi32>, vector<16xi32>], vector<16xf32>,
        %add3A_1428 = arith.constant 64 : i32
        %add3A_1429 = vector.broadcast %add3A_1428 : i32 to vector<16xi32>
        %add3A_1430 = arith.addi %broadcast_in_dim3A_1421, %add3A_1429 : vector<16xi32>
        %mul3A_1431 = arith.constant 16 : i32
        %mul3A_1432 = arith.muli %add3A_805, %mul3A_1431 : i32
        %get3A_1433 = arith.constant 36 : i32
        %get3A_1434 = arith.index_cast %get3A_1433 : i32 to index
        %get3A_1435 = arith.index_cast %mul3A_1432 : i32 to index
        %get3A_1436 = tpu.vector_load %arg7[%get3A_1434, %get3A_1435] {strides = array<i32>} : memref<64x128xf32, #tpu.memory_space<vmem>>, vector<16xf32>,
        tpu.vector_store_idx %arg9[%add3A_809, %add3A_1430], %get3A_1436 : memref<128x128xf32, #tpu.memory_space<vmem>>[vector<16xi32>, vector<16xi32>], vector<16xf32>,
        %broadcast_in_dim3A_1437 = arith.constant 37 : i32
        %broadcast_in_dim3A_1438 = vector.broadcast %broadcast_in_dim3A_1437 : i32 to vector<16xi32>
        %mul3A_1439 = arith.constant 16 : i32
        %mul3A_1440 = arith.muli %add3A_805, %mul3A_1439 : i32
        %get3A_1441 = arith.constant 37 : i32
        %get3A_1442 = arith.index_cast %get3A_1441 : i32 to index
        %get3A_1443 = arith.index_cast %mul3A_1440 : i32 to index
        %get3A_1444 = tpu.vector_load %arg6[%get3A_1442, %get3A_1443] {strides = array<i32>} : memref<64x128xf32, #tpu.memory_space<vmem>>, vector<16xf32>,
        tpu.vector_store_idx %arg9[%add3A_809, %broadcast_in_dim3A_1438], %get3A_1444 : memref<128x128xf32, #tpu.memory_space<vmem>>[vector<16xi32>, vector<16xi32>], vector<16xf32>,
        %add3A_1445 = arith.constant 64 : i32
        %add3A_1446 = vector.broadcast %add3A_1445 : i32 to vector<16xi32>
        %add3A_1447 = arith.addi %broadcast_in_dim3A_1438, %add3A_1446 : vector<16xi32>
        %mul3A_1448 = arith.constant 16 : i32
        %mul3A_1449 = arith.muli %add3A_805, %mul3A_1448 : i32
        %get3A_1450 = arith.constant 37 : i32
        %get3A_1451 = arith.index_cast %get3A_1450 : i32 to index
        %get3A_1452 = arith.index_cast %mul3A_1449 : i32 to index
        %get3A_1453 = tpu.vector_load %arg7[%get3A_1451, %get3A_1452] {strides = array<i32>} : memref<64x128xf32, #tpu.memory_space<vmem>>, vector<16xf32>,
        tpu.vector_store_idx %arg9[%add3A_809, %add3A_1447], %get3A_1453 : memref<128x128xf32, #tpu.memory_space<vmem>>[vector<16xi32>, vector<16xi32>], vector<16xf32>,
        %broadcast_in_dim3A_1454 = arith.constant 38 : i32
        %broadcast_in_dim3A_1455 = vector.broadcast %broadcast_in_dim3A_1454 : i32 to vector<16xi32>
        %mul3A_1456 = arith.constant 16 : i32
        %mul3A_1457 = arith.muli %add3A_805, %mul3A_1456 : i32
        %get3A_1458 = arith.constant 38 : i32
        %get3A_1459 = arith.index_cast %get3A_1458 : i32 to index
        %get3A_1460 = arith.index_cast %mul3A_1457 : i32 to index
        %get3A_1461 = tpu.vector_load %arg6[%get3A_1459, %get3A_1460] {strides = array<i32>} : memref<64x128xf32, #tpu.memory_space<vmem>>, vector<16xf32>,
        tpu.vector_store_idx %arg9[%add3A_809, %broadcast_in_dim3A_1455], %get3A_1461 : memref<128x128xf32, #tpu.memory_space<vmem>>[vector<16xi32>, vector<16xi32>], vector<16xf32>,
        %add3A_1462 = arith.constant 64 : i32
        %add3A_1463 = vector.broadcast %add3A_1462 : i32 to vector<16xi32>
        %add3A_1464 = arith.addi %broadcast_in_dim3A_1455, %add3A_1463 : vector<16xi32>
        %mul3A_1465 = arith.constant 16 : i32
        %mul3A_1466 = arith.muli %add3A_805, %mul3A_1465 : i32
        %get3A_1467 = arith.constant 38 : i32
        %get3A_1468 = arith.index_cast %get3A_1467 : i32 to index
        %get3A_1469 = arith.index_cast %mul3A_1466 : i32 to index
        %get3A_1470 = tpu.vector_load %arg7[%get3A_1468, %get3A_1469] {strides = array<i32>} : memref<64x128xf32, #tpu.memory_space<vmem>>, vector<16xf32>,
        tpu.vector_store_idx %arg9[%add3A_809, %add3A_1464], %get3A_1470 : memref<128x128xf32, #tpu.memory_space<vmem>>[vector<16xi32>, vector<16xi32>], vector<16xf32>,
        %broadcast_in_dim3A_1471 = arith.constant 39 : i32
        %broadcast_in_dim3A_1472 = vector.broadcast %broadcast_in_dim3A_1471 : i32 to vector<16xi32>
        %mul3A_1473 = arith.constant 16 : i32
        %mul3A_1474 = arith.muli %add3A_805, %mul3A_1473 : i32
        %get3A_1475 = arith.constant 39 : i32
        %get3A_1476 = arith.index_cast %get3A_1475 : i32 to index
        %get3A_1477 = arith.index_cast %mul3A_1474 : i32 to index
        %get3A_1478 = tpu.vector_load %arg6[%get3A_1476, %get3A_1477] {strides = array<i32>} : memref<64x128xf32, #tpu.memory_space<vmem>>, vector<16xf32>,
        tpu.vector_store_idx %arg9[%add3A_809, %broadcast_in_dim3A_1472], %get3A_1478 : memref<128x128xf32, #tpu.memory_space<vmem>>[vector<16xi32>, vector<16xi32>], vector<16xf32>,
        %add3A_1479 = arith.constant 64 : i32
        %add3A_1480 = vector.broadcast %add3A_1479 : i32 to vector<16xi32>
        %add3A_1481 = arith.addi %broadcast_in_dim3A_1472, %add3A_1480 : vector<16xi32>
        %mul3A_1482 = arith.constant 16 : i32
        %mul3A_1483 = arith.muli %add3A_805, %mul3A_1482 : i32
        %get3A_1484 = arith.constant 39 : i32
        %get3A_1485 = arith.index_cast %get3A_1484 : i32 to index
        %get3A_1486 = arith.index_cast %mul3A_1483 : i32 to index
        %get3A_1487 = tpu.vector_load %arg7[%get3A_1485, %get3A_1486] {strides = array<i32>} : memref<64x128xf32, #tpu.memory_space<vmem>>, vector<16xf32>,
        tpu.vector_store_idx %arg9[%add3A_809, %add3A_1481], %get3A_1487 : memref<128x128xf32, #tpu.memory_space<vmem>>[vector<16xi32>, vector<16xi32>], vector<16xf32>,
        %broadcast_in_dim3A_1488 = arith.constant 40 : i32
        %broadcast_in_dim3A_1489 = vector.broadcast %broadcast_in_dim3A_1488 : i32 to vector<16xi32>
        %mul3A_1490 = arith.constant 16 : i32
        %mul3A_1491 = arith.muli %add3A_805, %mul3A_1490 : i32
        %get3A_1492 = arith.constant 40 : i32
        %get3A_1493 = arith.index_cast %get3A_1492 : i32 to index
        %get3A_1494 = arith.index_cast %mul3A_1491 : i32 to index
        %get3A_1495 = tpu.vector_load %arg6[%get3A_1493, %get3A_1494] {strides = array<i32>} : memref<64x128xf32, #tpu.memory_space<vmem>>, vector<16xf32>,
        tpu.vector_store_idx %arg9[%add3A_809, %broadcast_in_dim3A_1489], %get3A_1495 : memref<128x128xf32, #tpu.memory_space<vmem>>[vector<16xi32>, vector<16xi32>], vector<16xf32>,
        %add3A_1496 = arith.constant 64 : i32
        %add3A_1497 = vector.broadcast %add3A_1496 : i32 to vector<16xi32>
        %add3A_1498 = arith.addi %broadcast_in_dim3A_1489, %add3A_1497 : vector<16xi32>
        %mul3A_1499 = arith.constant 16 : i32
        %mul3A_1500 = arith.muli %add3A_805, %mul3A_1499 : i32
        %get3A_1501 = arith.constant 40 : i32
        %get3A_1502 = arith.index_cast %get3A_1501 : i32 to index
        %get3A_1503 = arith.index_cast %mul3A_1500 : i32 to index
        %get3A_1504 = tpu.vector_load %arg7[%get3A_1502, %get3A_1503] {strides = array<i32>} : memref<64x128xf32, #tpu.memory_space<vmem>>, vector<16xf32>,
        tpu.vector_store_idx %arg9[%add3A_809, %add3A_1498], %get3A_1504 : memref<128x128xf32, #tpu.memory_space<vmem>>[vector<16xi32>, vector<16xi32>], vector<16xf32>,
        %broadcast_in_dim3A_1505 = arith.constant 41 : i32
        %broadcast_in_dim3A_1506 = vector.broadcast %broadcast_in_dim3A_1505 : i32 to vector<16xi32>
        %mul3A_1507 = arith.constant 16 : i32
        %mul3A_1508 = arith.muli %add3A_805, %mul3A_1507 : i32
        %get3A_1509 = arith.constant 41 : i32
        %get3A_1510 = arith.index_cast %get3A_1509 : i32 to index
        %get3A_1511 = arith.index_cast %mul3A_1508 : i32 to index
        %get3A_1512 = tpu.vector_load %arg6[%get3A_1510, %get3A_1511] {strides = array<i32>} : memref<64x128xf32, #tpu.memory_space<vmem>>, vector<16xf32>,
        tpu.vector_store_idx %arg9[%add3A_809, %broadcast_in_dim3A_1506], %get3A_1512 : memref<128x128xf32, #tpu.memory_space<vmem>>[vector<16xi32>, vector<16xi32>], vector<16xf32>,
        %add3A_1513 = arith.constant 64 : i32
        %add3A_1514 = vector.broadcast %add3A_1513 : i32 to vector<16xi32>
        %add3A_1515 = arith.addi %broadcast_in_dim3A_1506, %add3A_1514 : vector<16xi32>
        %mul3A_1516 = arith.constant 16 : i32
        %mul3A_1517 = arith.muli %add3A_805, %mul3A_1516 : i32
        %get3A_1518 = arith.constant 41 : i32
        %get3A_1519 = arith.index_cast %get3A_1518 : i32 to index
        %get3A_1520 = arith.index_cast %mul3A_1517 : i32 to index
        %get3A_1521 = tpu.vector_load %arg7[%get3A_1519, %get3A_1520] {strides = array<i32>} : memref<64x128xf32, #tpu.memory_space<vmem>>, vector<16xf32>,
        tpu.vector_store_idx %arg9[%add3A_809, %add3A_1515], %get3A_1521 : memref<128x128xf32, #tpu.memory_space<vmem>>[vector<16xi32>, vector<16xi32>], vector<16xf32>,
        %broadcast_in_dim3A_1522 = arith.constant 42 : i32
        %broadcast_in_dim3A_1523 = vector.broadcast %broadcast_in_dim3A_1522 : i32 to vector<16xi32>
        %mul3A_1524 = arith.constant 16 : i32
        %mul3A_1525 = arith.muli %add3A_805, %mul3A_1524 : i32
        %get3A_1526 = arith.constant 42 : i32
        %get3A_1527 = arith.index_cast %get3A_1526 : i32 to index
        %get3A_1528 = arith.index_cast %mul3A_1525 : i32 to index
        %get3A_1529 = tpu.vector_load %arg6[%get3A_1527, %get3A_1528] {strides = array<i32>} : memref<64x128xf32, #tpu.memory_space<vmem>>, vector<16xf32>,
        tpu.vector_store_idx %arg9[%add3A_809, %broadcast_in_dim3A_1523], %get3A_1529 : memref<128x128xf32, #tpu.memory_space<vmem>>[vector<16xi32>, vector<16xi32>], vector<16xf32>,
        %add3A_1530 = arith.constant 64 : i32
        %add3A_1531 = vector.broadcast %add3A_1530 : i32 to vector<16xi32>
        %add3A_1532 = arith.addi %broadcast_in_dim3A_1523, %add3A_1531 : vector<16xi32>
        %mul3A_1533 = arith.constant 16 : i32
        %mul3A_1534 = arith.muli %add3A_805, %mul3A_1533 : i32
        %get3A_1535 = arith.constant 42 : i32
        %get3A_1536 = arith.index_cast %get3A_1535 : i32 to index
        %get3A_1537 = arith.index_cast %mul3A_1534 : i32 to index
        %get3A_1538 = tpu.vector_load %arg7[%get3A_1536, %get3A_1537] {strides = array<i32>} : memref<64x128xf32, #tpu.memory_space<vmem>>, vector<16xf32>,
        tpu.vector_store_idx %arg9[%add3A_809, %add3A_1532], %get3A_1538 : memref<128x128xf32, #tpu.memory_space<vmem>>[vector<16xi32>, vector<16xi32>], vector<16xf32>,
        %broadcast_in_dim3A_1539 = arith.constant 43 : i32
        %broadcast_in_dim3A_1540 = vector.broadcast %broadcast_in_dim3A_1539 : i32 to vector<16xi32>
        %mul3A_1541 = arith.constant 16 : i32
        %mul3A_1542 = arith.muli %add3A_805, %mul3A_1541 : i32
        %get3A_1543 = arith.constant 43 : i32
        %get3A_1544 = arith.index_cast %get3A_1543 : i32 to index
        %get3A_1545 = arith.index_cast %mul3A_1542 : i32 to index
        %get3A_1546 = tpu.vector_load %arg6[%get3A_1544, %get3A_1545] {strides = array<i32>} : memref<64x128xf32, #tpu.memory_space<vmem>>, vector<16xf32>,
        tpu.vector_store_idx %arg9[%add3A_809, %broadcast_in_dim3A_1540], %get3A_1546 : memref<128x128xf32, #tpu.memory_space<vmem>>[vector<16xi32>, vector<16xi32>], vector<16xf32>,
        %add3A_1547 = arith.constant 64 : i32
        %add3A_1548 = vector.broadcast %add3A_1547 : i32 to vector<16xi32>
        %add3A_1549 = arith.addi %broadcast_in_dim3A_1540, %add3A_1548 : vector<16xi32>
        %mul3A_1550 = arith.constant 16 : i32
        %mul3A_1551 = arith.muli %add3A_805, %mul3A_1550 : i32
        %get3A_1552 = arith.constant 43 : i32
        %get3A_1553 = arith.index_cast %get3A_1552 : i32 to index
        %get3A_1554 = arith.index_cast %mul3A_1551 : i32 to index
        %get3A_1555 = tpu.vector_load %arg7[%get3A_1553, %get3A_1554] {strides = array<i32>} : memref<64x128xf32, #tpu.memory_space<vmem>>, vector<16xf32>,
        tpu.vector_store_idx %arg9[%add3A_809, %add3A_1549], %get3A_1555 : memref<128x128xf32, #tpu.memory_space<vmem>>[vector<16xi32>, vector<16xi32>], vector<16xf32>,
        %broadcast_in_dim3A_1556 = arith.constant 44 : i32
        %broadcast_in_dim3A_1557 = vector.broadcast %broadcast_in_dim3A_1556 : i32 to vector<16xi32>
        %mul3A_1558 = arith.constant 16 : i32
        %mul3A_1559 = arith.muli %add3A_805, %mul3A_1558 : i32
        %get3A_1560 = arith.constant 44 : i32
        %get3A_1561 = arith.index_cast %get3A_1560 : i32 to index
        %get3A_1562 = arith.index_cast %mul3A_1559 : i32 to index
        %get3A_1563 = tpu.vector_load %arg6[%get3A_1561, %get3A_1562] {strides = array<i32>} : memref<64x128xf32, #tpu.memory_space<vmem>>, vector<16xf32>,
        tpu.vector_store_idx %arg9[%add3A_809, %broadcast_in_dim3A_1557], %get3A_1563 : memref<128x128xf32, #tpu.memory_space<vmem>>[vector<16xi32>, vector<16xi32>], vector<16xf32>,
        %add3A_1564 = arith.constant 64 : i32
        %add3A_1565 = vector.broadcast %add3A_1564 : i32 to vector<16xi32>
        %add3A_1566 = arith.addi %broadcast_in_dim3A_1557, %add3A_1565 : vector<16xi32>
        %mul3A_1567 = arith.constant 16 : i32
        %mul3A_1568 = arith.muli %add3A_805, %mul3A_1567 : i32
        %get3A_1569 = arith.constant 44 : i32
        %get3A_1570 = arith.index_cast %get3A_1569 : i32 to index
        %get3A_1571 = arith.index_cast %mul3A_1568 : i32 to index
        %get3A_1572 = tpu.vector_load %arg7[%get3A_1570, %get3A_1571] {strides = array<i32>} : memref<64x128xf32, #tpu.memory_space<vmem>>, vector<16xf32>,
        tpu.vector_store_idx %arg9[%add3A_809, %add3A_1566], %get3A_1572 : memref<128x128xf32, #tpu.memory_space<vmem>>[vector<16xi32>, vector<16xi32>], vector<16xf32>,
        %broadcast_in_dim3A_1573 = arith.constant 45 : i32
        %broadcast_in_dim3A_1574 = vector.broadcast %broadcast_in_dim3A_1573 : i32 to vector<16xi32>
        %mul3A_1575 = arith.constant 16 : i32
        %mul3A_1576 = arith.muli %add3A_805, %mul3A_1575 : i32
        %get3A_1577 = arith.constant 45 : i32
        %get3A_1578 = arith.index_cast %get3A_1577 : i32 to index
        %get3A_1579 = arith.index_cast %mul3A_1576 : i32 to index
        %get3A_1580 = tpu.vector_load %arg6[%get3A_1578, %get3A_1579] {strides = array<i32>} : memref<64x128xf32, #tpu.memory_space<vmem>>, vector<16xf32>,
        tpu.vector_store_idx %arg9[%add3A_809, %broadcast_in_dim3A_1574], %get3A_1580 : memref<128x128xf32, #tpu.memory_space<vmem>>[vector<16xi32>, vector<16xi32>], vector<16xf32>,
        %add3A_1581 = arith.constant 64 : i32
        %add3A_1582 = vector.broadcast %add3A_1581 : i32 to vector<16xi32>
        %add3A_1583 = arith.addi %broadcast_in_dim3A_1574, %add3A_1582 : vector<16xi32>
        %mul3A_1584 = arith.constant 16 : i32
        %mul3A_1585 = arith.muli %add3A_805, %mul3A_1584 : i32
        %get3A_1586 = arith.constant 45 : i32
        %get3A_1587 = arith.index_cast %get3A_1586 : i32 to index
        %get3A_1588 = arith.index_cast %mul3A_1585 : i32 to index
        %get3A_1589 = tpu.vector_load %arg7[%get3A_1587, %get3A_1588] {strides = array<i32>} : memref<64x128xf32, #tpu.memory_space<vmem>>, vector<16xf32>,
        tpu.vector_store_idx %arg9[%add3A_809, %add3A_1583], %get3A_1589 : memref<128x128xf32, #tpu.memory_space<vmem>>[vector<16xi32>, vector<16xi32>], vector<16xf32>,
        %broadcast_in_dim3A_1590 = arith.constant 46 : i32
        %broadcast_in_dim3A_1591 = vector.broadcast %broadcast_in_dim3A_1590 : i32 to vector<16xi32>
        %mul3A_1592 = arith.constant 16 : i32
        %mul3A_1593 = arith.muli %add3A_805, %mul3A_1592 : i32
        %get3A_1594 = arith.constant 46 : i32
        %get3A_1595 = arith.index_cast %get3A_1594 : i32 to index
        %get3A_1596 = arith.index_cast %mul3A_1593 : i32 to index
        %get3A_1597 = tpu.vector_load %arg6[%get3A_1595, %get3A_1596] {strides = array<i32>} : memref<64x128xf32, #tpu.memory_space<vmem>>, vector<16xf32>,
        tpu.vector_store_idx %arg9[%add3A_809, %broadcast_in_dim3A_1591], %get3A_1597 : memref<128x128xf32, #tpu.memory_space<vmem>>[vector<16xi32>, vector<16xi32>], vector<16xf32>,
        %add3A_1598 = arith.constant 64 : i32
        %add3A_1599 = vector.broadcast %add3A_1598 : i32 to vector<16xi32>
        %add3A_1600 = arith.addi %broadcast_in_dim3A_1591, %add3A_1599 : vector<16xi32>
        %mul3A_1601 = arith.constant 16 : i32
        %mul3A_1602 = arith.muli %add3A_805, %mul3A_1601 : i32
        %get3A_1603 = arith.constant 46 : i32
        %get3A_1604 = arith.index_cast %get3A_1603 : i32 to index
        %get3A_1605 = arith.index_cast %mul3A_1602 : i32 to index
        %get3A_1606 = tpu.vector_load %arg7[%get3A_1604, %get3A_1605] {strides = array<i32>} : memref<64x128xf32, #tpu.memory_space<vmem>>, vector<16xf32>,
        tpu.vector_store_idx %arg9[%add3A_809, %add3A_1600], %get3A_1606 : memref<128x128xf32, #tpu.memory_space<vmem>>[vector<16xi32>, vector<16xi32>], vector<16xf32>,
        %broadcast_in_dim3A_1607 = arith.constant 47 : i32
        %broadcast_in_dim3A_1608 = vector.broadcast %broadcast_in_dim3A_1607 : i32 to vector<16xi32>
        %mul3A_1609 = arith.constant 16 : i32
        %mul3A_1610 = arith.muli %add3A_805, %mul3A_1609 : i32
        %get3A_1611 = arith.constant 47 : i32
        %get3A_1612 = arith.index_cast %get3A_1611 : i32 to index
        %get3A_1613 = arith.index_cast %mul3A_1610 : i32 to index
        %get3A_1614 = tpu.vector_load %arg6[%get3A_1612, %get3A_1613] {strides = array<i32>} : memref<64x128xf32, #tpu.memory_space<vmem>>, vector<16xf32>,
        tpu.vector_store_idx %arg9[%add3A_809, %broadcast_in_dim3A_1608], %get3A_1614 : memref<128x128xf32, #tpu.memory_space<vmem>>[vector<16xi32>, vector<16xi32>], vector<16xf32>,
        %add3A_1615 = arith.constant 64 : i32
        %add3A_1616 = vector.broadcast %add3A_1615 : i32 to vector<16xi32>
        %add3A_1617 = arith.addi %broadcast_in_dim3A_1608, %add3A_1616 : vector<16xi32>
        %mul3A_1618 = arith.constant 16 : i32
        %mul3A_1619 = arith.muli %add3A_805, %mul3A_1618 : i32
        %get3A_1620 = arith.constant 47 : i32
        %get3A_1621 = arith.index_cast %get3A_1620 : i32 to index
        %get3A_1622 = arith.index_cast %mul3A_1619 : i32 to index
        %get3A_1623 = tpu.vector_load %arg7[%get3A_1621, %get3A_1622] {strides = array<i32>} : memref<64x128xf32, #tpu.memory_space<vmem>>, vector<16xf32>,
        tpu.vector_store_idx %arg9[%add3A_809, %add3A_1617], %get3A_1623 : memref<128x128xf32, #tpu.memory_space<vmem>>[vector<16xi32>, vector<16xi32>], vector<16xf32>,
        %broadcast_in_dim3A_1624 = arith.constant 48 : i32
        %broadcast_in_dim3A_1625 = vector.broadcast %broadcast_in_dim3A_1624 : i32 to vector<16xi32>
        %mul3A_1626 = arith.constant 16 : i32
        %mul3A_1627 = arith.muli %add3A_805, %mul3A_1626 : i32
        %get3A_1628 = arith.constant 48 : i32
        %get3A_1629 = arith.index_cast %get3A_1628 : i32 to index
        %get3A_1630 = arith.index_cast %mul3A_1627 : i32 to index
        %get3A_1631 = tpu.vector_load %arg6[%get3A_1629, %get3A_1630] {strides = array<i32>} : memref<64x128xf32, #tpu.memory_space<vmem>>, vector<16xf32>,
        tpu.vector_store_idx %arg9[%add3A_809, %broadcast_in_dim3A_1625], %get3A_1631 : memref<128x128xf32, #tpu.memory_space<vmem>>[vector<16xi32>, vector<16xi32>], vector<16xf32>,
        %add3A_1632 = arith.constant 64 : i32
        %add3A_1633 = vector.broadcast %add3A_1632 : i32 to vector<16xi32>
        %add3A_1634 = arith.addi %broadcast_in_dim3A_1625, %add3A_1633 : vector<16xi32>
        %mul3A_1635 = arith.constant 16 : i32
        %mul3A_1636 = arith.muli %add3A_805, %mul3A_1635 : i32
        %get3A_1637 = arith.constant 48 : i32
        %get3A_1638 = arith.index_cast %get3A_1637 : i32 to index
        %get3A_1639 = arith.index_cast %mul3A_1636 : i32 to index
        %get3A_1640 = tpu.vector_load %arg7[%get3A_1638, %get3A_1639] {strides = array<i32>} : memref<64x128xf32, #tpu.memory_space<vmem>>, vector<16xf32>,
        tpu.vector_store_idx %arg9[%add3A_809, %add3A_1634], %get3A_1640 : memref<128x128xf32, #tpu.memory_space<vmem>>[vector<16xi32>, vector<16xi32>], vector<16xf32>,
        %broadcast_in_dim3A_1641 = arith.constant 49 : i32
        %broadcast_in_dim3A_1642 = vector.broadcast %broadcast_in_dim3A_1641 : i32 to vector<16xi32>
        %mul3A_1643 = arith.constant 16 : i32
        %mul3A_1644 = arith.muli %add3A_805, %mul3A_1643 : i32
        %get3A_1645 = arith.constant 49 : i32
        %get3A_1646 = arith.index_cast %get3A_1645 : i32 to index
        %get3A_1647 = arith.index_cast %mul3A_1644 : i32 to index
        %get3A_1648 = tpu.vector_load %arg6[%get3A_1646, %get3A_1647] {strides = array<i32>} : memref<64x128xf32, #tpu.memory_space<vmem>>, vector<16xf32>,
        tpu.vector_store_idx %arg9[%add3A_809, %broadcast_in_dim3A_1642], %get3A_1648 : memref<128x128xf32, #tpu.memory_space<vmem>>[vector<16xi32>, vector<16xi32>], vector<16xf32>,
        %add3A_1649 = arith.constant 64 : i32
        %add3A_1650 = vector.broadcast %add3A_1649 : i32 to vector<16xi32>
        %add3A_1651 = arith.addi %broadcast_in_dim3A_1642, %add3A_1650 : vector<16xi32>
        %mul3A_1652 = arith.constant 16 : i32
        %mul3A_1653 = arith.muli %add3A_805, %mul3A_1652 : i32
        %get3A_1654 = arith.constant 49 : i32
        %get3A_1655 = arith.index_cast %get3A_1654 : i32 to index
        %get3A_1656 = arith.index_cast %mul3A_1653 : i32 to index
        %get3A_1657 = tpu.vector_load %arg7[%get3A_1655, %get3A_1656] {strides = array<i32>} : memref<64x128xf32, #tpu.memory_space<vmem>>, vector<16xf32>,
        tpu.vector_store_idx %arg9[%add3A_809, %add3A_1651], %get3A_1657 : memref<128x128xf32, #tpu.memory_space<vmem>>[vector<16xi32>, vector<16xi32>], vector<16xf32>,
        %broadcast_in_dim3A_1658 = arith.constant 50 : i32
        %broadcast_in_dim3A_1659 = vector.broadcast %broadcast_in_dim3A_1658 : i32 to vector<16xi32>
        %mul3A_1660 = arith.constant 16 : i32
        %mul3A_1661 = arith.muli %add3A_805, %mul3A_1660 : i32
        %get3A_1662 = arith.constant 50 : i32
        %get3A_1663 = arith.index_cast %get3A_1662 : i32 to index
        %get3A_1664 = arith.index_cast %mul3A_1661 : i32 to index
        %get3A_1665 = tpu.vector_load %arg6[%get3A_1663, %get3A_1664] {strides = array<i32>} : memref<64x128xf32, #tpu.memory_space<vmem>>, vector<16xf32>,
        tpu.vector_store_idx %arg9[%add3A_809, %broadcast_in_dim3A_1659], %get3A_1665 : memref<128x128xf32, #tpu.memory_space<vmem>>[vector<16xi32>, vector<16xi32>], vector<16xf32>,
        %add3A_1666 = arith.constant 64 : i32
        %add3A_1667 = vector.broadcast %add3A_1666 : i32 to vector<16xi32>
        %add3A_1668 = arith.addi %broadcast_in_dim3A_1659, %add3A_1667 : vector<16xi32>
        %mul3A_1669 = arith.constant 16 : i32
        %mul3A_1670 = arith.muli %add3A_805, %mul3A_1669 : i32
        %get3A_1671 = arith.constant 50 : i32
        %get3A_1672 = arith.index_cast %get3A_1671 : i32 to index
        %get3A_1673 = arith.index_cast %mul3A_1670 : i32 to index
        %get3A_1674 = tpu.vector_load %arg7[%get3A_1672, %get3A_1673] {strides = array<i32>} : memref<64x128xf32, #tpu.memory_space<vmem>>, vector<16xf32>,
        tpu.vector_store_idx %arg9[%add3A_809, %add3A_1668], %get3A_1674 : memref<128x128xf32, #tpu.memory_space<vmem>>[vector<16xi32>, vector<16xi32>], vector<16xf32>,
        %broadcast_in_dim3A_1675 = arith.constant 51 : i32
        %broadcast_in_dim3A_1676 = vector.broadcast %broadcast_in_dim3A_1675 : i32 to vector<16xi32>
        %mul3A_1677 = arith.constant 16 : i32
        %mul3A_1678 = arith.muli %add3A_805, %mul3A_1677 : i32
        %get3A_1679 = arith.constant 51 : i32
        %get3A_1680 = arith.index_cast %get3A_1679 : i32 to index
        %get3A_1681 = arith.index_cast %mul3A_1678 : i32 to index
        %get3A_1682 = tpu.vector_load %arg6[%get3A_1680, %get3A_1681] {strides = array<i32>} : memref<64x128xf32, #tpu.memory_space<vmem>>, vector<16xf32>,
        tpu.vector_store_idx %arg9[%add3A_809, %broadcast_in_dim3A_1676], %get3A_1682 : memref<128x128xf32, #tpu.memory_space<vmem>>[vector<16xi32>, vector<16xi32>], vector<16xf32>,
        %add3A_1683 = arith.constant 64 : i32
        %add3A_1684 = vector.broadcast %add3A_1683 : i32 to vector<16xi32>
        %add3A_1685 = arith.addi %broadcast_in_dim3A_1676, %add3A_1684 : vector<16xi32>
        %mul3A_1686 = arith.constant 16 : i32
        %mul3A_1687 = arith.muli %add3A_805, %mul3A_1686 : i32
        %get3A_1688 = arith.constant 51 : i32
        %get3A_1689 = arith.index_cast %get3A_1688 : i32 to index
        %get3A_1690 = arith.index_cast %mul3A_1687 : i32 to index
        %get3A_1691 = tpu.vector_load %arg7[%get3A_1689, %get3A_1690] {strides = array<i32>} : memref<64x128xf32, #tpu.memory_space<vmem>>, vector<16xf32>,
        tpu.vector_store_idx %arg9[%add3A_809, %add3A_1685], %get3A_1691 : memref<128x128xf32, #tpu.memory_space<vmem>>[vector<16xi32>, vector<16xi32>], vector<16xf32>,
        %broadcast_in_dim3A_1692 = arith.constant 52 : i32
        %broadcast_in_dim3A_1693 = vector.broadcast %broadcast_in_dim3A_1692 : i32 to vector<16xi32>
        %mul3A_1694 = arith.constant 16 : i32
        %mul3A_1695 = arith.muli %add3A_805, %mul3A_1694 : i32
        %get3A_1696 = arith.constant 52 : i32
        %get3A_1697 = arith.index_cast %get3A_1696 : i32 to index
        %get3A_1698 = arith.index_cast %mul3A_1695 : i32 to index
        %get3A_1699 = tpu.vector_load %arg6[%get3A_1697, %get3A_1698] {strides = array<i32>} : memref<64x128xf32, #tpu.memory_space<vmem>>, vector<16xf32>,
        tpu.vector_store_idx %arg9[%add3A_809, %broadcast_in_dim3A_1693], %get3A_1699 : memref<128x128xf32, #tpu.memory_space<vmem>>[vector<16xi32>, vector<16xi32>], vector<16xf32>,
        %add3A_1700 = arith.constant 64 : i32
        %add3A_1701 = vector.broadcast %add3A_1700 : i32 to vector<16xi32>
        %add3A_1702 = arith.addi %broadcast_in_dim3A_1693, %add3A_1701 : vector<16xi32>
        %mul3A_1703 = arith.constant 16 : i32
        %mul3A_1704 = arith.muli %add3A_805, %mul3A_1703 : i32
        %get3A_1705 = arith.constant 52 : i32
        %get3A_1706 = arith.index_cast %get3A_1705 : i32 to index
        %get3A_1707 = arith.index_cast %mul3A_1704 : i32 to index
        %get3A_1708 = tpu.vector_load %arg7[%get3A_1706, %get3A_1707] {strides = array<i32>} : memref<64x128xf32, #tpu.memory_space<vmem>>, vector<16xf32>,
        tpu.vector_store_idx %arg9[%add3A_809, %add3A_1702], %get3A_1708 : memref<128x128xf32, #tpu.memory_space<vmem>>[vector<16xi32>, vector<16xi32>], vector<16xf32>,
        %broadcast_in_dim3A_1709 = arith.constant 53 : i32
        %broadcast_in_dim3A_1710 = vector.broadcast %broadcast_in_dim3A_1709 : i32 to vector<16xi32>
        %mul3A_1711 = arith.constant 16 : i32
        %mul3A_1712 = arith.muli %add3A_805, %mul3A_1711 : i32
        %get3A_1713 = arith.constant 53 : i32
        %get3A_1714 = arith.index_cast %get3A_1713 : i32 to index
        %get3A_1715 = arith.index_cast %mul3A_1712 : i32 to index
        %get3A_1716 = tpu.vector_load %arg6[%get3A_1714, %get3A_1715] {strides = array<i32>} : memref<64x128xf32, #tpu.memory_space<vmem>>, vector<16xf32>,
        tpu.vector_store_idx %arg9[%add3A_809, %broadcast_in_dim3A_1710], %get3A_1716 : memref<128x128xf32, #tpu.memory_space<vmem>>[vector<16xi32>, vector<16xi32>], vector<16xf32>,
        %add3A_1717 = arith.constant 64 : i32
        %add3A_1718 = vector.broadcast %add3A_1717 : i32 to vector<16xi32>
        %add3A_1719 = arith.addi %broadcast_in_dim3A_1710, %add3A_1718 : vector<16xi32>
        %mul3A_1720 = arith.constant 16 : i32
        %mul3A_1721 = arith.muli %add3A_805, %mul3A_1720 : i32
        %get3A_1722 = arith.constant 53 : i32
        %get3A_1723 = arith.index_cast %get3A_1722 : i32 to index
        %get3A_1724 = arith.index_cast %mul3A_1721 : i32 to index
        %get3A_1725 = tpu.vector_load %arg7[%get3A_1723, %get3A_1724] {strides = array<i32>} : memref<64x128xf32, #tpu.memory_space<vmem>>, vector<16xf32>,
        tpu.vector_store_idx %arg9[%add3A_809, %add3A_1719], %get3A_1725 : memref<128x128xf32, #tpu.memory_space<vmem>>[vector<16xi32>, vector<16xi32>], vector<16xf32>,
        %broadcast_in_dim3A_1726 = arith.constant 54 : i32
        %broadcast_in_dim3A_1727 = vector.broadcast %broadcast_in_dim3A_1726 : i32 to vector<16xi32>
        %mul3A_1728 = arith.constant 16 : i32
        %mul3A_1729 = arith.muli %add3A_805, %mul3A_1728 : i32
        %get3A_1730 = arith.constant 54 : i32
        %get3A_1731 = arith.index_cast %get3A_1730 : i32 to index
        %get3A_1732 = arith.index_cast %mul3A_1729 : i32 to index
        %get3A_1733 = tpu.vector_load %arg6[%get3A_1731, %get3A_1732] {strides = array<i32>} : memref<64x128xf32, #tpu.memory_space<vmem>>, vector<16xf32>,
        tpu.vector_store_idx %arg9[%add3A_809, %broadcast_in_dim3A_1727], %get3A_1733 : memref<128x128xf32, #tpu.memory_space<vmem>>[vector<16xi32>, vector<16xi32>], vector<16xf32>,
        %add3A_1734 = arith.constant 64 : i32
        %add3A_1735 = vector.broadcast %add3A_1734 : i32 to vector<16xi32>
        %add3A_1736 = arith.addi %broadcast_in_dim3A_1727, %add3A_1735 : vector<16xi32>
        %mul3A_1737 = arith.constant 16 : i32
        %mul3A_1738 = arith.muli %add3A_805, %mul3A_1737 : i32
        %get3A_1739 = arith.constant 54 : i32
        %get3A_1740 = arith.index_cast %get3A_1739 : i32 to index
        %get3A_1741 = arith.index_cast %mul3A_1738 : i32 to index
        %get3A_1742 = tpu.vector_load %arg7[%get3A_1740, %get3A_1741] {strides = array<i32>} : memref<64x128xf32, #tpu.memory_space<vmem>>, vector<16xf32>,
        tpu.vector_store_idx %arg9[%add3A_809, %add3A_1736], %get3A_1742 : memref<128x128xf32, #tpu.memory_space<vmem>>[vector<16xi32>, vector<16xi32>], vector<16xf32>,
        %broadcast_in_dim3A_1743 = arith.constant 55 : i32
        %broadcast_in_dim3A_1744 = vector.broadcast %broadcast_in_dim3A_1743 : i32 to vector<16xi32>
        %mul3A_1745 = arith.constant 16 : i32
        %mul3A_1746 = arith.muli %add3A_805, %mul3A_1745 : i32
        %get3A_1747 = arith.constant 55 : i32
        %get3A_1748 = arith.index_cast %get3A_1747 : i32 to index
        %get3A_1749 = arith.index_cast %mul3A_1746 : i32 to index
        %get3A_1750 = tpu.vector_load %arg6[%get3A_1748, %get3A_1749] {strides = array<i32>} : memref<64x128xf32, #tpu.memory_space<vmem>>, vector<16xf32>,
        tpu.vector_store_idx %arg9[%add3A_809, %broadcast_in_dim3A_1744], %get3A_1750 : memref<128x128xf32, #tpu.memory_space<vmem>>[vector<16xi32>, vector<16xi32>], vector<16xf32>,
        %add3A_1751 = arith.constant 64 : i32
        %add3A_1752 = vector.broadcast %add3A_1751 : i32 to vector<16xi32>
        %add3A_1753 = arith.addi %broadcast_in_dim3A_1744, %add3A_1752 : vector<16xi32>
        %mul3A_1754 = arith.constant 16 : i32
        %mul3A_1755 = arith.muli %add3A_805, %mul3A_1754 : i32
        %get3A_1756 = arith.constant 55 : i32
        %get3A_1757 = arith.index_cast %get3A_1756 : i32 to index
        %get3A_1758 = arith.index_cast %mul3A_1755 : i32 to index
        %get3A_1759 = tpu.vector_load %arg7[%get3A_1757, %get3A_1758] {strides = array<i32>} : memref<64x128xf32, #tpu.memory_space<vmem>>, vector<16xf32>,
        tpu.vector_store_idx %arg9[%add3A_809, %add3A_1753], %get3A_1759 : memref<128x128xf32, #tpu.memory_space<vmem>>[vector<16xi32>, vector<16xi32>], vector<16xf32>,
        %broadcast_in_dim3A_1760 = arith.constant 56 : i32
        %broadcast_in_dim3A_1761 = vector.broadcast %broadcast_in_dim3A_1760 : i32 to vector<16xi32>
        %mul3A_1762 = arith.constant 16 : i32
        %mul3A_1763 = arith.muli %add3A_805, %mul3A_1762 : i32
        %get3A_1764 = arith.constant 56 : i32
        %get3A_1765 = arith.index_cast %get3A_1764 : i32 to index
        %get3A_1766 = arith.index_cast %mul3A_1763 : i32 to index
        %get3A_1767 = tpu.vector_load %arg6[%get3A_1765, %get3A_1766] {strides = array<i32>} : memref<64x128xf32, #tpu.memory_space<vmem>>, vector<16xf32>,
        tpu.vector_store_idx %arg9[%add3A_809, %broadcast_in_dim3A_1761], %get3A_1767 : memref<128x128xf32, #tpu.memory_space<vmem>>[vector<16xi32>, vector<16xi32>], vector<16xf32>,
        %add3A_1768 = arith.constant 64 : i32
        %add3A_1769 = vector.broadcast %add3A_1768 : i32 to vector<16xi32>
        %add3A_1770 = arith.addi %broadcast_in_dim3A_1761, %add3A_1769 : vector<16xi32>
        %mul3A_1771 = arith.constant 16 : i32
        %mul3A_1772 = arith.muli %add3A_805, %mul3A_1771 : i32
        %get3A_1773 = arith.constant 56 : i32
        %get3A_1774 = arith.index_cast %get3A_1773 : i32 to index
        %get3A_1775 = arith.index_cast %mul3A_1772 : i32 to index
        %get3A_1776 = tpu.vector_load %arg7[%get3A_1774, %get3A_1775] {strides = array<i32>} : memref<64x128xf32, #tpu.memory_space<vmem>>, vector<16xf32>,
        tpu.vector_store_idx %arg9[%add3A_809, %add3A_1770], %get3A_1776 : memref<128x128xf32, #tpu.memory_space<vmem>>[vector<16xi32>, vector<16xi32>], vector<16xf32>,
        %broadcast_in_dim3A_1777 = arith.constant 57 : i32
        %broadcast_in_dim3A_1778 = vector.broadcast %broadcast_in_dim3A_1777 : i32 to vector<16xi32>
        %mul3A_1779 = arith.constant 16 : i32
        %mul3A_1780 = arith.muli %add3A_805, %mul3A_1779 : i32
        %get3A_1781 = arith.constant 57 : i32
        %get3A_1782 = arith.index_cast %get3A_1781 : i32 to index
        %get3A_1783 = arith.index_cast %mul3A_1780 : i32 to index
        %get3A_1784 = tpu.vector_load %arg6[%get3A_1782, %get3A_1783] {strides = array<i32>} : memref<64x128xf32, #tpu.memory_space<vmem>>, vector<16xf32>,
        tpu.vector_store_idx %arg9[%add3A_809, %broadcast_in_dim3A_1778], %get3A_1784 : memref<128x128xf32, #tpu.memory_space<vmem>>[vector<16xi32>, vector<16xi32>], vector<16xf32>,
        %add3A_1785 = arith.constant 64 : i32
        %add3A_1786 = vector.broadcast %add3A_1785 : i32 to vector<16xi32>
        %add3A_1787 = arith.addi %broadcast_in_dim3A_1778, %add3A_1786 : vector<16xi32>
        %mul3A_1788 = arith.constant 16 : i32
        %mul3A_1789 = arith.muli %add3A_805, %mul3A_1788 : i32
        %get3A_1790 = arith.constant 57 : i32
        %get3A_1791 = arith.index_cast %get3A_1790 : i32 to index
        %get3A_1792 = arith.index_cast %mul3A_1789 : i32 to index
        %get3A_1793 = tpu.vector_load %arg7[%get3A_1791, %get3A_1792] {strides = array<i32>} : memref<64x128xf32, #tpu.memory_space<vmem>>, vector<16xf32>,
        tpu.vector_store_idx %arg9[%add3A_809, %add3A_1787], %get3A_1793 : memref<128x128xf32, #tpu.memory_space<vmem>>[vector<16xi32>, vector<16xi32>], vector<16xf32>,
        %broadcast_in_dim3A_1794 = arith.constant 58 : i32
        %broadcast_in_dim3A_1795 = vector.broadcast %broadcast_in_dim3A_1794 : i32 to vector<16xi32>
        %mul3A_1796 = arith.constant 16 : i32
        %mul3A_1797 = arith.muli %add3A_805, %mul3A_1796 : i32
        %get3A_1798 = arith.constant 58 : i32
        %get3A_1799 = arith.index_cast %get3A_1798 : i32 to index
        %get3A_1800 = arith.index_cast %mul3A_1797 : i32 to index
        %get3A_1801 = tpu.vector_load %arg6[%get3A_1799, %get3A_1800] {strides = array<i32>} : memref<64x128xf32, #tpu.memory_space<vmem>>, vector<16xf32>,
        tpu.vector_store_idx %arg9[%add3A_809, %broadcast_in_dim3A_1795], %get3A_1801 : memref<128x128xf32, #tpu.memory_space<vmem>>[vector<16xi32>, vector<16xi32>], vector<16xf32>,
        %add3A_1802 = arith.constant 64 : i32
        %add3A_1803 = vector.broadcast %add3A_1802 : i32 to vector<16xi32>
        %add3A_1804 = arith.addi %broadcast_in_dim3A_1795, %add3A_1803 : vector<16xi32>
        %mul3A_1805 = arith.constant 16 : i32
        %mul3A_1806 = arith.muli %add3A_805, %mul3A_1805 : i32
        %get3A_1807 = arith.constant 58 : i32
        %get3A_1808 = arith.index_cast %get3A_1807 : i32 to index
        %get3A_1809 = arith.index_cast %mul3A_1806 : i32 to index
        %get3A_1810 = tpu.vector_load %arg7[%get3A_1808, %get3A_1809] {strides = array<i32>} : memref<64x128xf32, #tpu.memory_space<vmem>>, vector<16xf32>,
        tpu.vector_store_idx %arg9[%add3A_809, %add3A_1804], %get3A_1810 : memref<128x128xf32, #tpu.memory_space<vmem>>[vector<16xi32>, vector<16xi32>], vector<16xf32>,
        %broadcast_in_dim3A_1811 = arith.constant 59 : i32
        %broadcast_in_dim3A_1812 = vector.broadcast %broadcast_in_dim3A_1811 : i32 to vector<16xi32>
        %mul3A_1813 = arith.constant 16 : i32
        %mul3A_1814 = arith.muli %add3A_805, %mul3A_1813 : i32
        %get3A_1815 = arith.constant 59 : i32
        %get3A_1816 = arith.index_cast %get3A_1815 : i32 to index
        %get3A_1817 = arith.index_cast %mul3A_1814 : i32 to index
        %get3A_1818 = tpu.vector_load %arg6[%get3A_1816, %get3A_1817] {strides = array<i32>} : memref<64x128xf32, #tpu.memory_space<vmem>>, vector<16xf32>,
        tpu.vector_store_idx %arg9[%add3A_809, %broadcast_in_dim3A_1812], %get3A_1818 : memref<128x128xf32, #tpu.memory_space<vmem>>[vector<16xi32>, vector<16xi32>], vector<16xf32>,
        %add3A_1819 = arith.constant 64 : i32
        %add3A_1820 = vector.broadcast %add3A_1819 : i32 to vector<16xi32>
        %add3A_1821 = arith.addi %broadcast_in_dim3A_1812, %add3A_1820 : vector<16xi32>
        %mul3A_1822 = arith.constant 16 : i32
        %mul3A_1823 = arith.muli %add3A_805, %mul3A_1822 : i32
        %get3A_1824 = arith.constant 59 : i32
        %get3A_1825 = arith.index_cast %get3A_1824 : i32 to index
        %get3A_1826 = arith.index_cast %mul3A_1823 : i32 to index
        %get3A_1827 = tpu.vector_load %arg7[%get3A_1825, %get3A_1826] {strides = array<i32>} : memref<64x128xf32, #tpu.memory_space<vmem>>, vector<16xf32>,
        tpu.vector_store_idx %arg9[%add3A_809, %add3A_1821], %get3A_1827 : memref<128x128xf32, #tpu.memory_space<vmem>>[vector<16xi32>, vector<16xi32>], vector<16xf32>,
        %broadcast_in_dim3A_1828 = arith.constant 60 : i32
        %broadcast_in_dim3A_1829 = vector.broadcast %broadcast_in_dim3A_1828 : i32 to vector<16xi32>
        %mul3A_1830 = arith.constant 16 : i32
        %mul3A_1831 = arith.muli %add3A_805, %mul3A_1830 : i32
        %get3A_1832 = arith.constant 60 : i32
        %get3A_1833 = arith.index_cast %get3A_1832 : i32 to index
        %get3A_1834 = arith.index_cast %mul3A_1831 : i32 to index
        %get3A_1835 = tpu.vector_load %arg6[%get3A_1833, %get3A_1834] {strides = array<i32>} : memref<64x128xf32, #tpu.memory_space<vmem>>, vector<16xf32>,
        tpu.vector_store_idx %arg9[%add3A_809, %broadcast_in_dim3A_1829], %get3A_1835 : memref<128x128xf32, #tpu.memory_space<vmem>>[vector<16xi32>, vector<16xi32>], vector<16xf32>,
        %add3A_1836 = arith.constant 64 : i32
        %add3A_1837 = vector.broadcast %add3A_1836 : i32 to vector<16xi32>
        %add3A_1838 = arith.addi %broadcast_in_dim3A_1829, %add3A_1837 : vector<16xi32>
        %mul3A_1839 = arith.constant 16 : i32
        %mul3A_1840 = arith.muli %add3A_805, %mul3A_1839 : i32
        %get3A_1841 = arith.constant 60 : i32
        %get3A_1842 = arith.index_cast %get3A_1841 : i32 to index
        %get3A_1843 = arith.index_cast %mul3A_1840 : i32 to index
        %get3A_1844 = tpu.vector_load %arg7[%get3A_1842, %get3A_1843] {strides = array<i32>} : memref<64x128xf32, #tpu.memory_space<vmem>>, vector<16xf32>,
        tpu.vector_store_idx %arg9[%add3A_809, %add3A_1838], %get3A_1844 : memref<128x128xf32, #tpu.memory_space<vmem>>[vector<16xi32>, vector<16xi32>], vector<16xf32>,
        %broadcast_in_dim3A_1845 = arith.constant 61 : i32
        %broadcast_in_dim3A_1846 = vector.broadcast %broadcast_in_dim3A_1845 : i32 to vector<16xi32>
        %mul3A_1847 = arith.constant 16 : i32
        %mul3A_1848 = arith.muli %add3A_805, %mul3A_1847 : i32
        %get3A_1849 = arith.constant 61 : i32
        %get3A_1850 = arith.index_cast %get3A_1849 : i32 to index
        %get3A_1851 = arith.index_cast %mul3A_1848 : i32 to index
        %get3A_1852 = tpu.vector_load %arg6[%get3A_1850, %get3A_1851] {strides = array<i32>} : memref<64x128xf32, #tpu.memory_space<vmem>>, vector<16xf32>,
        tpu.vector_store_idx %arg9[%add3A_809, %broadcast_in_dim3A_1846], %get3A_1852 : memref<128x128xf32, #tpu.memory_space<vmem>>[vector<16xi32>, vector<16xi32>], vector<16xf32>,
        %add3A_1853 = arith.constant 64 : i32
        %add3A_1854 = vector.broadcast %add3A_1853 : i32 to vector<16xi32>
        %add3A_1855 = arith.addi %broadcast_in_dim3A_1846, %add3A_1854 : vector<16xi32>
        %mul3A_1856 = arith.constant 16 : i32
        %mul3A_1857 = arith.muli %add3A_805, %mul3A_1856 : i32
        %get3A_1858 = arith.constant 61 : i32
        %get3A_1859 = arith.index_cast %get3A_1858 : i32 to index
        %get3A_1860 = arith.index_cast %mul3A_1857 : i32 to index
        %get3A_1861 = tpu.vector_load %arg7[%get3A_1859, %get3A_1860] {strides = array<i32>} : memref<64x128xf32, #tpu.memory_space<vmem>>, vector<16xf32>,
        tpu.vector_store_idx %arg9[%add3A_809, %add3A_1855], %get3A_1861 : memref<128x128xf32, #tpu.memory_space<vmem>>[vector<16xi32>, vector<16xi32>], vector<16xf32>,
        %broadcast_in_dim3A_1862 = arith.constant 62 : i32
        %broadcast_in_dim3A_1863 = vector.broadcast %broadcast_in_dim3A_1862 : i32 to vector<16xi32>
        %mul3A_1864 = arith.constant 16 : i32
        %mul3A_1865 = arith.muli %add3A_805, %mul3A_1864 : i32
        %get3A_1866 = arith.constant 62 : i32
        %get3A_1867 = arith.index_cast %get3A_1866 : i32 to index
        %get3A_1868 = arith.index_cast %mul3A_1865 : i32 to index
        %get3A_1869 = tpu.vector_load %arg6[%get3A_1867, %get3A_1868] {strides = array<i32>} : memref<64x128xf32, #tpu.memory_space<vmem>>, vector<16xf32>,
        tpu.vector_store_idx %arg9[%add3A_809, %broadcast_in_dim3A_1863], %get3A_1869 : memref<128x128xf32, #tpu.memory_space<vmem>>[vector<16xi32>, vector<16xi32>], vector<16xf32>,
        %add3A_1870 = arith.constant 64 : i32
        %add3A_1871 = vector.broadcast %add3A_1870 : i32 to vector<16xi32>
        %add3A_1872 = arith.addi %broadcast_in_dim3A_1863, %add3A_1871 : vector<16xi32>
        %mul3A_1873 = arith.constant 16 : i32
        %mul3A_1874 = arith.muli %add3A_805, %mul3A_1873 : i32
        %get3A_1875 = arith.constant 62 : i32
        %get3A_1876 = arith.index_cast %get3A_1875 : i32 to index
        %get3A_1877 = arith.index_cast %mul3A_1874 : i32 to index
        %get3A_1878 = tpu.vector_load %arg7[%get3A_1876, %get3A_1877] {strides = array<i32>} : memref<64x128xf32, #tpu.memory_space<vmem>>, vector<16xf32>,
        tpu.vector_store_idx %arg9[%add3A_809, %add3A_1872], %get3A_1878 : memref<128x128xf32, #tpu.memory_space<vmem>>[vector<16xi32>, vector<16xi32>], vector<16xf32>,
        %broadcast_in_dim3A_1879 = arith.constant 63 : i32
        %broadcast_in_dim3A_1880 = vector.broadcast %broadcast_in_dim3A_1879 : i32 to vector<16xi32>
        %mul3A_1881 = arith.constant 16 : i32
        %mul3A_1882 = arith.muli %add3A_805, %mul3A_1881 : i32
        %get3A_1883 = arith.constant 63 : i32
        %get3A_1884 = arith.index_cast %get3A_1883 : i32 to index
        %get3A_1885 = arith.index_cast %mul3A_1882 : i32 to index
        %get3A_1886 = tpu.vector_load %arg6[%get3A_1884, %get3A_1885] {strides = array<i32>} : memref<64x128xf32, #tpu.memory_space<vmem>>, vector<16xf32>,
        tpu.vector_store_idx %arg9[%add3A_809, %broadcast_in_dim3A_1880], %get3A_1886 : memref<128x128xf32, #tpu.memory_space<vmem>>[vector<16xi32>, vector<16xi32>], vector<16xf32>,
        %add3A_1887 = arith.constant 64 : i32
        %add3A_1888 = vector.broadcast %add3A_1887 : i32 to vector<16xi32>
        %add3A_1889 = arith.addi %broadcast_in_dim3A_1880, %add3A_1888 : vector<16xi32>
        %mul3A_1890 = arith.constant 16 : i32
        %mul3A_1891 = arith.muli %add3A_805, %mul3A_1890 : i32
        %get3A_1892 = arith.constant 63 : i32
        %get3A_1893 = arith.index_cast %get3A_1892 : i32 to index
        %get3A_1894 = arith.index_cast %mul3A_1891 : i32 to index
        %get3A_1895 = tpu.vector_load %arg7[%get3A_1893, %get3A_1894] {strides = array<i32>} : memref<64x128xf32, #tpu.memory_space<vmem>>, vector<16xf32>,
        tpu.vector_store_idx %arg9[%add3A_809, %add3A_1889], %get3A_1895 : memref<128x128xf32, #tpu.memory_space<vmem>>[vector<16xi32>, vector<16xi32>], vector<16xf32>,
      }
      %scan3A_790 = arith.constant 8 : i32
      %add3A_791 = arith.addi %mul3A_2, %add3A_785 : i32
      %mul3A_792 = arith.constant 128 : i32
      %mul3A_793 = arith.muli %add3A_791, %mul3A_792 : i32
      %add3A_794 = arith.constant 409600 : i32
      %add3A_795 = arith.addi %add3A_794, %mul3A_793 : i32
      %multiple_of3A_796 = tpu.assume_multiple %add3A_795, 128 : i32
      %dma_start3A_797 = arith.constant 0 : i32
      %dma_start3A_798 = tpu.memref_slice %arg3[%multiple_of3A_796, %dma_start3A_797] : memref<501760x128xf32, #tpu.memory_space<hbm>> -> memref<128x128xf32, #tpu.memory_space<hbm>>
      %dma_start3A_799 = arith.constant 0 : i32
      %dma_start3A_800 = tpu.memref_slice %arg3[%multiple_of3A_796, %dma_start3A_799] : memref<501760x128xf32, #tpu.memory_space<hbm>> -> memref<128x128xf32, #tpu.memory_space<hbm>>
      tpu.enqueue_dma source(%arg9 : memref<128x128xf32, #tpu.memory_space<vmem>>) target(%dma_start3A_800 : memref<128x128xf32, #tpu.memory_space<hbm>>) target_semaphore(%arg13 : memref<!tpu.dma_semaphore, #tpu.memory_space<semaphore_mem>>)
    }
    %scan3A_178 = arith.constant 11 : i32
    %dma_wait3A = arith.constant 409600 : i32
    %dma_wait3A_179 = arith.constant 0 : i32
    %dma_wait3A_180 = tpu.memref_slice %arg3[%dma_wait3A, %dma_wait3A_179] : memref<501760x128xf32, #tpu.memory_space<hbm>> -> memref<128x128xf32, #tpu.memory_space<hbm>>
    %dma_wait3A_181 = arith.constant 409600 : i32
    %dma_wait3A_182 = arith.constant 0 : i32
    %dma_wait3A_183 = tpu.memref_slice %arg3[%dma_wait3A_181, %dma_wait3A_182] : memref<501760x128xf32, #tpu.memory_space<hbm>> -> memref<128x128xf32, #tpu.memory_space<hbm>>
    tpu.wait_dma2 semaphore(%arg12 : memref<!tpu.dma_semaphore, #tpu.memory_space<semaphore_mem>>) src(%arg8 : memref<128x128xf32, #tpu.memory_space<vmem>>) dst(%dma_wait3A_183 : memref<128x128xf32, #tpu.memory_space<hbm>>)
    %dma_wait3A_184 = arith.constant 409600 : i32
    %dma_wait3A_185 = arith.constant 0 : i32
    %dma_wait3A_186 = tpu.memref_slice %arg3[%dma_wait3A_184, %dma_wait3A_185] : memref<501760x128xf32, #tpu.memory_space<hbm>> -> memref<128x128xf32, #tpu.memory_space<hbm>>
    %dma_wait3A_187 = arith.constant 409600 : i32
    %dma_wait3A_188 = arith.constant 0 : i32
    %dma_wait3A_189 = tpu.memref_slice %arg3[%dma_wait3A_187, %dma_wait3A_188] : memref<501760x128xf32, #tpu.memory_space<hbm>> -> memref<128x128xf32, #tpu.memory_space<hbm>>
    tpu.wait_dma2 semaphore(%arg13 : memref<!tpu.dma_semaphore, #tpu.memory_space<semaphore_mem>>) src(%arg9 : memref<128x128xf32, #tpu.memory_space<vmem>>) dst(%dma_wait3A_189 : memref<128x128xf32, #tpu.memory_space<hbm>>)
    return
  }
}

#map = affine_map<(d0, d1) -> (0)>
#map1 = affine_map<(d0, d1) -> (0, 0)>
module attributes {stable_mosaic.version = 14 : i64} {
  func.func @k(%arg0: i32, %arg1: i32, %arg2: memref<16384xi32, #tpu.memory_space<hbm>>, %arg3: memref<501760x128xf32, #tpu.memory_space<hbm>>, %arg4: memref<501760x128xf32, #tpu.memory_space<hbm>>, %arg5: memref<16384x128xf32, #tpu.memory_space<hbm>>, %arg6: memref<16384x128xf32, #tpu.memory_space<hbm>>, %arg7: memref<512xi32, #tpu.memory_space<vmem>>, %arg8: memref<512xi32, #tpu.memory_space<vmem>>, %arg9: memref<128x128xf32, #tpu.memory_space<vmem>>, %arg10: memref<128x128xf32, #tpu.memory_space<vmem>>, %arg11: memref<!tpu.dma_semaphore, #tpu.memory_space<semaphore_mem>>, %arg12: memref<!tpu.dma_semaphore, #tpu.memory_space<semaphore_mem>>) attributes {dimension_semantics = [#tpu.dimension_semantics<core_parallel>, #tpu.dimension_semantics<subcore_parallel>], iteration_bounds = array<i64: 2, 16>, scalar_prefetch = 0 : i64, scratch_operands = 6 : i64, tpu.core_type = #tpu.core_type<sc_vector_subcore>, window_params = [{transform_indices = #map}, {transform_indices = #map1}, {transform_indices = #map1}, {transform_indices = #map1}, {transform_indices = #map1}]} {
    %mul3A = arith.constant 2 : i32
    %mul3A_0 = arith.muli %arg1, %mul3A : i32
    %add3A = arith.addi %mul3A_0, %arg0 : i32
    %mul3A_1 = arith.constant 512 : i32
    %mul3A_2 = arith.muli %add3A, %mul3A_1 : i32
    "tpu.region"() ({
      %run_scoped3A = tpu.sem_alloc : memref<!tpu.dma_semaphore, #tpu.memory_space<semaphore_mem>>
      %dma_start3A = tpu.memref_slice %arg2[%mul3A_2] : memref<16384xi32, #tpu.memory_space<hbm>> -> memref<512xi32, #tpu.memory_space<hbm>>
      %dma_start3A_12 = tpu.memref_slice %arg2[%mul3A_2] : memref<16384xi32, #tpu.memory_space<hbm>> -> memref<512xi32, #tpu.memory_space<hbm>>
      tpu.enqueue_dma source(%dma_start3A_12 : memref<512xi32, #tpu.memory_space<hbm>>) target(%arg7 : memref<512xi32, #tpu.memory_space<vmem>>) target_semaphore(%run_scoped3A : memref<!tpu.dma_semaphore, #tpu.memory_space<semaphore_mem>>)
      %dma_wait3A = tpu.memref_slice %arg2[%mul3A_2] : memref<16384xi32, #tpu.memory_space<hbm>> -> memref<512xi32, #tpu.memory_space<hbm>>
      %dma_wait3A_13 = tpu.memref_slice %arg2[%mul3A_2] : memref<16384xi32, #tpu.memory_space<hbm>> -> memref<512xi32, #tpu.memory_space<hbm>>
      tpu.wait_dma2 semaphore(%run_scoped3A : memref<!tpu.dma_semaphore, #tpu.memory_space<semaphore_mem>>) src(%dma_wait3A_13 : memref<512xi32, #tpu.memory_space<hbm>>) dst(%arg7 : memref<512xi32, #tpu.memory_space<vmem>>)
      tpu.yield
    }) : () -> ()
    %scan3A = arith.constant 0 : i32
    %scan3A_3 = arith.constant 32 : i32
    %scan3A_4 = arith.addi %scan3A, %scan3A_3 : i32
    %scan3A_5 = arith.constant 1 : i32
    scf.for %scan3A_12 = %scan3A to %scan3A_4 step %scan3A_5  : i32 {
      %mul3A_13 = arith.constant 1 : i32
      %mul3A_14 = arith.muli %scan3A_12, %mul3A_13 : i32
      %add3A_15 = arith.constant 0 : i32
      %add3A_16 = arith.addi %add3A_15, %mul3A_14 : i32
      %mul3A_17 = arith.constant 16 : i32
      %mul3A_18 = arith.muli %add3A_16, %mul3A_17 : i32
      %get3A = arith.index_cast %mul3A_18 : i32 to index
      %get3A_19 = tpu.vector_load %arg7[%get3A] {strides = array<i32>} : memref<512xi32, #tpu.memory_space<vmem>>, vector<16xi32>,
      %shift_right_logical3A = arith.constant 12 : i32
      %shift_right_logical3A_20 = vector.broadcast %shift_right_logical3A : i32 to vector<16xi32>
      %shift_right_logical3A_21 = arith.shrui %get3A_19, %shift_right_logical3A_20 : vector<16xi32>
      %shift_left3A = arith.constant 11 : i32
      %shift_left3A_22 = vector.broadcast %shift_left3A : i32 to vector<16xi32>
      %shift_left3A_23 = arith.shli %shift_right_logical3A_21, %shift_left3A_22 : vector<16xi32>
      %and3A = arith.constant 2047 : i32
      %and3A_24 = vector.broadcast %and3A : i32 to vector<16xi32>
      %and3A_25 = arith.andi %get3A_19, %and3A_24 : vector<16xi32>
      %add3A_26 = arith.addi %shift_left3A_23, %and3A_25 : vector<16xi32>
      %mul3A_27 = arith.constant 16 : i32
      %mul3A_28 = arith.muli %add3A_16, %mul3A_27 : i32
      %swap3A = arith.index_cast %mul3A_28 : i32 to index
      %swap3A_29 = tpu.vector_load %arg8[%swap3A] {strides = array<i32>} : memref<512xi32, #tpu.memory_space<vmem>>, vector<16xi32>,
      tpu.vector_store %arg8[%swap3A], %add3A_26 {strides = array<i32>} : memref<512xi32, #tpu.memory_space<vmem>>, vector<16xi32>,
    }
    %scan3A_6 = arith.constant 32 : i32
    %scan3A_7 = arith.constant 0 : i32
    %scan3A_8 = arith.constant 4 : i32
    %scan3A_9 = arith.addi %scan3A_7, %scan3A_8 : i32
    %scan3A_10 = arith.constant 1 : i32
    scf.for %scan3A_12 = %scan3A_7 to %scan3A_9 step %scan3A_10  : i32 {
      %mul3A_13 = arith.constant 1 : i32
      %mul3A_14 = arith.muli %scan3A_12, %mul3A_13 : i32
      %add3A_15 = arith.constant 0 : i32
      %add3A_16 = arith.addi %add3A_15, %mul3A_14 : i32
      %mul3A_17 = arith.constant 128 : i32
      %mul3A_18 = arith.muli %add3A_16, %mul3A_17 : i32
      %dma_start3A = tpu.memref_slice %arg8[%mul3A_18] : memref<512xi32, #tpu.memory_space<vmem>> -> memref<128xi32, #tpu.memory_space<vmem>>
      %dma_start3A_19 = arith.constant 0 : i32
      %dma_start3A_20 = arith.constant 0 : i32
      %dma_start3A_21 = tpu.memref_slice %arg3[%dma_start3A_19, %dma_start3A_20] : memref<501760x128xf32, #tpu.memory_space<hbm>> -> memref<501760x128xf32, #tpu.memory_space<hbm>>
      tpu.enqueue_indirect_dma source(%dma_start3A_21 : memref<501760x128xf32, #tpu.memory_space<hbm>>) target(%arg9 : memref<128x128xf32, #tpu.memory_space<vmem>>) offsets(%dma_start3A : memref<128xi32, #tpu.memory_space<vmem>>) semaphore(%arg11 : memref<!tpu.dma_semaphore, #tpu.memory_space<semaphore_mem>>)
      %dma_start3A_22 = tpu.memref_slice %arg8[%mul3A_18] : memref<512xi32, #tpu.memory_space<vmem>> -> memref<128xi32, #tpu.memory_space<vmem>>
      %dma_start3A_23 = arith.constant 0 : i32
      %dma_start3A_24 = arith.constant 0 : i32
      %dma_start3A_25 = tpu.memref_slice %arg4[%dma_start3A_23, %dma_start3A_24] : memref<501760x128xf32, #tpu.memory_space<hbm>> -> memref<501760x128xf32, #tpu.memory_space<hbm>>
      tpu.enqueue_indirect_dma source(%dma_start3A_25 : memref<501760x128xf32, #tpu.memory_space<hbm>>) target(%arg10 : memref<128x128xf32, #tpu.memory_space<vmem>>) offsets(%dma_start3A_22 : memref<128xi32, #tpu.memory_space<vmem>>) semaphore(%arg12 : memref<!tpu.dma_semaphore, #tpu.memory_space<semaphore_mem>>)
      %dma_wait3A = tpu.memref_slice %arg8[%mul3A_18] : memref<512xi32, #tpu.memory_space<vmem>> -> memref<128xi32, #tpu.memory_space<vmem>>
      %dma_wait3A_26 = arith.constant 0 : i32
      %dma_wait3A_27 = arith.constant 0 : i32
      %dma_wait3A_28 = tpu.memref_slice %arg3[%dma_wait3A_26, %dma_wait3A_27] : memref<501760x128xf32, #tpu.memory_space<hbm>> -> memref<501760x128xf32, #tpu.memory_space<hbm>>
      tpu.wait_indirect_dma semaphore(%arg11 : memref<!tpu.dma_semaphore, #tpu.memory_space<semaphore_mem>>) src(%dma_wait3A_28 : memref<501760x128xf32, #tpu.memory_space<hbm>>) dst(%arg9 : memref<128x128xf32, #tpu.memory_space<vmem>>)
      %add3A_29 = arith.addi %mul3A_2, %mul3A_18 : i32
      "tpu.region"() ({
        %run_scoped3A = tpu.sem_alloc : memref<!tpu.dma_semaphore, #tpu.memory_space<semaphore_mem>>
        %dma_start3A_35 = arith.constant 0 : i32
        %dma_start3A_36 = tpu.memref_slice %arg5[%add3A_29, %dma_start3A_35] : memref<16384x128xf32, #tpu.memory_space<hbm>> -> memref<128x128xf32, #tpu.memory_space<hbm>>
        %dma_start3A_37 = arith.constant 0 : i32
        %dma_start3A_38 = tpu.memref_slice %arg5[%add3A_29, %dma_start3A_37] : memref<16384x128xf32, #tpu.memory_space<hbm>> -> memref<128x128xf32, #tpu.memory_space<hbm>>
        tpu.enqueue_dma source(%arg9 : memref<128x128xf32, #tpu.memory_space<vmem>>) target(%dma_start3A_38 : memref<128x128xf32, #tpu.memory_space<hbm>>) target_semaphore(%run_scoped3A : memref<!tpu.dma_semaphore, #tpu.memory_space<semaphore_mem>>)
        %dma_wait3A_39 = arith.constant 0 : i32
        %dma_wait3A_40 = tpu.memref_slice %arg5[%add3A_29, %dma_wait3A_39] : memref<16384x128xf32, #tpu.memory_space<hbm>> -> memref<128x128xf32, #tpu.memory_space<hbm>>
        %dma_wait3A_41 = arith.constant 0 : i32
        %dma_wait3A_42 = tpu.memref_slice %arg5[%add3A_29, %dma_wait3A_41] : memref<16384x128xf32, #tpu.memory_space<hbm>> -> memref<128x128xf32, #tpu.memory_space<hbm>>
        tpu.wait_dma2 semaphore(%run_scoped3A : memref<!tpu.dma_semaphore, #tpu.memory_space<semaphore_mem>>) src(%arg9 : memref<128x128xf32, #tpu.memory_space<vmem>>) dst(%dma_wait3A_42 : memref<128x128xf32, #tpu.memory_space<hbm>>)
        tpu.yield
      }) : () -> ()
      %dma_wait3A_30 = tpu.memref_slice %arg8[%mul3A_18] : memref<512xi32, #tpu.memory_space<vmem>> -> memref<128xi32, #tpu.memory_space<vmem>>
      %dma_wait3A_31 = arith.constant 0 : i32
      %dma_wait3A_32 = arith.constant 0 : i32
      %dma_wait3A_33 = tpu.memref_slice %arg4[%dma_wait3A_31, %dma_wait3A_32] : memref<501760x128xf32, #tpu.memory_space<hbm>> -> memref<501760x128xf32, #tpu.memory_space<hbm>>
      tpu.wait_indirect_dma semaphore(%arg12 : memref<!tpu.dma_semaphore, #tpu.memory_space<semaphore_mem>>) src(%dma_wait3A_33 : memref<501760x128xf32, #tpu.memory_space<hbm>>) dst(%arg10 : memref<128x128xf32, #tpu.memory_space<vmem>>)
      %add3A_34 = arith.addi %mul3A_2, %mul3A_18 : i32
      "tpu.region"() ({
        %run_scoped3A = tpu.sem_alloc : memref<!tpu.dma_semaphore, #tpu.memory_space<semaphore_mem>>
        %dma_start3A_35 = arith.constant 0 : i32
        %dma_start3A_36 = tpu.memref_slice %arg6[%add3A_34, %dma_start3A_35] : memref<16384x128xf32, #tpu.memory_space<hbm>> -> memref<128x128xf32, #tpu.memory_space<hbm>>
        %dma_start3A_37 = arith.constant 0 : i32
        %dma_start3A_38 = tpu.memref_slice %arg6[%add3A_34, %dma_start3A_37] : memref<16384x128xf32, #tpu.memory_space<hbm>> -> memref<128x128xf32, #tpu.memory_space<hbm>>
        tpu.enqueue_dma source(%arg10 : memref<128x128xf32, #tpu.memory_space<vmem>>) target(%dma_start3A_38 : memref<128x128xf32, #tpu.memory_space<hbm>>) target_semaphore(%run_scoped3A : memref<!tpu.dma_semaphore, #tpu.memory_space<semaphore_mem>>)
        %dma_wait3A_39 = arith.constant 0 : i32
        %dma_wait3A_40 = tpu.memref_slice %arg6[%add3A_34, %dma_wait3A_39] : memref<16384x128xf32, #tpu.memory_space<hbm>> -> memref<128x128xf32, #tpu.memory_space<hbm>>
        %dma_wait3A_41 = arith.constant 0 : i32
        %dma_wait3A_42 = tpu.memref_slice %arg6[%add3A_34, %dma_wait3A_41] : memref<16384x128xf32, #tpu.memory_space<hbm>> -> memref<128x128xf32, #tpu.memory_space<hbm>>
        tpu.wait_dma2 semaphore(%run_scoped3A : memref<!tpu.dma_semaphore, #tpu.memory_space<semaphore_mem>>) src(%arg10 : memref<128x128xf32, #tpu.memory_space<vmem>>) dst(%dma_wait3A_42 : memref<128x128xf32, #tpu.memory_space<hbm>>)
        tpu.yield
      }) : () -> ()
    }
    %scan3A_11 = arith.constant 4 : i32
    return
  }
}

#map = affine_map<(d0, d1) -> (0)>
#map1 = affine_map<(d0, d1) -> (0, 0)>
module attributes {stable_mosaic.version = 14 : i64} {
  func.func @k(%arg0: i32, %arg1: i32, %arg2: memref<16384xi32, #tpu.memory_space<hbm>>, %arg3: memref<3x16xf32, #tpu.memory_space<hbm>>, %arg4: memref<100x16xf32, #tpu.memory_space<hbm>>, %arg5: memref<500x16xf32, #tpu.memory_space<hbm>>, %arg6: memref<1000000xi32, #tpu.memory_space<hbm>>, %arg7: memref<1000000xi32, #tpu.memory_space<hbm>>, %arg8: memref<1000000xi32, #tpu.memory_space<hbm>>, %arg9: memref<16384x128xf32, #tpu.memory_space<hbm>>, %arg10: memref<512xi32, #tpu.memory_space<vmem>>, %arg11: memref<512xi32, #tpu.memory_space<vmem>>, %arg12: memref<512xi32, #tpu.memory_space<vmem>>, %arg13: memref<512xi32, #tpu.memory_space<vmem>>, %arg14: memref<3x16xf32, #tpu.memory_space<vmem>>, %arg15: memref<100x16xf32, #tpu.memory_space<vmem>>, %arg16: memref<500x16xf32, #tpu.memory_space<vmem>>, %arg17: memref<128x128xf32, #tpu.memory_space<vmem>>, %arg18: memref<!tpu.dma_semaphore, #tpu.memory_space<semaphore_mem>>) attributes {dimension_semantics = [#tpu.dimension_semantics<core_parallel>, #tpu.dimension_semantics<subcore_parallel>], iteration_bounds = array<i64: 2, 16>, scalar_prefetch = 0 : i64, scratch_operands = 9 : i64, tpu.core_type = #tpu.core_type<sc_vector_subcore>, window_params = [{transform_indices = #map}, {transform_indices = #map1}, {transform_indices = #map1}, {transform_indices = #map1}, {transform_indices = #map}, {transform_indices = #map}, {transform_indices = #map}, {transform_indices = #map1}]} {
    %mul3A = arith.constant 2 : i32
    %mul3A_0 = arith.muli %arg1, %mul3A : i32
    %add3A = arith.addi %mul3A_0, %arg0 : i32
    %mul3A_1 = arith.constant 512 : i32
    %mul3A_2 = arith.muli %add3A, %mul3A_1 : i32
    "tpu.region"() ({
      %run_scoped3A = tpu.sem_alloc : memref<!tpu.dma_semaphore, #tpu.memory_space<semaphore_mem>>
      %dma_start3A_17 = tpu.memref_slice %arg2[%mul3A_2] : memref<16384xi32, #tpu.memory_space<hbm>> -> memref<512xi32, #tpu.memory_space<hbm>>
      %dma_start3A_18 = tpu.memref_slice %arg2[%mul3A_2] : memref<16384xi32, #tpu.memory_space<hbm>> -> memref<512xi32, #tpu.memory_space<hbm>>
      tpu.enqueue_dma source(%dma_start3A_18 : memref<512xi32, #tpu.memory_space<hbm>>) target(%arg10 : memref<512xi32, #tpu.memory_space<vmem>>) target_semaphore(%run_scoped3A : memref<!tpu.dma_semaphore, #tpu.memory_space<semaphore_mem>>)
      %dma_wait3A_19 = tpu.memref_slice %arg2[%mul3A_2] : memref<16384xi32, #tpu.memory_space<hbm>> -> memref<512xi32, #tpu.memory_space<hbm>>
      %dma_wait3A_20 = tpu.memref_slice %arg2[%mul3A_2] : memref<16384xi32, #tpu.memory_space<hbm>> -> memref<512xi32, #tpu.memory_space<hbm>>
      tpu.wait_dma2 semaphore(%run_scoped3A : memref<!tpu.dma_semaphore, #tpu.memory_space<semaphore_mem>>) src(%dma_wait3A_20 : memref<512xi32, #tpu.memory_space<hbm>>) dst(%arg10 : memref<512xi32, #tpu.memory_space<vmem>>)
      tpu.yield
    }) : () -> ()
    %dma_start3A = arith.constant 0 : i32
    %dma_start3A_3 = tpu.memref_slice %arg6[%dma_start3A] : memref<1000000xi32, #tpu.memory_space<hbm>> -> memref<1000000xi32, #tpu.memory_space<hbm>>
    tpu.enqueue_indirect_dma source(%dma_start3A_3 : memref<1000000xi32, #tpu.memory_space<hbm>>) target(%arg11 : memref<512xi32, #tpu.memory_space<vmem>>) offsets(%arg10 : memref<512xi32, #tpu.memory_space<vmem>>) semaphore(%arg18 : memref<!tpu.dma_semaphore, #tpu.memory_space<semaphore_mem>>)
    "tpu.region"() ({
      %run_scoped3A = tpu.sem_alloc : memref<!tpu.dma_semaphore, #tpu.memory_space<semaphore_mem>>
      tpu.enqueue_dma source(%arg3 : memref<3x16xf32, #tpu.memory_space<hbm>>) target(%arg14 : memref<3x16xf32, #tpu.memory_space<vmem>>) target_semaphore(%run_scoped3A : memref<!tpu.dma_semaphore, #tpu.memory_space<semaphore_mem>>)
      tpu.wait_dma2 semaphore(%run_scoped3A : memref<!tpu.dma_semaphore, #tpu.memory_space<semaphore_mem>>) src(%arg3 : memref<3x16xf32, #tpu.memory_space<hbm>>) dst(%arg14 : memref<3x16xf32, #tpu.memory_space<vmem>>)
      tpu.yield
    }) : () -> ()
    "tpu.region"() ({
      %run_scoped3A = tpu.sem_alloc : memref<!tpu.dma_semaphore, #tpu.memory_space<semaphore_mem>>
      tpu.enqueue_dma source(%arg4 : memref<100x16xf32, #tpu.memory_space<hbm>>) target(%arg15 : memref<100x16xf32, #tpu.memory_space<vmem>>) target_semaphore(%run_scoped3A : memref<!tpu.dma_semaphore, #tpu.memory_space<semaphore_mem>>)
      tpu.wait_dma2 semaphore(%run_scoped3A : memref<!tpu.dma_semaphore, #tpu.memory_space<semaphore_mem>>) src(%arg4 : memref<100x16xf32, #tpu.memory_space<hbm>>) dst(%arg15 : memref<100x16xf32, #tpu.memory_space<vmem>>)
      tpu.yield
    }) : () -> ()
    "tpu.region"() ({
      %run_scoped3A = tpu.sem_alloc : memref<!tpu.dma_semaphore, #tpu.memory_space<semaphore_mem>>
      tpu.enqueue_dma source(%arg5 : memref<500x16xf32, #tpu.memory_space<hbm>>) target(%arg16 : memref<500x16xf32, #tpu.memory_space<vmem>>) target_semaphore(%run_scoped3A : memref<!tpu.dma_semaphore, #tpu.memory_space<semaphore_mem>>)
      tpu.wait_dma2 semaphore(%run_scoped3A : memref<!tpu.dma_semaphore, #tpu.memory_space<semaphore_mem>>) src(%arg5 : memref<500x16xf32, #tpu.memory_space<hbm>>) dst(%arg16 : memref<500x16xf32, #tpu.memory_space<vmem>>)
      tpu.yield
    }) : () -> ()
    %dma_wait3A = arith.constant 0 : i32
    %dma_wait3A_4 = tpu.memref_slice %arg6[%dma_wait3A] : memref<1000000xi32, #tpu.memory_space<hbm>> -> memref<1000000xi32, #tpu.memory_space<hbm>>
    tpu.wait_indirect_dma semaphore(%arg18 : memref<!tpu.dma_semaphore, #tpu.memory_space<semaphore_mem>>) src(%dma_wait3A_4 : memref<1000000xi32, #tpu.memory_space<hbm>>) dst(%arg11 : memref<512xi32, #tpu.memory_space<vmem>>)
    %dma_start3A_5 = arith.constant 0 : i32
    %dma_start3A_6 = tpu.memref_slice %arg7[%dma_start3A_5] : memref<1000000xi32, #tpu.memory_space<hbm>> -> memref<1000000xi32, #tpu.memory_space<hbm>>
    tpu.enqueue_indirect_dma source(%dma_start3A_6 : memref<1000000xi32, #tpu.memory_space<hbm>>) target(%arg12 : memref<512xi32, #tpu.memory_space<vmem>>) offsets(%arg10 : memref<512xi32, #tpu.memory_space<vmem>>) semaphore(%arg18 : memref<!tpu.dma_semaphore, #tpu.memory_space<semaphore_mem>>)
    %dma_start3A_7 = arith.constant 0 : i32
    %dma_start3A_8 = tpu.memref_slice %arg8[%dma_start3A_7] : memref<1000000xi32, #tpu.memory_space<hbm>> -> memref<1000000xi32, #tpu.memory_space<hbm>>
    tpu.enqueue_indirect_dma source(%dma_start3A_8 : memref<1000000xi32, #tpu.memory_space<hbm>>) target(%arg13 : memref<512xi32, #tpu.memory_space<vmem>>) offsets(%arg10 : memref<512xi32, #tpu.memory_space<vmem>>) semaphore(%arg18 : memref<!tpu.dma_semaphore, #tpu.memory_space<semaphore_mem>>)
    %dma_wait3A_9 = arith.constant 0 : i32
    %dma_wait3A_10 = tpu.memref_slice %arg7[%dma_wait3A_9] : memref<1000000xi32, #tpu.memory_space<hbm>> -> memref<1000000xi32, #tpu.memory_space<hbm>>
    tpu.wait_indirect_dma semaphore(%arg18 : memref<!tpu.dma_semaphore, #tpu.memory_space<semaphore_mem>>) src(%dma_wait3A_10 : memref<1000000xi32, #tpu.memory_space<hbm>>) dst(%arg12 : memref<512xi32, #tpu.memory_space<vmem>>)
    %dma_wait3A_11 = arith.constant 0 : i32
    %dma_wait3A_12 = tpu.memref_slice %arg8[%dma_wait3A_11] : memref<1000000xi32, #tpu.memory_space<hbm>> -> memref<1000000xi32, #tpu.memory_space<hbm>>
    tpu.wait_indirect_dma semaphore(%arg18 : memref<!tpu.dma_semaphore, #tpu.memory_space<semaphore_mem>>) src(%dma_wait3A_12 : memref<1000000xi32, #tpu.memory_space<hbm>>) dst(%arg13 : memref<512xi32, #tpu.memory_space<vmem>>)
    %iota3A = tpu.iota {dimensions = array<i32: 0>} : vector<16xi32>
    %scan3A = arith.constant 0 : i32
    %scan3A_13 = arith.constant 4 : i32
    %scan3A_14 = arith.addi %scan3A, %scan3A_13 : i32
    %scan3A_15 = arith.constant 1 : i32
    scf.for %scan3A_17 = %scan3A to %scan3A_14 step %scan3A_15  : i32 {
      %mul3A_18 = arith.constant 1 : i32
      %mul3A_19 = arith.muli %scan3A_17, %mul3A_18 : i32
      %add3A_20 = arith.constant 0 : i32
      %add3A_21 = arith.addi %add3A_20, %mul3A_19 : i32
      %mul3A_22 = arith.constant 128 : i32
      %mul3A_23 = arith.muli %add3A_21, %mul3A_22 : i32
      %scan3A_24 = arith.constant 0 : i32
      %scan3A_25 = arith.constant 8 : i32
      %scan3A_26 = arith.addi %scan3A_24, %scan3A_25 : i32
      %scan3A_27 = arith.constant 1 : i32
      scf.for %scan3A_30 = %scan3A_24 to %scan3A_26 step %scan3A_27  : i32 {
        %mul3A_31 = arith.constant 1 : i32
        %mul3A_32 = arith.muli %scan3A_30, %mul3A_31 : i32
        %add3A_33 = arith.constant 0 : i32
        %add3A_34 = arith.addi %add3A_33, %mul3A_32 : i32
        %mul3A_35 = arith.constant 16 : i32
        %mul3A_36 = arith.muli %add3A_34, %mul3A_35 : i32
        %add3A_37 = vector.broadcast %mul3A_36 : i32 to vector<16xi32>
        %add3A_38 = arith.addi %add3A_37, %iota3A : vector<16xi32>
        %mul3A_39 = arith.constant 16 : i32
        %mul3A_40 = arith.muli %add3A_34, %mul3A_39 : i32
        %add3A_41 = arith.addi %mul3A_23, %mul3A_40 : i32
        %get3A = arith.index_cast %add3A_41 : i32 to index
        %get3A_42 = tpu.vector_load %arg11[%get3A] {strides = array<i32>} : memref<512xi32, #tpu.memory_space<vmem>>, vector<16xi32>,
        %get3A_43 = arith.index_cast %add3A_41 : i32 to index
        %get3A_44 = tpu.vector_load %arg12[%get3A_43] {strides = array<i32>} : memref<512xi32, #tpu.memory_space<vmem>>, vector<16xi32>,
        %get3A_45 = arith.index_cast %add3A_41 : i32 to index
        %get3A_46 = tpu.vector_load %arg13[%get3A_45] {strides = array<i32>} : memref<512xi32, #tpu.memory_space<vmem>>, vector<16xi32>,
        %broadcast_in_dim3A = arith.constant 0 : i32
        %broadcast_in_dim3A_47 = vector.broadcast %broadcast_in_dim3A : i32 to vector<16xi32>
        %gather3A = tpu.vector_load_idx %arg14[%get3A_42, %broadcast_in_dim3A_47] : memref<3x16xf32, #tpu.memory_space<vmem>>[vector<16xi32>, vector<16xi32>], vector<16xf32>,
        tpu.vector_store_idx %arg17[%add3A_38, %broadcast_in_dim3A_47], %gather3A : memref<128x128xf32, #tpu.memory_space<vmem>>[vector<16xi32>, vector<16xi32>], vector<16xf32>,
        %add3A_48 = arith.constant 16 : i32
        %add3A_49 = vector.broadcast %add3A_48 : i32 to vector<16xi32>
        %add3A_50 = arith.addi %broadcast_in_dim3A_47, %add3A_49 : vector<16xi32>
        %gather3A_51 = tpu.vector_load_idx %arg15[%get3A_44, %broadcast_in_dim3A_47] : memref<100x16xf32, #tpu.memory_space<vmem>>[vector<16xi32>, vector<16xi32>], vector<16xf32>,
        tpu.vector_store_idx %arg17[%add3A_38, %add3A_50], %gather3A_51 : memref<128x128xf32, #tpu.memory_space<vmem>>[vector<16xi32>, vector<16xi32>], vector<16xf32>,
        %add3A_52 = arith.constant 32 : i32
        %add3A_53 = vector.broadcast %add3A_52 : i32 to vector<16xi32>
        %add3A_54 = arith.addi %broadcast_in_dim3A_47, %add3A_53 : vector<16xi32>
        %gather3A_55 = tpu.vector_load_idx %arg16[%get3A_46, %broadcast_in_dim3A_47] : memref<500x16xf32, #tpu.memory_space<vmem>>[vector<16xi32>, vector<16xi32>], vector<16xf32>,
        tpu.vector_store_idx %arg17[%add3A_38, %add3A_54], %gather3A_55 : memref<128x128xf32, #tpu.memory_space<vmem>>[vector<16xi32>, vector<16xi32>], vector<16xf32>,
        %broadcast_in_dim3A_56 = arith.constant 1 : i32
        %broadcast_in_dim3A_57 = vector.broadcast %broadcast_in_dim3A_56 : i32 to vector<16xi32>
        %gather3A_58 = tpu.vector_load_idx %arg14[%get3A_42, %broadcast_in_dim3A_57] : memref<3x16xf32, #tpu.memory_space<vmem>>[vector<16xi32>, vector<16xi32>], vector<16xf32>,
        tpu.vector_store_idx %arg17[%add3A_38, %broadcast_in_dim3A_57], %gather3A_58 : memref<128x128xf32, #tpu.memory_space<vmem>>[vector<16xi32>, vector<16xi32>], vector<16xf32>,
        %add3A_59 = arith.constant 16 : i32
        %add3A_60 = vector.broadcast %add3A_59 : i32 to vector<16xi32>
        %add3A_61 = arith.addi %broadcast_in_dim3A_57, %add3A_60 : vector<16xi32>
        %gather3A_62 = tpu.vector_load_idx %arg15[%get3A_44, %broadcast_in_dim3A_57] : memref<100x16xf32, #tpu.memory_space<vmem>>[vector<16xi32>, vector<16xi32>], vector<16xf32>,
        tpu.vector_store_idx %arg17[%add3A_38, %add3A_61], %gather3A_62 : memref<128x128xf32, #tpu.memory_space<vmem>>[vector<16xi32>, vector<16xi32>], vector<16xf32>,
        %add3A_63 = arith.constant 32 : i32
        %add3A_64 = vector.broadcast %add3A_63 : i32 to vector<16xi32>
        %add3A_65 = arith.addi %broadcast_in_dim3A_57, %add3A_64 : vector<16xi32>
        %gather3A_66 = tpu.vector_load_idx %arg16[%get3A_46, %broadcast_in_dim3A_57] : memref<500x16xf32, #tpu.memory_space<vmem>>[vector<16xi32>, vector<16xi32>], vector<16xf32>,
        tpu.vector_store_idx %arg17[%add3A_38, %add3A_65], %gather3A_66 : memref<128x128xf32, #tpu.memory_space<vmem>>[vector<16xi32>, vector<16xi32>], vector<16xf32>,
        %broadcast_in_dim3A_67 = arith.constant 2 : i32
        %broadcast_in_dim3A_68 = vector.broadcast %broadcast_in_dim3A_67 : i32 to vector<16xi32>
        %gather3A_69 = tpu.vector_load_idx %arg14[%get3A_42, %broadcast_in_dim3A_68] : memref<3x16xf32, #tpu.memory_space<vmem>>[vector<16xi32>, vector<16xi32>], vector<16xf32>,
        tpu.vector_store_idx %arg17[%add3A_38, %broadcast_in_dim3A_68], %gather3A_69 : memref<128x128xf32, #tpu.memory_space<vmem>>[vector<16xi32>, vector<16xi32>], vector<16xf32>,
        %add3A_70 = arith.constant 16 : i32
        %add3A_71 = vector.broadcast %add3A_70 : i32 to vector<16xi32>
        %add3A_72 = arith.addi %broadcast_in_dim3A_68, %add3A_71 : vector<16xi32>
        %gather3A_73 = tpu.vector_load_idx %arg15[%get3A_44, %broadcast_in_dim3A_68] : memref<100x16xf32, #tpu.memory_space<vmem>>[vector<16xi32>, vector<16xi32>], vector<16xf32>,
        tpu.vector_store_idx %arg17[%add3A_38, %add3A_72], %gather3A_73 : memref<128x128xf32, #tpu.memory_space<vmem>>[vector<16xi32>, vector<16xi32>], vector<16xf32>,
        %add3A_74 = arith.constant 32 : i32
        %add3A_75 = vector.broadcast %add3A_74 : i32 to vector<16xi32>
        %add3A_76 = arith.addi %broadcast_in_dim3A_68, %add3A_75 : vector<16xi32>
        %gather3A_77 = tpu.vector_load_idx %arg16[%get3A_46, %broadcast_in_dim3A_68] : memref<500x16xf32, #tpu.memory_space<vmem>>[vector<16xi32>, vector<16xi32>], vector<16xf32>,
        tpu.vector_store_idx %arg17[%add3A_38, %add3A_76], %gather3A_77 : memref<128x128xf32, #tpu.memory_space<vmem>>[vector<16xi32>, vector<16xi32>], vector<16xf32>,
        %broadcast_in_dim3A_78 = arith.constant 3 : i32
        %broadcast_in_dim3A_79 = vector.broadcast %broadcast_in_dim3A_78 : i32 to vector<16xi32>
        %gather3A_80 = tpu.vector_load_idx %arg14[%get3A_42, %broadcast_in_dim3A_79] : memref<3x16xf32, #tpu.memory_space<vmem>>[vector<16xi32>, vector<16xi32>], vector<16xf32>,
        tpu.vector_store_idx %arg17[%add3A_38, %broadcast_in_dim3A_79], %gather3A_80 : memref<128x128xf32, #tpu.memory_space<vmem>>[vector<16xi32>, vector<16xi32>], vector<16xf32>,
        %add3A_81 = arith.constant 16 : i32
        %add3A_82 = vector.broadcast %add3A_81 : i32 to vector<16xi32>
        %add3A_83 = arith.addi %broadcast_in_dim3A_79, %add3A_82 : vector<16xi32>
        %gather3A_84 = tpu.vector_load_idx %arg15[%get3A_44, %broadcast_in_dim3A_79] : memref<100x16xf32, #tpu.memory_space<vmem>>[vector<16xi32>, vector<16xi32>], vector<16xf32>,
        tpu.vector_store_idx %arg17[%add3A_38, %add3A_83], %gather3A_84 : memref<128x128xf32, #tpu.memory_space<vmem>>[vector<16xi32>, vector<16xi32>], vector<16xf32>,
        %add3A_85 = arith.constant 32 : i32
        %add3A_86 = vector.broadcast %add3A_85 : i32 to vector<16xi32>
        %add3A_87 = arith.addi %broadcast_in_dim3A_79, %add3A_86 : vector<16xi32>
        %gather3A_88 = tpu.vector_load_idx %arg16[%get3A_46, %broadcast_in_dim3A_79] : memref<500x16xf32, #tpu.memory_space<vmem>>[vector<16xi32>, vector<16xi32>], vector<16xf32>,
        tpu.vector_store_idx %arg17[%add3A_38, %add3A_87], %gather3A_88 : memref<128x128xf32, #tpu.memory_space<vmem>>[vector<16xi32>, vector<16xi32>], vector<16xf32>,
        %broadcast_in_dim3A_89 = arith.constant 4 : i32
        %broadcast_in_dim3A_90 = vector.broadcast %broadcast_in_dim3A_89 : i32 to vector<16xi32>
        %gather3A_91 = tpu.vector_load_idx %arg14[%get3A_42, %broadcast_in_dim3A_90] : memref<3x16xf32, #tpu.memory_space<vmem>>[vector<16xi32>, vector<16xi32>], vector<16xf32>,
        tpu.vector_store_idx %arg17[%add3A_38, %broadcast_in_dim3A_90], %gather3A_91 : memref<128x128xf32, #tpu.memory_space<vmem>>[vector<16xi32>, vector<16xi32>], vector<16xf32>,
        %add3A_92 = arith.constant 16 : i32
        %add3A_93 = vector.broadcast %add3A_92 : i32 to vector<16xi32>
        %add3A_94 = arith.addi %broadcast_in_dim3A_90, %add3A_93 : vector<16xi32>
        %gather3A_95 = tpu.vector_load_idx %arg15[%get3A_44, %broadcast_in_dim3A_90] : memref<100x16xf32, #tpu.memory_space<vmem>>[vector<16xi32>, vector<16xi32>], vector<16xf32>,
        tpu.vector_store_idx %arg17[%add3A_38, %add3A_94], %gather3A_95 : memref<128x128xf32, #tpu.memory_space<vmem>>[vector<16xi32>, vector<16xi32>], vector<16xf32>,
        %add3A_96 = arith.constant 32 : i32
        %add3A_97 = vector.broadcast %add3A_96 : i32 to vector<16xi32>
        %add3A_98 = arith.addi %broadcast_in_dim3A_90, %add3A_97 : vector<16xi32>
        %gather3A_99 = tpu.vector_load_idx %arg16[%get3A_46, %broadcast_in_dim3A_90] : memref<500x16xf32, #tpu.memory_space<vmem>>[vector<16xi32>, vector<16xi32>], vector<16xf32>,
        tpu.vector_store_idx %arg17[%add3A_38, %add3A_98], %gather3A_99 : memref<128x128xf32, #tpu.memory_space<vmem>>[vector<16xi32>, vector<16xi32>], vector<16xf32>,
        %broadcast_in_dim3A_100 = arith.constant 5 : i32
        %broadcast_in_dim3A_101 = vector.broadcast %broadcast_in_dim3A_100 : i32 to vector<16xi32>
        %gather3A_102 = tpu.vector_load_idx %arg14[%get3A_42, %broadcast_in_dim3A_101] : memref<3x16xf32, #tpu.memory_space<vmem>>[vector<16xi32>, vector<16xi32>], vector<16xf32>,
        tpu.vector_store_idx %arg17[%add3A_38, %broadcast_in_dim3A_101], %gather3A_102 : memref<128x128xf32, #tpu.memory_space<vmem>>[vector<16xi32>, vector<16xi32>], vector<16xf32>,
        %add3A_103 = arith.constant 16 : i32
        %add3A_104 = vector.broadcast %add3A_103 : i32 to vector<16xi32>
        %add3A_105 = arith.addi %broadcast_in_dim3A_101, %add3A_104 : vector<16xi32>
        %gather3A_106 = tpu.vector_load_idx %arg15[%get3A_44, %broadcast_in_dim3A_101] : memref<100x16xf32, #tpu.memory_space<vmem>>[vector<16xi32>, vector<16xi32>], vector<16xf32>,
        tpu.vector_store_idx %arg17[%add3A_38, %add3A_105], %gather3A_106 : memref<128x128xf32, #tpu.memory_space<vmem>>[vector<16xi32>, vector<16xi32>], vector<16xf32>,
        %add3A_107 = arith.constant 32 : i32
        %add3A_108 = vector.broadcast %add3A_107 : i32 to vector<16xi32>
        %add3A_109 = arith.addi %broadcast_in_dim3A_101, %add3A_108 : vector<16xi32>
        %gather3A_110 = tpu.vector_load_idx %arg16[%get3A_46, %broadcast_in_dim3A_101] : memref<500x16xf32, #tpu.memory_space<vmem>>[vector<16xi32>, vector<16xi32>], vector<16xf32>,
        tpu.vector_store_idx %arg17[%add3A_38, %add3A_109], %gather3A_110 : memref<128x128xf32, #tpu.memory_space<vmem>>[vector<16xi32>, vector<16xi32>], vector<16xf32>,
        %broadcast_in_dim3A_111 = arith.constant 6 : i32
        %broadcast_in_dim3A_112 = vector.broadcast %broadcast_in_dim3A_111 : i32 to vector<16xi32>
        %gather3A_113 = tpu.vector_load_idx %arg14[%get3A_42, %broadcast_in_dim3A_112] : memref<3x16xf32, #tpu.memory_space<vmem>>[vector<16xi32>, vector<16xi32>], vector<16xf32>,
        tpu.vector_store_idx %arg17[%add3A_38, %broadcast_in_dim3A_112], %gather3A_113 : memref<128x128xf32, #tpu.memory_space<vmem>>[vector<16xi32>, vector<16xi32>], vector<16xf32>,
        %add3A_114 = arith.constant 16 : i32
        %add3A_115 = vector.broadcast %add3A_114 : i32 to vector<16xi32>
        %add3A_116 = arith.addi %broadcast_in_dim3A_112, %add3A_115 : vector<16xi32>
        %gather3A_117 = tpu.vector_load_idx %arg15[%get3A_44, %broadcast_in_dim3A_112] : memref<100x16xf32, #tpu.memory_space<vmem>>[vector<16xi32>, vector<16xi32>], vector<16xf32>,
        tpu.vector_store_idx %arg17[%add3A_38, %add3A_116], %gather3A_117 : memref<128x128xf32, #tpu.memory_space<vmem>>[vector<16xi32>, vector<16xi32>], vector<16xf32>,
        %add3A_118 = arith.constant 32 : i32
        %add3A_119 = vector.broadcast %add3A_118 : i32 to vector<16xi32>
        %add3A_120 = arith.addi %broadcast_in_dim3A_112, %add3A_119 : vector<16xi32>
        %gather3A_121 = tpu.vector_load_idx %arg16[%get3A_46, %broadcast_in_dim3A_112] : memref<500x16xf32, #tpu.memory_space<vmem>>[vector<16xi32>, vector<16xi32>], vector<16xf32>,
        tpu.vector_store_idx %arg17[%add3A_38, %add3A_120], %gather3A_121 : memref<128x128xf32, #tpu.memory_space<vmem>>[vector<16xi32>, vector<16xi32>], vector<16xf32>,
        %broadcast_in_dim3A_122 = arith.constant 7 : i32
        %broadcast_in_dim3A_123 = vector.broadcast %broadcast_in_dim3A_122 : i32 to vector<16xi32>
        %gather3A_124 = tpu.vector_load_idx %arg14[%get3A_42, %broadcast_in_dim3A_123] : memref<3x16xf32, #tpu.memory_space<vmem>>[vector<16xi32>, vector<16xi32>], vector<16xf32>,
        tpu.vector_store_idx %arg17[%add3A_38, %broadcast_in_dim3A_123], %gather3A_124 : memref<128x128xf32, #tpu.memory_space<vmem>>[vector<16xi32>, vector<16xi32>], vector<16xf32>,
        %add3A_125 = arith.constant 16 : i32
        %add3A_126 = vector.broadcast %add3A_125 : i32 to vector<16xi32>
        %add3A_127 = arith.addi %broadcast_in_dim3A_123, %add3A_126 : vector<16xi32>
        %gather3A_128 = tpu.vector_load_idx %arg15[%get3A_44, %broadcast_in_dim3A_123] : memref<100x16xf32, #tpu.memory_space<vmem>>[vector<16xi32>, vector<16xi32>], vector<16xf32>,
        tpu.vector_store_idx %arg17[%add3A_38, %add3A_127], %gather3A_128 : memref<128x128xf32, #tpu.memory_space<vmem>>[vector<16xi32>, vector<16xi32>], vector<16xf32>,
        %add3A_129 = arith.constant 32 : i32
        %add3A_130 = vector.broadcast %add3A_129 : i32 to vector<16xi32>
        %add3A_131 = arith.addi %broadcast_in_dim3A_123, %add3A_130 : vector<16xi32>
        %gather3A_132 = tpu.vector_load_idx %arg16[%get3A_46, %broadcast_in_dim3A_123] : memref<500x16xf32, #tpu.memory_space<vmem>>[vector<16xi32>, vector<16xi32>], vector<16xf32>,
        tpu.vector_store_idx %arg17[%add3A_38, %add3A_131], %gather3A_132 : memref<128x128xf32, #tpu.memory_space<vmem>>[vector<16xi32>, vector<16xi32>], vector<16xf32>,
        %broadcast_in_dim3A_133 = arith.constant 8 : i32
        %broadcast_in_dim3A_134 = vector.broadcast %broadcast_in_dim3A_133 : i32 to vector<16xi32>
        %gather3A_135 = tpu.vector_load_idx %arg14[%get3A_42, %broadcast_in_dim3A_134] : memref<3x16xf32, #tpu.memory_space<vmem>>[vector<16xi32>, vector<16xi32>], vector<16xf32>,
        tpu.vector_store_idx %arg17[%add3A_38, %broadcast_in_dim3A_134], %gather3A_135 : memref<128x128xf32, #tpu.memory_space<vmem>>[vector<16xi32>, vector<16xi32>], vector<16xf32>,
        %add3A_136 = arith.constant 16 : i32
        %add3A_137 = vector.broadcast %add3A_136 : i32 to vector<16xi32>
        %add3A_138 = arith.addi %broadcast_in_dim3A_134, %add3A_137 : vector<16xi32>
        %gather3A_139 = tpu.vector_load_idx %arg15[%get3A_44, %broadcast_in_dim3A_134] : memref<100x16xf32, #tpu.memory_space<vmem>>[vector<16xi32>, vector<16xi32>], vector<16xf32>,
        tpu.vector_store_idx %arg17[%add3A_38, %add3A_138], %gather3A_139 : memref<128x128xf32, #tpu.memory_space<vmem>>[vector<16xi32>, vector<16xi32>], vector<16xf32>,
        %add3A_140 = arith.constant 32 : i32
        %add3A_141 = vector.broadcast %add3A_140 : i32 to vector<16xi32>
        %add3A_142 = arith.addi %broadcast_in_dim3A_134, %add3A_141 : vector<16xi32>
        %gather3A_143 = tpu.vector_load_idx %arg16[%get3A_46, %broadcast_in_dim3A_134] : memref<500x16xf32, #tpu.memory_space<vmem>>[vector<16xi32>, vector<16xi32>], vector<16xf32>,
        tpu.vector_store_idx %arg17[%add3A_38, %add3A_142], %gather3A_143 : memref<128x128xf32, #tpu.memory_space<vmem>>[vector<16xi32>, vector<16xi32>], vector<16xf32>,
        %broadcast_in_dim3A_144 = arith.constant 9 : i32
        %broadcast_in_dim3A_145 = vector.broadcast %broadcast_in_dim3A_144 : i32 to vector<16xi32>
        %gather3A_146 = tpu.vector_load_idx %arg14[%get3A_42, %broadcast_in_dim3A_145] : memref<3x16xf32, #tpu.memory_space<vmem>>[vector<16xi32>, vector<16xi32>], vector<16xf32>,
        tpu.vector_store_idx %arg17[%add3A_38, %broadcast_in_dim3A_145], %gather3A_146 : memref<128x128xf32, #tpu.memory_space<vmem>>[vector<16xi32>, vector<16xi32>], vector<16xf32>,
        %add3A_147 = arith.constant 16 : i32
        %add3A_148 = vector.broadcast %add3A_147 : i32 to vector<16xi32>
        %add3A_149 = arith.addi %broadcast_in_dim3A_145, %add3A_148 : vector<16xi32>
        %gather3A_150 = tpu.vector_load_idx %arg15[%get3A_44, %broadcast_in_dim3A_145] : memref<100x16xf32, #tpu.memory_space<vmem>>[vector<16xi32>, vector<16xi32>], vector<16xf32>,
        tpu.vector_store_idx %arg17[%add3A_38, %add3A_149], %gather3A_150 : memref<128x128xf32, #tpu.memory_space<vmem>>[vector<16xi32>, vector<16xi32>], vector<16xf32>,
        %add3A_151 = arith.constant 32 : i32
        %add3A_152 = vector.broadcast %add3A_151 : i32 to vector<16xi32>
        %add3A_153 = arith.addi %broadcast_in_dim3A_145, %add3A_152 : vector<16xi32>
        %gather3A_154 = tpu.vector_load_idx %arg16[%get3A_46, %broadcast_in_dim3A_145] : memref<500x16xf32, #tpu.memory_space<vmem>>[vector<16xi32>, vector<16xi32>], vector<16xf32>,
        tpu.vector_store_idx %arg17[%add3A_38, %add3A_153], %gather3A_154 : memref<128x128xf32, #tpu.memory_space<vmem>>[vector<16xi32>, vector<16xi32>], vector<16xf32>,
        %broadcast_in_dim3A_155 = arith.constant 10 : i32
        %broadcast_in_dim3A_156 = vector.broadcast %broadcast_in_dim3A_155 : i32 to vector<16xi32>
        %gather3A_157 = tpu.vector_load_idx %arg14[%get3A_42, %broadcast_in_dim3A_156] : memref<3x16xf32, #tpu.memory_space<vmem>>[vector<16xi32>, vector<16xi32>], vector<16xf32>,
        tpu.vector_store_idx %arg17[%add3A_38, %broadcast_in_dim3A_156], %gather3A_157 : memref<128x128xf32, #tpu.memory_space<vmem>>[vector<16xi32>, vector<16xi32>], vector<16xf32>,
        %add3A_158 = arith.constant 16 : i32
        %add3A_159 = vector.broadcast %add3A_158 : i32 to vector<16xi32>
        %add3A_160 = arith.addi %broadcast_in_dim3A_156, %add3A_159 : vector<16xi32>
        %gather3A_161 = tpu.vector_load_idx %arg15[%get3A_44, %broadcast_in_dim3A_156] : memref<100x16xf32, #tpu.memory_space<vmem>>[vector<16xi32>, vector<16xi32>], vector<16xf32>,
        tpu.vector_store_idx %arg17[%add3A_38, %add3A_160], %gather3A_161 : memref<128x128xf32, #tpu.memory_space<vmem>>[vector<16xi32>, vector<16xi32>], vector<16xf32>,
        %add3A_162 = arith.constant 32 : i32
        %add3A_163 = vector.broadcast %add3A_162 : i32 to vector<16xi32>
        %add3A_164 = arith.addi %broadcast_in_dim3A_156, %add3A_163 : vector<16xi32>
        %gather3A_165 = tpu.vector_load_idx %arg16[%get3A_46, %broadcast_in_dim3A_156] : memref<500x16xf32, #tpu.memory_space<vmem>>[vector<16xi32>, vector<16xi32>], vector<16xf32>,
        tpu.vector_store_idx %arg17[%add3A_38, %add3A_164], %gather3A_165 : memref<128x128xf32, #tpu.memory_space<vmem>>[vector<16xi32>, vector<16xi32>], vector<16xf32>,
        %broadcast_in_dim3A_166 = arith.constant 11 : i32
        %broadcast_in_dim3A_167 = vector.broadcast %broadcast_in_dim3A_166 : i32 to vector<16xi32>
        %gather3A_168 = tpu.vector_load_idx %arg14[%get3A_42, %broadcast_in_dim3A_167] : memref<3x16xf32, #tpu.memory_space<vmem>>[vector<16xi32>, vector<16xi32>], vector<16xf32>,
        tpu.vector_store_idx %arg17[%add3A_38, %broadcast_in_dim3A_167], %gather3A_168 : memref<128x128xf32, #tpu.memory_space<vmem>>[vector<16xi32>, vector<16xi32>], vector<16xf32>,
        %add3A_169 = arith.constant 16 : i32
        %add3A_170 = vector.broadcast %add3A_169 : i32 to vector<16xi32>
        %add3A_171 = arith.addi %broadcast_in_dim3A_167, %add3A_170 : vector<16xi32>
        %gather3A_172 = tpu.vector_load_idx %arg15[%get3A_44, %broadcast_in_dim3A_167] : memref<100x16xf32, #tpu.memory_space<vmem>>[vector<16xi32>, vector<16xi32>], vector<16xf32>,
        tpu.vector_store_idx %arg17[%add3A_38, %add3A_171], %gather3A_172 : memref<128x128xf32, #tpu.memory_space<vmem>>[vector<16xi32>, vector<16xi32>], vector<16xf32>,
        %add3A_173 = arith.constant 32 : i32
        %add3A_174 = vector.broadcast %add3A_173 : i32 to vector<16xi32>
        %add3A_175 = arith.addi %broadcast_in_dim3A_167, %add3A_174 : vector<16xi32>
        %gather3A_176 = tpu.vector_load_idx %arg16[%get3A_46, %broadcast_in_dim3A_167] : memref<500x16xf32, #tpu.memory_space<vmem>>[vector<16xi32>, vector<16xi32>], vector<16xf32>,
        tpu.vector_store_idx %arg17[%add3A_38, %add3A_175], %gather3A_176 : memref<128x128xf32, #tpu.memory_space<vmem>>[vector<16xi32>, vector<16xi32>], vector<16xf32>,
        %broadcast_in_dim3A_177 = arith.constant 12 : i32
        %broadcast_in_dim3A_178 = vector.broadcast %broadcast_in_dim3A_177 : i32 to vector<16xi32>
        %gather3A_179 = tpu.vector_load_idx %arg14[%get3A_42, %broadcast_in_dim3A_178] : memref<3x16xf32, #tpu.memory_space<vmem>>[vector<16xi32>, vector<16xi32>], vector<16xf32>,
        tpu.vector_store_idx %arg17[%add3A_38, %broadcast_in_dim3A_178], %gather3A_179 : memref<128x128xf32, #tpu.memory_space<vmem>>[vector<16xi32>, vector<16xi32>], vector<16xf32>,
        %add3A_180 = arith.constant 16 : i32
        %add3A_181 = vector.broadcast %add3A_180 : i32 to vector<16xi32>
        %add3A_182 = arith.addi %broadcast_in_dim3A_178, %add3A_181 : vector<16xi32>
        %gather3A_183 = tpu.vector_load_idx %arg15[%get3A_44, %broadcast_in_dim3A_178] : memref<100x16xf32, #tpu.memory_space<vmem>>[vector<16xi32>, vector<16xi32>], vector<16xf32>,
        tpu.vector_store_idx %arg17[%add3A_38, %add3A_182], %gather3A_183 : memref<128x128xf32, #tpu.memory_space<vmem>>[vector<16xi32>, vector<16xi32>], vector<16xf32>,
        %add3A_184 = arith.constant 32 : i32
        %add3A_185 = vector.broadcast %add3A_184 : i32 to vector<16xi32>
        %add3A_186 = arith.addi %broadcast_in_dim3A_178, %add3A_185 : vector<16xi32>
        %gather3A_187 = tpu.vector_load_idx %arg16[%get3A_46, %broadcast_in_dim3A_178] : memref<500x16xf32, #tpu.memory_space<vmem>>[vector<16xi32>, vector<16xi32>], vector<16xf32>,
        tpu.vector_store_idx %arg17[%add3A_38, %add3A_186], %gather3A_187 : memref<128x128xf32, #tpu.memory_space<vmem>>[vector<16xi32>, vector<16xi32>], vector<16xf32>,
        %broadcast_in_dim3A_188 = arith.constant 13 : i32
        %broadcast_in_dim3A_189 = vector.broadcast %broadcast_in_dim3A_188 : i32 to vector<16xi32>
        %gather3A_190 = tpu.vector_load_idx %arg14[%get3A_42, %broadcast_in_dim3A_189] : memref<3x16xf32, #tpu.memory_space<vmem>>[vector<16xi32>, vector<16xi32>], vector<16xf32>,
        tpu.vector_store_idx %arg17[%add3A_38, %broadcast_in_dim3A_189], %gather3A_190 : memref<128x128xf32, #tpu.memory_space<vmem>>[vector<16xi32>, vector<16xi32>], vector<16xf32>,
        %add3A_191 = arith.constant 16 : i32
        %add3A_192 = vector.broadcast %add3A_191 : i32 to vector<16xi32>
        %add3A_193 = arith.addi %broadcast_in_dim3A_189, %add3A_192 : vector<16xi32>
        %gather3A_194 = tpu.vector_load_idx %arg15[%get3A_44, %broadcast_in_dim3A_189] : memref<100x16xf32, #tpu.memory_space<vmem>>[vector<16xi32>, vector<16xi32>], vector<16xf32>,
        tpu.vector_store_idx %arg17[%add3A_38, %add3A_193], %gather3A_194 : memref<128x128xf32, #tpu.memory_space<vmem>>[vector<16xi32>, vector<16xi32>], vector<16xf32>,
        %add3A_195 = arith.constant 32 : i32
        %add3A_196 = vector.broadcast %add3A_195 : i32 to vector<16xi32>
        %add3A_197 = arith.addi %broadcast_in_dim3A_189, %add3A_196 : vector<16xi32>
        %gather3A_198 = tpu.vector_load_idx %arg16[%get3A_46, %broadcast_in_dim3A_189] : memref<500x16xf32, #tpu.memory_space<vmem>>[vector<16xi32>, vector<16xi32>], vector<16xf32>,
        tpu.vector_store_idx %arg17[%add3A_38, %add3A_197], %gather3A_198 : memref<128x128xf32, #tpu.memory_space<vmem>>[vector<16xi32>, vector<16xi32>], vector<16xf32>,
        %broadcast_in_dim3A_199 = arith.constant 14 : i32
        %broadcast_in_dim3A_200 = vector.broadcast %broadcast_in_dim3A_199 : i32 to vector<16xi32>
        %gather3A_201 = tpu.vector_load_idx %arg14[%get3A_42, %broadcast_in_dim3A_200] : memref<3x16xf32, #tpu.memory_space<vmem>>[vector<16xi32>, vector<16xi32>], vector<16xf32>,
        tpu.vector_store_idx %arg17[%add3A_38, %broadcast_in_dim3A_200], %gather3A_201 : memref<128x128xf32, #tpu.memory_space<vmem>>[vector<16xi32>, vector<16xi32>], vector<16xf32>,
        %add3A_202 = arith.constant 16 : i32
        %add3A_203 = vector.broadcast %add3A_202 : i32 to vector<16xi32>
        %add3A_204 = arith.addi %broadcast_in_dim3A_200, %add3A_203 : vector<16xi32>
        %gather3A_205 = tpu.vector_load_idx %arg15[%get3A_44, %broadcast_in_dim3A_200] : memref<100x16xf32, #tpu.memory_space<vmem>>[vector<16xi32>, vector<16xi32>], vector<16xf32>,
        tpu.vector_store_idx %arg17[%add3A_38, %add3A_204], %gather3A_205 : memref<128x128xf32, #tpu.memory_space<vmem>>[vector<16xi32>, vector<16xi32>], vector<16xf32>,
        %add3A_206 = arith.constant 32 : i32
        %add3A_207 = vector.broadcast %add3A_206 : i32 to vector<16xi32>
        %add3A_208 = arith.addi %broadcast_in_dim3A_200, %add3A_207 : vector<16xi32>
        %gather3A_209 = tpu.vector_load_idx %arg16[%get3A_46, %broadcast_in_dim3A_200] : memref<500x16xf32, #tpu.memory_space<vmem>>[vector<16xi32>, vector<16xi32>], vector<16xf32>,
        tpu.vector_store_idx %arg17[%add3A_38, %add3A_208], %gather3A_209 : memref<128x128xf32, #tpu.memory_space<vmem>>[vector<16xi32>, vector<16xi32>], vector<16xf32>,
        %broadcast_in_dim3A_210 = arith.constant 15 : i32
        %broadcast_in_dim3A_211 = vector.broadcast %broadcast_in_dim3A_210 : i32 to vector<16xi32>
        %gather3A_212 = tpu.vector_load_idx %arg14[%get3A_42, %broadcast_in_dim3A_211] : memref<3x16xf32, #tpu.memory_space<vmem>>[vector<16xi32>, vector<16xi32>], vector<16xf32>,
        tpu.vector_store_idx %arg17[%add3A_38, %broadcast_in_dim3A_211], %gather3A_212 : memref<128x128xf32, #tpu.memory_space<vmem>>[vector<16xi32>, vector<16xi32>], vector<16xf32>,
        %add3A_213 = arith.constant 16 : i32
        %add3A_214 = vector.broadcast %add3A_213 : i32 to vector<16xi32>
        %add3A_215 = arith.addi %broadcast_in_dim3A_211, %add3A_214 : vector<16xi32>
        %gather3A_216 = tpu.vector_load_idx %arg15[%get3A_44, %broadcast_in_dim3A_211] : memref<100x16xf32, #tpu.memory_space<vmem>>[vector<16xi32>, vector<16xi32>], vector<16xf32>,
        tpu.vector_store_idx %arg17[%add3A_38, %add3A_215], %gather3A_216 : memref<128x128xf32, #tpu.memory_space<vmem>>[vector<16xi32>, vector<16xi32>], vector<16xf32>,
        %add3A_217 = arith.constant 32 : i32
        %add3A_218 = vector.broadcast %add3A_217 : i32 to vector<16xi32>
        %add3A_219 = arith.addi %broadcast_in_dim3A_211, %add3A_218 : vector<16xi32>
        %gather3A_220 = tpu.vector_load_idx %arg16[%get3A_46, %broadcast_in_dim3A_211] : memref<500x16xf32, #tpu.memory_space<vmem>>[vector<16xi32>, vector<16xi32>], vector<16xf32>,
        tpu.vector_store_idx %arg17[%add3A_38, %add3A_219], %gather3A_220 : memref<128x128xf32, #tpu.memory_space<vmem>>[vector<16xi32>, vector<16xi32>], vector<16xf32>,
      }
      %scan3A_28 = arith.constant 8 : i32
      %add3A_29 = arith.addi %mul3A_2, %mul3A_23 : i32
      "tpu.region"() ({
        %run_scoped3A = tpu.sem_alloc : memref<!tpu.dma_semaphore, #tpu.memory_space<semaphore_mem>>
        %dma_start3A_30 = arith.constant 0 : i32
        %dma_start3A_31 = tpu.memref_slice %arg9[%add3A_29, %dma_start3A_30] : memref<16384x128xf32, #tpu.memory_space<hbm>> -> memref<128x128xf32, #tpu.memory_space<hbm>>
        %dma_start3A_32 = arith.constant 0 : i32
        %dma_start3A_33 = tpu.memref_slice %arg9[%add3A_29, %dma_start3A_32] : memref<16384x128xf32, #tpu.memory_space<hbm>> -> memref<128x128xf32, #tpu.memory_space<hbm>>
        tpu.enqueue_dma source(%arg17 : memref<128x128xf32, #tpu.memory_space<vmem>>) target(%dma_start3A_33 : memref<128x128xf32, #tpu.memory_space<hbm>>) target_semaphore(%run_scoped3A : memref<!tpu.dma_semaphore, #tpu.memory_space<semaphore_mem>>)
        %dma_wait3A_34 = arith.constant 0 : i32
        %dma_wait3A_35 = tpu.memref_slice %arg9[%add3A_29, %dma_wait3A_34] : memref<16384x128xf32, #tpu.memory_space<hbm>> -> memref<128x128xf32, #tpu.memory_space<hbm>>
        %dma_wait3A_36 = arith.constant 0 : i32
        %dma_wait3A_37 = tpu.memref_slice %arg9[%add3A_29, %dma_wait3A_36] : memref<16384x128xf32, #tpu.memory_space<hbm>> -> memref<128x128xf32, #tpu.memory_space<hbm>>
        tpu.wait_dma2 semaphore(%run_scoped3A : memref<!tpu.dma_semaphore, #tpu.memory_space<semaphore_mem>>) src(%arg17 : memref<128x128xf32, #tpu.memory_space<vmem>>) dst(%dma_wait3A_37 : memref<128x128xf32, #tpu.memory_space<hbm>>)
        tpu.yield
      }) : () -> ()
    }
    %scan3A_16 = arith.constant 4 : i32
    return
  }
}

module attributes {stable_mosaic.version = 14 : i64} {
  func.func @body(%arg0: i32, %arg1: memref<64x4096xf32, #tpu.memory_space<vmem>>, %arg2: memref<64x64xf32, #tpu.memory_space<vmem>>, %arg3: memref<2048x128xf32, #tpu.memory_space<vmem>>) attributes {dimension_semantics = [#tpu.dimension_semantics<arbitrary>], iteration_bounds = array<i64: 201>, scalar_prefetch = 0 : i64, scratch_operands = 0 : i64, tpu.core_type = #tpu.core_type<tc>, window_params = [{transform_indices = @transform_0, window_bounds = array<i64: 64, 4096>}, {pipeline_mode = #tpu.pipeline_mode<synchronous>, transform_indices = @transform_1, window_bounds = array<i64: 64, 64>}, {transform_indices = @transform_2, window_bounds = array<i64: 2048, 128>}]} {
    %get3A = arith.constant 0 : index
    %get3A_0 = arith.constant 0 : index
    %get3A_1 = vector.load %arg1[%get3A, %get3A_0] : memref<64x4096xf32, #tpu.memory_space<vmem>>, vector<64x2048xf32>
    %get3A_2 = arith.constant 0 : index
    %get3A_3 = arith.constant 0 : index
    %get3A_4 = vector.load %arg2[%get3A_2, %get3A_3] : memref<64x64xf32, #tpu.memory_space<vmem>>, vector<64x64xf32>
    %dot_general3A = arith.constant dense<0.000000e+00> : vector<2048x64xf32>
    %dot_general3A_5 = tpu.matmul %get3A_1, %get3A_4, %dot_general3A {dimension_numbers = #tpu.dot_dimension_numbers<[0], [0], [1], [1], [0, 1, 1, 1], [], []>, transpose_lhs_hint = false} : vector<64x2048xf32>, vector<64x64xf32>, vector<2048x64xf32> -> vector<2048x64xf32>
    %get3A_6 = arith.constant 0 : index
    %get3A_7 = arith.constant 2048 : index
    %get3A_8 = vector.load %arg1[%get3A_6, %get3A_7] : memref<64x4096xf32, #tpu.memory_space<vmem>>, vector<64x2048xf32>
    %get3A_9 = arith.constant 0 : index
    %get3A_10 = arith.constant 0 : index
    %get3A_11 = vector.load %arg2[%get3A_9, %get3A_10] : memref<64x64xf32, #tpu.memory_space<vmem>>, vector<64x64xf32>
    %dot_general3A_12 = arith.constant dense<0.000000e+00> : vector<2048x64xf32>
    %dot_general3A_13 = tpu.matmul %get3A_8, %get3A_11, %dot_general3A_12 {dimension_numbers = #tpu.dot_dimension_numbers<[0], [0], [1], [1], [0, 1, 1, 1], [], []>, transpose_lhs_hint = false} : vector<64x2048xf32>, vector<64x64xf32>, vector<2048x64xf32> -> vector<2048x64xf32>
    %concatenate3A = tpu.concatenate %dot_general3A_5, %dot_general3A_13 in 1 : vector<2048x64xf32>, vector<2048x64xf32> -> vector<2048x128xf32>
    %swap3A = arith.constant 0 : index
    %swap3A_14 = arith.constant 0 : index
    %swap3A_15 = vector.load %arg3[%swap3A, %swap3A_14] : memref<2048x128xf32, #tpu.memory_space<vmem>>, vector<2048x128xf32>
    tpu.vector_store %arg3[%swap3A, %swap3A_14], %concatenate3A {strides = array<i32>} : memref<2048x128xf32, #tpu.memory_space<vmem>>, vector<2048x128xf32>,
    return
  }
  func.func @transform_0(%arg0: i32) -> (i32, i32) {
    %eq3A = arith.constant 200 : i32
    %eq3A_0 = arith.cmpi eq, %arg0, %eq3A : i32
    %jit3A = arith.constant 244 : i32
    %select_n3A = arith.select %eq3A_0, %jit3A, %arg0 : i32
    %c0_i32 = arith.constant 0 : i32
    %c0_i32_1 = arith.constant 0 : i32
    return %c0_i32, %select_n3A : i32, i32
  }
  func.func @transform_1(%arg0: i32) -> (i32, i32) {
    %c0_i32 = arith.constant 0 : i32
    %c0_i32_0 = arith.constant 0 : i32
    %c0_i32_1 = arith.constant 0 : i32
    return %c0_i32, %c0_i32_0 : i32, i32
  }
  func.func @transform_2(%arg0: i32) -> (i32, i32) {
    %eq3A = arith.constant 200 : i32
    %eq3A_0 = arith.cmpi eq, %arg0, %eq3A : i32
    %jit3A = arith.constant 244 : i32
    %select_n3A = arith.select %eq3A_0, %jit3A, %arg0 : i32
    %c0_i32 = arith.constant 0 : i32
    %c0_i32_1 = arith.constant 0 : i32
    return %select_n3A, %c0_i32 : i32, i32
  }
}

module attributes {stable_mosaic.version = 14 : i64} {
  func.func @body(%arg0: i32, %arg1: memref<2048x128xf32, #tpu.memory_space<vmem>>, %arg2: memref<2048x128xf32, #tpu.memory_space<vmem>>, %arg3: memref<2048x128xf32, #tpu.memory_space<vmem>>, %arg4: memref<2048x1xi32, #tpu.memory_space<vmem>>, %arg5: memref<128x128xf32, #tpu.memory_space<vmem>>, %arg6: memref<48x128xf32, #tpu.memory_space<vmem>>, %arg7: memref<1x128xf32, #tpu.memory_space<vmem>>, %arg8: memref<2048x128xf32, #tpu.memory_space<vmem>>) attributes {dimension_semantics = [#tpu.dimension_semantics<arbitrary>], iteration_bounds = array<i64: 8>, scalar_prefetch = 0 : i64, scratch_operands = 0 : i64, tpu.core_type = #tpu.core_type<tc>, window_params = [{transform_indices = @transform_0, window_bounds = array<i64: 2048, 128>}, {transform_indices = @transform_1, window_bounds = array<i64: 2048, 128>}, {transform_indices = @transform_2, window_bounds = array<i64: 2048, 128>}, {transform_indices = @transform_3, window_bounds = array<i64: 2048, 1>}, {pipeline_mode = #tpu.pipeline_mode<synchronous>, transform_indices = @transform_4, window_bounds = array<i64: 128, 128>}, {pipeline_mode = #tpu.pipeline_mode<synchronous>, transform_indices = @transform_5, window_bounds = array<i64: 48, 128>}, {pipeline_mode = #tpu.pipeline_mode<synchronous>, transform_indices = @transform_6, window_bounds = array<i64: 1, 128>}, {transform_indices = @transform_7, window_bounds = array<i64: 2048, 128>}]} {
    %get3A = arith.constant 0 : index
    %get3A_0 = arith.constant 0 : index
    %get3A_1 = vector.load %arg4[%get3A, %get3A_0] : memref<2048x1xi32, #tpu.memory_space<vmem>>, vector<2048x1xi32>
    %lt3A = arith.constant 819200 : i32
    %lt3A_2 = vector.broadcast %lt3A : i32 to vector<2048x1xi32>
    %lt3A_3 = arith.cmpi slt, %get3A_1, %lt3A_2 : vector<2048x1xi32>
    %ge3A = arith.constant 999424 : i32
    %ge3A_4 = vector.broadcast %ge3A : i32 to vector<2048x1xi32>
    %ge3A_5 = arith.cmpi sge, %get3A_1, %ge3A_4 : vector<2048x1xi32>
    %or3A = arith.ori %lt3A_3, %ge3A_5 : vector<2048x1xi1>
    %get3A_6 = arith.constant 0 : index
    %get3A_7 = arith.constant 0 : index
    %get3A_8 = vector.load %arg1[%get3A_6, %get3A_7] : memref<2048x128xf32, #tpu.memory_space<vmem>>, vector<2048x128xf32>
    %get3A_9 = arith.constant 0 : index
    %get3A_10 = arith.constant 0 : index
    %get3A_11 = vector.load %arg2[%get3A_9, %get3A_10] : memref<2048x128xf32, #tpu.memory_space<vmem>>, vector<2048x128xf32>
    %broadcast_in_dim3A = vector.shape_cast %or3A : vector<2048x1xi1> to vector<2048x1xi1>
    %broadcast_in_dim3A_12 = vector.broadcast %broadcast_in_dim3A : vector<2048x1xi1> to vector<2048x128xi1>
    %select_n3A = arith.select %broadcast_in_dim3A_12, %get3A_8, %get3A_11 : vector<2048x128xi1>, vector<2048x128xf32>
    %shift_right_logical3A = arith.constant 11 : i32
    %shift_right_logical3A_13 = vector.broadcast %shift_right_logical3A : i32 to vector<2048x1xi32>
    %shift_right_logical3A_14 = arith.shrui %get3A_1, %shift_right_logical3A_13 : vector<2048x1xi32>
    %and3A = arith.constant 1 : i32
    %and3A_15 = vector.broadcast %and3A : i32 to vector<2048x1xi32>
    %and3A_16 = arith.andi %shift_right_logical3A_14, %and3A_15 : vector<2048x1xi32>
    %iota3A = tpu.iota {dimensions = array<i32: 1>} : vector<2048x128xi32>
    %shift_right_logical3A_17 = arith.constant 6 : i32
    %shift_right_logical3A_18 = vector.broadcast %shift_right_logical3A_17 : i32 to vector<2048x128xi32>
    %shift_right_logical3A_19 = arith.shrui %iota3A, %shift_right_logical3A_18 : vector<2048x128xi32>
    %eq3A = vector.broadcast %and3A_16 : vector<2048x1xi32> to vector<2048x128xi32>
    %eq3A_20 = arith.cmpi eq, %shift_right_logical3A_19, %eq3A : vector<2048x128xi32>
    %jit3A = arith.constant 0.000000e+00 : f32
    %broadcast_in_dim3A_21 = vector.broadcast %jit3A : f32 to vector<2048x128xf32>
    %select_n3A_22 = arith.select %eq3A_20, %select_n3A, %broadcast_in_dim3A_21 : vector<2048x128xi1>, vector<2048x128xf32>
    %get3A_23 = arith.constant 0 : index
    %get3A_24 = arith.constant 0 : index
    %get3A_25 = vector.load %arg5[%get3A_23, %get3A_24] : memref<128x128xf32, #tpu.memory_space<vmem>>, vector<128x128xf32>
    %dot_general3A = arith.constant dense<0.000000e+00> : vector<2048x128xf32>
    %dot_general3A_26 = tpu.matmul %select_n3A_22, %get3A_25, %dot_general3A {dimension_numbers = #tpu.dot_dimension_numbers<[1], [0], [0], [1], [0, 0, 1, 1], [], []>, transpose_lhs_hint = false} : vector<2048x128xf32>, vector<128x128xf32>, vector<2048x128xf32> -> vector<2048x128xf32>
    %get3A_27 = arith.constant 0 : index
    %get3A_28 = arith.constant 0 : index
    %get3A_29 = vector.load %arg3[%get3A_27, %get3A_28] : memref<2048x128xf32, #tpu.memory_space<vmem>>, vector<2048x48xf32>
    %get3A_30 = arith.constant 0 : index
    %get3A_31 = arith.constant 0 : index
    %get3A_32 = vector.load %arg6[%get3A_30, %get3A_31] : memref<48x128xf32, #tpu.memory_space<vmem>>, vector<48x128xf32>
    %dot_general3A_33 = arith.constant dense<0.000000e+00> : vector<2048x128xf32>
    %dot_general3A_34 = tpu.matmul %get3A_29, %get3A_32, %dot_general3A_33 {dimension_numbers = #tpu.dot_dimension_numbers<[1], [0], [0], [1], [0, 0, 1, 1], [], []>, transpose_lhs_hint = false} : vector<2048x48xf32>, vector<48x128xf32>, vector<2048x128xf32> -> vector<2048x128xf32>
    %add3A = arith.addf %dot_general3A_26, %dot_general3A_34 : vector<2048x128xf32>
    %get3A_35 = arith.constant 0 : index
    %get3A_36 = arith.constant 0 : index
    %get3A_37 = vector.load %arg7[%get3A_35, %get3A_36] : memref<1x128xf32, #tpu.memory_space<vmem>>, vector<1x128xf32>
    %add3A_38 = vector.broadcast %get3A_37 : vector<1x128xf32> to vector<2048x128xf32>
    %add3A_39 = arith.addf %add3A, %add3A_38 : vector<2048x128xf32>
    %tanh3A = math.tanh %add3A_39 : vector<2048x128xf32>
    %swap3A = arith.constant 0 : index
    %swap3A_40 = arith.constant 0 : index
    %swap3A_41 = vector.load %arg8[%swap3A, %swap3A_40] : memref<2048x128xf32, #tpu.memory_space<vmem>>, vector<2048x128xf32>
    tpu.vector_store %arg8[%swap3A, %swap3A_40], %tanh3A {strides = array<i32>} : memref<2048x128xf32, #tpu.memory_space<vmem>>, vector<2048x128xf32>,
    return
  }
  func.func @transform_0(%arg0: i32) -> (i32, i32) {
    %c0_i32 = arith.constant 0 : i32
    %c0_i32_0 = arith.constant 0 : i32
    return %arg0, %c0_i32 : i32, i32
  }
  func.func @transform_1(%arg0: i32) -> (i32, i32) {
    %c0_i32 = arith.constant 0 : i32
    %c0_i32_0 = arith.constant 0 : i32
    return %arg0, %c0_i32 : i32, i32
  }
  func.func @transform_2(%arg0: i32) -> (i32, i32) {
    %c0_i32 = arith.constant 0 : i32
    %c0_i32_0 = arith.constant 0 : i32
    return %arg0, %c0_i32 : i32, i32
  }
  func.func @transform_3(%arg0: i32) -> (i32, i32) {
    %c0_i32 = arith.constant 0 : i32
    %c0_i32_0 = arith.constant 0 : i32
    return %arg0, %c0_i32 : i32, i32
  }
  func.func @transform_4(%arg0: i32) -> (i32, i32) {
    %c0_i32 = arith.constant 0 : i32
    %c0_i32_0 = arith.constant 0 : i32
    %c0_i32_1 = arith.constant 0 : i32
    return %c0_i32, %c0_i32_0 : i32, i32
  }
  func.func @transform_5(%arg0: i32) -> (i32, i32) {
    %c0_i32 = arith.constant 0 : i32
    %c0_i32_0 = arith.constant 0 : i32
    %c0_i32_1 = arith.constant 0 : i32
    return %c0_i32, %c0_i32_0 : i32, i32
  }
  func.func @transform_6(%arg0: i32) -> (i32, i32) {
    %c0_i32 = arith.constant 0 : i32
    %c0_i32_0 = arith.constant 0 : i32
    %c0_i32_1 = arith.constant 0 : i32
    return %c0_i32, %c0_i32_0 : i32, i32
  }
  func.func @transform_7(%arg0: i32) -> (i32, i32) {
    %c0_i32 = arith.constant 0 : i32
    %c0_i32_0 = arith.constant 0 : i32
    return %arg0, %c0_i32 : i32, i32
  }
}

</mosaic_0001>

<sc_bundles>
// kernel: kernel.10.cloned.1.call-start
scs
__scs_entry_jumppad:
0x0: {  	(pc) =	sbr.rel $0x88, $3  }
0x1: {  	(tag) =	ssettag $0x0;
	lr =	simm.s32 $0x1  }
0x2: {  	[smem:$0x3F97] =	sst lr;
	_ =	strace $0xD0000000  }
0x3: {  	_ = 	snop  }
0x4: {  	_ = 	snop  }
0x5: {  	_ = 	snop  }
0x6: {  	_ = 	snop  }
0x7: {  	_ = 	snop  }
__scs_overlays_trampoline_lowered:
0x8: {  	[smem:$0x3FA6] =	sst s0  }
0x9: {  	[smem:$0x3FA7] =	sst s1  }
0xa: {  	[smem:$0x3FA8] =	sst s2  }
0xb: {  	[smem:$0x3FA9] =	sst s3  }
0xc: {  	[smem:$0x3FAA] =	sst s4  }
0xd: {  	[smem:$0x3FAB] =	sst s5  }
0xe: {  	[smem:$0x3FAC] =	sst s6  }
0xf: {  	[smem:$0x3FAD] =	sst s7  }
0x10: {  	[smem:$0x3FAE] =	sst s8  }
0x11: {  	[smem:$0x3FAF] =	sst s9;
	s0 =	simm.s32 @!p0 $0x0  }
0x12: {  	s1 =	sld [smem:$0x3F95];
	s0 =	simm.s32 @p0 $0x1  }
0x13: {  	[smem:$0x3FB0] =	sst s0;
	s0 =	simm.s32 @!p1 $0x0  }
0x14: {  	s2 =	sld [smem:$0x3F94];
	s0 =	simm.s32 @p1 $0x1  }
0x15: {  	[smem:$0x3FB1] =	sst s0;
	s0 =	simm.s32 @!p2 $0x0  }
0x16: {  	s3 =	sld [smem:$0x3FDB];
	s0 =	simm.s32 @p2 $0x1  }
0x17: {  	s4 =	simm.s32 $0x1BF5;
	[smem:$0x3FB3] =	sst s0  }
0x18: {  	s0 =	sld [smem:$0x3F96];
	_ =	swait.ge [sflag:s4], $0x0  }
0x19: {  	s7 =	sld [smem:$0x3F97]  }
0x1a: {  	s8 =	sadd.s32 $0xFFFFE003, lr  }
0x1b: {  	s9 =	sadd.s32 $0xFFFFFEF7, lr;
	s5 =	simm.s32 $0xFFFFFFFF;
	p2 =	slt.u32 s8, $0xFFFFF086  }
0x1c: {  	p1 =	slt.u32 s9, $0xF7A;
	s5 =	simm.s32 @!p2 $0x0  }
0x1d: {  	s5 =	simm.s32 @p1 $0x1;
	p0 =	seq.s32 s7, s2  }
0x1e: {  	s7 =	smul.u32 @!p0 $0xF7A, s2;
	p2 =	seq.s32 @!p0 s5, $0x0  }
0x1f: {  	s9 =	smul.u32 $0xF7A, s1;
	s8 =	simm.s32 @!p0 $0x1BF5;
	p2 =	por !p2, p0  }
0x20: {  	[sflag:s8] =	ssyncset.s32 @!p0 $0xFFFFF086;
	s6 =	sadd.s32 @!p0 s3, s7;
	s7 =	simm.s32 @!p0 $0x108  }
0x21: {  	s3 =	sadd.s32 s3, s9;
	s6 =	sadd.s32 @!p0 $0x88, s6;
	s7 =	simm.s32 @p2 $0x1082  }
0x22: {  	[simem:s7], [sflag:s8] =	dma.local @!p0 [hbm:s6], $0xF7A  }
0x23: {  	s9 =	sor.u32 $0xD0000000, s2;
	s6 =	simm.s32 $0x108;
	_ =	swait.ge @!p0 [sflag:s8], $0x0  }
0x24: {  	s3 =	sadd.s32 $0x88, s3;
	s6 =	simm.s32 @!p1 $0x1082;
	[sflag:s4] =	ssyncset.s32 $0xFFFFF086  }
0x25: {  	[simem:s6], [sflag:s4] =	dma.local [hbm:s3], $0xF7A  }
0x26: {  	[smem:$0x3F97] =	sst s1;
	(tag) =	ssettag s2;
	_ =	strace s9  }
0x27: {  	s1 =	sld [smem:$0x3FA7]  }
0x28: {  	s2 =	sld [smem:$0x3FA8]  }
0x29: {  	s4 =	sld [smem:$0x3FAA]  }
0x2a: {  	p0 =	seq.s32 s5, $0x0;
	s5 =	sld [smem:$0x3FAB]  }
0x2b: {  	s6 =	sld [smem:$0x3FAC]  }
0x2c: {  	s7 =	sld [smem:$0x3FAD]  }
0x2d: {  	s3 =	simm.s32 $0x108;
	s8 =	sld [smem:$0x3FAE]  }
0x2e: {  	s3 =	simm.s32 @!p0 $0x1082;
	s9 =	sld [smem:$0x3FAF]  }
0x2f: {  	lr =	sadd.s32 s0, s3;
	s0 =	sld [smem:$0x3FA6]  }
0x30: {  	s3 =	sld [smem:$0x3FA9]  }
0x31: {  	[smem:$0x3FB2] =	sst s10  }
0x32: {  	s10 =	sld [smem:$0x3FB0];
	_ =	sdelay $0x3  }
0x33: {  	p0 =	seq.s32 s10, $0x1;
	s10 =	sld [smem:$0x3FB2];
	_ =	sdelay $0x3  }
0x34: {  	[smem:$0x3FB2] =	sst s10  }
0x35: {  	s10 =	sld [smem:$0x3FB1];
	_ =	sdelay $0x3  }
0x36: {  	p1 =	seq.s32 s10, $0x1;
	s10 =	sld [smem:$0x3FB2];
	_ =	sdelay $0x3  }
0x37: {  	[smem:$0x3FB2] =	sst s10  }
0x38: {  	s10 =	sld [smem:$0x3FB3]  }
0x39: {  	_ = 	snop;
	(pc) =	sbr.ind lr, $3  }
0x3a: {  	_ = 	snop  }
0x3b: {  	_ = 	snop  }
0x3c: {  	p2 =	seq.s32 s10, $0x1;
	s10 =	sld [smem:$0x3FB2]  }
0x3d: {  	_ =	shalt  }
0x3e: {  	_ =	shalt  }
0x3f: {  	_ =	shalt  }
0x40: {  	_ =	shalt  }
0x41: {  	_ =	shalt  }
0x42: {  	_ =	shalt  }
0x43: {  	_ =	shalt  }
0x44: {  	_ =	shalt  }
0x45: {  	_ =	shalt  }
0x46: {  	_ =	shalt  }
0x47: {  	_ =	shalt  }
0x48: {  	_ =	shalt  }
0x49: {  	_ =	shalt  }
0x4a: {  	_ =	shalt  }
0x4b: {  	_ =	shalt  }
0x4c: {  	_ =	shalt  }
0x4d: {  	_ =	shalt  }
0x4e: {  	_ =	shalt  }
0x4f: {  	_ =	shalt  }
0x50: {  	_ =	shalt  }
0x51: {  	_ =	shalt  }
0x52: {  	_ =	shalt  }
0x53: {  	_ =	shalt  }
0x54: {  	_ =	shalt  }
0x55: {  	_ =	shalt  }
0x56: {  	_ =	shalt  }
0x57: {  	_ =	shalt  }
0x58: {  	_ =	shalt  }
0x59: {  	_ =	shalt  }
0x5a: {  	_ =	shalt  }
0x5b: {  	_ =	shalt  }
0x5c: {  	_ =	shalt  }
0x5d: {  	_ =	shalt  }
0x5e: {  	_ =	shalt  }
0x5f: {  	_ =	shalt  }
0x60: {  	_ =	shalt  }
0x61: {  	_ =	shalt  }
0x62: {  	_ =	shalt  }
0x63: {  	_ =	shalt  }
0x64: {  	_ =	shalt  }
0x65: {  	_ =	shalt  }
0x66: {  	_ =	shalt  }
0x67: {  	_ =	shalt  }
0x68: {  	_ =	shalt  }
0x69: {  	_ =	shalt  }
0x6a: {  	_ =	shalt  }
0x6b: {  	_ =	shalt  }
0x6c: {  	_ =	shalt  }
0x6d: {  	_ =	shalt  }
0x6e: {  	_ =	shalt  }
0x6f: {  	_ =	shalt  }
0x70: {  	_ =	shalt  }
0x71: {  	_ =	shalt  }
0x72: {  	_ =	shalt  }
0x73: {  	_ =	shalt  }
0x74: {  	_ =	shalt  }
0x75: {  	_ =	shalt  }
0x76: {  	_ =	shalt  }
0x77: {  	_ =	shalt  }
0x78: {  	_ =	shalt  }
0x79: {  	_ =	shalt  }
0x7a: {  	_ =	shalt  }
0x7b: {  	_ =	shalt  }
0x7c: {  	_ =	shalt  }
0x7d: {  	_ =	shalt  }
0x7e: {  	_ =	shalt  }
0x7f: {  	_ =	shalt  }
0x80: {  	_ =	shalt  }
0x81: {  	_ =	shalt  }
0x82: {  	_ =	shalt  }
0x83: {  	_ =	shalt  }
0x84: {  	_ =	shalt  }
0x85: {  	_ =	shalt  }
0x86: {  	_ =	shalt  }
0x87: {  	_ =	shalt  }
.Lfunc_end0:
.L_simem_size_0:
called_computation.1_lowered:
.L_overlay_start_0:
0x88: {  	s2 =	sld [smem:$0x3FD9]  }
0x89: {  	s3 =	sld [smem:$0x3FFE];
	_ =	sdelay $0x1  }
0x8a: {  	s1 =	srdreg.scid  }
0x8b: {  	s0 =	sand.u32 $0x1, s1  }
0x8c: {  	s17 =	sshll.u32 s0, $0xA;
	s2 =	sadd.s32 s3, s2  }
0x8d: {  	s2 =	sadd.s32 s2, s17  }
0x8e: {  	[smem:$0x3FBE] =	sst s2  }
0x8f: {  	_ = 	snop  }
0x90: {  	s6 =	sld [smem:$0x3FC9]  }
0x91: {  	s18 =	sld [smem:$0x3FC4]  }
0x92: {  	s4 =	sld [smem:$0x3FC3]  }
0x93: {  	s5 =	sld [smem:$0x3FC2];
	(tm) =	ssettm $0x1  }
0x94: {  	s19 =	sld [smem:$0x3FFB];
	_ =	sdelay $0x3  }
0x95: {  	_ =	strace s19  }
0x96: {  	s2 =	sld [smem:$0x3FFC];
	_ =	sdelay $0x3  }
0x97: {  	_ =	strace s2  }
0x98: {  	s2 =	sld [smem:$0x3FFD];
	_ =	sdelay $0x3  }
0x99: {  	_ =	strace s2  }
0x9a: {  	_ =	strace $0x8FFFFFFF  }
0x9b: {  	s20 =	sld [smem:$0x3FDB];
	_ =	sdelay $0x1  }
0x9c: {  	s7 =	simm.s32 $_scs_section_size  }
0x9d: {  	s8 =	simm.s32 $_size__tile_overlayer_lowered;
	s9 =	simm.s32 $_tile_overlayer_lowered  }
0x9e: {  	s10 =	simm.s32 $0x1BFF;
	s21 =	sshll.u32 s9, $0x1;
	s7 =	sadd.s32 s7, s20  }
0x9f: {  	s22 =	simm.s32 $0x0;
	s8 =	sshll.u32 s8, $0x1;
	s9 =	sadd.s32 s21, s7  }
0xa0: {  	[timem:s22], [sflag:s10] =	dma.local [hbm:s9], s8  }
0xa1: {  	_ =	swait.ge [sflag:s10], s8  }
0xa2: {  	s8 =	ssub.s32 $0x0, s8;
	[sflag:s10] =	ssyncset.done $0x0  }
0xa3: {  	[sflag:s10] =	ssyncadd.s32 s8;
	_ =	sdelay $0x1  }
0xa4: {  	s23 =	simm.s32 $0x1B8B  }
0xa5: {  	_ =	swait.ge [sflag:s23], $0x1  }
0xa6: {  	[sflag:s23] =	ssyncset.done $0x0  }
0xa7: {  	[sflag:s23] =	ssyncadd.s32 $0xFFFFFFFF  }
0xa8: {  	s8 =	sld [smem:$0x0]  }
0xa9: {  	s9 =	sand.u32 $0xFFFFFFFE, s1  }
0xaa: {  	p0 =	sne.s32 s1, s9  }
0xab: {  	s9 =	sshll.u32 @p0 s9, $0xE  }
0xac: {  	s9 =	sadd.s32 @p0 $0x11B8D, s9;
	s10 =	sshll.u32 @p0 s8, $0x11  }
0xad: {  	s9 =	sor.u32 @p0 s10, s9  }
0xae: {  	[sflag:s9] =	ssyncadd.remote.s32 @p0 $0x1;
	_ =	sdelay $0x1  }
0xaf: {  	s9 =	simm.s32 @p0 $0x1B8D  }
0xb0: {  	_ =	swait.eq @p0 [sflag:s9], $0x1  }
0xb1: {  	[sflag:s9] =	ssyncadd.s32 @p0 $0xFFFFFFFF  }
0xb2: {  	s10 =	sshll.u32 @!p0 s1, $0xE  }
0xb3: {  	s10 =	sor.u32 @!p0 $0x4000, s10;
	s9 =	simm.s32 @!p0 $0x1B8D  }
0xb4: {  	s8 =	sshll.u32 @!p0 s8, $0x11;
	s10 =	sadd.s32 @!p0 $0x11B8D, s10;
	_ =	swait.eq @!p0 [sflag:s9], $0x1  }
0xb5: {  	s8 =	sor.u32 @!p0 s8, s10;
	[sflag:s9] =	ssyncadd.s32 @!p0 $0xFFFFFFFF  }
0xb6: {  	s25 =	simm.s32 $0x1B8E;
	s24 =	sld [smem:$0x3FFE];
	[sflag:s8] =	ssyncadd.remote.s32 @!p0 $0x1  }
0xb7: {  	s26 =	simm.s32 $execute0_lowered;
	[smem:$0x3FD2] =	sst s25  }
0xb8: {  	s9 =	sshll.u32 s26, $0x1;
	_ =	strace $0x80000049;
	[dreg:$0x1] =	wrdreg $0xFFFFFFFF  }
0xb9: {  	s28 =	simm.s32 $_size_execute0_lowered;
	s7 =	sadd.s32 s7, s9;
	[dreg:$0x0] =	wrdreg $0x0  }
0xba: {  	s9 =	sshll.u32 s28, $0x1;
	[dreg:$0x2] =	wrdreg s7  }
0xbb: {  	[dreg:$0x3] =	wrdreg s9  }
0xbc: {  	[dreg:$0x4] =	wrdreg $0xC0  }
0xbd: {  	_ =	task [dreg:s22], $0x5FFFF  }
0xbe: {  	[dreg:$0x1] =	wrdreg $0xFFFFFFFF  }
0xbf: {  	[dreg:$0x0] =	wrdreg $0x60  }
0xc0: {  	[dreg:$0x2] =	wrdreg s6  }
0xc1: {  	[dreg:$0x3] =	wrdreg s24  }
0xc2: {  	[dreg:$0x4] =	wrdreg s18  }
0xc3: {  	[dreg:$0x5] =	wrdreg s4  }
0xc4: {  	[dreg:$0x6] =	wrdreg s5  }
0xc5: {  	[dreg:$0x7] =	wrdreg $0x9  }
0xc6: {  	_ =	task.clear_ibuf [dreg:s22], $0x8FFFF;
	_ =	strace $0x90000049  }
0xc7: {  	s29 =	simm.s32 $0x9;
	_ =	strace $0x8000004B  }
0xc8: {  	_ =	swait.ge [sflag:s29], $0x1  }
0xc9: {  	[sflag:s29] =	ssyncadd.s32 $0xFFFFFFFF  }
0xca: {  	_ =	strace $0x9000004B  }
0xcb: {  	_ =	sfence  }
0xcc: {  	s30 =	sld [smem:$0x0];
	_ =	sdelay $0x2  }
0xcd: {  	s31 =	sshll.u32 s1, $0xD;
	s1 =	sshrl.u32 s1, $0x2  }
0xce: {  	s4 =	sand.u32 $0x4000, s31;
	s1 =	sadd.s32 s1, s30  }
0xcf: {  	s0 =	sor.u32 s4, s0;
	s1 =	sshll.u32 s1, $0x11  }
0xd0: {  	s0 =	sor.u32 s1, s0  }
0xd1: {  	s0 =	sadd.s32 $0x8F2B, s0  }
0xd2: {  	[sflag:s0] =	ssyncadd.remote.s32 $0x1  }
0xd3: {  	_ =	sfence.sel $0xFFFF  }
0xd4: {  	[dreg:$0x0] =	wrdreg $0xFFFFFFFF;
	(pc) =	sbr.abs _section_cstart, $3  }
0xd5: {  	[dreg:$0x1] =	wrdreg $0xFFFFFFFF  }
0xd6: {  	_ =	task.clear_ibuf [dreg:s22], $0x2FFFF;
	_ =	strace $0x9FFFFFFF  }
0xd7: {  	(tm) =	ssettm $0x7FFFFFFF  }
tec
execute0_lowered:
.L_overlay_start_1:
0x0: {  	(tag) =	ssettag $0x1  }
0x1: {  	s11 =	rddreg [dreg:$0x0]  }
0x2: {  	s10 =	rddreg [dreg:$0x1]  }
0x3: {  	s1 =	rddreg [dreg:$0x2]  }
0x4: {  	s2 =	rddreg [dreg:$0x3]  }
0x5: {  	s3 =	rddreg [dreg:$0x4]  }
0x6: {  	s0 =	rddreg [dreg:$0x5];
	s4 =	simm.s32 $0x0;
	s8 =	srdreg.scid  }
0x7: {  	s5 =	stileid.u32;
	s15 =	simm.s32 $0xA00;
	s16 =	simm.s32 $0x3E00  }
0x8: {  	s17 =	simm.s32 $0x1;
	s18 =	simm.s32 $0x13A00;
	[smem:$0x7FF] =	sst s4  }
0x9: {  	s19 =	simm.s32 $0x0;
	s6 =	sadd.s32 $0x7AD200, s10;
	s7 =	sadd.s32 $0x7ACA00, s10  }
0xa: {  	s8 =	sand.u32 $0x1, s8;
	s9 =	sshll.u32 s5, $0xA;
	_ =	strace $0x8000004A  }
0xb: {  	s12 =	ssub.s32 $0x2, s8;
	s13 =	sshll.u32 s8, $0x9;
	s8 =	sadd.s32 $0x7AAA00, s10  }
0xc: {  	s10 =	sadd.s32 $0x7AD400, s10;
	s14 =	sshrl.u32 s12, $0x1;
	s9 =	sor.u32 s13, s9  }
0xd: {  	v0 =	vlaneseq.u32;
	s12 =	ssub.s32 s12, s14;
	s13 =	sshrl.u32 s9, $0x3;
	s14 =	simm.s32 $0x800  }
0xe: {  	v0 =	vmul.u32 $0x80, v0;
	s11 =	sadd.s32 s11, s13;
	s12 =	smax.u32 s12, $0x1;
	s13 =	simm.s32 $0x2  }
.LBB2_1:
0xf: {  	[tilespmem:s4], [sflag:$0x2] =	stream.linear.gather [hbm4b:s11+s4], $0x200, $0x38;
	[tilespmem:$0x17A00] =	vst v63  }
0x10: {  	_ =	swait.ge [sflag:s13], $0x200  }
0x11: {  	[sflag:s13] =	ssyncset.done $0x0  }
0x12: {  	s20 =	simm.s32 $0x200;
	[sflag:s13] =	ssyncadd.s32 $0xFFFFFE00  }
0x13: {  	[tilespmem:s20], [sflag:$0x1] =	stream.indirect.gather [hbm4b:s1+s20], $0x1, s4, s20, $0xb8;
	[tilespmem:$0x17A00] =	vst v63  }
0x14: {  	_ = 	snop  }
0x15: {  	[tilespmem:s14], [sflag:$0x2] =	stream.linear.gather [hbm4b:s6+s4], $0x180, $0x38;
	[tilespmem:$0x17A00] =	vst v63  }
0x16: {  	_ =	swait.ge [sflag:s13], $0x180  }
0x17: {  	[sflag:s13] =	ssyncset.done $0x0  }
0x18: {  	[sflag:s13] =	ssyncadd.s32 $0xFFFFFE80  }
0x19: {  	[tilespmem:s15], [sflag:$0x2] =	stream.linear.gather [hbm4b:s7+s4], $0x3200, $0x38;
	[tilespmem:$0x17A00] =	vst v63  }
0x1a: {  	_ =	swait.ge [sflag:s13], $0x3200  }
0x1b: {  	[sflag:s13] =	ssyncset.done $0x0  }
0x1c: {  	[sflag:s13] =	ssyncadd.s32 $0xFFFFCE00  }
0x1d: {  	[tilespmem:s16], [sflag:$0x2] =	stream.linear.gather [hbm4b:s8+s4], $0xFA00, $0x38;
	[tilespmem:$0x17A00] =	vst v63  }
0x1e: {  	_ =	swait.ge [sflag:s13], $0xFA00  }
0x1f: {  	[sflag:s13] =	ssyncset.done $0x0  }
0x20: {  	[sflag:s13] =	ssyncadd.s32 $0xFFFF0600  }
0x21: {  	_ =	swait.ge [sflag:s17], $0x200  }
0x22: {  	[sflag:s17] =	ssyncset.done $0x0  }
0x23: {  	s21 =	simm.s32 $0x400;
	[sflag:s17] =	ssyncadd.s32 $0xFFFFFE00  }
0x24: {  	[tilespmem:s21], [sflag:$0x1] =	stream.indirect.gather [hbm4b:s2+s20], $0x1, s4, s20, $0xb8;
	[tilespmem:$0x17A00] =	vst v63  }
0x25: {  	s22 =	simm.s32 $0x600  }
0x26: {  	[tilespmem:s22], [sflag:$0x1] =	stream.indirect.gather [hbm4b:s3+s20], $0x1, s4, s20, $0xb8;
	[tilespmem:$0x17A00] =	vst v63  }
0x27: {  	_ =	swait.ge [sflag:s17], $0x200  }
0x28: {  	[sflag:s17] =	ssyncset.done $0x0  }
0x29: {  	[sflag:s17] =	ssyncadd.s32 $0xFFFFFE00  }
0x2a: {  	_ =	swait.ge [sflag:s17], $0x200  }
0x2b: {  	[sflag:s17] =	ssyncset.done $0x0  }
0x2c: {  	s23 =	simm.s32 $0x0;
	[sflag:s17] =	ssyncadd.s32 $0xFFFFFE00  }
.LBB2_2:
0x2d: {  	s24 =	sshll.u32 s23, $0x7;
	s25 =	simm.s32 $0x0  }
0x2e: {  	s26 =	smov.u32 s22;
	s28 =	smov.u32 s21;
	s29 =	smov.u32 s20  }
.LBB2_3:
0x2f: {  	v1 =	vld [tilespmem:s29+$0x0];
	_ =	sdelay $0x4  }
0x30: {  	v2 =	vshll.u32 v1, $0x7  }
0x31: {  	v3 =	vld [tilespmem:s28+$0x0];
	_ =	sdelay $0x1  }
0x32: {  	v1 =	vmov s25  }
0x33: {  	v1 =	vshll.u32 v1, $0x7  }
0x34: {  	v1 =	vor.u32 v0, v1;
	v4 =	vld.idx.msk [tilespmem:v2+s14+$0x0], $0xffff  }
0x35: {  	v3 =	vshll.u32 v3, $0x7  }
0x36: {  	v5 =	vld [tilespmem:s26+$0x0];
	_ =	sdelay $0x2  }
0x37: {  	[tilespmem:v1+s18+$0x0] =	vst.idx.msk $0xffff, v4  }
0x38: {  	v7 =	vor.u32 $0x10, v1;
	v6 =	vld.idx.msk [tilespmem:v3+s15+$0x0], $0xffff  }
0x39: {  	v4 =	vshll.u32 v5, $0x7;
	_ =	sdelay $0x3  }
0x3a: {  	[tilespmem:v7+s18+$0x0] =	vst.idx.msk $0xffff, v6  }
0x3b: {  	v33 =	vor.u32 $0x20, v1;
	v5 =	vld.idx.msk [tilespmem:v4+s16+$0x0], $0xffff  }
0x3c: {  	v34 =	vor.u32 $0x1, v2;
	_ =	sdelay $0x3  }
0x3d: {  	[tilespmem:v33+s18+$0x0] =	vst.idx.msk $0xffff, v5  }
0x3e: {  	v35 =	vor.u32 $0x1, v1;
	v5 =	vld.idx.msk [tilespmem:v34+s14+$0x0], $0xffff  }
0x3f: {  	v36 =	vor.u32 $0x1, v3;
	_ =	sdelay $0x3  }
0x40: {  	[tilespmem:v35+s18+$0x0] =	vst.idx.msk $0xffff, v5  }
0x41: {  	v37 =	vor.u32 $0x11, v1;
	v5 =	vld.idx.msk [tilespmem:v36+s15+$0x0], $0xffff  }
0x42: {  	v38 =	vor.u32 $0x1, v4;
	_ =	sdelay $0x3  }
0x43: {  	[tilespmem:v37+s18+$0x0] =	vst.idx.msk $0xffff, v5  }
0x44: {  	v39 =	vor.u32 $0x21, v1;
	v5 =	vld.idx.msk [tilespmem:v38+s16+$0x0], $0xffff  }
0x45: {  	v40 =	vor.u32 $0x2, v2;
	_ =	sdelay $0x3  }
0x46: {  	[tilespmem:v39+s18+$0x0] =	vst.idx.msk $0xffff, v5  }
0x47: {  	v41 =	vor.u32 $0x2, v1;
	v5 =	vld.idx.msk [tilespmem:v40+s14+$0x0], $0xffff  }
0x48: {  	v42 =	vor.u32 $0x2, v3;
	_ =	sdelay $0x3  }
0x49: {  	[tilespmem:v41+s18+$0x0] =	vst.idx.msk $0xffff, v5  }
0x4a: {  	v43 =	vor.u32 $0x12, v1;
	v5 =	vld.idx.msk [tilespmem:v42+s15+$0x0], $0xffff  }
0x4b: {  	v44 =	vor.u32 $0x2, v4;
	_ =	sdelay $0x3  }
0x4c: {  	[tilespmem:v43+s18+$0x0] =	vst.idx.msk $0xffff, v5  }
0x4d: {  	v45 =	vor.u32 $0x22, v1;
	v5 =	vld.idx.msk [tilespmem:v44+s16+$0x0], $0xffff  }
0x4e: {  	v46 =	vor.u32 $0x3, v2;
	_ =	sdelay $0x3  }
0x4f: {  	[tilespmem:v45+s18+$0x0] =	vst.idx.msk $0xffff, v5  }
0x50: {  	v47 =	vor.u32 $0x3, v1;
	v5 =	vld.idx.msk [tilespmem:v46+s14+$0x0], $0xffff  }
0x51: {  	v48 =	vor.u32 $0x3, v3;
	_ =	sdelay $0x3  }
0x52: {  	[tilespmem:v47+s18+$0x0] =	vst.idx.msk $0xffff, v5  }
0x53: {  	v49 =	vor.u32 $0x13, v1;
	v5 =	vld.idx.msk [tilespmem:v48+s15+$0x0], $0xffff  }
0x54: {  	v50 =	vor.u32 $0x3, v4;
	_ =	sdelay $0x3  }
0x55: {  	[tilespmem:v49+s18+$0x0] =	vst.idx.msk $0xffff, v5  }
0x56: {  	v51 =	vor.u32 $0x23, v1;
	v5 =	vld.idx.msk [tilespmem:v50+s16+$0x0], $0xffff  }
0x57: {  	v52 =	vor.u32 $0x4, v2;
	_ =	sdelay $0x3  }
0x58: {  	[tilespmem:v51+s18+$0x0] =	vst.idx.msk $0xffff, v5  }
0x59: {  	v53 =	vor.u32 $0x4, v1;
	v5 =	vld.idx.msk [tilespmem:v52+s14+$0x0], $0xffff  }
0x5a: {  	v54 =	vor.u32 $0x4, v3;
	_ =	sdelay $0x3  }
0x5b: {  	[tilespmem:v53+s18+$0x0] =	vst.idx.msk $0xffff, v5  }
0x5c: {  	v55 =	vor.u32 $0x14, v1;
	v5 =	vld.idx.msk [tilespmem:v54+s15+$0x0], $0xffff  }
0x5d: {  	v56 =	vor.u32 $0x4, v4;
	_ =	sdelay $0x3  }
0x5e: {  	[tilespmem:v55+s18+$0x0] =	vst.idx.msk $0xffff, v5  }
0x5f: {  	v57 =	vor.u32 $0x24, v1;
	v5 =	vld.idx.msk [tilespmem:v56+s16+$0x0], $0xffff  }
0x60: {  	v58 =	vor.u32 $0x5, v2;
	_ =	sdelay $0x3  }
0x61: {  	[tilespmem:v57+s18+$0x0] =	vst.idx.msk $0xffff, v5  }
0x62: {  	v59 =	vor.u32 $0x5, v1;
	v5 =	vld.idx.msk [tilespmem:v58+s14+$0x0], $0xffff  }
0x63: {  	v60 =	vor.u32 $0x5, v3;
	_ =	sdelay $0x3  }
0x64: {  	[tilespmem:v59+s18+$0x0] =	vst.idx.msk $0xffff, v5  }
0x65: {  	v61 =	vor.u32 $0x15, v1;
	v5 =	vld.idx.msk [tilespmem:v60+s15+$0x0], $0xffff  }
0x66: {  	v62 =	vor.u32 $0x5, v4;
	_ =	sdelay $0x3  }
0x67: {  	[tilespmem:v61+s18+$0x0] =	vst.idx.msk $0xffff, v5  }
0x68: {  	v63 =	vor.u32 $0x25, v1;
	v5 =	vld.idx.msk [tilespmem:v62+s16+$0x0], $0xffff  }
0x69: {  	v9 =	vor.u32 $0x6, v2;
	_ =	sdelay $0x3  }
0x6a: {  	[tilespmem:v63+s18+$0x0] =	vst.idx.msk $0xffff, v5  }
0x6b: {  	v10 =	vor.u32 $0x6, v1;
	v5 =	vld.idx.msk [tilespmem:v9+s14+$0x0], $0xffff  }
0x6c: {  	v11 =	vor.u32 $0x6, v3;
	_ =	sdelay $0x3  }
0x6d: {  	[tilespmem:v10+s18+$0x0] =	vst.idx.msk $0xffff, v5  }
0x6e: {  	v12 =	vor.u32 $0x16, v1;
	v5 =	vld.idx.msk [tilespmem:v11+s15+$0x0], $0xffff  }
0x6f: {  	v13 =	vor.u32 $0x6, v4;
	_ =	sdelay $0x3  }
0x70: {  	[tilespmem:v12+s18+$0x0] =	vst.idx.msk $0xffff, v5  }
0x71: {  	v14 =	vor.u32 $0x26, v1;
	v5 =	vld.idx.msk [tilespmem:v13+s16+$0x0], $0xffff  }
0x72: {  	v15 =	vor.u32 $0x7, v2;
	_ =	sdelay $0x3  }
0x73: {  	[tilespmem:v14+s18+$0x0] =	vst.idx.msk $0xffff, v5  }
0x74: {  	v16 =	vor.u32 $0x7, v1;
	v5 =	vld.idx.msk [tilespmem:v15+s14+$0x0], $0xffff  }
0x75: {  	v17 =	vor.u32 $0x7, v3;
	_ =	sdelay $0x3  }
0x76: {  	[tilespmem:v16+s18+$0x0] =	vst.idx.msk $0xffff, v5  }
0x77: {  	v18 =	vor.u32 $0x17, v1;
	v5 =	vld.idx.msk [tilespmem:v17+s15+$0x0], $0xffff  }
0x78: {  	v19 =	vor.u32 $0x7, v4;
	_ =	sdelay $0x3  }
0x79: {  	[tilespmem:v18+s18+$0x0] =	vst.idx.msk $0xffff, v5  }
0x7a: {  	v20 =	vor.u32 $0x27, v1;
	v5 =	vld.idx.msk [tilespmem:v19+s16+$0x0], $0xffff  }
0x7b: {  	v21 =	vor.u32 $0x8, v2;
	_ =	sdelay $0x3  }
0x7c: {  	[tilespmem:v20+s18+$0x0] =	vst.idx.msk $0xffff, v5  }
0x7d: {  	v22 =	vor.u32 $0x8, v1;
	v5 =	vld.idx.msk [tilespmem:v21+s14+$0x0], $0xffff  }
0x7e: {  	v23 =	vor.u32 $0x8, v3;
	_ =	sdelay $0x3  }
0x7f: {  	[tilespmem:v22+s18+$0x0] =	vst.idx.msk $0xffff, v5  }
0x80: {  	v24 =	vor.u32 $0x18, v1;
	v5 =	vld.idx.msk [tilespmem:v23+s15+$0x0], $0xffff  }
0x81: {  	v25 =	vor.u32 $0x8, v4;
	_ =	sdelay $0x3  }
0x82: {  	[tilespmem:v24+s18+$0x0] =	vst.idx.msk $0xffff, v5  }
0x83: {  	v26 =	vor.u32 $0x28, v1;
	v5 =	vld.idx.msk [tilespmem:v25+s16+$0x0], $0xffff  }
0x84: {  	v27 =	vor.u32 $0x9, v2;
	_ =	sdelay $0x3  }
0x85: {  	[tilespmem:v26+s18+$0x0] =	vst.idx.msk $0xffff, v5  }
0x86: {  	v28 =	vor.u32 $0x9, v1;
	v5 =	vld.idx.msk [tilespmem:v27+s14+$0x0], $0xffff  }
0x87: {  	v29 =	vor.u32 $0x9, v3;
	_ =	sdelay $0x3  }
0x88: {  	[tilespmem:v28+s18+$0x0] =	vst.idx.msk $0xffff, v5  }
0x89: {  	v30 =	vor.u32 $0x19, v1;
	v5 =	vld.idx.msk [tilespmem:v29+s15+$0x0], $0xffff  }
0x8a: {  	v31 =	vor.u32 $0x9, v4;
	_ =	sdelay $0x3  }
0x8b: {  	[tilespmem:v30+s18+$0x0] =	vst.idx.msk $0xffff, v5  }
0x8c: {  	v32 =	vor.u32 $0x29, v1;
	v5 =	vld.idx.msk [tilespmem:v31+s16+$0x0], $0xffff  }
0x8d: {  	v33 =	vor.u32 $0xA, v2;
	_ =	sdelay $0x3  }
0x8e: {  	[tilespmem:v32+s18+$0x0] =	vst.idx.msk $0xffff, v5  }
0x8f: {  	v34 =	vor.u32 $0xA, v1;
	v5 =	vld.idx.msk [tilespmem:v33+s14+$0x0], $0xffff  }
0x90: {  	v35 =	vor.u32 $0xA, v3;
	_ =	sdelay $0x3  }
0x91: {  	[tilespmem:v34+s18+$0x0] =	vst.idx.msk $0xffff, v5  }
0x92: {  	v36 =	vor.u32 $0x1A, v1;
	v5 =	vld.idx.msk [tilespmem:v35+s15+$0x0], $0xffff  }
0x93: {  	v37 =	vor.u32 $0xA, v4;
	_ =	sdelay $0x3  }
0x94: {  	[tilespmem:v36+s18+$0x0] =	vst.idx.msk $0xffff, v5  }
0x95: {  	v38 =	vor.u32 $0x2A, v1;
	v5 =	vld.idx.msk [tilespmem:v37+s16+$0x0], $0xffff  }
0x96: {  	v39 =	vor.u32 $0xB, v2;
	_ =	sdelay $0x3  }
0x97: {  	[tilespmem:v38+s18+$0x0] =	vst.idx.msk $0xffff, v5  }
0x98: {  	v40 =	vor.u32 $0xB, v1;
	v5 =	vld.idx.msk [tilespmem:v39+s14+$0x0], $0xffff  }
0x99: {  	v41 =	vor.u32 $0xB, v3;
	_ =	sdelay $0x3  }
0x9a: {  	[tilespmem:v40+s18+$0x0] =	vst.idx.msk $0xffff, v5  }
0x9b: {  	v42 =	vor.u32 $0x1B, v1;
	v5 =	vld.idx.msk [tilespmem:v41+s15+$0x0], $0xffff  }
0x9c: {  	v43 =	vor.u32 $0xB, v4;
	_ =	sdelay $0x3  }
0x9d: {  	[tilespmem:v42+s18+$0x0] =	vst.idx.msk $0xffff, v5  }
0x9e: {  	v44 =	vor.u32 $0x2B, v1;
	v5 =	vld.idx.msk [tilespmem:v43+s16+$0x0], $0xffff  }
0x9f: {  	v45 =	vor.u32 $0xC, v2;
	_ =	sdelay $0x3  }
0xa0: {  	[tilespmem:v44+s18+$0x0] =	vst.idx.msk $0xffff, v5  }
0xa1: {  	v46 =	vor.u32 $0xC, v1;
	v5 =	vld.idx.msk [tilespmem:v45+s14+$0x0], $0xffff  }
0xa2: {  	v47 =	vor.u32 $0xC, v3;
	_ =	sdelay $0x3  }
0xa3: {  	[tilespmem:v46+s18+$0x0] =	vst.idx.msk $0xffff, v5  }
0xa4: {  	v48 =	vor.u32 $0x1C, v1;
	v5 =	vld.idx.msk [tilespmem:v47+s15+$0x0], $0xffff  }
0xa5: {  	v49 =	vor.u32 $0xC, v4;
	_ =	sdelay $0x3  }
0xa6: {  	[tilespmem:v48+s18+$0x0] =	vst.idx.msk $0xffff, v5  }
0xa7: {  	v50 =	vor.u32 $0x2C, v1;
	v5 =	vld.idx.msk [tilespmem:v49+s16+$0x0], $0xffff  }
0xa8: {  	v51 =	vor.u32 $0xD, v2;
	_ =	sdelay $0x3  }
0xa9: {  	[tilespmem:v50+s18+$0x0] =	vst.idx.msk $0xffff, v5  }
0xaa: {  	v52 =	vor.u32 $0xD, v1;
	v5 =	vld.idx.msk [tilespmem:v51+s14+$0x0], $0xffff  }
0xab: {  	v53 =	vor.u32 $0xD, v3;
	_ =	sdelay $0x3  }
0xac: {  	[tilespmem:v52+s18+$0x0] =	vst.idx.msk $0xffff, v5  }
0xad: {  	v54 =	vor.u32 $0x1D, v1;
	v5 =	vld.idx.msk [tilespmem:v53+s15+$0x0], $0xffff  }
0xae: {  	v55 =	vor.u32 $0xD, v4;
	_ =	sdelay $0x3  }
0xaf: {  	[tilespmem:v54+s18+$0x0] =	vst.idx.msk $0xffff, v5  }
0xb0: {  	v56 =	vor.u32 $0x2D, v1;
	v5 =	vld.idx.msk [tilespmem:v55+s16+$0x0], $0xffff  }
0xb1: {  	v57 =	vor.u32 $0xE, v2;
	_ =	sdelay $0x3  }
0xb2: {  	[tilespmem:v56+s18+$0x0] =	vst.idx.msk $0xffff, v5  }
0xb3: {  	v58 =	vor.u32 $0xE, v1;
	v5 =	vld.idx.msk [tilespmem:v57+s14+$0x0], $0xffff  }
0xb4: {  	v59 =	vor.u32 $0xE, v3;
	_ =	sdelay $0x3  }
0xb5: {  	[tilespmem:v58+s18+$0x0] =	vst.idx.msk $0xffff, v5  }
0xb6: {  	v60 =	vor.u32 $0x1E, v1;
	v5 =	vld.idx.msk [tilespmem:v59+s15+$0x0], $0xffff  }
0xb7: {  	v61 =	vor.u32 $0xE, v4;
	_ =	sdelay $0x3  }
0xb8: {  	[tilespmem:v60+s18+$0x0] =	vst.idx.msk $0xffff, v5  }
0xb9: {  	v62 =	vor.u32 $0x2E, v1;
	v5 =	vld.idx.msk [tilespmem:v61+s16+$0x0], $0xffff  }
0xba: {  	v2 =	vor.u32 $0xF, v2;
	_ =	sdelay $0x3  }
0xbb: {  	[tilespmem:v62+s18+$0x0] =	vst.idx.msk $0xffff, v5  }
0xbc: {  	v63 =	vor.u32 $0xF, v1;
	v2 =	vld.idx.msk [tilespmem:v2+s14+$0x0], $0xffff  }
0xbd: {  	v3 =	vor.u32 $0xF, v3;
	_ =	sdelay $0x3  }
0xbe: {  	[tilespmem:v63+s18+$0x0] =	vst.idx.msk $0xffff, v2  }
0xbf: {  	v2 =	vld.idx.msk [tilespmem:v3+s15+$0x0], $0xffff;
	v3 =	vor.u32 $0x1F, v1  }
0xc0: {  	v4 =	vor.u32 $0xF, v4;
	_ =	sdelay $0x3  }
0xc1: {  	[tilespmem:v3+s18+$0x0] =	vst.idx.msk $0xffff, v2  }
0xc2: {  	p0 =	sne.s32 s25, $0x70;
	v1 =	vor.u32 $0x2F, v1;
	v2 =	vld.idx.msk [tilespmem:v4+s16+$0x0], $0xffff  }
.Ltmp0:
0xc3: {  	_ = 	snop;
	(pc) =	sbr.rel @p0 .LBB2_3-.Ltmp0, $3  }
0xc4: {  	_ =	sdelay $0x1  }
0xc5: {  	s29 =	sadd.s32 $0x10, s29  }
0xc6: {  	s28 =	sadd.s32 $0x10, s28;
	s26 =	sadd.s32 $0x10, s26;
	s25 =	sadd.s32 $0x10, s25;
	[tilespmem:v1+s18+$0x0] =	vst.idx.msk $0xffff, v2  }
0xc7: {  	s24 =	sadd.s32 s9, s24;
	s23 =	sadd.s32 $0x1, s23  }
0xc8: {  	s24 =	sshll.u32 s24, $0x4;
	p0 =	sne.s32 s23, $0x4  }
.Ltmp1:
0xc9: {  	s24 =	sadd.s32 s10, s24;
	(pc) =	sbr.rel @p0 .LBB2_2-.Ltmp1, $4  }
0xca: {  	[hbm4b:s24+s4] =	stream.linear.scatter [tilespmem:s18], [sflag:$0x2], $0x4000, $0x38;
	[tilespmem:$0x17A00] =	vst v63  }
0xcb: {  	_ =	swait.ge [sflag:s13], $0x4000  }
0xcc: {  	s20 =	sadd.s32 $0x80, s20;
	[sflag:s13] =	ssyncset.done $0x0  }
0xcd: {  	s21 =	sadd.s32 $0x80, s21;
	s22 =	sadd.s32 $0x80, s22;
	[sflag:s13] =	ssyncadd.s32 $0xFFFFC000  }
0xce: {  	s19 =	sadd.s32 $0x1, s19  }
0xcf: {  	p0 =	sne.s32 s19, s12  }
.Ltmp2:
0xd0: {  	_ = 	snop;
	(pc) =	sbr.rel @p0 .LBB2_1-.Ltmp2, $1  }
0xd1: {  	_ =	sdelay $0x3  }
0xd2: {  	_ =	sfence.sel $0x180000  }
0xd3: {  	[bflag:$0x0] =	sbarrier.arrive $0xFFFF  }
0xd4: {  	p0 =	sne.s32 s5, $0x0;
	_ =	strace $0x9000004A  }
0xd5: {  	s0 =	sadd.s32 @!p0 $0x100000, s0;
	[bflag:$0x2] =	sbarrier.arrive $0xFFFF  }
0xd6: {  	[sflag:s0] =	ssyncadd.tile.s32 @!p0 $0x1;
	_ =	shalt  }
.Lfunc_end2:
_tile_overlayer_lowered:
.L_overlay_start_2:
0xd7: {  	(tag) =	ssettag $0x2  }
0xd8: {  	s0 =	rddreg [dreg:$0x0];
	s2 =	stileid.u32  }
0xd9: {  	s1 =	rddreg [dreg:$0x1];
	p0 =	sne.s32 s2, $0x0  }
0xda: {  	s3 =	rddreg [dreg:$0x2];
	[bflag:$0x3] =	sbarrier.arrive $0xFFFF;
	s2 =	simm.s32 @!p0 $0x1C02  }
0xdb: {  	[timem:s3], [sflag:s2] =	dma.local @!p0 [hbm:s0], s1  }
0xdc: {  	s0 =	simm.s32 @!p0 $0x2  }
0xdd: {  	_ =	swait.ge @!p0 [sflag:s0], s1  }
0xde: {  	s1 =	ssub.s32 @!p0 $0x0, s1;
	[sflag:s0] =	ssyncset.done @!p0 $0x0  }
0xdf: {  	[sflag:s0] =	ssyncadd.s32 @!p0 s1  }
0xe0: {  	[bflag:$0x3] =	sbarrier.arrive $0xFFFF  }
0xe1: {  	_ =	shalt  }

// kernel: kernel.13.cloned.1.call-start
scs
__scs_entry_jumppad:
0x0: {  	(pc) =	sbr.rel $0x88, $3  }
0x1: {  	(tag) =	ssettag $0x0;
	lr =	simm.s32 $0x1  }
0x2: {  	[smem:$0x3F97] =	sst lr;
	_ =	strace $0xD0000000  }
0x3: {  	_ = 	snop  }
0x4: {  	_ = 	snop  }
0x5: {  	_ = 	snop  }
0x6: {  	_ = 	snop  }
0x7: {  	_ = 	snop  }
__scs_overlays_trampoline_lowered:
0x8: {  	[smem:$0x3FA6] =	sst s0  }
0x9: {  	[smem:$0x3FA7] =	sst s1  }
0xa: {  	[smem:$0x3FA8] =	sst s2  }
0xb: {  	[smem:$0x3FA9] =	sst s3  }
0xc: {  	[smem:$0x3FAA] =	sst s4  }
0xd: {  	[smem:$0x3FAB] =	sst s5  }
0xe: {  	[smem:$0x3FAC] =	sst s6  }
0xf: {  	[smem:$0x3FAD] =	sst s7  }
0x10: {  	[smem:$0x3FAE] =	sst s8  }
0x11: {  	[smem:$0x3FAF] =	sst s9;
	s0 =	simm.s32 @!p0 $0x0  }
0x12: {  	s1 =	sld [smem:$0x3F95];
	s0 =	simm.s32 @p0 $0x1  }
0x13: {  	[smem:$0x3FB0] =	sst s0;
	s0 =	simm.s32 @!p1 $0x0  }
0x14: {  	s2 =	sld [smem:$0x3F94];
	s0 =	simm.s32 @p1 $0x1  }
0x15: {  	[smem:$0x3FB1] =	sst s0;
	s0 =	simm.s32 @!p2 $0x0  }
0x16: {  	s3 =	sld [smem:$0x3FDB];
	s0 =	simm.s32 @p2 $0x1  }
0x17: {  	s4 =	simm.s32 $0x1BF5;
	[smem:$0x3FB3] =	sst s0  }
0x18: {  	s0 =	sld [smem:$0x3F96];
	_ =	swait.ge [sflag:s4], $0x0  }
0x19: {  	s7 =	sld [smem:$0x3F97]  }
0x1a: {  	s8 =	sadd.s32 $0xFFFFE003, lr  }
0x1b: {  	s9 =	sadd.s32 $0xFFFFFEF7, lr;
	s5 =	simm.s32 $0xFFFFFFFF;
	p2 =	slt.u32 s8, $0xFFFFF086  }
0x1c: {  	p1 =	slt.u32 s9, $0xF7A;
	s5 =	simm.s32 @!p2 $0x0  }
0x1d: {  	s5 =	simm.s32 @p1 $0x1;
	p0 =	seq.s32 s7, s2  }
0x1e: {  	s7 =	smul.u32 @!p0 $0xF7A, s2;
	p2 =	seq.s32 @!p0 s5, $0x0  }
0x1f: {  	s9 =	smul.u32 $0xF7A, s1;
	s8 =	simm.s32 @!p0 $0x1BF5;
	p2 =	por !p2, p0  }
0x20: {  	[sflag:s8] =	ssyncset.s32 @!p0 $0xFFFFF086;
	s6 =	sadd.s32 @!p0 s3, s7;
	s7 =	simm.s32 @!p0 $0x108  }
0x21: {  	s3 =	sadd.s32 s3, s9;
	s6 =	sadd.s32 @!p0 $0x88, s6;
	s7 =	simm.s32 @p2 $0x1082  }
0x22: {  	[simem:s7], [sflag:s8] =	dma.local @!p0 [hbm:s6], $0xF7A  }
0x23: {  	s9 =	sor.u32 $0xD0000000, s2;
	s6 =	simm.s32 $0x108;
	_ =	swait.ge @!p0 [sflag:s8], $0x0  }
0x24: {  	s3 =	sadd.s32 $0x88, s3;
	s6 =	simm.s32 @!p1 $0x1082;
	[sflag:s4] =	ssyncset.s32 $0xFFFFF086  }
0x25: {  	[simem:s6], [sflag:s4] =	dma.local [hbm:s3], $0xF7A  }
0x26: {  	[smem:$0x3F97] =	sst s1;
	(tag) =	ssettag s2;
	_ =	strace s9  }
0x27: {  	s1 =	sld [smem:$0x3FA7]  }
0x28: {  	s2 =	sld [smem:$0x3FA8]  }
0x29: {  	s4 =	sld [smem:$0x3FAA]  }
0x2a: {  	p0 =	seq.s32 s5, $0x0;
	s5 =	sld [smem:$0x3FAB]  }
0x2b: {  	s6 =	sld [smem:$0x3FAC]  }
0x2c: {  	s7 =	sld [smem:$0x3FAD]  }
0x2d: {  	s3 =	simm.s32 $0x108;
	s8 =	sld [smem:$0x3FAE]  }
0x2e: {  	s3 =	simm.s32 @!p0 $0x1082;
	s9 =	sld [smem:$0x3FAF]  }
0x2f: {  	lr =	sadd.s32 s0, s3;
	s0 =	sld [smem:$0x3FA6]  }
0x30: {  	s3 =	sld [smem:$0x3FA9]  }
0x31: {  	[smem:$0x3FB2] =	sst s10  }
0x32: {  	s10 =	sld [smem:$0x3FB0];
	_ =	sdelay $0x3  }
0x33: {  	p0 =	seq.s32 s10, $0x1;
	s10 =	sld [smem:$0x3FB2];
	_ =	sdelay $0x3  }
0x34: {  	[smem:$0x3FB2] =	sst s10  }
0x35: {  	s10 =	sld [smem:$0x3FB1];
	_ =	sdelay $0x3  }
0x36: {  	p1 =	seq.s32 s10, $0x1;
	s10 =	sld [smem:$0x3FB2];
	_ =	sdelay $0x3  }
0x37: {  	[smem:$0x3FB2] =	sst s10  }
0x38: {  	s10 =	sld [smem:$0x3FB3]  }
0x39: {  	_ = 	snop;
	(pc) =	sbr.ind lr, $3  }
0x3a: {  	_ = 	snop  }
0x3b: {  	_ = 	snop  }
0x3c: {  	p2 =	seq.s32 s10, $0x1;
	s10 =	sld [smem:$0x3FB2]  }
0x3d: {  	_ =	shalt  }
0x3e: {  	_ =	shalt  }
0x3f: {  	_ =	shalt  }
0x40: {  	_ =	shalt  }
0x41: {  	_ =	shalt  }
0x42: {  	_ =	shalt  }
0x43: {  	_ =	shalt  }
0x44: {  	_ =	shalt  }
0x45: {  	_ =	shalt  }
0x46: {  	_ =	shalt  }
0x47: {  	_ =	shalt  }
0x48: {  	_ =	shalt  }
0x49: {  	_ =	shalt  }
0x4a: {  	_ =	shalt  }
0x4b: {  	_ =	shalt  }
0x4c: {  	_ =	shalt  }
0x4d: {  	_ =	shalt  }
0x4e: {  	_ =	shalt  }
0x4f: {  	_ =	shalt  }
0x50: {  	_ =	shalt  }
0x51: {  	_ =	shalt  }
0x52: {  	_ =	shalt  }
0x53: {  	_ =	shalt  }
0x54: {  	_ =	shalt  }
0x55: {  	_ =	shalt  }
0x56: {  	_ =	shalt  }
0x57: {  	_ =	shalt  }
0x58: {  	_ =	shalt  }
0x59: {  	_ =	shalt  }
0x5a: {  	_ =	shalt  }
0x5b: {  	_ =	shalt  }
0x5c: {  	_ =	shalt  }
0x5d: {  	_ =	shalt  }
0x5e: {  	_ =	shalt  }
0x5f: {  	_ =	shalt  }
0x60: {  	_ =	shalt  }
0x61: {  	_ =	shalt  }
0x62: {  	_ =	shalt  }
0x63: {  	_ =	shalt  }
0x64: {  	_ =	shalt  }
0x65: {  	_ =	shalt  }
0x66: {  	_ =	shalt  }
0x67: {  	_ =	shalt  }
0x68: {  	_ =	shalt  }
0x69: {  	_ =	shalt  }
0x6a: {  	_ =	shalt  }
0x6b: {  	_ =	shalt  }
0x6c: {  	_ =	shalt  }
0x6d: {  	_ =	shalt  }
0x6e: {  	_ =	shalt  }
0x6f: {  	_ =	shalt  }
0x70: {  	_ =	shalt  }
0x71: {  	_ =	shalt  }
0x72: {  	_ =	shalt  }
0x73: {  	_ =	shalt  }
0x74: {  	_ =	shalt  }
0x75: {  	_ =	shalt  }
0x76: {  	_ =	shalt  }
0x77: {  	_ =	shalt  }
0x78: {  	_ =	shalt  }
0x79: {  	_ =	shalt  }
0x7a: {  	_ =	shalt  }
0x7b: {  	_ =	shalt  }
0x7c: {  	_ =	shalt  }
0x7d: {  	_ =	shalt  }
0x7e: {  	_ =	shalt  }
0x7f: {  	_ =	shalt  }
0x80: {  	_ =	shalt  }
0x81: {  	_ =	shalt  }
0x82: {  	_ =	shalt  }
0x83: {  	_ =	shalt  }
0x84: {  	_ =	shalt  }
0x85: {  	_ =	shalt  }
0x86: {  	_ =	shalt  }
0x87: {  	_ =	shalt  }
.Lfunc_end0:
.L_simem_size_0:
called_computation.2_lowered:
.L_overlay_start_0:
0x88: {  	s2 =	sld [smem:$0x3FD9]  }
0x89: {  	s3 =	sld [smem:$0x3FFE];
	_ =	sdelay $0x1  }
0x8a: {  	s1 =	srdreg.scid  }
0x8b: {  	s0 =	sand.u32 $0x1, s1  }
0x8c: {  	s17 =	sshll.u32 s0, $0xA;
	s2 =	sadd.s32 s3, s2  }
0x8d: {  	s2 =	sadd.s32 s2, s17  }
0x8e: {  	[smem:$0x3FBE] =	sst s2  }
0x8f: {  	_ = 	snop  }
0x90: {  	s4 =	sld [smem:$0x3FC9]  }
0x91: {  	s18 =	sld [smem:$0x3FD0];
	(tm) =	ssettm $0x1  }
0x92: {  	s19 =	sld [smem:$0x3FFB];
	_ =	sdelay $0x3  }
0x93: {  	_ =	strace s19  }
0x94: {  	s2 =	sld [smem:$0x3FFC];
	_ =	sdelay $0x3  }
0x95: {  	_ =	strace s2  }
0x96: {  	s2 =	sld [smem:$0x3FFD];
	_ =	sdelay $0x3  }
0x97: {  	_ =	strace s2  }
0x98: {  	_ =	strace $0x8FFFFFFF  }
0x99: {  	s20 =	sld [smem:$0x3FDB];
	_ =	sdelay $0x1  }
0x9a: {  	s5 =	simm.s32 $_scs_section_size  }
0x9b: {  	s6 =	simm.s32 $_size__tile_overlayer_lowered;
	s7 =	simm.s32 $_tile_overlayer_lowered  }
0x9c: {  	s8 =	simm.s32 $0x1BFF;
	s21 =	sshll.u32 s7, $0x1;
	s5 =	sadd.s32 s5, s20  }
0x9d: {  	s22 =	simm.s32 $0x0;
	s6 =	sshll.u32 s6, $0x1;
	s7 =	sadd.s32 s21, s5  }
0x9e: {  	[timem:s22], [sflag:s8] =	dma.local [hbm:s7], s6  }
0x9f: {  	_ =	swait.ge [sflag:s8], s6  }
0xa0: {  	s6 =	ssub.s32 $0x0, s6;
	[sflag:s8] =	ssyncset.done $0x0  }
0xa1: {  	[sflag:s8] =	ssyncadd.s32 s6;
	_ =	sdelay $0x1  }
0xa2: {  	s23 =	simm.s32 $0x1B8B  }
0xa3: {  	_ =	swait.ge [sflag:s23], $0x1  }
0xa4: {  	[sflag:s23] =	ssyncset.done $0x0  }
0xa5: {  	[sflag:s23] =	ssyncadd.s32 $0xFFFFFFFF  }
0xa6: {  	s6 =	sld [smem:$0x0]  }
0xa7: {  	s7 =	sand.u32 $0xFFFFFFFE, s1  }
0xa8: {  	p0 =	sne.s32 s1, s7  }
0xa9: {  	s7 =	sshll.u32 @p0 s7, $0xE  }
0xaa: {  	s7 =	sadd.s32 @p0 $0x11B8D, s7;
	s8 =	sshll.u32 @p0 s6, $0x11  }
0xab: {  	s7 =	sor.u32 @p0 s8, s7  }
0xac: {  	[sflag:s7] =	ssyncadd.remote.s32 @p0 $0x1;
	_ =	sdelay $0x1  }
0xad: {  	s7 =	simm.s32 @p0 $0x1B8D  }
0xae: {  	_ =	swait.eq @p0 [sflag:s7], $0x1  }
0xaf: {  	[sflag:s7] =	ssyncadd.s32 @p0 $0xFFFFFFFF  }
0xb0: {  	s8 =	sshll.u32 @!p0 s1, $0xE  }
0xb1: {  	s8 =	sor.u32 @!p0 $0x4000, s8;
	s7 =	simm.s32 @!p0 $0x1B8D  }
0xb2: {  	s6 =	sshll.u32 @!p0 s6, $0x11;
	s8 =	sadd.s32 @!p0 $0x11B8D, s8;
	_ =	swait.eq @!p0 [sflag:s7], $0x1  }
0xb3: {  	s6 =	sor.u32 @!p0 s6, s8;
	[sflag:s7] =	ssyncadd.s32 @!p0 $0xFFFFFFFF  }
0xb4: {  	s25 =	simm.s32 $0x1B8E;
	s24 =	sld [smem:$0x3FFE];
	[sflag:s6] =	ssyncadd.remote.s32 @!p0 $0x1  }
0xb5: {  	s26 =	simm.s32 $execute0_lowered;
	[smem:$0x3FD2] =	sst s25  }
0xb6: {  	s7 =	sshll.u32 s26, $0x1;
	_ =	strace $0x8000004C;
	[dreg:$0x1] =	wrdreg $0xFFFFFFFF  }
0xb7: {  	s28 =	simm.s32 $_size_execute0_lowered;
	s5 =	sadd.s32 s5, s7;
	[dreg:$0x0] =	wrdreg $0x0  }
0xb8: {  	s7 =	sshll.u32 s28, $0x1;
	[dreg:$0x2] =	wrdreg s5  }
0xb9: {  	[dreg:$0x3] =	wrdreg s7  }
0xba: {  	[dreg:$0x4] =	wrdreg $0xC0  }
0xbb: {  	_ =	task [dreg:s22], $0x5FFFF  }
0xbc: {  	[dreg:$0x1] =	wrdreg $0xFFFFFFFF  }
0xbd: {  	[dreg:$0x0] =	wrdreg $0x60  }
0xbe: {  	[dreg:$0x2] =	wrdreg s4  }
0xbf: {  	[dreg:$0x3] =	wrdreg s24  }
0xc0: {  	[dreg:$0x4] =	wrdreg s18  }
0xc1: {  	[dreg:$0x5] =	wrdreg $0xA  }
0xc2: {  	_ =	task.clear_ibuf [dreg:s22], $0x6FFFF;
	_ =	strace $0x9000004C  }
0xc3: {  	s29 =	simm.s32 $0xA;
	_ =	strace $0x8000004E  }
0xc4: {  	_ =	swait.ge [sflag:s29], $0x1  }
0xc5: {  	[sflag:s29] =	ssyncadd.s32 $0xFFFFFFFF  }
0xc6: {  	_ =	strace $0x9000004E  }
0xc7: {  	_ =	sfence  }
0xc8: {  	s30 =	sld [smem:$0x0];
	_ =	sdelay $0x2  }
0xc9: {  	s31 =	sshll.u32 s1, $0xD;
	s1 =	sshrl.u32 s1, $0x2  }
0xca: {  	s4 =	sand.u32 $0x4000, s31;
	s1 =	sadd.s32 s1, s30  }
0xcb: {  	s0 =	sor.u32 s4, s0;
	s1 =	sshll.u32 s1, $0x11  }
0xcc: {  	s0 =	sor.u32 s1, s0  }
0xcd: {  	s0 =	sadd.s32 $0x8F2B, s0  }
0xce: {  	[sflag:s0] =	ssyncadd.remote.s32 $0x1  }
0xcf: {  	_ =	sfence.sel $0xFFFF  }
0xd0: {  	[dreg:$0x0] =	wrdreg $0xFFFFFFFF;
	(pc) =	sbr.abs _section_cstart, $3  }
0xd1: {  	[dreg:$0x1] =	wrdreg $0xFFFFFFFF  }
0xd2: {  	_ =	task.clear_ibuf [dreg:s22], $0x2FFFF;
	_ =	strace $0x9FFFFFFF  }
0xd3: {  	(tm) =	ssettm $0x7FFFFFFF  }
tec
execute0_lowered:
.L_overlay_start_1:
0x0: {  	(tag) =	ssettag $0x1  }
0x1: {  	s5 =	rddreg [dreg:$0x0]  }
0x2: {  	s6 =	rddreg [dreg:$0x1]  }
0x3: {  	s13 =	rddreg [dreg:$0x2]  }
0x4: {  	s0 =	rddreg [dreg:$0x3];
	s1 =	simm.s32 $0x0;
	s7 =	srdreg.scid  }
0x5: {  	s2 =	stileid.u32;
	s16 =	simm.s32 $0x80;
	s17 =	simm.s32 $0x200  }
0x6: {  	s18 =	simm.s32 $0x400;
	s19 =	simm.s32 $0x4400;
	s20 =	simm.s32 $0x1  }
0x7: {  	s21 =	simm.s32 $0x2;
	s22 =	simm.s32 $0x280;
	s23 =	simm.s32 $0x300  }
0x8: {  	s24 =	simm.s32 $0x380;
	s25 =	simm.s32 $0x0;
	[smem:$0x7FF] =	sst s1  }
0x9: {  	s3 =	sadd.s32 $0x7ED400, s6;
	s4 =	sadd.s32 $0x2A00, s6;
	s7 =	sand.u32 $0x1, s7  }
0xa: {  	s9 =	sshll.u32 s2, $0xA;
	s8 =	ssub.s32 $0x2, s7;
	s7 =	sshll.u32 s7, $0x9  }
0xb: {  	s14 =	sadd.s32 $0xF95400, s6;
	s30 =	sshrl.u32 s8, $0x1;
	s7 =	sor.u32 s7, s9  }
0xc: {  	_ =	strace $0x8000004D;
	s6 =	ssub.s32 s8, s30;
	s31 =	sshrl.u32 s7, $0x3  }
0xd: {  	s11 =	sshll.u32 s7, $0x4;
	s5 =	sadd.s32 s5, s31;
	s6 =	smax.u32 s6, $0x1  }
0xe: {  	s10 =	sor.u32 $0x800, s11;
	s7 =	sadd.s32 s13, s11;
	s8 =	sadd.s32 s14, s11  }
0xf: {  	s12 =	sor.u32 $0x1000, s11;
	s15 =	sor.u32 $0x1800, s11;
	s9 =	sadd.s32 s13, s10  }
0x10: {  	s10 =	sadd.s32 s14, s10;
	s11 =	sadd.s32 s13, s12;
	s12 =	sadd.s32 s14, s12  }
0x11: {  	s13 =	sadd.s32 s13, s15;
	s14 =	sadd.s32 s14, s15;
	s15 =	simm.s32 $0x3  }
.LBB2_1:
0x12: {  	[tilespmem:s1], [sflag:$0x3] =	stream.linear.gather [hbm4b:s5+s1], $0x200, $0x38;
	[tilespmem:$0x8400] =	vst v63  }
0x13: {  	_ =	swait.ge [sflag:s15], $0x200  }
0x14: {  	[sflag:s15] =	ssyncset.done $0x0  }
0x15: {  	s26 =	simm.s32 $0x0;
	[sflag:s15] =	ssyncadd.s32 $0xFFFFFE00  }
0x16: {  	s28 =	simm.s32 $0x40;
	v0 =	vld [tilespmem:s26+$0x0]  }
.LBB2_2:
0x17: {  	_ =	sdelay $0x1  }
0x18: {  	p0 =	sne.s32 s28, $0x7C0  }
.Ltmp0:
0x19: {  	_ = 	snop;
	(pc) =	sbr.rel @p0 .LBB2_2-.Ltmp0, $4  }
0x1a: {  	v1 =	vshrl.u32 v0, $0x1  }
0x1b: {  	v2 =	vand.u32 $0x7FF, v0;
	v1 =	vand.u32 $0x7FFFF800, v1  }
0x1c: {  	s29 =	sshra.s32 s28, $0x2;
	v1 =	vor.u32 v2, v1  }
0x1d: {  	s28 =	sadd.s32 $0x40, s28;
	v0 =	vld [tilespmem:s29+$0x0];
	[tilespmem:s26+$0x200] =	vst v1;
	s26 =	smov.u32 s29  }
0x1e: {  	_ =	sdelay $0x3  }
0x1f: {  	v1 =	vshrl.u32 v0, $0x1  }
0x20: {  	v63 =	vand.u32 $0x7FF, v0;
	v1 =	vand.u32 $0x7FFFF800, v1  }
0x21: {  	v0 =	vor.u32 v63, v1  }
0x22: {  	[tilespmem:s26+$0x200] =	vst v0  }
0x23: {  	[tilespmem:s18], [sflag:$0x1] =	stream.indirect.gather [hbm4b:s3+s16], $0x80, s17, s16, $0xb8;
	[tilespmem:$0x8400] =	vst v63  }
0x24: {  	_ = 	snop  }
0x25: {  	[tilespmem:s19], [sflag:$0x2] =	stream.indirect.gather [hbm4b:s4+s16], $0x80, s17, s16, $0xb8;
	[tilespmem:$0x8400] =	vst v63  }
0x26: {  	_ =	swait.ge [sflag:s20], $0x4000  }
0x27: {  	[sflag:s20] =	ssyncset.done $0x0  }
0x28: {  	[sflag:s20] =	ssyncadd.s32 $0xFFFFC000  }
0x29: {  	[hbm4b:s7+s1] =	stream.linear.scatter [tilespmem:s18], [sflag:$0x3], $0x4000, $0x38;
	[tilespmem:$0x8400] =	vst v63  }
0x2a: {  	_ =	swait.ge [sflag:s15], $0x4000  }
0x2b: {  	[sflag:s15] =	ssyncset.done $0x0  }
0x2c: {  	[sflag:s15] =	ssyncadd.s32 $0xFFFFC000  }
0x2d: {  	_ =	swait.ge [sflag:s21], $0x4000  }
0x2e: {  	[sflag:s21] =	ssyncset.done $0x0  }
0x2f: {  	[sflag:s21] =	ssyncadd.s32 $0xFFFFC000  }
0x30: {  	[hbm4b:s8+s1] =	stream.linear.scatter [tilespmem:s19], [sflag:$0x3], $0x4000, $0x38;
	[tilespmem:$0x8400] =	vst v63  }
0x31: {  	_ =	swait.ge [sflag:s15], $0x4000  }
0x32: {  	[sflag:s15] =	ssyncset.done $0x0  }
0x33: {  	[sflag:s15] =	ssyncadd.s32 $0xFFFFC000  }
0x34: {  	[tilespmem:s18], [sflag:$0x1] =	stream.indirect.gather [hbm4b:s3+s16], $0x80, s22, s16, $0xb8;
	[tilespmem:$0x8400] =	vst v63  }
0x35: {  	_ = 	snop  }
0x36: {  	[tilespmem:s19], [sflag:$0x2] =	stream.indirect.gather [hbm4b:s4+s16], $0x80, s22, s16, $0xb8;
	[tilespmem:$0x8400] =	vst v63  }
0x37: {  	_ =	swait.ge [sflag:s20], $0x4000  }
0x38: {  	[sflag:s20] =	ssyncset.done $0x0  }
0x39: {  	[sflag:s20] =	ssyncadd.s32 $0xFFFFC000  }
0x3a: {  	[hbm4b:s9+s1] =	stream.linear.scatter [tilespmem:s18], [sflag:$0x3], $0x4000, $0x38;
	[tilespmem:$0x8400] =	vst v63  }
0x3b: {  	_ =	swait.ge [sflag:s15], $0x4000  }
0x3c: {  	[sflag:s15] =	ssyncset.done $0x0  }
0x3d: {  	[sflag:s15] =	ssyncadd.s32 $0xFFFFC000  }
0x3e: {  	_ =	swait.ge [sflag:s21], $0x4000  }
0x3f: {  	[sflag:s21] =	ssyncset.done $0x0  }
0x40: {  	[sflag:s21] =	ssyncadd.s32 $0xFFFFC000  }
0x41: {  	[hbm4b:s10+s1] =	stream.linear.scatter [tilespmem:s19], [sflag:$0x3], $0x4000, $0x38;
	[tilespmem:$0x8400] =	vst v63  }
0x42: {  	_ =	swait.ge [sflag:s15], $0x4000  }
0x43: {  	[sflag:s15] =	ssyncset.done $0x0  }
0x44: {  	[sflag:s15] =	ssyncadd.s32 $0xFFFFC000  }
0x45: {  	[tilespmem:s18], [sflag:$0x1] =	stream.indirect.gather [hbm4b:s3+s16], $0x80, s23, s16, $0xb8;
	[tilespmem:$0x8400] =	vst v63  }
0x46: {  	_ = 	snop  }
0x47: {  	[tilespmem:s19], [sflag:$0x2] =	stream.indirect.gather [hbm4b:s4+s16], $0x80, s23, s16, $0xb8;
	[tilespmem:$0x8400] =	vst v63  }
0x48: {  	_ =	swait.ge [sflag:s20], $0x4000  }
0x49: {  	[sflag:s20] =	ssyncset.done $0x0  }
0x4a: {  	[sflag:s20] =	ssyncadd.s32 $0xFFFFC000  }
0x4b: {  	[hbm4b:s11+s1] =	stream.linear.scatter [tilespmem:s18], [sflag:$0x3], $0x4000, $0x38;
	[tilespmem:$0x8400] =	vst v63  }
0x4c: {  	_ =	swait.ge [sflag:s15], $0x4000  }
0x4d: {  	[sflag:s15] =	ssyncset.done $0x0  }
0x4e: {  	[sflag:s15] =	ssyncadd.s32 $0xFFFFC000  }
0x4f: {  	_ =	swait.ge [sflag:s21], $0x4000  }
0x50: {  	[sflag:s21] =	ssyncset.done $0x0  }
0x51: {  	[sflag:s21] =	ssyncadd.s32 $0xFFFFC000  }
0x52: {  	[hbm4b:s12+s1] =	stream.linear.scatter [tilespmem:s19], [sflag:$0x3], $0x4000, $0x38;
	[tilespmem:$0x8400] =	vst v63  }
0x53: {  	_ =	swait.ge [sflag:s15], $0x4000  }
0x54: {  	[sflag:s15] =	ssyncset.done $0x0  }
0x55: {  	[sflag:s15] =	ssyncadd.s32 $0xFFFFC000  }
0x56: {  	[tilespmem:s18], [sflag:$0x1] =	stream.indirect.gather [hbm4b:s3+s16], $0x80, s24, s16, $0xb8;
	[tilespmem:$0x8400] =	vst v63  }
0x57: {  	_ = 	snop  }
0x58: {  	[tilespmem:s19], [sflag:$0x2] =	stream.indirect.gather [hbm4b:s4+s16], $0x80, s24, s16, $0xb8;
	[tilespmem:$0x8400] =	vst v63  }
0x59: {  	_ =	swait.ge [sflag:s20], $0x4000  }
0x5a: {  	[sflag:s20] =	ssyncset.done $0x0  }
0x5b: {  	[sflag:s20] =	ssyncadd.s32 $0xFFFFC000  }
0x5c: {  	[hbm4b:s13+s1] =	stream.linear.scatter [tilespmem:s18], [sflag:$0x3], $0x4000, $0x38;
	[tilespmem:$0x8400] =	vst v63  }
0x5d: {  	_ =	swait.ge [sflag:s15], $0x4000  }
0x5e: {  	[sflag:s15] =	ssyncset.done $0x0  }
0x5f: {  	[sflag:s15] =	ssyncadd.s32 $0xFFFFC000  }
0x60: {  	s25 =	sadd.s32 $0x1, s25;
	_ =	swait.ge [sflag:s21], $0x4000  }
0x61: {  	p0 =	sne.s32 s25, s6;
	[sflag:s21] =	ssyncset.done $0x0  }
.Ltmp1:
0x62: {  	[sflag:s21] =	ssyncadd.s32 $0xFFFFC000;
	(pc) =	sbr.rel @p0 .LBB2_1-.Ltmp1, $4  }
0x63: {  	[hbm4b:s14+s1] =	stream.linear.scatter [tilespmem:s19], [sflag:$0x3], $0x4000, $0x38;
	[tilespmem:$0x8400] =	vst v63  }
0x64: {  	_ =	swait.ge [sflag:s15], $0x4000  }
0x65: {  	[sflag:s15] =	ssyncset.done $0x0  }
0x66: {  	[sflag:s15] =	ssyncadd.s32 $0xFFFFC000  }
0x67: {  	_ =	sfence.sel $0x180000  }
0x68: {  	[bflag:$0x0] =	sbarrier.arrive $0xFFFF  }
0x69: {  	p0 =	sne.s32 s2, $0x0;
	_ =	strace $0x9000004D  }
0x6a: {  	s0 =	sadd.s32 @!p0 $0x100000, s0;
	[bflag:$0x2] =	sbarrier.arrive $0xFFFF  }
0x6b: {  	[sflag:s0] =	ssyncadd.tile.s32 @!p0 $0x1;
	_ =	shalt  }
.Lfunc_end2:
_tile_overlayer_lowered:
.L_overlay_start_2:
0x6c: {  	(tag) =	ssettag $0x2  }
0x6d: {  	s0 =	rddreg [dreg:$0x0];
	s2 =	stileid.u32  }
0x6e: {  	s1 =	rddreg [dreg:$0x1];
	p0 =	sne.s32 s2, $0x0  }
0x6f: {  	s3 =	rddreg [dreg:$0x2];
	[bflag:$0x3] =	sbarrier.arrive $0xFFFF;
	s2 =	simm.s32 @!p0 $0x1C03  }
0x70: {  	[timem:s3], [sflag:s2] =	dma.local @!p0 [hbm:s0], s1  }
0x71: {  	s0 =	simm.s32 @!p0 $0x3  }
0x72: {  	_ =	swait.ge @!p0 [sflag:s0], s1  }
0x73: {  	s1 =	ssub.s32 @!p0 $0x0, s1;
	[sflag:s0] =	ssyncset.done @!p0 $0x0  }
0x74: {  	[sflag:s0] =	ssyncadd.s32 @!p0 s1  }
0x75: {  	[bflag:$0x3] =	sbarrier.arrive $0xFFFF  }
0x76: {  	_ =	shalt  }

// kernel: kernel.7.cloned.1.call-start
scs
__scs_entry_jumppad:
0x0: {  	(pc) =	sbr.rel $0x88, $3  }
0x1: {  	(tag) =	ssettag $0x0;
	lr =	simm.s32 $0x1  }
0x2: {  	[smem:$0x3F97] =	sst lr;
	_ =	strace $0xD0000000  }
0x3: {  	_ = 	snop  }
0x4: {  	_ = 	snop  }
0x5: {  	_ = 	snop  }
0x6: {  	_ = 	snop  }
0x7: {  	_ = 	snop  }
__scs_overlays_trampoline_lowered:
0x8: {  	[smem:$0x3FA6] =	sst s0  }
0x9: {  	[smem:$0x3FA7] =	sst s1  }
0xa: {  	[smem:$0x3FA8] =	sst s2  }
0xb: {  	[smem:$0x3FA9] =	sst s3  }
0xc: {  	[smem:$0x3FAA] =	sst s4  }
0xd: {  	[smem:$0x3FAB] =	sst s5  }
0xe: {  	[smem:$0x3FAC] =	sst s6  }
0xf: {  	[smem:$0x3FAD] =	sst s7  }
0x10: {  	[smem:$0x3FAE] =	sst s8  }
0x11: {  	[smem:$0x3FAF] =	sst s9;
	s0 =	simm.s32 @!p0 $0x0  }
0x12: {  	s1 =	sld [smem:$0x3F95];
	s0 =	simm.s32 @p0 $0x1  }
0x13: {  	[smem:$0x3FB0] =	sst s0;
	s0 =	simm.s32 @!p1 $0x0  }
0x14: {  	s2 =	sld [smem:$0x3F94];
	s0 =	simm.s32 @p1 $0x1  }
0x15: {  	[smem:$0x3FB1] =	sst s0;
	s0 =	simm.s32 @!p2 $0x0  }
0x16: {  	s3 =	sld [smem:$0x3FDB];
	s0 =	simm.s32 @p2 $0x1  }
0x17: {  	s4 =	simm.s32 $0x1BF5;
	[smem:$0x3FB3] =	sst s0  }
0x18: {  	s0 =	sld [smem:$0x3F96];
	_ =	swait.ge [sflag:s4], $0x0  }
0x19: {  	s7 =	sld [smem:$0x3F97]  }
0x1a: {  	s8 =	sadd.s32 $0xFFFFE003, lr  }
0x1b: {  	s9 =	sadd.s32 $0xFFFFFEF7, lr;
	s5 =	simm.s32 $0xFFFFFFFF;
	p2 =	slt.u32 s8, $0xFFFFF086  }
0x1c: {  	p1 =	slt.u32 s9, $0xF7A;
	s5 =	simm.s32 @!p2 $0x0  }
0x1d: {  	s5 =	simm.s32 @p1 $0x1;
	p0 =	seq.s32 s7, s2  }
0x1e: {  	s7 =	smul.u32 @!p0 $0xF7A, s2;
	p2 =	seq.s32 @!p0 s5, $0x0  }
0x1f: {  	s9 =	smul.u32 $0xF7A, s1;
	s8 =	simm.s32 @!p0 $0x1BF5;
	p2 =	por !p2, p0  }
0x20: {  	[sflag:s8] =	ssyncset.s32 @!p0 $0xFFFFF086;
	s6 =	sadd.s32 @!p0 s3, s7;
	s7 =	simm.s32 @!p0 $0x108  }
0x21: {  	s3 =	sadd.s32 s3, s9;
	s6 =	sadd.s32 @!p0 $0x88, s6;
	s7 =	simm.s32 @p2 $0x1082  }
0x22: {  	[simem:s7], [sflag:s8] =	dma.local @!p0 [hbm:s6], $0xF7A  }
0x23: {  	s9 =	sor.u32 $0xD0000000, s2;
	s6 =	simm.s32 $0x108;
	_ =	swait.ge @!p0 [sflag:s8], $0x0  }
0x24: {  	s3 =	sadd.s32 $0x88, s3;
	s6 =	simm.s32 @!p1 $0x1082;
	[sflag:s4] =	ssyncset.s32 $0xFFFFF086  }
0x25: {  	[simem:s6], [sflag:s4] =	dma.local [hbm:s3], $0xF7A  }
0x26: {  	[smem:$0x3F97] =	sst s1;
	(tag) =	ssettag s2;
	_ =	strace s9  }
0x27: {  	s1 =	sld [smem:$0x3FA7]  }
0x28: {  	s2 =	sld [smem:$0x3FA8]  }
0x29: {  	s4 =	sld [smem:$0x3FAA]  }
0x2a: {  	p0 =	seq.s32 s5, $0x0;
	s5 =	sld [smem:$0x3FAB]  }
0x2b: {  	s6 =	sld [smem:$0x3FAC]  }
0x2c: {  	s7 =	sld [smem:$0x3FAD]  }
0x2d: {  	s3 =	simm.s32 $0x108;
	s8 =	sld [smem:$0x3FAE]  }
0x2e: {  	s3 =	simm.s32 @!p0 $0x1082;
	s9 =	sld [smem:$0x3FAF]  }
0x2f: {  	lr =	sadd.s32 s0, s3;
	s0 =	sld [smem:$0x3FA6]  }
0x30: {  	s3 =	sld [smem:$0x3FA9]  }
0x31: {  	[smem:$0x3FB2] =	sst s10  }
0x32: {  	s10 =	sld [smem:$0x3FB0];
	_ =	sdelay $0x3  }
0x33: {  	p0 =	seq.s32 s10, $0x1;
	s10 =	sld [smem:$0x3FB2];
	_ =	sdelay $0x3  }
0x34: {  	[smem:$0x3FB2] =	sst s10  }
0x35: {  	s10 =	sld [smem:$0x3FB1];
	_ =	sdelay $0x3  }
0x36: {  	p1 =	seq.s32 s10, $0x1;
	s10 =	sld [smem:$0x3FB2];
	_ =	sdelay $0x3  }
0x37: {  	[smem:$0x3FB2] =	sst s10  }
0x38: {  	s10 =	sld [smem:$0x3FB3]  }
0x39: {  	_ = 	snop;
	(pc) =	sbr.ind lr, $3  }
0x3a: {  	_ = 	snop  }
0x3b: {  	_ = 	snop  }
0x3c: {  	p2 =	seq.s32 s10, $0x1;
	s10 =	sld [smem:$0x3FB2]  }
0x3d: {  	_ =	shalt  }
0x3e: {  	_ =	shalt  }
0x3f: {  	_ =	shalt  }
0x40: {  	_ =	shalt  }
0x41: {  	_ =	shalt  }
0x42: {  	_ =	shalt  }
0x43: {  	_ =	shalt  }
0x44: {  	_ =	shalt  }
0x45: {  	_ =	shalt  }
0x46: {  	_ =	shalt  }
0x47: {  	_ =	shalt  }
0x48: {  	_ =	shalt  }
0x49: {  	_ =	shalt  }
0x4a: {  	_ =	shalt  }
0x4b: {  	_ =	shalt  }
0x4c: {  	_ =	shalt  }
0x4d: {  	_ =	shalt  }
0x4e: {  	_ =	shalt  }
0x4f: {  	_ =	shalt  }
0x50: {  	_ =	shalt  }
0x51: {  	_ =	shalt  }
0x52: {  	_ =	shalt  }
0x53: {  	_ =	shalt  }
0x54: {  	_ =	shalt  }
0x55: {  	_ =	shalt  }
0x56: {  	_ =	shalt  }
0x57: {  	_ =	shalt  }
0x58: {  	_ =	shalt  }
0x59: {  	_ =	shalt  }
0x5a: {  	_ =	shalt  }
0x5b: {  	_ =	shalt  }
0x5c: {  	_ =	shalt  }
0x5d: {  	_ =	shalt  }
0x5e: {  	_ =	shalt  }
0x5f: {  	_ =	shalt  }
0x60: {  	_ =	shalt  }
0x61: {  	_ =	shalt  }
0x62: {  	_ =	shalt  }
0x63: {  	_ =	shalt  }
0x64: {  	_ =	shalt  }
0x65: {  	_ =	shalt  }
0x66: {  	_ =	shalt  }
0x67: {  	_ =	shalt  }
0x68: {  	_ =	shalt  }
0x69: {  	_ =	shalt  }
0x6a: {  	_ =	shalt  }
0x6b: {  	_ =	shalt  }
0x6c: {  	_ =	shalt  }
0x6d: {  	_ =	shalt  }
0x6e: {  	_ =	shalt  }
0x6f: {  	_ =	shalt  }
0x70: {  	_ =	shalt  }
0x71: {  	_ =	shalt  }
0x72: {  	_ =	shalt  }
0x73: {  	_ =	shalt  }
0x74: {  	_ =	shalt  }
0x75: {  	_ =	shalt  }
0x76: {  	_ =	shalt  }
0x77: {  	_ =	shalt  }
0x78: {  	_ =	shalt  }
0x79: {  	_ =	shalt  }
0x7a: {  	_ =	shalt  }
0x7b: {  	_ =	shalt  }
0x7c: {  	_ =	shalt  }
0x7d: {  	_ =	shalt  }
0x7e: {  	_ =	shalt  }
0x7f: {  	_ =	shalt  }
0x80: {  	_ =	shalt  }
0x81: {  	_ =	shalt  }
0x82: {  	_ =	shalt  }
0x83: {  	_ =	shalt  }
0x84: {  	_ =	shalt  }
0x85: {  	_ =	shalt  }
0x86: {  	_ =	shalt  }
0x87: {  	_ =	shalt  }
.Lfunc_end0:
.L_simem_size_0:
called_computation_lowered:
.L_overlay_start_0:
0x88: {  	s2 =	sld [smem:$0x3FD9]  }
0x89: {  	s3 =	sld [smem:$0x3FFE];
	_ =	sdelay $0x1  }
0x8a: {  	s1 =	srdreg.scid  }
0x8b: {  	s0 =	sand.u32 $0x1, s1  }
0x8c: {  	s17 =	sshll.u32 s0, $0xA;
	s2 =	sadd.s32 s3, s2  }
0x8d: {  	s2 =	sadd.s32 s2, s17  }
0x8e: {  	[smem:$0x3FBE] =	sst s2  }
0x8f: {  	_ = 	snop  }
0x90: {  	s2 =	sld [smem:$0x3FC8];
	(tm) =	ssettm $0x1  }
0x91: {  	s18 =	sld [smem:$0x3FFB];
	_ =	sdelay $0x3  }
0x92: {  	_ =	strace s18  }
0x93: {  	s3 =	sld [smem:$0x3FFC];
	_ =	sdelay $0x3  }
0x94: {  	_ =	strace s3  }
0x95: {  	s3 =	sld [smem:$0x3FFD];
	_ =	sdelay $0x3  }
0x96: {  	_ =	strace s3  }
0x97: {  	_ =	strace $0x8FFFFFFF  }
0x98: {  	s19 =	sld [smem:$0x3FDB];
	_ =	sdelay $0x1  }
0x99: {  	s4 =	simm.s32 $_scs_section_size  }
0x9a: {  	s5 =	simm.s32 $_size__tile_overlayer_lowered;
	s6 =	simm.s32 $_tile_overlayer_lowered  }
0x9b: {  	s22 =	simm.s32 $0x1BFF;
	s21 =	sshll.u32 s6, $0x1;
	s3 =	sadd.s32 s4, s19  }
0x9c: {  	s7 =	simm.s32 $0x0;
	s20 =	sshll.u32 s5, $0x1;
	s5 =	sadd.s32 s21, s3  }
0x9d: {  	[timem:s7], [sflag:s22] =	dma.local [hbm:s5], s20  }
0x9e: {  	_ =	swait.ge [sflag:s22], s20  }
0x9f: {  	s4 =	ssub.s32 $0x0, s20;
	[sflag:s22] =	ssyncset.done $0x0  }
0xa0: {  	[sflag:s22] =	ssyncadd.s32 s4;
	_ =	sdelay $0x1  }
0xa1: {  	s23 =	simm.s32 $0x1B8B  }
0xa2: {  	_ =	swait.ge [sflag:s23], $0x1  }
0xa3: {  	[sflag:s23] =	ssyncset.done $0x0  }
0xa4: {  	s25 =	simm.s32 $0x1B8E;
	s24 =	sld [smem:$0x3FFE];
	[sflag:s23] =	ssyncadd.s32 $0xFFFFFFFF  }
0xa5: {  	s26 =	simm.s32 $execute0_lowered;
	[smem:$0x3FD2] =	sst s25  }
0xa6: {  	s5 =	sshll.u32 s26, $0x1;
	_ =	strace $0x80000046;
	[dreg:$0x1] =	wrdreg $0xFFFFFFFF  }
0xa7: {  	s28 =	simm.s32 $_size_execute0_lowered;
	s3 =	sadd.s32 s3, s5;
	[dreg:$0x0] =	wrdreg $0x0  }
0xa8: {  	s5 =	sshll.u32 s28, $0x1;
	[dreg:$0x2] =	wrdreg s3  }
0xa9: {  	[dreg:$0x3] =	wrdreg s5  }
0xaa: {  	[dreg:$0x4] =	wrdreg $0xC0  }
0xab: {  	_ =	task [dreg:s7], $0x5FFFF  }
0xac: {  	[dreg:$0x1] =	wrdreg $0xFFFFFFFF  }
0xad: {  	[dreg:$0x0] =	wrdreg $0x60  }
0xae: {  	[dreg:$0x2] =	wrdreg s2  }
0xaf: {  	[dreg:$0x3] =	wrdreg s24  }
0xb0: {  	[dreg:$0x4] =	wrdreg $0xA  }
0xb1: {  	_ =	task.clear_ibuf [dreg:s7], $0x5FFFF;
	_ =	strace $0x90000046  }
0xb2: {  	s29 =	simm.s32 $0xA;
	_ =	strace $0x80000048  }
0xb3: {  	_ =	swait.ge [sflag:s29], $0x1  }
0xb4: {  	[sflag:s29] =	ssyncadd.s32 $0xFFFFFFFF  }
0xb5: {  	_ =	strace $0x90000048  }
0xb6: {  	_ =	sfence  }
0xb7: {  	s30 =	sld [smem:$0x0];
	_ =	sdelay $0x2  }
0xb8: {  	s31 =	sshll.u32 s1, $0xD;
	s1 =	sshrl.u32 s1, $0x2  }
0xb9: {  	s3 =	sand.u32 $0x4000, s31;
	s1 =	sadd.s32 s1, s30  }
0xba: {  	s0 =	sor.u32 s3, s0;
	s1 =	sshll.u32 s1, $0x11  }
0xbb: {  	s0 =	sor.u32 s1, s0  }
0xbc: {  	s0 =	sadd.s32 $0x8F2B, s0  }
0xbd: {  	[sflag:s0] =	ssyncadd.remote.s32 $0x1  }
0xbe: {  	_ =	sfence.sel $0xFFFF  }
0xbf: {  	[dreg:$0x0] =	wrdreg $0xFFFFFFFF;
	(pc) =	sbr.abs _section_cstart, $3  }
0xc0: {  	[dreg:$0x1] =	wrdreg $0xFFFFFFFF  }
0xc1: {  	_ =	task.clear_ibuf [dreg:s7], $0x2FFFF;
	_ =	strace $0x9FFFFFFF  }
0xc2: {  	(tm) =	ssettm $0x7FFFFFFF  }
0xc3: {  	_ =	shalt  }
tec
execute0_lowered:
.L_overlay_start_1:
0x0: {  	(tag) =	ssettag $0x1  }
0x1: {  	s0 =	srdreg.scid;
	s1 =	stileid.u32  }
0x2: {  	s0 =	sand.u32 $0x1, s0;
	s1 =	sshll.u32 s1, $0x1  }
0x3: {  	s2 =	rddreg [dreg:$0x0];
	s1 =	sor.u32 s0, s1  }
0x4: {  	s5 =	rddreg [dreg:$0x1];
	s3 =	simm.s32 $0x0;
	s4 =	smul.u32 $0x1600, s1  }
0x5: {  	s28 =	simm.s32 $0x1;
	s29 =	simm.s32 $0x8000;
	s6 =	smul.u32 $0x300, s1  }
0x6: {  	s30 =	simm.s32 $0xC000;
	[smem:$0x7FF] =	sst s3;
	s0 =	ssub.s32 $0x2, s0  }
0x7: {  	s7 =	sshrl.u32 s0, $0x1;
	s4 =	sand.u32 $0x3F000, s4;
	s6 =	sand.u32 $0x700, s6  }
0x8: {  	s11 =	sadd.s32 $0x1E8500, s2;
	s0 =	ssub.s32 s0, s7;
	s4 =	sor.u32 s6, s4  }
0x9: {  	s0 =	smax.u32 s0, $0x1;
	s6 =	sadd.s32 $0x800, s2;
	s22 =	sadd.s32 $0xC8000, s4  }
0xa: {  	_ =	strace $0x80000047;
	[dreg:$0x11] =	wrdreg s0;
	s8 =	sadd.s32 s22, s6  }
0xb: {  	s14 =	sadd.s32 $0x2DC780, s2;
	s31 =	sadd.s32 s22, s11;
	[dreg:$0x4] =	wrdreg s8  }
0xc: {  	s17 =	sadd.s32 $0x3D0A00, s2;
	s12 =	sadd.s32 s22, s14;
	[dreg:$0x8] =	wrdreg s31  }
0xd: {  	s18 =	sadd.s32 $0x4C4C80, s2;
	s13 =	sadd.s32 s22, s17;
	[dreg:$0xa] =	wrdreg s12  }
0xe: {  	s21 =	sadd.s32 $0x5B8F00, s2;
	s15 =	sadd.s32 s22, s18;
	[dreg:$0xb] =	wrdreg s13  }
0xf: {  	s24 =	sadd.s32 $0x6AD180, s2;
	s16 =	sadd.s32 s22, s21;
	[dreg:$0xc] =	wrdreg s15  }
0x10: {  	s23 =	sadd.s32 $0x642A00, s5;
	s19 =	sadd.s32 s22, s24;
	[dreg:$0xd] =	wrdreg s16  }
0x11: {  	s4 =	smul.u32 $0x16, s1;
	s1 =	sadd.s32 s2, s22;
	[dreg:$0xe] =	wrdreg s19  }
0x12: {  	s7 =	simm.s32 $0x0;
	s9 =	sadd.s32 $0xF4A80, s1;
	[dreg:$0x3] =	wrdreg s1  }
0x13: {  	s8 =	sadd.s32 $0xF4280, s2;
	s26 =	sadd.s32 $0x1E8D00, s1;
	[dreg:$0x5] =	wrdreg s9  }
0x14: {  	s10 =	sadd.s32 $0x2DCF80, s1;
	s20 =	sadd.s32 $0x3D1200, s1;
	[dreg:$0x7] =	wrdreg s26  }
0x15: {  	s31 =	sadd.s32 $0x2, s4;
	s13 =	simm.s32 $0x5000;
	[dreg:$0x9] =	wrdreg s10  }
0x16: {  	s15 =	simm.s32 $0x7000;
	s16 =	simm.s32 $0x5400;
	[dreg:$0xf] =	wrdreg s20  }
0x17: {  	s19 =	simm.s32 $0x7400;
	s25 =	sadd.s32 s22, s8;
	[dreg:$0x14] =	wrdreg s31  }
0x18: {  	s22 =	sadd.s32 $0x4C5480, s1;
	s26 =	sadd.s32 $0x6AD980, s1;
	[dreg:$0x6] =	wrdreg s25  }
0x19: {  	s20 =	simm.s32 $0x5800;
	[dreg:$0x10] =	wrdreg s22;
	s25 =	sadd.s32 $0x5B9700, s1  }
0x1a: {  	v0 =	vlaneseq.u32;
	[dreg:$0x13] =	wrdreg s26;
	s22 =	simm.s32 $0x7800;
	s26 =	simm.s32 $0x7C00  }
0x1b: {  	v0 =	vmul.u32 $0x80, v0;
	s1 =	simm.s32 $0x2;
	[dreg:$0x12] =	wrdreg s25;
	s25 =	simm.s32 $0x5C00  }
.LBB2_1:
0x1c: {  	[dreg:$0x15] =	wrdreg s7  }
0x1d: {  	s0 =	rddreg [dreg:$0x3]  }
0x1e: {  	[tilespmem:s3], [sflag:$0x1] =	stream.linear.gather [hbm4b:s0+s3], $0x400, $0x38;
	[tilespmem:$0x10000] =	vst v63  }
0x1f: {  	s12 =	rddreg [dreg:$0x4];
	s5 =	simm.s32 $0x2000  }
0x20: {  	[tilespmem:s5], [sflag:$0x1] =	stream.linear.gather [hbm4b:s12+s3], $0x400, $0x38;
	[tilespmem:$0x10000] =	vst v63  }
0x21: {  	s7 =	rddreg [dreg:$0x6];
	s9 =	simm.s32 $0x400  }
0x22: {  	[tilespmem:s9], [sflag:$0x1] =	stream.linear.gather [hbm4b:s7+s3], $0x400, $0x38;
	[tilespmem:$0x10000] =	vst v63  }
0x23: {  	s10 =	rddreg [dreg:$0x5];
	s12 =	simm.s32 $0x2400  }
0x24: {  	[tilespmem:s12], [sflag:$0x1] =	stream.linear.gather [hbm4b:s10+s3], $0x400, $0x38;
	[tilespmem:$0x10000] =	vst v63  }
0x25: {  	s7 =	rddreg [dreg:$0x8];
	s9 =	simm.s32 $0x800  }
0x26: {  	[tilespmem:s9], [sflag:$0x1] =	stream.linear.gather [hbm4b:s7+s3], $0x400, $0x38;
	[tilespmem:$0x10000] =	vst v63  }
0x27: {  	s10 =	rddreg [dreg:$0x7];
	s12 =	simm.s32 $0x2800  }
0x28: {  	[tilespmem:s12], [sflag:$0x1] =	stream.linear.gather [hbm4b:s10+s3], $0x400, $0x38;
	[tilespmem:$0x10000] =	vst v63  }
0x29: {  	s7 =	rddreg [dreg:$0xa];
	s9 =	simm.s32 $0xC00  }
0x2a: {  	[tilespmem:s9], [sflag:$0x1] =	stream.linear.gather [hbm4b:s7+s3], $0x400, $0x38;
	[tilespmem:$0x10000] =	vst v63  }
0x2b: {  	s10 =	rddreg [dreg:$0x9];
	s12 =	simm.s32 $0x2C00  }
0x2c: {  	[tilespmem:s12], [sflag:$0x1] =	stream.linear.gather [hbm4b:s10+s3], $0x400, $0x38;
	[tilespmem:$0x10000] =	vst v63  }
0x2d: {  	s7 =	rddreg [dreg:$0xb];
	s9 =	simm.s32 $0x1000  }
0x2e: {  	[tilespmem:s9], [sflag:$0x1] =	stream.linear.gather [hbm4b:s7+s3], $0x400, $0x38;
	[tilespmem:$0x10000] =	vst v63  }
0x2f: {  	s10 =	rddreg [dreg:$0xf];
	s12 =	simm.s32 $0x3000  }
0x30: {  	[tilespmem:s12], [sflag:$0x1] =	stream.linear.gather [hbm4b:s10+s3], $0x400, $0x38;
	[tilespmem:$0x10000] =	vst v63  }
0x31: {  	s7 =	rddreg [dreg:$0xc];
	s9 =	simm.s32 $0x1400  }
0x32: {  	[tilespmem:s9], [sflag:$0x1] =	stream.linear.gather [hbm4b:s7+s3], $0x400, $0x38;
	[tilespmem:$0x10000] =	vst v63  }
0x33: {  	s10 =	rddreg [dreg:$0x10];
	s12 =	simm.s32 $0x3400  }
0x34: {  	[tilespmem:s12], [sflag:$0x1] =	stream.linear.gather [hbm4b:s10+s3], $0x400, $0x38;
	[tilespmem:$0x10000] =	vst v63  }
0x35: {  	s7 =	rddreg [dreg:$0xd];
	s9 =	simm.s32 $0x1800  }
0x36: {  	[tilespmem:s9], [sflag:$0x1] =	stream.linear.gather [hbm4b:s7+s3], $0x400, $0x38;
	[tilespmem:$0x10000] =	vst v63  }
0x37: {  	s10 =	rddreg [dreg:$0x12];
	s12 =	simm.s32 $0x3800  }
0x38: {  	[tilespmem:s12], [sflag:$0x1] =	stream.linear.gather [hbm4b:s10+s3], $0x400, $0x38;
	[tilespmem:$0x10000] =	vst v63  }
0x39: {  	s7 =	rddreg [dreg:$0xe];
	s9 =	simm.s32 $0x1C00  }
0x3a: {  	[tilespmem:s9], [sflag:$0x1] =	stream.linear.gather [hbm4b:s7+s3], $0x400, $0x38;
	[tilespmem:$0x10000] =	vst v63  }
0x3b: {  	s31 =	simm.s32 $0x0;
	s10 =	rddreg [dreg:$0x13];
	s12 =	simm.s32 $0x3C00  }
0x3c: {  	[tilespmem:s12], [sflag:$0x1] =	stream.linear.gather [hbm4b:s10+s3], $0x400, $0x38;
	[tilespmem:$0x10000] =	vst v63  }
.LBB2_2:
0x3d: {  	s0 =	sshll.u32 s31, $0x1  }
0x3e: {  	s5 =	sadd.s32 s0, s4  }
0x3f: {  	s5 =	sadd.s32 $0x1, s5  }
0x40: {  	s7 =	sshll.u32 s5, $0x8;
	s9 =	sshll.u32 s5, $0x7  }
0x41: {  	s7 =	sand.u32 $0x7FFFF000, s7;
	s9 =	sand.u32 $0x780, s9  }
0x42: {  	s7 =	sor.u32 s9, s7  }
0x43: {  	s7 =	sadd.s32 $0xC8000, s7  }
0x44: {  	s10 =	simm.s32 $0x4000;
	s12 =	sadd.s32 s2, s7  }
0x45: {  	[tilespmem:s10], [sflag:$0x2] =	stream.linear.gather [hbm4b:s12+s3], $0x400, $0x38;
	[tilespmem:$0x10000] =	vst v63  }
0x46: {  	s10 =	sand.u32 $0x1FFFF780, s7  }
0x47: {  	s12 =	simm.s32 $0x6000;
	s9 =	sadd.s32 s10, s6  }
0x48: {  	[tilespmem:s12], [sflag:$0x2] =	stream.linear.gather [hbm4b:s9+s3], $0x400, $0x38;
	[tilespmem:$0x10000] =	vst v63  }
0x49: {  	s10 =	sadd.s32 s7, s8;
	s9 =	sshll.u32 s7, $0x3;
	s12 =	simm.s32 $0x4400  }
0x4a: {  	[tilespmem:s12], [sflag:$0x2] =	stream.linear.gather [hbm4b:s10+s3], $0x400, $0x38;
	[tilespmem:$0x10000] =	vst v63  }
0x4b: {  	s12 =	sadd.s32 $0x7A5400, s9  }
0x4c: {  	s10 =	sshrl.u32 s12, $0x3  }
0x4d: {  	s12 =	simm.s32 $0x6400;
	s10 =	sadd.s32 s2, s10  }
0x4e: {  	[tilespmem:s12], [sflag:$0x2] =	stream.linear.gather [hbm4b:s10+s3], $0x400, $0x38;
	[tilespmem:$0x10000] =	vst v63  }
0x4f: {  	s10 =	sadd.s32 s7, s11;
	s12 =	simm.s32 $0x4800  }
0x50: {  	[tilespmem:s12], [sflag:$0x2] =	stream.linear.gather [hbm4b:s10+s3], $0x400, $0x38;
	[tilespmem:$0x10000] =	vst v63  }
0x51: {  	s12 =	sadd.s32 $0xF46800, s9  }
0x52: {  	s10 =	sshrl.u32 s12, $0x3  }
0x53: {  	s12 =	simm.s32 $0x6800;
	s10 =	sadd.s32 s2, s10  }
0x54: {  	[tilespmem:s12], [sflag:$0x2] =	stream.linear.gather [hbm4b:s10+s3], $0x400, $0x38;
	[tilespmem:$0x10000] =	vst v63  }
0x55: {  	s10 =	sadd.s32 s7, s14;
	s12 =	simm.s32 $0x4C00  }
0x56: {  	[tilespmem:s12], [sflag:$0x2] =	stream.linear.gather [hbm4b:s10+s3], $0x400, $0x38;
	[tilespmem:$0x10000] =	vst v63  }
0x57: {  	s12 =	sadd.s32 $0x16E7C00, s9  }
0x58: {  	s10 =	sshrl.u32 s12, $0x3  }
0x59: {  	s12 =	simm.s32 $0x6C00;
	s10 =	sadd.s32 s2, s10  }
0x5a: {  	[tilespmem:s12], [sflag:$0x2] =	stream.linear.gather [hbm4b:s10+s3], $0x400, $0x38;
	[tilespmem:$0x10000] =	vst v63  }
0x5b: {  	s12 =	sadd.s32 s7, s17  }
0x5c: {  	[tilespmem:s13], [sflag:$0x2] =	stream.linear.gather [hbm4b:s12+s3], $0x400, $0x38;
	[tilespmem:$0x10000] =	vst v63  }
0x5d: {  	s12 =	sadd.s32 $0x1E89000, s9  }
0x5e: {  	s10 =	sshrl.u32 s12, $0x3  }
0x5f: {  	s10 =	sadd.s32 s2, s10  }
0x60: {  	[tilespmem:s15], [sflag:$0x2] =	stream.linear.gather [hbm4b:s10+s3], $0x400, $0x38;
	[tilespmem:$0x10000] =	vst v63  }
0x61: {  	s12 =	sadd.s32 s7, s18  }
0x62: {  	[tilespmem:s16], [sflag:$0x2] =	stream.linear.gather [hbm4b:s12+s3], $0x400, $0x38;
	[tilespmem:$0x10000] =	vst v63  }
0x63: {  	s12 =	sadd.s32 $0x262A400, s9  }
0x64: {  	s10 =	sshrl.u32 s12, $0x3  }
0x65: {  	s10 =	sadd.s32 s2, s10  }
0x66: {  	[tilespmem:s19], [sflag:$0x2] =	stream.linear.gather [hbm4b:s10+s3], $0x400, $0x38;
	[tilespmem:$0x10000] =	vst v63  }
0x67: {  	s12 =	sadd.s32 s7, s21  }
0x68: {  	[tilespmem:s20], [sflag:$0x2] =	stream.linear.gather [hbm4b:s12+s3], $0x400, $0x38;
	[tilespmem:$0x10000] =	vst v63  }
0x69: {  	s12 =	sadd.s32 $0x2DCB800, s9  }
0x6a: {  	s10 =	sshrl.u32 s12, $0x3  }
0x6b: {  	s10 =	sadd.s32 s2, s10  }
0x6c: {  	[tilespmem:s22], [sflag:$0x2] =	stream.linear.gather [hbm4b:s10+s3], $0x400, $0x38;
	[tilespmem:$0x10000] =	vst v63  }
0x6d: {  	s7 =	sadd.s32 s7, s24;
	s12 =	sadd.s32 $0x356CC00, s9  }
0x6e: {  	[tilespmem:s25], [sflag:$0x2] =	stream.linear.gather [hbm4b:s7+s3], $0x400, $0x38;
	[tilespmem:$0x10000] =	vst v63  }
0x6f: {  	s7 =	sshrl.u32 s12, $0x3  }
0x70: {  	s7 =	sadd.s32 s2, s7  }
0x71: {  	[tilespmem:s26], [sflag:$0x2] =	stream.linear.gather [hbm4b:s7+s3], $0x400, $0x38;
	[tilespmem:$0x10000] =	vst v63  }
0x72: {  	_ =	swait.ge [sflag:s28], $0x400  }
0x73: {  	[sflag:s28] =	ssyncset.done $0x0  }
0x74: {  	[sflag:s28] =	ssyncadd.s32 $0xFFFFFC00  }
0x75: {  	_ =	swait.ge [sflag:s28], $0x400  }
0x76: {  	[sflag:s28] =	ssyncset.done $0x0  }
0x77: {  	[sflag:s28] =	ssyncadd.s32 $0xFFFFFC00  }
0x78: {  	_ =	swait.ge [sflag:s28], $0x400  }
0x79: {  	[sflag:s28] =	ssyncset.done $0x0  }
0x7a: {  	[sflag:s28] =	ssyncadd.s32 $0xFFFFFC00  }
0x7b: {  	_ =	swait.ge [sflag:s28], $0x400  }
0x7c: {  	[sflag:s28] =	ssyncset.done $0x0  }
0x7d: {  	[sflag:s28] =	ssyncadd.s32 $0xFFFFFC00  }
0x7e: {  	_ =	swait.ge [sflag:s28], $0x400  }
0x7f: {  	[sflag:s28] =	ssyncset.done $0x0  }
0x80: {  	[sflag:s28] =	ssyncadd.s32 $0xFFFFFC00  }
0x81: {  	_ =	swait.ge [sflag:s28], $0x400  }
0x82: {  	[sflag:s28] =	ssyncset.done $0x0  }
0x83: {  	[sflag:s28] =	ssyncadd.s32 $0xFFFFFC00  }
0x84: {  	_ =	swait.ge [sflag:s28], $0x400  }
0x85: {  	[sflag:s28] =	ssyncset.done $0x0  }
0x86: {  	[sflag:s28] =	ssyncadd.s32 $0xFFFFFC00  }
0x87: {  	_ =	swait.ge [sflag:s28], $0x400  }
0x88: {  	[sflag:s28] =	ssyncset.done $0x0  }
0x89: {  	[sflag:s28] =	ssyncadd.s32 $0xFFFFFC00  }
0x8a: {  	_ =	swait.ge [sflag:s28], $0x400  }
0x8b: {  	[sflag:s28] =	ssyncset.done $0x0  }
0x8c: {  	[sflag:s28] =	ssyncadd.s32 $0xFFFFFC00  }
0x8d: {  	_ =	swait.ge [sflag:s28], $0x400  }
0x8e: {  	[sflag:s28] =	ssyncset.done $0x0  }
0x8f: {  	[sflag:s28] =	ssyncadd.s32 $0xFFFFFC00  }
0x90: {  	_ =	swait.ge [sflag:s28], $0x400  }
0x91: {  	[sflag:s28] =	ssyncset.done $0x0  }
0x92: {  	[sflag:s28] =	ssyncadd.s32 $0xFFFFFC00  }
0x93: {  	_ =	swait.ge [sflag:s28], $0x400  }
0x94: {  	[sflag:s28] =	ssyncset.done $0x0  }
0x95: {  	[sflag:s28] =	ssyncadd.s32 $0xFFFFFC00  }
0x96: {  	_ =	swait.ge [sflag:s28], $0x400  }
0x97: {  	[sflag:s28] =	ssyncset.done $0x0  }
0x98: {  	[sflag:s28] =	ssyncadd.s32 $0xFFFFFC00  }
0x99: {  	_ =	swait.ge [sflag:s28], $0x400  }
0x9a: {  	[sflag:s28] =	ssyncset.done $0x0  }
0x9b: {  	[sflag:s28] =	ssyncadd.s32 $0xFFFFFC00  }
0x9c: {  	_ =	swait.ge [sflag:s28], $0x400  }
0x9d: {  	[sflag:s28] =	ssyncset.done $0x0  }
0x9e: {  	[sflag:s28] =	ssyncadd.s32 $0xFFFFFC00  }
0x9f: {  	_ =	swait.ge [sflag:s28], $0x400  }
0xa0: {  	p0 =	seq.s32 s31, $0x0;
	[sflag:s28] =	ssyncset.done $0x0  }
0xa1: {  	s7 =	simm.s32 @!p0 $0x3;
	[sflag:s28] =	ssyncadd.s32 $0xFFFFFC00  }
0xa2: {  	_ =	swait.ge @!p0 [sflag:s7], $0x4000  }
0xa3: {  	s9 =	simm.s32 $0x3000;
	[sflag:s7] =	ssyncset.done @!p0 $0x0  }
0xa4: {  	s10 =	simm.s32 $0x1000;
	[sflag:s7] =	ssyncadd.s32 @!p0 $0xFFFFC000;
	s7 =	simm.s32 $0x0  }
.LBB2_3:
0xa5: {  	v1 =	vmov s7  }
0xa6: {  	v1 =	vshll.u32 v1, $0x7  }
0xa7: {  	v2 =	vld [tilespmem:s10+$0xFFFFF000];
	v1 =	vor.u32 v0, v1;
	_ =	sdelay $0x4  }
0xa8: {  	[tilespmem:v1+s29+$0x0] =	vst.idx.msk $0xffff, v2  }
0xa9: {  	v3 =	vor.u32 $0x40, v1;
	v2 =	vld [tilespmem:s9+$0xFFFFF000];
	_ =	sdelay $0x4  }
0xaa: {  	[tilespmem:v3+s29+$0x0] =	vst.idx.msk $0xffff, v2  }
0xab: {  	v3 =	vor.u32 $0x1, v1;
	v2 =	vld [tilespmem:s10+$0xFFFFF080];
	_ =	sdelay $0x4  }
0xac: {  	[tilespmem:v3+s29+$0x0] =	vst.idx.msk $0xffff, v2  }
0xad: {  	v3 =	vor.u32 $0x41, v1;
	v2 =	vld [tilespmem:s9+$0xFFFFF080];
	_ =	sdelay $0x4  }
0xae: {  	[tilespmem:v3+s29+$0x0] =	vst.idx.msk $0xffff, v2  }
0xaf: {  	v3 =	vor.u32 $0x2, v1;
	v2 =	vld [tilespmem:s10+$0xFFFFF100];
	_ =	sdelay $0x4  }
0xb0: {  	[tilespmem:v3+s29+$0x0] =	vst.idx.msk $0xffff, v2  }
0xb1: {  	v3 =	vor.u32 $0x42, v1;
	v2 =	vld [tilespmem:s9+$0xFFFFF100];
	_ =	sdelay $0x4  }
0xb2: {  	[tilespmem:v3+s29+$0x0] =	vst.idx.msk $0xffff, v2  }
0xb3: {  	v3 =	vor.u32 $0x3, v1;
	v2 =	vld [tilespmem:s10+$0xFFFFF180];
	_ =	sdelay $0x4  }
0xb4: {  	[tilespmem:v3+s29+$0x0] =	vst.idx.msk $0xffff, v2  }
0xb5: {  	v3 =	vor.u32 $0x43, v1;
	v2 =	vld [tilespmem:s9+$0xFFFFF180];
	_ =	sdelay $0x4  }
0xb6: {  	[tilespmem:v3+s29+$0x0] =	vst.idx.msk $0xffff, v2  }
0xb7: {  	v3 =	vor.u32 $0x4, v1;
	v2 =	vld [tilespmem:s10+$0xFFFFF200];
	_ =	sdelay $0x4  }
0xb8: {  	[tilespmem:v3+s29+$0x0] =	vst.idx.msk $0xffff, v2  }
0xb9: {  	v3 =	vor.u32 $0x44, v1;
	v2 =	vld [tilespmem:s9+$0xFFFFF200];
	_ =	sdelay $0x4  }
0xba: {  	[tilespmem:v3+s29+$0x0] =	vst.idx.msk $0xffff, v2  }
0xbb: {  	v3 =	vor.u32 $0x5, v1;
	v2 =	vld [tilespmem:s10+$0xFFFFF280];
	_ =	sdelay $0x4  }
0xbc: {  	[tilespmem:v3+s29+$0x0] =	vst.idx.msk $0xffff, v2  }
0xbd: {  	v3 =	vor.u32 $0x45, v1;
	v2 =	vld [tilespmem:s9+$0xFFFFF280];
	_ =	sdelay $0x4  }
0xbe: {  	[tilespmem:v3+s29+$0x0] =	vst.idx.msk $0xffff, v2  }
0xbf: {  	v3 =	vor.u32 $0x6, v1;
	v2 =	vld [tilespmem:s10+$0xFFFFF300];
	_ =	sdelay $0x4  }
0xc0: {  	[tilespmem:v3+s29+$0x0] =	vst.idx.msk $0xffff, v2  }
0xc1: {  	v3 =	vor.u32 $0x46, v1;
	v2 =	vld [tilespmem:s9+$0xFFFFF300];
	_ =	sdelay $0x4  }
0xc2: {  	[tilespmem:v3+s29+$0x0] =	vst.idx.msk $0xffff, v2  }
0xc3: {  	v3 =	vor.u32 $0x7, v1;
	v2 =	vld [tilespmem:s10+$0xFFFFF380];
	_ =	sdelay $0x4  }
0xc4: {  	[tilespmem:v3+s29+$0x0] =	vst.idx.msk $0xffff, v2  }
0xc5: {  	v3 =	vor.u32 $0x47, v1;
	v2 =	vld [tilespmem:s9+$0xFFFFF380];
	_ =	sdelay $0x4  }
0xc6: {  	[tilespmem:v3+s29+$0x0] =	vst.idx.msk $0xffff, v2  }
0xc7: {  	v3 =	vor.u32 $0x8, v1;
	v2 =	vld [tilespmem:s10+$0xFFFFF400];
	_ =	sdelay $0x4  }
0xc8: {  	[tilespmem:v3+s29+$0x0] =	vst.idx.msk $0xffff, v2  }
0xc9: {  	v3 =	vor.u32 $0x48, v1;
	v2 =	vld [tilespmem:s9+$0xFFFFF400];
	_ =	sdelay $0x4  }
0xca: {  	[tilespmem:v3+s29+$0x0] =	vst.idx.msk $0xffff, v2  }
0xcb: {  	v3 =	vor.u32 $0x9, v1;
	v2 =	vld [tilespmem:s10+$0xFFFFF480];
	_ =	sdelay $0x4  }
0xcc: {  	[tilespmem:v3+s29+$0x0] =	vst.idx.msk $0xffff, v2  }
0xcd: {  	v3 =	vor.u32 $0x49, v1;
	v2 =	vld [tilespmem:s9+$0xFFFFF480];
	_ =	sdelay $0x4  }
0xce: {  	[tilespmem:v3+s29+$0x0] =	vst.idx.msk $0xffff, v2  }
0xcf: {  	v3 =	vor.u32 $0xA, v1;
	v2 =	vld [tilespmem:s10+$0xFFFFF500];
	_ =	sdelay $0x4  }
0xd0: {  	[tilespmem:v3+s29+$0x0] =	vst.idx.msk $0xffff, v2  }
0xd1: {  	v3 =	vor.u32 $0x4A, v1;
	v2 =	vld [tilespmem:s9+$0xFFFFF500];
	_ =	sdelay $0x4  }
0xd2: {  	[tilespmem:v3+s29+$0x0] =	vst.idx.msk $0xffff, v2  }
0xd3: {  	v3 =	vor.u32 $0xB, v1;
	v2 =	vld [tilespmem:s10+$0xFFFFF580];
	_ =	sdelay $0x4  }
0xd4: {  	[tilespmem:v3+s29+$0x0] =	vst.idx.msk $0xffff, v2  }
0xd5: {  	v3 =	vor.u32 $0x4B, v1;
	v2 =	vld [tilespmem:s9+$0xFFFFF580];
	_ =	sdelay $0x4  }
0xd6: {  	[tilespmem:v3+s29+$0x0] =	vst.idx.msk $0xffff, v2  }
0xd7: {  	v3 =	vor.u32 $0xC, v1;
	v2 =	vld [tilespmem:s10+$0xFFFFF600];
	_ =	sdelay $0x4  }
0xd8: {  	[tilespmem:v3+s29+$0x0] =	vst.idx.msk $0xffff, v2  }
0xd9: {  	v3 =	vor.u32 $0x4C, v1;
	v2 =	vld [tilespmem:s9+$0xFFFFF600];
	_ =	sdelay $0x4  }
0xda: {  	[tilespmem:v3+s29+$0x0] =	vst.idx.msk $0xffff, v2  }
0xdb: {  	v3 =	vor.u32 $0xD, v1;
	v2 =	vld [tilespmem:s10+$0xFFFFF680];
	_ =	sdelay $0x4  }
0xdc: {  	[tilespmem:v3+s29+$0x0] =	vst.idx.msk $0xffff, v2  }
0xdd: {  	v3 =	vor.u32 $0x4D, v1;
	v2 =	vld [tilespmem:s9+$0xFFFFF680];
	_ =	sdelay $0x4  }
0xde: {  	[tilespmem:v3+s29+$0x0] =	vst.idx.msk $0xffff, v2  }
0xdf: {  	v3 =	vor.u32 $0xE, v1;
	v2 =	vld [tilespmem:s10+$0xFFFFF700];
	_ =	sdelay $0x4  }
0xe0: {  	[tilespmem:v3+s29+$0x0] =	vst.idx.msk $0xffff, v2  }
0xe1: {  	v3 =	vor.u32 $0x4E, v1;
	v2 =	vld [tilespmem:s9+$0xFFFFF700];
	_ =	sdelay $0x4  }
0xe2: {  	[tilespmem:v3+s29+$0x0] =	vst.idx.msk $0xffff, v2  }
0xe3: {  	v3 =	vor.u32 $0xF, v1;
	v2 =	vld [tilespmem:s10+$0xFFFFF780];
	_ =	sdelay $0x4  }
0xe4: {  	[tilespmem:v3+s29+$0x0] =	vst.idx.msk $0xffff, v2  }
0xe5: {  	v3 =	vor.u32 $0x4F, v1;
	v2 =	vld [tilespmem:s9+$0xFFFFF780];
	_ =	sdelay $0x4  }
0xe6: {  	[tilespmem:v3+s29+$0x0] =	vst.idx.msk $0xffff, v2  }
0xe7: {  	v3 =	vor.u32 $0x10, v1;
	v2 =	vld [tilespmem:s10+$0xFFFFF800];
	_ =	sdelay $0x4  }
0xe8: {  	[tilespmem:v3+s29+$0x0] =	vst.idx.msk $0xffff, v2  }
0xe9: {  	v3 =	vor.u32 $0x50, v1;
	v2 =	vld [tilespmem:s9+$0xFFFFF800];
	_ =	sdelay $0x4  }
0xea: {  	[tilespmem:v3+s29+$0x0] =	vst.idx.msk $0xffff, v2  }
0xeb: {  	v3 =	vor.u32 $0x11, v1;
	v2 =	vld [tilespmem:s10+$0xFFFFF880];
	_ =	sdelay $0x4  }
0xec: {  	[tilespmem:v3+s29+$0x0] =	vst.idx.msk $0xffff, v2  }
0xed: {  	v3 =	vor.u32 $0x51, v1;
	v2 =	vld [tilespmem:s9+$0xFFFFF880];
	_ =	sdelay $0x4  }
0xee: {  	[tilespmem:v3+s29+$0x0] =	vst.idx.msk $0xffff, v2  }
0xef: {  	v3 =	vor.u32 $0x12, v1;
	v2 =	vld [tilespmem:s10+$0xFFFFF900];
	_ =	sdelay $0x4  }
0xf0: {  	[tilespmem:v3+s29+$0x0] =	vst.idx.msk $0xffff, v2  }
0xf1: {  	v3 =	vor.u32 $0x52, v1;
	v2 =	vld [tilespmem:s9+$0xFFFFF900];
	_ =	sdelay $0x4  }
0xf2: {  	[tilespmem:v3+s29+$0x0] =	vst.idx.msk $0xffff, v2  }
0xf3: {  	v3 =	vor.u32 $0x13, v1;
	v2 =	vld [tilespmem:s10+$0xFFFFF980];
	_ =	sdelay $0x4  }
0xf4: {  	[tilespmem:v3+s29+$0x0] =	vst.idx.msk $0xffff, v2  }
0xf5: {  	v3 =	vor.u32 $0x53, v1;
	v2 =	vld [tilespmem:s9+$0xFFFFF980];
	_ =	sdelay $0x4  }
0xf6: {  	[tilespmem:v3+s29+$0x0] =	vst.idx.msk $0xffff, v2  }
0xf7: {  	v3 =	vor.u32 $0x14, v1;
	v2 =	vld [tilespmem:s10+$0xFFFFFA00];
	_ =	sdelay $0x4  }
0xf8: {  	[tilespmem:v3+s29+$0x0] =	vst.idx.msk $0xffff, v2  }
0xf9: {  	v3 =	vor.u32 $0x54, v1;
	v2 =	vld [tilespmem:s9+$0xFFFFFA00];
	_ =	sdelay $0x4  }
0xfa: {  	[tilespmem:v3+s29+$0x0] =	vst.idx.msk $0xffff, v2  }
0xfb: {  	v3 =	vor.u32 $0x15, v1;
	v2 =	vld [tilespmem:s10+$0xFFFFFA80];
	_ =	sdelay $0x4  }
0xfc: {  	[tilespmem:v3+s29+$0x0] =	vst.idx.msk $0xffff, v2  }
0xfd: {  	v3 =	vor.u32 $0x55, v1;
	v2 =	vld [tilespmem:s9+$0xFFFFFA80];
	_ =	sdelay $0x4  }
0xfe: {  	[tilespmem:v3+s29+$0x0] =	vst.idx.msk $0xffff, v2  }
0xff: {  	v3 =	vor.u32 $0x16, v1;
	v2 =	vld [tilespmem:s10+$0xFFFFFB00];
	_ =	sdelay $0x4  }
0x100: {  	[tilespmem:v3+s29+$0x0] =	vst.idx.msk $0xffff, v2  }
0x101: {  	v3 =	vor.u32 $0x56, v1;
	v2 =	vld [tilespmem:s9+$0xFFFFFB00];
	_ =	sdelay $0x4  }
0x102: {  	[tilespmem:v3+s29+$0x0] =	vst.idx.msk $0xffff, v2  }
0x103: {  	v3 =	vor.u32 $0x17, v1;
	v2 =	vld [tilespmem:s10+$0xFFFFFB80];
	_ =	sdelay $0x4  }
0x104: {  	[tilespmem:v3+s29+$0x0] =	vst.idx.msk $0xffff, v2  }
0x105: {  	v3 =	vor.u32 $0x57, v1;
	v2 =	vld [tilespmem:s9+$0xFFFFFB80];
	_ =	sdelay $0x4  }
0x106: {  	[tilespmem:v3+s29+$0x0] =	vst.idx.msk $0xffff, v2  }
0x107: {  	v3 =	vor.u32 $0x18, v1;
	v2 =	vld [tilespmem:s10+$0xFFFFFC00];
	_ =	sdelay $0x4  }
0x108: {  	[tilespmem:v3+s29+$0x0] =	vst.idx.msk $0xffff, v2  }
0x109: {  	v3 =	vor.u32 $0x58, v1;
	v2 =	vld [tilespmem:s9+$0xFFFFFC00];
	_ =	sdelay $0x4  }
0x10a: {  	[tilespmem:v3+s29+$0x0] =	vst.idx.msk $0xffff, v2  }
0x10b: {  	v3 =	vor.u32 $0x19, v1;
	v2 =	vld [tilespmem:s10+$0xFFFFFC80];
	_ =	sdelay $0x4  }
0x10c: {  	[tilespmem:v3+s29+$0x0] =	vst.idx.msk $0xffff, v2  }
0x10d: {  	v3 =	vor.u32 $0x59, v1;
	v2 =	vld [tilespmem:s9+$0xFFFFFC80];
	_ =	sdelay $0x4  }
0x10e: {  	[tilespmem:v3+s29+$0x0] =	vst.idx.msk $0xffff, v2  }
0x10f: {  	v3 =	vor.u32 $0x1A, v1;
	v2 =	vld [tilespmem:s10+$0xFFFFFD00];
	_ =	sdelay $0x4  }
0x110: {  	[tilespmem:v3+s29+$0x0] =	vst.idx.msk $0xffff, v2  }
0x111: {  	v3 =	vor.u32 $0x5A, v1;
	v2 =	vld [tilespmem:s9+$0xFFFFFD00];
	_ =	sdelay $0x4  }
0x112: {  	[tilespmem:v3+s29+$0x0] =	vst.idx.msk $0xffff, v2  }
0x113: {  	v3 =	vor.u32 $0x1B, v1;
	v2 =	vld [tilespmem:s10+$0xFFFFFD80];
	_ =	sdelay $0x4  }
0x114: {  	[tilespmem:v3+s29+$0x0] =	vst.idx.msk $0xffff, v2  }
0x115: {  	v3 =	vor.u32 $0x5B, v1;
	v2 =	vld [tilespmem:s9+$0xFFFFFD80];
	_ =	sdelay $0x4  }
0x116: {  	[tilespmem:v3+s29+$0x0] =	vst.idx.msk $0xffff, v2  }
0x117: {  	v3 =	vor.u32 $0x1C, v1;
	v2 =	vld [tilespmem:s10+$0xFFFFFE00];
	_ =	sdelay $0x4  }
0x118: {  	[tilespmem:v3+s29+$0x0] =	vst.idx.msk $0xffff, v2  }
0x119: {  	v3 =	vor.u32 $0x5C, v1;
	v2 =	vld [tilespmem:s9+$0xFFFFFE00];
	_ =	sdelay $0x4  }
0x11a: {  	[tilespmem:v3+s29+$0x0] =	vst.idx.msk $0xffff, v2  }
0x11b: {  	v3 =	vor.u32 $0x1D, v1;
	v2 =	vld [tilespmem:s10+$0xFFFFFE80];
	_ =	sdelay $0x4  }
0x11c: {  	[tilespmem:v3+s29+$0x0] =	vst.idx.msk $0xffff, v2  }
0x11d: {  	v3 =	vor.u32 $0x5D, v1;
	v2 =	vld [tilespmem:s9+$0xFFFFFE80];
	_ =	sdelay $0x4  }
0x11e: {  	[tilespmem:v3+s29+$0x0] =	vst.idx.msk $0xffff, v2  }
0x11f: {  	v3 =	vor.u32 $0x1E, v1;
	v2 =	vld [tilespmem:s10+$0xFFFFFF00];
	_ =	sdelay $0x4  }
0x120: {  	[tilespmem:v3+s29+$0x0] =	vst.idx.msk $0xffff, v2  }
0x121: {  	v3 =	vor.u32 $0x5E, v1;
	v2 =	vld [tilespmem:s9+$0xFFFFFF00];
	_ =	sdelay $0x4  }
0x122: {  	[tilespmem:v3+s29+$0x0] =	vst.idx.msk $0xffff, v2  }
0x123: {  	v3 =	vor.u32 $0x1F, v1;
	v2 =	vld [tilespmem:s10+$0xFFFFFF80];
	_ =	sdelay $0x4  }
0x124: {  	[tilespmem:v3+s29+$0x0] =	vst.idx.msk $0xffff, v2  }
0x125: {  	v3 =	vor.u32 $0x5F, v1;
	v2 =	vld [tilespmem:s9+$0xFFFFFF80];
	_ =	sdelay $0x4  }
0x126: {  	[tilespmem:v3+s29+$0x0] =	vst.idx.msk $0xffff, v2  }
0x127: {  	v3 =	vor.u32 $0x20, v1;
	v2 =	vld [tilespmem:s10+$0x0];
	_ =	sdelay $0x4  }
0x128: {  	[tilespmem:v3+s29+$0x0] =	vst.idx.msk $0xffff, v2  }
0x129: {  	v3 =	vor.u32 $0x60, v1;
	v2 =	vld [tilespmem:s9+$0x0];
	_ =	sdelay $0x4  }
0x12a: {  	[tilespmem:v3+s29+$0x0] =	vst.idx.msk $0xffff, v2  }
0x12b: {  	v3 =	vor.u32 $0x21, v1;
	v2 =	vld [tilespmem:s10+$0x80];
	_ =	sdelay $0x4  }
0x12c: {  	[tilespmem:v3+s29+$0x0] =	vst.idx.msk $0xffff, v2  }
0x12d: {  	v3 =	vor.u32 $0x61, v1;
	v2 =	vld [tilespmem:s9+$0x80];
	_ =	sdelay $0x4  }
0x12e: {  	[tilespmem:v3+s29+$0x0] =	vst.idx.msk $0xffff, v2  }
0x12f: {  	v3 =	vor.u32 $0x22, v1;
	v2 =	vld [tilespmem:s10+$0x100];
	_ =	sdelay $0x4  }
0x130: {  	[tilespmem:v3+s29+$0x0] =	vst.idx.msk $0xffff, v2  }
0x131: {  	v3 =	vor.u32 $0x62, v1;
	v2 =	vld [tilespmem:s9+$0x100];
	_ =	sdelay $0x4  }
0x132: {  	[tilespmem:v3+s29+$0x0] =	vst.idx.msk $0xffff, v2  }
0x133: {  	v3 =	vor.u32 $0x23, v1;
	v2 =	vld [tilespmem:s10+$0x180];
	_ =	sdelay $0x4  }
0x134: {  	[tilespmem:v3+s29+$0x0] =	vst.idx.msk $0xffff, v2  }
0x135: {  	v3 =	vor.u32 $0x63, v1;
	v2 =	vld [tilespmem:s9+$0x180];
	_ =	sdelay $0x4  }
0x136: {  	[tilespmem:v3+s29+$0x0] =	vst.idx.msk $0xffff, v2  }
0x137: {  	v3 =	vor.u32 $0x24, v1;
	v2 =	vld [tilespmem:s10+$0x200];
	_ =	sdelay $0x4  }
0x138: {  	[tilespmem:v3+s29+$0x0] =	vst.idx.msk $0xffff, v2  }
0x139: {  	v3 =	vor.u32 $0x64, v1;
	v2 =	vld [tilespmem:s9+$0x200];
	_ =	sdelay $0x4  }
0x13a: {  	[tilespmem:v3+s29+$0x0] =	vst.idx.msk $0xffff, v2  }
0x13b: {  	v3 =	vor.u32 $0x25, v1;
	v2 =	vld [tilespmem:s10+$0x280];
	_ =	sdelay $0x4  }
0x13c: {  	[tilespmem:v3+s29+$0x0] =	vst.idx.msk $0xffff, v2  }
0x13d: {  	v3 =	vor.u32 $0x65, v1;
	v2 =	vld [tilespmem:s9+$0x280];
	_ =	sdelay $0x4  }
0x13e: {  	[tilespmem:v3+s29+$0x0] =	vst.idx.msk $0xffff, v2  }
0x13f: {  	v3 =	vor.u32 $0x26, v1;
	v2 =	vld [tilespmem:s10+$0x300];
	_ =	sdelay $0x4  }
0x140: {  	[tilespmem:v3+s29+$0x0] =	vst.idx.msk $0xffff, v2  }
0x141: {  	v3 =	vor.u32 $0x66, v1;
	v2 =	vld [tilespmem:s9+$0x300];
	_ =	sdelay $0x4  }
0x142: {  	[tilespmem:v3+s29+$0x0] =	vst.idx.msk $0xffff, v2  }
0x143: {  	v3 =	vor.u32 $0x27, v1;
	v2 =	vld [tilespmem:s10+$0x380];
	_ =	sdelay $0x4  }
0x144: {  	[tilespmem:v3+s29+$0x0] =	vst.idx.msk $0xffff, v2  }
0x145: {  	v3 =	vor.u32 $0x67, v1;
	v2 =	vld [tilespmem:s9+$0x380];
	_ =	sdelay $0x4  }
0x146: {  	[tilespmem:v3+s29+$0x0] =	vst.idx.msk $0xffff, v2  }
0x147: {  	v3 =	vor.u32 $0x28, v1;
	v2 =	vld [tilespmem:s10+$0x400];
	_ =	sdelay $0x4  }
0x148: {  	[tilespmem:v3+s29+$0x0] =	vst.idx.msk $0xffff, v2  }
0x149: {  	v3 =	vor.u32 $0x68, v1;
	v2 =	vld [tilespmem:s9+$0x400];
	_ =	sdelay $0x4  }
0x14a: {  	[tilespmem:v3+s29+$0x0] =	vst.idx.msk $0xffff, v2  }
0x14b: {  	v3 =	vor.u32 $0x29, v1;
	v2 =	vld [tilespmem:s10+$0x480];
	_ =	sdelay $0x4  }
0x14c: {  	[tilespmem:v3+s29+$0x0] =	vst.idx.msk $0xffff, v2  }
0x14d: {  	v3 =	vor.u32 $0x69, v1;
	v2 =	vld [tilespmem:s9+$0x480];
	_ =	sdelay $0x4  }
0x14e: {  	[tilespmem:v3+s29+$0x0] =	vst.idx.msk $0xffff, v2  }
0x14f: {  	v3 =	vor.u32 $0x2A, v1;
	v2 =	vld [tilespmem:s10+$0x500];
	_ =	sdelay $0x4  }
0x150: {  	[tilespmem:v3+s29+$0x0] =	vst.idx.msk $0xffff, v2  }
0x151: {  	v3 =	vor.u32 $0x6A, v1;
	v2 =	vld [tilespmem:s9+$0x500];
	_ =	sdelay $0x4  }
0x152: {  	[tilespmem:v3+s29+$0x0] =	vst.idx.msk $0xffff, v2  }
0x153: {  	v3 =	vor.u32 $0x2B, v1;
	v2 =	vld [tilespmem:s10+$0x580];
	_ =	sdelay $0x4  }
0x154: {  	[tilespmem:v3+s29+$0x0] =	vst.idx.msk $0xffff, v2  }
0x155: {  	v3 =	vor.u32 $0x6B, v1;
	v2 =	vld [tilespmem:s9+$0x580];
	_ =	sdelay $0x4  }
0x156: {  	[tilespmem:v3+s29+$0x0] =	vst.idx.msk $0xffff, v2  }
0x157: {  	v3 =	vor.u32 $0x2C, v1;
	v2 =	vld [tilespmem:s10+$0x600];
	_ =	sdelay $0x4  }
0x158: {  	[tilespmem:v3+s29+$0x0] =	vst.idx.msk $0xffff, v2  }
0x159: {  	v3 =	vor.u32 $0x6C, v1;
	v2 =	vld [tilespmem:s9+$0x600];
	_ =	sdelay $0x4  }
0x15a: {  	[tilespmem:v3+s29+$0x0] =	vst.idx.msk $0xffff, v2  }
0x15b: {  	v3 =	vor.u32 $0x2D, v1;
	v2 =	vld [tilespmem:s10+$0x680];
	_ =	sdelay $0x4  }
0x15c: {  	[tilespmem:v3+s29+$0x0] =	vst.idx.msk $0xffff, v2  }
0x15d: {  	v3 =	vor.u32 $0x6D, v1;
	v2 =	vld [tilespmem:s9+$0x680];
	_ =	sdelay $0x4  }
0x15e: {  	[tilespmem:v3+s29+$0x0] =	vst.idx.msk $0xffff, v2  }
0x15f: {  	v3 =	vor.u32 $0x2E, v1;
	v2 =	vld [tilespmem:s10+$0x700];
	_ =	sdelay $0x4  }
0x160: {  	[tilespmem:v3+s29+$0x0] =	vst.idx.msk $0xffff, v2  }
0x161: {  	v3 =	vor.u32 $0x6E, v1;
	v2 =	vld [tilespmem:s9+$0x700];
	_ =	sdelay $0x4  }
0x162: {  	[tilespmem:v3+s29+$0x0] =	vst.idx.msk $0xffff, v2  }
0x163: {  	v3 =	vor.u32 $0x2F, v1;
	v2 =	vld [tilespmem:s10+$0x780];
	_ =	sdelay $0x4  }
0x164: {  	[tilespmem:v3+s29+$0x0] =	vst.idx.msk $0xffff, v2  }
0x165: {  	v3 =	vor.u32 $0x6F, v1;
	v2 =	vld [tilespmem:s9+$0x780];
	_ =	sdelay $0x4  }
0x166: {  	[tilespmem:v3+s29+$0x0] =	vst.idx.msk $0xffff, v2  }
0x167: {  	v3 =	vor.u32 $0x30, v1;
	v2 =	vld [tilespmem:s10+$0x800];
	_ =	sdelay $0x4  }
0x168: {  	[tilespmem:v3+s29+$0x0] =	vst.idx.msk $0xffff, v2  }
0x169: {  	v3 =	vor.u32 $0x70, v1;
	v2 =	vld [tilespmem:s9+$0x800];
	_ =	sdelay $0x4  }
0x16a: {  	[tilespmem:v3+s29+$0x0] =	vst.idx.msk $0xffff, v2  }
0x16b: {  	v3 =	vor.u32 $0x31, v1;
	v2 =	vld [tilespmem:s10+$0x880];
	_ =	sdelay $0x4  }
0x16c: {  	[tilespmem:v3+s29+$0x0] =	vst.idx.msk $0xffff, v2  }
0x16d: {  	v3 =	vor.u32 $0x71, v1;
	v2 =	vld [tilespmem:s9+$0x880];
	_ =	sdelay $0x4  }
0x16e: {  	[tilespmem:v3+s29+$0x0] =	vst.idx.msk $0xffff, v2  }
0x16f: {  	v3 =	vor.u32 $0x32, v1;
	v2 =	vld [tilespmem:s10+$0x900];
	_ =	sdelay $0x4  }
0x170: {  	[tilespmem:v3+s29+$0x0] =	vst.idx.msk $0xffff, v2  }
0x171: {  	v3 =	vor.u32 $0x72, v1;
	v2 =	vld [tilespmem:s9+$0x900];
	_ =	sdelay $0x4  }
0x172: {  	[tilespmem:v3+s29+$0x0] =	vst.idx.msk $0xffff, v2  }
0x173: {  	v3 =	vor.u32 $0x33, v1;
	v2 =	vld [tilespmem:s10+$0x980];
	_ =	sdelay $0x4  }
0x174: {  	[tilespmem:v3+s29+$0x0] =	vst.idx.msk $0xffff, v2  }
0x175: {  	v3 =	vor.u32 $0x73, v1;
	v2 =	vld [tilespmem:s9+$0x980];
	_ =	sdelay $0x4  }
0x176: {  	[tilespmem:v3+s29+$0x0] =	vst.idx.msk $0xffff, v2  }
0x177: {  	v3 =	vor.u32 $0x34, v1;
	v2 =	vld [tilespmem:s10+$0xA00];
	_ =	sdelay $0x4  }
0x178: {  	[tilespmem:v3+s29+$0x0] =	vst.idx.msk $0xffff, v2  }
0x179: {  	v3 =	vor.u32 $0x74, v1;
	v2 =	vld [tilespmem:s9+$0xA00];
	_ =	sdelay $0x4  }
0x17a: {  	[tilespmem:v3+s29+$0x0] =	vst.idx.msk $0xffff, v2  }
0x17b: {  	v3 =	vor.u32 $0x35, v1;
	v2 =	vld [tilespmem:s10+$0xA80];
	_ =	sdelay $0x4  }
0x17c: {  	[tilespmem:v3+s29+$0x0] =	vst.idx.msk $0xffff, v2  }
0x17d: {  	v3 =	vor.u32 $0x75, v1;
	v2 =	vld [tilespmem:s9+$0xA80];
	_ =	sdelay $0x4  }
0x17e: {  	[tilespmem:v3+s29+$0x0] =	vst.idx.msk $0xffff, v2  }
0x17f: {  	v3 =	vor.u32 $0x36, v1;
	v2 =	vld [tilespmem:s10+$0xB00];
	_ =	sdelay $0x4  }
0x180: {  	[tilespmem:v3+s29+$0x0] =	vst.idx.msk $0xffff, v2  }
0x181: {  	v3 =	vor.u32 $0x76, v1;
	v2 =	vld [tilespmem:s9+$0xB00];
	_ =	sdelay $0x4  }
0x182: {  	[tilespmem:v3+s29+$0x0] =	vst.idx.msk $0xffff, v2  }
0x183: {  	v3 =	vor.u32 $0x37, v1;
	v2 =	vld [tilespmem:s10+$0xB80];
	_ =	sdelay $0x4  }
0x184: {  	[tilespmem:v3+s29+$0x0] =	vst.idx.msk $0xffff, v2  }
0x185: {  	v3 =	vor.u32 $0x77, v1;
	v2 =	vld [tilespmem:s9+$0xB80];
	_ =	sdelay $0x4  }
0x186: {  	[tilespmem:v3+s29+$0x0] =	vst.idx.msk $0xffff, v2  }
0x187: {  	v3 =	vor.u32 $0x38, v1;
	v2 =	vld [tilespmem:s10+$0xC00];
	_ =	sdelay $0x4  }
0x188: {  	[tilespmem:v3+s29+$0x0] =	vst.idx.msk $0xffff, v2  }
0x189: {  	v3 =	vor.u32 $0x78, v1;
	v2 =	vld [tilespmem:s9+$0xC00];
	_ =	sdelay $0x4  }
0x18a: {  	[tilespmem:v3+s29+$0x0] =	vst.idx.msk $0xffff, v2  }
0x18b: {  	v3 =	vor.u32 $0x39, v1;
	v2 =	vld [tilespmem:s10+$0xC80];
	_ =	sdelay $0x4  }
0x18c: {  	[tilespmem:v3+s29+$0x0] =	vst.idx.msk $0xffff, v2  }
0x18d: {  	v3 =	vor.u32 $0x79, v1;
	v2 =	vld [tilespmem:s9+$0xC80];
	_ =	sdelay $0x4  }
0x18e: {  	[tilespmem:v3+s29+$0x0] =	vst.idx.msk $0xffff, v2  }
0x18f: {  	v3 =	vor.u32 $0x3A, v1;
	v2 =	vld [tilespmem:s10+$0xD00];
	_ =	sdelay $0x4  }
0x190: {  	[tilespmem:v3+s29+$0x0] =	vst.idx.msk $0xffff, v2  }
0x191: {  	v3 =	vor.u32 $0x7A, v1;
	v2 =	vld [tilespmem:s9+$0xD00];
	_ =	sdelay $0x4  }
0x192: {  	[tilespmem:v3+s29+$0x0] =	vst.idx.msk $0xffff, v2  }
0x193: {  	v3 =	vor.u32 $0x3B, v1;
	v2 =	vld [tilespmem:s10+$0xD80];
	_ =	sdelay $0x4  }
0x194: {  	[tilespmem:v3+s29+$0x0] =	vst.idx.msk $0xffff, v2  }
0x195: {  	v3 =	vor.u32 $0x7B, v1;
	v2 =	vld [tilespmem:s9+$0xD80];
	_ =	sdelay $0x4  }
0x196: {  	[tilespmem:v3+s29+$0x0] =	vst.idx.msk $0xffff, v2  }
0x197: {  	v3 =	vor.u32 $0x3C, v1;
	v2 =	vld [tilespmem:s10+$0xE00];
	_ =	sdelay $0x4  }
0x198: {  	[tilespmem:v3+s29+$0x0] =	vst.idx.msk $0xffff, v2  }
0x199: {  	v3 =	vor.u32 $0x7C, v1;
	v2 =	vld [tilespmem:s9+$0xE00];
	_ =	sdelay $0x4  }
0x19a: {  	[tilespmem:v3+s29+$0x0] =	vst.idx.msk $0xffff, v2  }
0x19b: {  	v3 =	vor.u32 $0x3D, v1;
	v2 =	vld [tilespmem:s10+$0xE80];
	_ =	sdelay $0x4  }
0x19c: {  	[tilespmem:v3+s29+$0x0] =	vst.idx.msk $0xffff, v2  }
0x19d: {  	v3 =	vor.u32 $0x7D, v1;
	v2 =	vld [tilespmem:s9+$0xE80];
	_ =	sdelay $0x4  }
0x19e: {  	[tilespmem:v3+s29+$0x0] =	vst.idx.msk $0xffff, v2  }
0x19f: {  	v3 =	vor.u32 $0x3E, v1;
	v2 =	vld [tilespmem:s10+$0xF00];
	_ =	sdelay $0x4  }
0x1a0: {  	[tilespmem:v3+s29+$0x0] =	vst.idx.msk $0xffff, v2  }
0x1a1: {  	v3 =	vor.u32 $0x7E, v1;
	v2 =	vld [tilespmem:s9+$0xF00];
	_ =	sdelay $0x4  }
0x1a2: {  	[tilespmem:v3+s29+$0x0] =	vst.idx.msk $0xffff, v2  }
0x1a3: {  	v3 =	vor.u32 $0x3F, v1;
	v2 =	vld [tilespmem:s10+$0xF80];
	_ =	sdelay $0x4  }
0x1a4: {  	[tilespmem:v3+s29+$0x0] =	vst.idx.msk $0xffff, v2  }
0x1a5: {  	p1 =	sne.s32 s7, $0x70;
	v1 =	vor.u32 $0x7F, v1;
	v2 =	vld [tilespmem:s9+$0xF80]  }
.Ltmp0:
0x1a6: {  	_ = 	snop;
	(pc) =	sbr.rel @p1 .LBB2_3-.Ltmp0, $2  }
0x1a7: {  	_ =	sdelay $0x2  }
0x1a8: {  	s7 =	sadd.s32 $0x10, s7;
	s10 =	sadd.s32 $0x10, s10;
	s9 =	sadd.s32 $0x10, s9;
	[tilespmem:v1+s29+$0x0] =	vst.idx.msk $0xffff, v2  }
0x1a9: {  	p1 =	seq.s32 s31, $0xA  }
.Ltmp1:
0x1aa: {  	_ = 	snop;
	(pc) =	sbr.rel @p1 .LBB2_6-.Ltmp1, $4  }
0x1ab: {  	s7 =	sadd.s32 s4, s0  }
0x1ac: {  	s7 =	sshll.u32 s7, $0xB  }
0x1ad: {  	s7 =	sadd.s32 s7, s23  }
0x1ae: {  	[hbm4b:s7+s3] =	stream.linear.scatter [tilespmem:s29], [sflag:$0x3], $0x4000, $0x38;
	[tilespmem:$0x10000] =	vst v63  }
0x1af: {  	s7 =	rddreg [dreg:$0x14]  }
0x1b0: {  	s0 =	sadd.s32 s0, s7  }
0x1b1: {  	s7 =	sshll.u32 s0, $0x8;
	s0 =	sshll.u32 s0, $0x7  }
0x1b2: {  	s7 =	sand.u32 $0x7FFFF000, s7;
	s0 =	sand.u32 $0x700, s0  }
0x1b3: {  	s0 =	sor.u32 s0, s7  }
0x1b4: {  	s0 =	sadd.s32 $0xC8000, s0  }
0x1b5: {  	s9 =	sadd.s32 s2, s0;
	s10 =	sand.u32 $0x1FFFF700, s0  }
0x1b6: {  	[tilespmem:s3], [sflag:$0x1] =	stream.linear.gather [hbm4b:s9+s3], $0x400, $0x38;
	[tilespmem:$0x10000] =	vst v63  }
0x1b7: {  	s7 =	sadd.s32 s10, s6;
	s9 =	simm.s32 $0x2000  }
0x1b8: {  	[tilespmem:s9], [sflag:$0x1] =	stream.linear.gather [hbm4b:s7+s3], $0x400, $0x38;
	[tilespmem:$0x10000] =	vst v63  }
0x1b9: {  	s12 =	sadd.s32 s0, s8;
	s10 =	simm.s32 $0x400;
	s7 =	sshll.u32 s0, $0x3  }
0x1ba: {  	[tilespmem:s10], [sflag:$0x1] =	stream.linear.gather [hbm4b:s12+s3], $0x400, $0x38;
	[tilespmem:$0x10000] =	vst v63  }
0x1bb: {  	s10 =	sadd.s32 $0x7A5400, s7  }
0x1bc: {  	s9 =	sshrl.u32 s10, $0x3  }
0x1bd: {  	s12 =	simm.s32 $0x2400;
	s9 =	sadd.s32 s2, s9  }
0x1be: {  	[tilespmem:s12], [sflag:$0x1] =	stream.linear.gather [hbm4b:s9+s3], $0x400, $0x38;
	[tilespmem:$0x10000] =	vst v63  }
0x1bf: {  	s10 =	sadd.s32 s0, s11;
	s12 =	simm.s32 $0x800  }
0x1c0: {  	[tilespmem:s12], [sflag:$0x1] =	stream.linear.gather [hbm4b:s10+s3], $0x400, $0x38;
	[tilespmem:$0x10000] =	vst v63  }
0x1c1: {  	s10 =	sadd.s32 $0xF46800, s7  }
0x1c2: {  	s9 =	sshrl.u32 s10, $0x3  }
0x1c3: {  	s12 =	simm.s32 $0x2800;
	s9 =	sadd.s32 s2, s9  }
0x1c4: {  	[tilespmem:s12], [sflag:$0x1] =	stream.linear.gather [hbm4b:s9+s3], $0x400, $0x38;
	[tilespmem:$0x10000] =	vst v63  }
0x1c5: {  	s10 =	sadd.s32 s0, s14;
	s12 =	simm.s32 $0xC00  }
0x1c6: {  	[tilespmem:s12], [sflag:$0x1] =	stream.linear.gather [hbm4b:s10+s3], $0x400, $0x38;
	[tilespmem:$0x10000] =	vst v63  }
0x1c7: {  	s10 =	sadd.s32 $0x16E7C00, s7  }
0x1c8: {  	s9 =	sshrl.u32 s10, $0x3  }
0x1c9: {  	s12 =	simm.s32 $0x2C00;
	s9 =	sadd.s32 s2, s9  }
0x1ca: {  	[tilespmem:s12], [sflag:$0x1] =	stream.linear.gather [hbm4b:s9+s3], $0x400, $0x38;
	[tilespmem:$0x10000] =	vst v63  }
0x1cb: {  	s10 =	sadd.s32 s0, s17;
	s12 =	simm.s32 $0x1000  }
0x1cc: {  	[tilespmem:s12], [sflag:$0x1] =	stream.linear.gather [hbm4b:s10+s3], $0x400, $0x38;
	[tilespmem:$0x10000] =	vst v63  }
0x1cd: {  	s10 =	sadd.s32 $0x1E89000, s7  }
0x1ce: {  	s9 =	sshrl.u32 s10, $0x3  }
0x1cf: {  	s12 =	simm.s32 $0x3000;
	s9 =	sadd.s32 s2, s9  }
0x1d0: {  	[tilespmem:s12], [sflag:$0x1] =	stream.linear.gather [hbm4b:s9+s3], $0x400, $0x38;
	[tilespmem:$0x10000] =	vst v63  }
0x1d1: {  	s10 =	sadd.s32 s0, s18;
	s12 =	simm.s32 $0x1400  }
0x1d2: {  	[tilespmem:s12], [sflag:$0x1] =	stream.linear.gather [hbm4b:s10+s3], $0x400, $0x38;
	[tilespmem:$0x10000] =	vst v63  }
0x1d3: {  	s10 =	sadd.s32 $0x262A400, s7  }
0x1d4: {  	s9 =	sshrl.u32 s10, $0x3  }
0x1d5: {  	s12 =	simm.s32 $0x3400;
	s9 =	sadd.s32 s2, s9  }
0x1d6: {  	[tilespmem:s12], [sflag:$0x1] =	stream.linear.gather [hbm4b:s9+s3], $0x400, $0x38;
	[tilespmem:$0x10000] =	vst v63  }
0x1d7: {  	s10 =	sadd.s32 s0, s21;
	s12 =	simm.s32 $0x1800  }
0x1d8: {  	[tilespmem:s12], [sflag:$0x1] =	stream.linear.gather [hbm4b:s10+s3], $0x400, $0x38;
	[tilespmem:$0x10000] =	vst v63  }
0x1d9: {  	s10 =	sadd.s32 $0x2DCB800, s7  }
0x1da: {  	s9 =	sshrl.u32 s10, $0x3  }
0x1db: {  	s12 =	simm.s32 $0x3800;
	s9 =	sadd.s32 s2, s9  }
0x1dc: {  	[tilespmem:s12], [sflag:$0x1] =	stream.linear.gather [hbm4b:s9+s3], $0x400, $0x38;
	[tilespmem:$0x10000] =	vst v63  }
0x1dd: {  	s0 =	sadd.s32 s0, s24;
	s10 =	sadd.s32 $0x356CC00, s7;
	s12 =	simm.s32 $0x1C00  }
0x1de: {  	[tilespmem:s12], [sflag:$0x1] =	stream.linear.gather [hbm4b:s0+s3], $0x400, $0x38;
	[tilespmem:$0x10000] =	vst v63  }
0x1df: {  	s0 =	sshrl.u32 s10, $0x3  }
0x1e0: {  	s12 =	simm.s32 $0x3C00;
	s0 =	sadd.s32 s2, s0  }
0x1e1: {  	[tilespmem:s12], [sflag:$0x1] =	stream.linear.gather [hbm4b:s0+s3], $0x400, $0x38;
	[tilespmem:$0x10000] =	vst v63  }
.LBB2_6:
0x1e2: {  	_ =	swait.ge [sflag:s1], $0x400  }
0x1e3: {  	[sflag:s1] =	ssyncset.done $0x0  }
0x1e4: {  	[sflag:s1] =	ssyncadd.s32 $0xFFFFFC00  }
0x1e5: {  	_ =	swait.ge [sflag:s1], $0x400  }
0x1e6: {  	[sflag:s1] =	ssyncset.done $0x0  }
0x1e7: {  	[sflag:s1] =	ssyncadd.s32 $0xFFFFFC00  }
0x1e8: {  	_ =	swait.ge [sflag:s1], $0x400  }
0x1e9: {  	[sflag:s1] =	ssyncset.done $0x0  }
0x1ea: {  	[sflag:s1] =	ssyncadd.s32 $0xFFFFFC00  }
0x1eb: {  	_ =	swait.ge [sflag:s1], $0x400  }
0x1ec: {  	[sflag:s1] =	ssyncset.done $0x0  }
0x1ed: {  	[sflag:s1] =	ssyncadd.s32 $0xFFFFFC00  }
0x1ee: {  	_ =	swait.ge [sflag:s1], $0x400  }
0x1ef: {  	[sflag:s1] =	ssyncset.done $0x0  }
0x1f0: {  	[sflag:s1] =	ssyncadd.s32 $0xFFFFFC00  }
0x1f1: {  	_ =	swait.ge [sflag:s1], $0x400  }
0x1f2: {  	[sflag:s1] =	ssyncset.done $0x0  }
0x1f3: {  	[sflag:s1] =	ssyncadd.s32 $0xFFFFFC00  }
0x1f4: {  	_ =	swait.ge [sflag:s1], $0x400  }
0x1f5: {  	[sflag:s1] =	ssyncset.done $0x0  }
0x1f6: {  	[sflag:s1] =	ssyncadd.s32 $0xFFFFFC00  }
0x1f7: {  	_ =	swait.ge [sflag:s1], $0x400  }
0x1f8: {  	[sflag:s1] =	ssyncset.done $0x0  }
0x1f9: {  	[sflag:s1] =	ssyncadd.s32 $0xFFFFFC00  }
0x1fa: {  	_ =	swait.ge [sflag:s1], $0x400  }
0x1fb: {  	[sflag:s1] =	ssyncset.done $0x0  }
0x1fc: {  	[sflag:s1] =	ssyncadd.s32 $0xFFFFFC00  }
0x1fd: {  	_ =	swait.ge [sflag:s1], $0x400  }
0x1fe: {  	[sflag:s1] =	ssyncset.done $0x0  }
0x1ff: {  	[sflag:s1] =	ssyncadd.s32 $0xFFFFFC00  }
0x200: {  	_ =	swait.ge [sflag:s1], $0x400  }
0x201: {  	[sflag:s1] =	ssyncset.done $0x0  }
0x202: {  	[sflag:s1] =	ssyncadd.s32 $0xFFFFFC00  }
0x203: {  	_ =	swait.ge [sflag:s1], $0x400  }
0x204: {  	[sflag:s1] =	ssyncset.done $0x0  }
0x205: {  	[sflag:s1] =	ssyncadd.s32 $0xFFFFFC00  }
0x206: {  	_ =	swait.ge [sflag:s1], $0x400  }
0x207: {  	[sflag:s1] =	ssyncset.done $0x0  }
0x208: {  	[sflag:s1] =	ssyncadd.s32 $0xFFFFFC00  }
0x209: {  	_ =	swait.ge [sflag:s1], $0x400  }
0x20a: {  	[sflag:s1] =	ssyncset.done $0x0  }
0x20b: {  	[sflag:s1] =	ssyncadd.s32 $0xFFFFFC00  }
0x20c: {  	_ =	swait.ge [sflag:s1], $0x400  }
0x20d: {  	[sflag:s1] =	ssyncset.done $0x0  }
0x20e: {  	[sflag:s1] =	ssyncadd.s32 $0xFFFFFC00  }
0x20f: {  	_ =	swait.ge [sflag:s1], $0x400  }
0x210: {  	[sflag:s1] =	ssyncset.done $0x0  }
0x211: {  	s0 =	simm.s32 @!p0 $0x4;
	[sflag:s1] =	ssyncadd.s32 $0xFFFFFC00  }
0x212: {  	_ =	swait.ge @!p0 [sflag:s0], $0x4000  }
0x213: {  	s7 =	simm.s32 $0x7000;
	[sflag:s0] =	ssyncset.done @!p0 $0x0  }
0x214: {  	s9 =	simm.s32 $0x5000;
	[sflag:s0] =	ssyncadd.s32 @!p0 $0xFFFFC000;
	s0 =	simm.s32 $0x0  }
.LBB2_7:
0x215: {  	v1 =	vmov s0  }
0x216: {  	v1 =	vshll.u32 v1, $0x7  }
0x217: {  	v2 =	vld [tilespmem:s9+$0xFFFFF000];
	v1 =	vor.u32 v0, v1;
	_ =	sdelay $0x4  }
0x218: {  	[tilespmem:v1+s30+$0x0] =	vst.idx.msk $0xffff, v2  }
0x219: {  	v3 =	vor.u32 $0x40, v1;
	v2 =	vld [tilespmem:s7+$0xFFFFF000];
	_ =	sdelay $0x4  }
0x21a: {  	[tilespmem:v3+s30+$0x0] =	vst.idx.msk $0xffff, v2  }
0x21b: {  	v3 =	vor.u32 $0x1, v1;
	v2 =	vld [tilespmem:s9+$0xFFFFF080];
	_ =	sdelay $0x4  }
0x21c: {  	[tilespmem:v3+s30+$0x0] =	vst.idx.msk $0xffff, v2  }
0x21d: {  	v3 =	vor.u32 $0x41, v1;
	v2 =	vld [tilespmem:s7+$0xFFFFF080];
	_ =	sdelay $0x4  }
0x21e: {  	[tilespmem:v3+s30+$0x0] =	vst.idx.msk $0xffff, v2  }
0x21f: {  	v3 =	vor.u32 $0x2, v1;
	v2 =	vld [tilespmem:s9+$0xFFFFF100];
	_ =	sdelay $0x4  }
0x220: {  	[tilespmem:v3+s30+$0x0] =	vst.idx.msk $0xffff, v2  }
0x221: {  	v3 =	vor.u32 $0x42, v1;
	v2 =	vld [tilespmem:s7+$0xFFFFF100];
	_ =	sdelay $0x4  }
0x222: {  	[tilespmem:v3+s30+$0x0] =	vst.idx.msk $0xffff, v2  }
0x223: {  	v3 =	vor.u32 $0x3, v1;
	v2 =	vld [tilespmem:s9+$0xFFFFF180];
	_ =	sdelay $0x4  }
0x224: {  	[tilespmem:v3+s30+$0x0] =	vst.idx.msk $0xffff, v2  }
0x225: {  	v3 =	vor.u32 $0x43, v1;
	v2 =	vld [tilespmem:s7+$0xFFFFF180];
	_ =	sdelay $0x4  }
0x226: {  	[tilespmem:v3+s30+$0x0] =	vst.idx.msk $0xffff, v2  }
0x227: {  	v3 =	vor.u32 $0x4, v1;
	v2 =	vld [tilespmem:s9+$0xFFFFF200];
	_ =	sdelay $0x4  }
0x228: {  	[tilespmem:v3+s30+$0x0] =	vst.idx.msk $0xffff, v2  }
0x229: {  	v3 =	vor.u32 $0x44, v1;
	v2 =	vld [tilespmem:s7+$0xFFFFF200];
	_ =	sdelay $0x4  }
0x22a: {  	[tilespmem:v3+s30+$0x0] =	vst.idx.msk $0xffff, v2  }
0x22b: {  	v3 =	vor.u32 $0x5, v1;
	v2 =	vld [tilespmem:s9+$0xFFFFF280];
	_ =	sdelay $0x4  }
0x22c: {  	[tilespmem:v3+s30+$0x0] =	vst.idx.msk $0xffff, v2  }
0x22d: {  	v3 =	vor.u32 $0x45, v1;
	v2 =	vld [tilespmem:s7+$0xFFFFF280];
	_ =	sdelay $0x4  }
0x22e: {  	[tilespmem:v3+s30+$0x0] =	vst.idx.msk $0xffff, v2  }
0x22f: {  	v3 =	vor.u32 $0x6, v1;
	v2 =	vld [tilespmem:s9+$0xFFFFF300];
	_ =	sdelay $0x4  }
0x230: {  	[tilespmem:v3+s30+$0x0] =	vst.idx.msk $0xffff, v2  }
0x231: {  	v3 =	vor.u32 $0x46, v1;
	v2 =	vld [tilespmem:s7+$0xFFFFF300];
	_ =	sdelay $0x4  }
0x232: {  	[tilespmem:v3+s30+$0x0] =	vst.idx.msk $0xffff, v2  }
0x233: {  	v3 =	vor.u32 $0x7, v1;
	v2 =	vld [tilespmem:s9+$0xFFFFF380];
	_ =	sdelay $0x4  }
0x234: {  	[tilespmem:v3+s30+$0x0] =	vst.idx.msk $0xffff, v2  }
0x235: {  	v3 =	vor.u32 $0x47, v1;
	v2 =	vld [tilespmem:s7+$0xFFFFF380];
	_ =	sdelay $0x4  }
0x236: {  	[tilespmem:v3+s30+$0x0] =	vst.idx.msk $0xffff, v2  }
0x237: {  	v3 =	vor.u32 $0x8, v1;
	v2 =	vld [tilespmem:s9+$0xFFFFF400];
	_ =	sdelay $0x4  }
0x238: {  	[tilespmem:v3+s30+$0x0] =	vst.idx.msk $0xffff, v2  }
0x239: {  	v3 =	vor.u32 $0x48, v1;
	v2 =	vld [tilespmem:s7+$0xFFFFF400];
	_ =	sdelay $0x4  }
0x23a: {  	[tilespmem:v3+s30+$0x0] =	vst.idx.msk $0xffff, v2  }
0x23b: {  	v3 =	vor.u32 $0x9, v1;
	v2 =	vld [tilespmem:s9+$0xFFFFF480];
	_ =	sdelay $0x4  }
0x23c: {  	[tilespmem:v3+s30+$0x0] =	vst.idx.msk $0xffff, v2  }
0x23d: {  	v3 =	vor.u32 $0x49, v1;
	v2 =	vld [tilespmem:s7+$0xFFFFF480];
	_ =	sdelay $0x4  }
0x23e: {  	[tilespmem:v3+s30+$0x0] =	vst.idx.msk $0xffff, v2  }
0x23f: {  	v3 =	vor.u32 $0xA, v1;
	v2 =	vld [tilespmem:s9+$0xFFFFF500];
	_ =	sdelay $0x4  }
0x240: {  	[tilespmem:v3+s30+$0x0] =	vst.idx.msk $0xffff, v2  }
0x241: {  	v3 =	vor.u32 $0x4A, v1;
	v2 =	vld [tilespmem:s7+$0xFFFFF500];
	_ =	sdelay $0x4  }
0x242: {  	[tilespmem:v3+s30+$0x0] =	vst.idx.msk $0xffff, v2  }
0x243: {  	v3 =	vor.u32 $0xB, v1;
	v2 =	vld [tilespmem:s9+$0xFFFFF580];
	_ =	sdelay $0x4  }
0x244: {  	[tilespmem:v3+s30+$0x0] =	vst.idx.msk $0xffff, v2  }
0x245: {  	v3 =	vor.u32 $0x4B, v1;
	v2 =	vld [tilespmem:s7+$0xFFFFF580];
	_ =	sdelay $0x4  }
0x246: {  	[tilespmem:v3+s30+$0x0] =	vst.idx.msk $0xffff, v2  }
0x247: {  	v3 =	vor.u32 $0xC, v1;
	v2 =	vld [tilespmem:s9+$0xFFFFF600];
	_ =	sdelay $0x4  }
0x248: {  	[tilespmem:v3+s30+$0x0] =	vst.idx.msk $0xffff, v2  }
0x249: {  	v3 =	vor.u32 $0x4C, v1;
	v2 =	vld [tilespmem:s7+$0xFFFFF600];
	_ =	sdelay $0x4  }
0x24a: {  	[tilespmem:v3+s30+$0x0] =	vst.idx.msk $0xffff, v2  }
0x24b: {  	v3 =	vor.u32 $0xD, v1;
	v2 =	vld [tilespmem:s9+$0xFFFFF680];
	_ =	sdelay $0x4  }
0x24c: {  	[tilespmem:v3+s30+$0x0] =	vst.idx.msk $0xffff, v2  }
0x24d: {  	v3 =	vor.u32 $0x4D, v1;
	v2 =	vld [tilespmem:s7+$0xFFFFF680];
	_ =	sdelay $0x4  }
0x24e: {  	[tilespmem:v3+s30+$0x0] =	vst.idx.msk $0xffff, v2  }
0x24f: {  	v3 =	vor.u32 $0xE, v1;
	v2 =	vld [tilespmem:s9+$0xFFFFF700];
	_ =	sdelay $0x4  }
0x250: {  	[tilespmem:v3+s30+$0x0] =	vst.idx.msk $0xffff, v2  }
0x251: {  	v3 =	vor.u32 $0x4E, v1;
	v2 =	vld [tilespmem:s7+$0xFFFFF700];
	_ =	sdelay $0x4  }
0x252: {  	[tilespmem:v3+s30+$0x0] =	vst.idx.msk $0xffff, v2  }
0x253: {  	v3 =	vor.u32 $0xF, v1;
	v2 =	vld [tilespmem:s9+$0xFFFFF780];
	_ =	sdelay $0x4  }
0x254: {  	[tilespmem:v3+s30+$0x0] =	vst.idx.msk $0xffff, v2  }
0x255: {  	v3 =	vor.u32 $0x4F, v1;
	v2 =	vld [tilespmem:s7+$0xFFFFF780];
	_ =	sdelay $0x4  }
0x256: {  	[tilespmem:v3+s30+$0x0] =	vst.idx.msk $0xffff, v2  }
0x257: {  	v3 =	vor.u32 $0x10, v1;
	v2 =	vld [tilespmem:s9+$0xFFFFF800];
	_ =	sdelay $0x4  }
0x258: {  	[tilespmem:v3+s30+$0x0] =	vst.idx.msk $0xffff, v2  }
0x259: {  	v3 =	vor.u32 $0x50, v1;
	v2 =	vld [tilespmem:s7+$0xFFFFF800];
	_ =	sdelay $0x4  }
0x25a: {  	[tilespmem:v3+s30+$0x0] =	vst.idx.msk $0xffff, v2  }
0x25b: {  	v3 =	vor.u32 $0x11, v1;
	v2 =	vld [tilespmem:s9+$0xFFFFF880];
	_ =	sdelay $0x4  }
0x25c: {  	[tilespmem:v3+s30+$0x0] =	vst.idx.msk $0xffff, v2  }
0x25d: {  	v3 =	vor.u32 $0x51, v1;
	v2 =	vld [tilespmem:s7+$0xFFFFF880];
	_ =	sdelay $0x4  }
0x25e: {  	[tilespmem:v3+s30+$0x0] =	vst.idx.msk $0xffff, v2  }
0x25f: {  	v3 =	vor.u32 $0x12, v1;
	v2 =	vld [tilespmem:s9+$0xFFFFF900];
	_ =	sdelay $0x4  }
0x260: {  	[tilespmem:v3+s30+$0x0] =	vst.idx.msk $0xffff, v2  }
0x261: {  	v3 =	vor.u32 $0x52, v1;
	v2 =	vld [tilespmem:s7+$0xFFFFF900];
	_ =	sdelay $0x4  }
0x262: {  	[tilespmem:v3+s30+$0x0] =	vst.idx.msk $0xffff, v2  }
0x263: {  	v3 =	vor.u32 $0x13, v1;
	v2 =	vld [tilespmem:s9+$0xFFFFF980];
	_ =	sdelay $0x4  }
0x264: {  	[tilespmem:v3+s30+$0x0] =	vst.idx.msk $0xffff, v2  }
0x265: {  	v3 =	vor.u32 $0x53, v1;
	v2 =	vld [tilespmem:s7+$0xFFFFF980];
	_ =	sdelay $0x4  }
0x266: {  	[tilespmem:v3+s30+$0x0] =	vst.idx.msk $0xffff, v2  }
0x267: {  	v3 =	vor.u32 $0x14, v1;
	v2 =	vld [tilespmem:s9+$0xFFFFFA00];
	_ =	sdelay $0x4  }
0x268: {  	[tilespmem:v3+s30+$0x0] =	vst.idx.msk $0xffff, v2  }
0x269: {  	v3 =	vor.u32 $0x54, v1;
	v2 =	vld [tilespmem:s7+$0xFFFFFA00];
	_ =	sdelay $0x4  }
0x26a: {  	[tilespmem:v3+s30+$0x0] =	vst.idx.msk $0xffff, v2  }
0x26b: {  	v3 =	vor.u32 $0x15, v1;
	v2 =	vld [tilespmem:s9+$0xFFFFFA80];
	_ =	sdelay $0x4  }
0x26c: {  	[tilespmem:v3+s30+$0x0] =	vst.idx.msk $0xffff, v2  }
0x26d: {  	v3 =	vor.u32 $0x55, v1;
	v2 =	vld [tilespmem:s7+$0xFFFFFA80];
	_ =	sdelay $0x4  }
0x26e: {  	[tilespmem:v3+s30+$0x0] =	vst.idx.msk $0xffff, v2  }
0x26f: {  	v3 =	vor.u32 $0x16, v1;
	v2 =	vld [tilespmem:s9+$0xFFFFFB00];
	_ =	sdelay $0x4  }
0x270: {  	[tilespmem:v3+s30+$0x0] =	vst.idx.msk $0xffff, v2  }
0x271: {  	v3 =	vor.u32 $0x56, v1;
	v2 =	vld [tilespmem:s7+$0xFFFFFB00];
	_ =	sdelay $0x4  }
0x272: {  	[tilespmem:v3+s30+$0x0] =	vst.idx.msk $0xffff, v2  }
0x273: {  	v3 =	vor.u32 $0x17, v1;
	v2 =	vld [tilespmem:s9+$0xFFFFFB80];
	_ =	sdelay $0x4  }
0x274: {  	[tilespmem:v3+s30+$0x0] =	vst.idx.msk $0xffff, v2  }
0x275: {  	v3 =	vor.u32 $0x57, v1;
	v2 =	vld [tilespmem:s7+$0xFFFFFB80];
	_ =	sdelay $0x4  }
0x276: {  	[tilespmem:v3+s30+$0x0] =	vst.idx.msk $0xffff, v2  }
0x277: {  	v3 =	vor.u32 $0x18, v1;
	v2 =	vld [tilespmem:s9+$0xFFFFFC00];
	_ =	sdelay $0x4  }
0x278: {  	[tilespmem:v3+s30+$0x0] =	vst.idx.msk $0xffff, v2  }
0x279: {  	v3 =	vor.u32 $0x58, v1;
	v2 =	vld [tilespmem:s7+$0xFFFFFC00];
	_ =	sdelay $0x4  }
0x27a: {  	[tilespmem:v3+s30+$0x0] =	vst.idx.msk $0xffff, v2  }
0x27b: {  	v3 =	vor.u32 $0x19, v1;
	v2 =	vld [tilespmem:s9+$0xFFFFFC80];
	_ =	sdelay $0x4  }
0x27c: {  	[tilespmem:v3+s30+$0x0] =	vst.idx.msk $0xffff, v2  }
0x27d: {  	v3 =	vor.u32 $0x59, v1;
	v2 =	vld [tilespmem:s7+$0xFFFFFC80];
	_ =	sdelay $0x4  }
0x27e: {  	[tilespmem:v3+s30+$0x0] =	vst.idx.msk $0xffff, v2  }
0x27f: {  	v3 =	vor.u32 $0x1A, v1;
	v2 =	vld [tilespmem:s9+$0xFFFFFD00];
	_ =	sdelay $0x4  }
0x280: {  	[tilespmem:v3+s30+$0x0] =	vst.idx.msk $0xffff, v2  }
0x281: {  	v3 =	vor.u32 $0x5A, v1;
	v2 =	vld [tilespmem:s7+$0xFFFFFD00];
	_ =	sdelay $0x4  }
0x282: {  	[tilespmem:v3+s30+$0x0] =	vst.idx.msk $0xffff, v2  }
0x283: {  	v3 =	vor.u32 $0x1B, v1;
	v2 =	vld [tilespmem:s9+$0xFFFFFD80];
	_ =	sdelay $0x4  }
0x284: {  	[tilespmem:v3+s30+$0x0] =	vst.idx.msk $0xffff, v2  }
0x285: {  	v3 =	vor.u32 $0x5B, v1;
	v2 =	vld [tilespmem:s7+$0xFFFFFD80];
	_ =	sdelay $0x4  }
0x286: {  	[tilespmem:v3+s30+$0x0] =	vst.idx.msk $0xffff, v2  }
0x287: {  	v3 =	vor.u32 $0x1C, v1;
	v2 =	vld [tilespmem:s9+$0xFFFFFE00];
	_ =	sdelay $0x4  }
0x288: {  	[tilespmem:v3+s30+$0x0] =	vst.idx.msk $0xffff, v2  }
0x289: {  	v3 =	vor.u32 $0x5C, v1;
	v2 =	vld [tilespmem:s7+$0xFFFFFE00];
	_ =	sdelay $0x4  }
0x28a: {  	[tilespmem:v3+s30+$0x0] =	vst.idx.msk $0xffff, v2  }
0x28b: {  	v3 =	vor.u32 $0x1D, v1;
	v2 =	vld [tilespmem:s9+$0xFFFFFE80];
	_ =	sdelay $0x4  }
0x28c: {  	[tilespmem:v3+s30+$0x0] =	vst.idx.msk $0xffff, v2  }
0x28d: {  	v3 =	vor.u32 $0x5D, v1;
	v2 =	vld [tilespmem:s7+$0xFFFFFE80];
	_ =	sdelay $0x4  }
0x28e: {  	[tilespmem:v3+s30+$0x0] =	vst.idx.msk $0xffff, v2  }
0x28f: {  	v3 =	vor.u32 $0x1E, v1;
	v2 =	vld [tilespmem:s9+$0xFFFFFF00];
	_ =	sdelay $0x4  }
0x290: {  	[tilespmem:v3+s30+$0x0] =	vst.idx.msk $0xffff, v2  }
0x291: {  	v3 =	vor.u32 $0x5E, v1;
	v2 =	vld [tilespmem:s7+$0xFFFFFF00];
	_ =	sdelay $0x4  }
0x292: {  	[tilespmem:v3+s30+$0x0] =	vst.idx.msk $0xffff, v2  }
0x293: {  	v3 =	vor.u32 $0x1F, v1;
	v2 =	vld [tilespmem:s9+$0xFFFFFF80];
	_ =	sdelay $0x4  }
0x294: {  	[tilespmem:v3+s30+$0x0] =	vst.idx.msk $0xffff, v2  }
0x295: {  	v3 =	vor.u32 $0x5F, v1;
	v2 =	vld [tilespmem:s7+$0xFFFFFF80];
	_ =	sdelay $0x4  }
0x296: {  	[tilespmem:v3+s30+$0x0] =	vst.idx.msk $0xffff, v2  }
0x297: {  	v3 =	vor.u32 $0x20, v1;
	v2 =	vld [tilespmem:s9+$0x0];
	_ =	sdelay $0x4  }
0x298: {  	[tilespmem:v3+s30+$0x0] =	vst.idx.msk $0xffff, v2  }
0x299: {  	v3 =	vor.u32 $0x60, v1;
	v2 =	vld [tilespmem:s7+$0x0];
	_ =	sdelay $0x4  }
0x29a: {  	[tilespmem:v3+s30+$0x0] =	vst.idx.msk $0xffff, v2  }
0x29b: {  	v3 =	vor.u32 $0x21, v1;
	v2 =	vld [tilespmem:s9+$0x80];
	_ =	sdelay $0x4  }
0x29c: {  	[tilespmem:v3+s30+$0x0] =	vst.idx.msk $0xffff, v2  }
0x29d: {  	v3 =	vor.u32 $0x61, v1;
	v2 =	vld [tilespmem:s7+$0x80];
	_ =	sdelay $0x4  }
0x29e: {  	[tilespmem:v3+s30+$0x0] =	vst.idx.msk $0xffff, v2  }
0x29f: {  	v3 =	vor.u32 $0x22, v1;
	v2 =	vld [tilespmem:s9+$0x100];
	_ =	sdelay $0x4  }
0x2a0: {  	[tilespmem:v3+s30+$0x0] =	vst.idx.msk $0xffff, v2  }
0x2a1: {  	v3 =	vor.u32 $0x62, v1;
	v2 =	vld [tilespmem:s7+$0x100];
	_ =	sdelay $0x4  }
0x2a2: {  	[tilespmem:v3+s30+$0x0] =	vst.idx.msk $0xffff, v2  }
0x2a3: {  	v3 =	vor.u32 $0x23, v1;
	v2 =	vld [tilespmem:s9+$0x180];
	_ =	sdelay $0x4  }
0x2a4: {  	[tilespmem:v3+s30+$0x0] =	vst.idx.msk $0xffff, v2  }
0x2a5: {  	v3 =	vor.u32 $0x63, v1;
	v2 =	vld [tilespmem:s7+$0x180];
	_ =	sdelay $0x4  }
0x2a6: {  	[tilespmem:v3+s30+$0x0] =	vst.idx.msk $0xffff, v2  }
0x2a7: {  	v3 =	vor.u32 $0x24, v1;
	v2 =	vld [tilespmem:s9+$0x200];
	_ =	sdelay $0x4  }
0x2a8: {  	[tilespmem:v3+s30+$0x0] =	vst.idx.msk $0xffff, v2  }
0x2a9: {  	v3 =	vor.u32 $0x64, v1;
	v2 =	vld [tilespmem:s7+$0x200];
	_ =	sdelay $0x4  }
0x2aa: {  	[tilespmem:v3+s30+$0x0] =	vst.idx.msk $0xffff, v2  }
0x2ab: {  	v3 =	vor.u32 $0x25, v1;
	v2 =	vld [tilespmem:s9+$0x280];
	_ =	sdelay $0x4  }
0x2ac: {  	[tilespmem:v3+s30+$0x0] =	vst.idx.msk $0xffff, v2  }
0x2ad: {  	v3 =	vor.u32 $0x65, v1;
	v2 =	vld [tilespmem:s7+$0x280];
	_ =	sdelay $0x4  }
0x2ae: {  	[tilespmem:v3+s30+$0x0] =	vst.idx.msk $0xffff, v2  }
0x2af: {  	v3 =	vor.u32 $0x26, v1;
	v2 =	vld [tilespmem:s9+$0x300];
	_ =	sdelay $0x4  }
0x2b0: {  	[tilespmem:v3+s30+$0x0] =	vst.idx.msk $0xffff, v2  }
0x2b1: {  	v3 =	vor.u32 $0x66, v1;
	v2 =	vld [tilespmem:s7+$0x300];
	_ =	sdelay $0x4  }
0x2b2: {  	[tilespmem:v3+s30+$0x0] =	vst.idx.msk $0xffff, v2  }
0x2b3: {  	v3 =	vor.u32 $0x27, v1;
	v2 =	vld [tilespmem:s9+$0x380];
	_ =	sdelay $0x4  }
0x2b4: {  	[tilespmem:v3+s30+$0x0] =	vst.idx.msk $0xffff, v2  }
0x2b5: {  	v3 =	vor.u32 $0x67, v1;
	v2 =	vld [tilespmem:s7+$0x380];
	_ =	sdelay $0x4  }
0x2b6: {  	[tilespmem:v3+s30+$0x0] =	vst.idx.msk $0xffff, v2  }
0x2b7: {  	v3 =	vor.u32 $0x28, v1;
	v2 =	vld [tilespmem:s9+$0x400];
	_ =	sdelay $0x4  }
0x2b8: {  	[tilespmem:v3+s30+$0x0] =	vst.idx.msk $0xffff, v2  }
0x2b9: {  	v3 =	vor.u32 $0x68, v1;
	v2 =	vld [tilespmem:s7+$0x400];
	_ =	sdelay $0x4  }
0x2ba: {  	[tilespmem:v3+s30+$0x0] =	vst.idx.msk $0xffff, v2  }
0x2bb: {  	v3 =	vor.u32 $0x29, v1;
	v2 =	vld [tilespmem:s9+$0x480];
	_ =	sdelay $0x4  }
0x2bc: {  	[tilespmem:v3+s30+$0x0] =	vst.idx.msk $0xffff, v2  }
0x2bd: {  	v3 =	vor.u32 $0x69, v1;
	v2 =	vld [tilespmem:s7+$0x480];
	_ =	sdelay $0x4  }
0x2be: {  	[tilespmem:v3+s30+$0x0] =	vst.idx.msk $0xffff, v2  }
0x2bf: {  	v3 =	vor.u32 $0x2A, v1;
	v2 =	vld [tilespmem:s9+$0x500];
	_ =	sdelay $0x4  }
0x2c0: {  	[tilespmem:v3+s30+$0x0] =	vst.idx.msk $0xffff, v2  }
0x2c1: {  	v3 =	vor.u32 $0x6A, v1;
	v2 =	vld [tilespmem:s7+$0x500];
	_ =	sdelay $0x4  }
0x2c2: {  	[tilespmem:v3+s30+$0x0] =	vst.idx.msk $0xffff, v2  }
0x2c3: {  	v3 =	vor.u32 $0x2B, v1;
	v2 =	vld [tilespmem:s9+$0x580];
	_ =	sdelay $0x4  }
0x2c4: {  	[tilespmem:v3+s30+$0x0] =	vst.idx.msk $0xffff, v2  }
0x2c5: {  	v3 =	vor.u32 $0x6B, v1;
	v2 =	vld [tilespmem:s7+$0x580];
	_ =	sdelay $0x4  }
0x2c6: {  	[tilespmem:v3+s30+$0x0] =	vst.idx.msk $0xffff, v2  }
0x2c7: {  	v3 =	vor.u32 $0x2C, v1;
	v2 =	vld [tilespmem:s9+$0x600];
	_ =	sdelay $0x4  }
0x2c8: {  	[tilespmem:v3+s30+$0x0] =	vst.idx.msk $0xffff, v2  }
0x2c9: {  	v3 =	vor.u32 $0x6C, v1;
	v2 =	vld [tilespmem:s7+$0x600];
	_ =	sdelay $0x4  }
0x2ca: {  	[tilespmem:v3+s30+$0x0] =	vst.idx.msk $0xffff, v2  }
0x2cb: {  	v3 =	vor.u32 $0x2D, v1;
	v2 =	vld [tilespmem:s9+$0x680];
	_ =	sdelay $0x4  }
0x2cc: {  	[tilespmem:v3+s30+$0x0] =	vst.idx.msk $0xffff, v2  }
0x2cd: {  	v3 =	vor.u32 $0x6D, v1;
	v2 =	vld [tilespmem:s7+$0x680];
	_ =	sdelay $0x4  }
0x2ce: {  	[tilespmem:v3+s30+$0x0] =	vst.idx.msk $0xffff, v2  }
0x2cf: {  	v3 =	vor.u32 $0x2E, v1;
	v2 =	vld [tilespmem:s9+$0x700];
	_ =	sdelay $0x4  }
0x2d0: {  	[tilespmem:v3+s30+$0x0] =	vst.idx.msk $0xffff, v2  }
0x2d1: {  	v3 =	vor.u32 $0x6E, v1;
	v2 =	vld [tilespmem:s7+$0x700];
	_ =	sdelay $0x4  }
0x2d2: {  	[tilespmem:v3+s30+$0x0] =	vst.idx.msk $0xffff, v2  }
0x2d3: {  	v3 =	vor.u32 $0x2F, v1;
	v2 =	vld [tilespmem:s9+$0x780];
	_ =	sdelay $0x4  }
0x2d4: {  	[tilespmem:v3+s30+$0x0] =	vst.idx.msk $0xffff, v2  }
0x2d5: {  	v3 =	vor.u32 $0x6F, v1;
	v2 =	vld [tilespmem:s7+$0x780];
	_ =	sdelay $0x4  }
0x2d6: {  	[tilespmem:v3+s30+$0x0] =	vst.idx.msk $0xffff, v2  }
0x2d7: {  	v3 =	vor.u32 $0x30, v1;
	v2 =	vld [tilespmem:s9+$0x800];
	_ =	sdelay $0x4  }
0x2d8: {  	[tilespmem:v3+s30+$0x0] =	vst.idx.msk $0xffff, v2  }
0x2d9: {  	v3 =	vor.u32 $0x70, v1;
	v2 =	vld [tilespmem:s7+$0x800];
	_ =	sdelay $0x4  }
0x2da: {  	[tilespmem:v3+s30+$0x0] =	vst.idx.msk $0xffff, v2  }
0x2db: {  	v3 =	vor.u32 $0x31, v1;
	v2 =	vld [tilespmem:s9+$0x880];
	_ =	sdelay $0x4  }
0x2dc: {  	[tilespmem:v3+s30+$0x0] =	vst.idx.msk $0xffff, v2  }
0x2dd: {  	v3 =	vor.u32 $0x71, v1;
	v2 =	vld [tilespmem:s7+$0x880];
	_ =	sdelay $0x4  }
0x2de: {  	[tilespmem:v3+s30+$0x0] =	vst.idx.msk $0xffff, v2  }
0x2df: {  	v3 =	vor.u32 $0x32, v1;
	v2 =	vld [tilespmem:s9+$0x900];
	_ =	sdelay $0x4  }
0x2e0: {  	[tilespmem:v3+s30+$0x0] =	vst.idx.msk $0xffff, v2  }
0x2e1: {  	v3 =	vor.u32 $0x72, v1;
	v2 =	vld [tilespmem:s7+$0x900];
	_ =	sdelay $0x4  }
0x2e2: {  	[tilespmem:v3+s30+$0x0] =	vst.idx.msk $0xffff, v2  }
0x2e3: {  	v3 =	vor.u32 $0x33, v1;
	v2 =	vld [tilespmem:s9+$0x980];
	_ =	sdelay $0x4  }
0x2e4: {  	[tilespmem:v3+s30+$0x0] =	vst.idx.msk $0xffff, v2  }
0x2e5: {  	v3 =	vor.u32 $0x73, v1;
	v2 =	vld [tilespmem:s7+$0x980];
	_ =	sdelay $0x4  }
0x2e6: {  	[tilespmem:v3+s30+$0x0] =	vst.idx.msk $0xffff, v2  }
0x2e7: {  	v3 =	vor.u32 $0x34, v1;
	v2 =	vld [tilespmem:s9+$0xA00];
	_ =	sdelay $0x4  }
0x2e8: {  	[tilespmem:v3+s30+$0x0] =	vst.idx.msk $0xffff, v2  }
0x2e9: {  	v3 =	vor.u32 $0x74, v1;
	v2 =	vld [tilespmem:s7+$0xA00];
	_ =	sdelay $0x4  }
0x2ea: {  	[tilespmem:v3+s30+$0x0] =	vst.idx.msk $0xffff, v2  }
0x2eb: {  	v3 =	vor.u32 $0x35, v1;
	v2 =	vld [tilespmem:s9+$0xA80];
	_ =	sdelay $0x4  }
0x2ec: {  	[tilespmem:v3+s30+$0x0] =	vst.idx.msk $0xffff, v2  }
0x2ed: {  	v3 =	vor.u32 $0x75, v1;
	v2 =	vld [tilespmem:s7+$0xA80];
	_ =	sdelay $0x4  }
0x2ee: {  	[tilespmem:v3+s30+$0x0] =	vst.idx.msk $0xffff, v2  }
0x2ef: {  	v3 =	vor.u32 $0x36, v1;
	v2 =	vld [tilespmem:s9+$0xB00];
	_ =	sdelay $0x4  }
0x2f0: {  	[tilespmem:v3+s30+$0x0] =	vst.idx.msk $0xffff, v2  }
0x2f1: {  	v3 =	vor.u32 $0x76, v1;
	v2 =	vld [tilespmem:s7+$0xB00];
	_ =	sdelay $0x4  }
0x2f2: {  	[tilespmem:v3+s30+$0x0] =	vst.idx.msk $0xffff, v2  }
0x2f3: {  	v3 =	vor.u32 $0x37, v1;
	v2 =	vld [tilespmem:s9+$0xB80];
	_ =	sdelay $0x4  }
0x2f4: {  	[tilespmem:v3+s30+$0x0] =	vst.idx.msk $0xffff, v2  }
0x2f5: {  	v3 =	vor.u32 $0x77, v1;
	v2 =	vld [tilespmem:s7+$0xB80];
	_ =	sdelay $0x4  }
0x2f6: {  	[tilespmem:v3+s30+$0x0] =	vst.idx.msk $0xffff, v2  }
0x2f7: {  	v3 =	vor.u32 $0x38, v1;
	v2 =	vld [tilespmem:s9+$0xC00];
	_ =	sdelay $0x4  }
0x2f8: {  	[tilespmem:v3+s30+$0x0] =	vst.idx.msk $0xffff, v2  }
0x2f9: {  	v3 =	vor.u32 $0x78, v1;
	v2 =	vld [tilespmem:s7+$0xC00];
	_ =	sdelay $0x4  }
0x2fa: {  	[tilespmem:v3+s30+$0x0] =	vst.idx.msk $0xffff, v2  }
0x2fb: {  	v3 =	vor.u32 $0x39, v1;
	v2 =	vld [tilespmem:s9+$0xC80];
	_ =	sdelay $0x4  }
0x2fc: {  	[tilespmem:v3+s30+$0x0] =	vst.idx.msk $0xffff, v2  }
0x2fd: {  	v3 =	vor.u32 $0x79, v1;
	v2 =	vld [tilespmem:s7+$0xC80];
	_ =	sdelay $0x4  }
0x2fe: {  	[tilespmem:v3+s30+$0x0] =	vst.idx.msk $0xffff, v2  }
0x2ff: {  	v3 =	vor.u32 $0x3A, v1;
	v2 =	vld [tilespmem:s9+$0xD00];
	_ =	sdelay $0x4  }
0x300: {  	[tilespmem:v3+s30+$0x0] =	vst.idx.msk $0xffff, v2  }
0x301: {  	v3 =	vor.u32 $0x7A, v1;
	v2 =	vld [tilespmem:s7+$0xD00];
	_ =	sdelay $0x4  }
0x302: {  	[tilespmem:v3+s30+$0x0] =	vst.idx.msk $0xffff, v2  }
0x303: {  	v3 =	vor.u32 $0x3B, v1;
	v2 =	vld [tilespmem:s9+$0xD80];
	_ =	sdelay $0x4  }
0x304: {  	[tilespmem:v3+s30+$0x0] =	vst.idx.msk $0xffff, v2  }
0x305: {  	v3 =	vor.u32 $0x7B, v1;
	v2 =	vld [tilespmem:s7+$0xD80];
	_ =	sdelay $0x4  }
0x306: {  	[tilespmem:v3+s30+$0x0] =	vst.idx.msk $0xffff, v2  }
0x307: {  	v3 =	vor.u32 $0x3C, v1;
	v2 =	vld [tilespmem:s9+$0xE00];
	_ =	sdelay $0x4  }
0x308: {  	[tilespmem:v3+s30+$0x0] =	vst.idx.msk $0xffff, v2  }
0x309: {  	v3 =	vor.u32 $0x7C, v1;
	v2 =	vld [tilespmem:s7+$0xE00];
	_ =	sdelay $0x4  }
0x30a: {  	[tilespmem:v3+s30+$0x0] =	vst.idx.msk $0xffff, v2  }
0x30b: {  	v3 =	vor.u32 $0x3D, v1;
	v2 =	vld [tilespmem:s9+$0xE80];
	_ =	sdelay $0x4  }
0x30c: {  	[tilespmem:v3+s30+$0x0] =	vst.idx.msk $0xffff, v2  }
0x30d: {  	v3 =	vor.u32 $0x7D, v1;
	v2 =	vld [tilespmem:s7+$0xE80];
	_ =	sdelay $0x4  }
0x30e: {  	[tilespmem:v3+s30+$0x0] =	vst.idx.msk $0xffff, v2  }
0x30f: {  	v3 =	vor.u32 $0x3E, v1;
	v2 =	vld [tilespmem:s9+$0xF00];
	_ =	sdelay $0x4  }
0x310: {  	[tilespmem:v3+s30+$0x0] =	vst.idx.msk $0xffff, v2  }
0x311: {  	v3 =	vor.u32 $0x7E, v1;
	v2 =	vld [tilespmem:s7+$0xF00];
	_ =	sdelay $0x4  }
0x312: {  	[tilespmem:v3+s30+$0x0] =	vst.idx.msk $0xffff, v2  }
0x313: {  	v3 =	vor.u32 $0x3F, v1;
	v2 =	vld [tilespmem:s9+$0xF80];
	_ =	sdelay $0x4  }
0x314: {  	[tilespmem:v3+s30+$0x0] =	vst.idx.msk $0xffff, v2  }
0x315: {  	p0 =	sne.s32 s0, $0x70;
	v1 =	vor.u32 $0x7F, v1;
	v2 =	vld [tilespmem:s7+$0xF80]  }
.Ltmp2:
0x316: {  	_ = 	snop;
	(pc) =	sbr.rel @p0 .LBB2_7-.Ltmp2, $2  }
0x317: {  	_ =	sdelay $0x2  }
0x318: {  	s0 =	sadd.s32 $0x10, s0;
	s9 =	sadd.s32 $0x10, s9;
	s7 =	sadd.s32 $0x10, s7;
	[tilespmem:v1+s30+$0x0] =	vst.idx.msk $0xffff, v2  }
0x319: {  	s31 =	sadd.s32 $0x1, s31  }
0x31a: {  	p0 =	sne.s32 s31, $0xB  }
.Ltmp3:
0x31b: {  	_ = 	snop;
	(pc) =	sbr.rel @p0 .LBB2_2-.Ltmp3, $4  }
0x31c: {  	_ = 	snop  }
0x31d: {  	s0 =	sshll.u32 s5, $0xB  }
0x31e: {  	s0 =	sadd.s32 s0, s23  }
0x31f: {  	[hbm4b:s0+s3] =	stream.linear.scatter [tilespmem:s30], [sflag:$0x4], $0x4000, $0x38;
	[tilespmem:$0x10000] =	vst v63  }
0x320: {  	s0 =	simm.s32 $0x3  }
0x321: {  	_ =	swait.ge [sflag:s0], $0x4000  }
0x322: {  	[sflag:s0] =	ssyncset.done $0x0  }
0x323: {  	s5 =	simm.s32 $0x4;
	[sflag:s0] =	ssyncadd.s32 $0xFFFFC000  }
0x324: {  	_ =	swait.ge [sflag:s5], $0x4000  }
0x325: {  	s7 =	rddreg [dreg:$0x15]  }
0x326: {  	s31 =	rddreg [dreg:$0x11];
	s7 =	sadd.s32 $0x1, s7  }
0x327: {  	p0 =	sne.s32 s7, s31  }
.Ltmp4:
0x328: {  	_ = 	snop;
	(pc) =	sbr.rel @p0 .LBB2_1-.Ltmp4, $3  }
0x329: {  	_ =	sdelay $0x1  }
0x32a: {  	[sflag:s5] =	ssyncset.done $0x0  }
0x32b: {  	[sflag:s5] =	ssyncadd.s32 $0xFFFFC000  }
0x32c: {  	_ =	sfence.sel $0x180000  }
0x32d: {  	[bflag:$0x0] =	sbarrier.arrive $0xFFFF  }
0x32e: {  	_ =	strace $0x90000047  }
0x32f: {  	s0 =	stileid.u32;
	[bflag:$0x2] =	sbarrier.arrive $0xFFFF  }
0x330: {  	p0 =	sne.s32 s0, $0x0;
	s0 =	rddreg [dreg:$0x2]  }
0x331: {  	s0 =	sadd.s32 @!p0 $0x100000, s0  }
0x332: {  	[sflag:s0] =	ssyncadd.tile.s32 @!p0 $0x1;
	_ =	shalt  }
.Lfunc_end2:
_tile_overlayer_lowered:
.L_overlay_start_2:
0x333: {  	(tag) =	ssettag $0x2  }
0x334: {  	s0 =	rddreg [dreg:$0x0];
	s2 =	stileid.u32  }
0x335: {  	s1 =	rddreg [dreg:$0x1];
	p0 =	sne.s32 s2, $0x0  }
0x336: {  	s3 =	rddreg [dreg:$0x2];
	[bflag:$0x3] =	sbarrier.arrive $0xFFFF;
	s2 =	simm.s32 @!p0 $0x1C05  }
0x337: {  	[timem:s3], [sflag:s2] =	dma.local @!p0 [hbm:s0], s1  }
0x338: {  	s0 =	simm.s32 @!p0 $0x5  }
0x339: {  	_ =	swait.ge @!p0 [sflag:s0], s1  }
0x33a: {  	s1 =	ssub.s32 @!p0 $0x0, s1;
	[sflag:s0] =	ssyncset.done @!p0 $0x0  }
0x33b: {  	[sflag:s0] =	ssyncadd.s32 @!p0 s1  }
0x33c: {  	[bflag:$0x3] =	sbarrier.arrive $0xFFFF  }
0x33d: {  	_ =	shalt  }

</sc_bundles>
